<compile_context>
chip_gen: v7x
topology: tpu7x:2x2x1
jax: 0.10.2.dev20260603
libtpu: 0.0.44.dev20260713+nightly
codegen_flags: <defaults>
</compile_context>

<pallas_src>
import functools

import jax
import jax.numpy as jnp
from jax import lax
from jax.experimental import pallas as pl
from jax.experimental.pallas import tpu as pltpu
from jax.experimental.pallas import tpu_sc as plsc

_D = 64
_DP = 128
_SCALE = float(_D) ** 0.5
_CHUNK = 128
_NBUF = 4
_DBLK = 128
_DNBUF = 2


def _mesh():
    return plsc.VectorSubcoreMesh(core_axis_name="c", subcore_axis_name="s")


@functools.cache
def _build_stage(vocab):
    rows = 4000
    assert vocab % rows == 0

    def body(in_ref, out_ref):
        out_ref[:, 0:_D] = in_ref[...]

    return pl.pallas_call(
        body,
        grid=(vocab // rows,),
        in_specs=[pl.BlockSpec((rows, _D), lambda i: (i, 0))],
        out_specs=pl.BlockSpec((rows, _DP), lambda i: (i, 0)),
        out_shape=jax.ShapeDtypeStruct((vocab, _DP), jnp.float32),
    )


@functools.cache
def _build_detile(vocab):
    info = plsc.get_sparse_core_info()
    nc, ns, nl = info.num_cores, info.num_subcores, info.num_lanes
    nw = nc * ns
    n_full = vocab // _DBLK
    tail_rows = vocab - n_full * _DBLK
    assert tail_rows % 8 == 0
    nb_lo = n_full // nw
    n_extra = n_full - nb_lo * nw

    @functools.partial(
        pl.kernel,
        mesh=_mesh(),
        out_type=jax.ShapeDtypeStruct((vocab, _DP), jnp.float32),
        scratch_types=[
            pltpu.VMEM((_DNBUF, _DBLK, _D), jnp.float32),
            pltpu.VMEM((_DNBUF, _DBLK, _DP), jnp.float32),
        ]
        + [pltpu.SemaphoreType.DMA] * (2 * _DNBUF),
    )
    def detile_kernel(tab_hbm, pad_hbm, vin, vout, *sems):
        sin, sout = sems[:_DNBUF], sems[_DNBUF:]
        wid = lax.axis_index("s") * nc + lax.axis_index("c")
        nb_w = nb_lo + jnp.where(wid < n_extra, 1, 0)

        def in_copy(k, b):
            g = wid + k * nw
            return pltpu.make_async_copy(
                tab_hbm.at[pl.ds(g * _DBLK, _DBLK)], vin.at[b], sin[b]
            )

        def out_copy(k, b):
            g = wid + k * nw
            return pltpu.make_async_copy(
                vout.at[b], pad_hbm.at[pl.ds(g * _DBLK, _DBLK)], sout[b]
            )

        def repack(b):
            def body(r4, c):
                for dr in range(4):
                    r = r4 * 4 + dr
                    for j in range(_D // nl):
                        sl = pl.ds(j * nl, nl)
                        vout[b, r, sl] = vin[b, r, sl] * _SCALE
                return c

            lax.fori_loop(0, _DBLK // 4, body, 0)

        def step(k, c):
            b0 = lax.rem(k, _DNBUF)
            for b in range(_DNBUF):
                @pl.when(b0 == b)
                def _():
                    in_copy(k, b).wait()
                    @pl.when(k >= _DNBUF)
                    def _():
                        out_copy(k - _DNBUF, b).wait()
                    repack(b)
                    out_copy(k, b).start()
                    @pl.when(k + _DNBUF < nb_w)
                    def _():
                        in_copy(k + _DNBUF, b).start()
            return c

        for b in range(_DNBUF):
            @pl.when(b < nb_w)
            def _():
                in_copy(b, b).start()

        lax.fori_loop(0, nb_w, step, 0)

        def drain(k, c):
            b0 = lax.rem(k, _DNBUF)
            for b in range(_DNBUF):
                @pl.when(b0 == b)
                def _():
                    out_copy(k, b).wait()
            return c

        lax.fori_loop(
            lax.max(nb_w - _DNBUF, 0), nb_w, drain, 0
        )

        if tail_rows:
            @pl.when(wid == 0)
            def _():
                pltpu.sync_copy(
                    tab_hbm.at[pl.ds(n_full * _DBLK, tail_rows)],
                    vin.at[0].at[pl.ds(0, tail_rows)],
                )

                def tbody(r4, c):
                    for dr in range(4):
                        r = r4 * 4 + dr
                        for j in range(_D // nl):
                            sl = pl.ds(j * nl, nl)
                            vout[0, r, sl] = vin[0, r, sl] * _SCALE
                    return c

                lax.fori_loop(0, tail_rows // 4, tbody, 0)
                pltpu.sync_copy(
                    vout.at[0].at[pl.ds(0, tail_rows)],
                    pad_hbm.at[pl.ds(n_full * _DBLK, tail_rows)],
                )

    return detile_kernel


@functools.cache
def _build_gather(n_idx, vocab):
    info = plsc.get_sparse_core_info()
    nc, ns, nl = info.num_cores, info.num_subcores, info.num_lanes
    nw = nc * ns
    assert n_idx % (nw * _CHUNK) == 0
    b_per_w = n_idx // nw
    n_chunks = b_per_w // _CHUNK
    assert n_chunks % _NBUF == 0 and n_chunks >= 2 * _NBUF

    @functools.partial(
        pl.kernel,
        mesh=_mesh(),
        out_type=jax.ShapeDtypeStruct((n_idx, _D), jnp.float32),
        scratch_types=[
            pltpu.VMEM((b_per_w,), jnp.int32),
            pltpu.VMEM((_NBUF, _CHUNK, _DP), jnp.float32),
            pltpu.VMEM((2, _CHUNK, _D), jnp.float32),
        ]
        + [pltpu.SemaphoreType.DMA] * (_NBUF + 2),
    )
    def gather_kernel(idx_hbm, pad_hbm, out_hbm, idx_v, in_bufs, out_bufs, *sems):
        sin, sout = sems[:_NBUF], sems[_NBUF:]
        wid = lax.axis_index("s") * nc + lax.axis_index("c")
        base = wid * b_per_w
        pltpu.sync_copy(idx_hbm.at[pl.ds(base, b_per_w)], idx_v)

        def gather_copy(g, b):
            return pltpu.make_async_copy(
                pad_hbm.at[idx_v.at[pl.ds(g * _CHUNK, _CHUNK)]],
                in_bufs.at[b],
                sin[b],
            )

        def out_copy(g, ob):
            return pltpu.make_async_copy(
                out_bufs.at[ob],
                out_hbm.at[pl.ds(base + g * _CHUNK, _CHUNK)],
                sout[ob],
            )

        def compact(b, ob):
            def body(r4, c):
                for dr in range(4):
                    r = r4 * 4 + dr
                    for j in range(_D // nl):
                        sl = pl.ds(j * nl, nl)
                        out_bufs[ob, r, sl] = in_bufs[b, r, sl] * _SCALE
                return c

            lax.fori_loop(0, _CHUNK // 4, body, 0)

        half = _NBUF // 2

        for g in range(half):
            gather_copy(g, g).start()

        for g in range(half):
            b, ob = g, g % 2
            gather_copy(g, b).wait()
            compact(b, ob)
            out_copy(g, ob).start()
            gather_copy(g + half, (g + half) % _NBUF).start()

        def mid(i, c):
            for k in range(_NBUF):
                g = i * _NBUF + half + k
                b = (half + k) % _NBUF
                ob = (half + k) % 2
                gather_copy(g, b).wait()
                out_copy(g - 2, ob).wait()
                compact(b, ob)
                out_copy(g, ob).start()
                gather_copy(g + half, (b + half) % _NBUF).start()
            return c

        lax.fori_loop(0, (n_chunks - _NBUF) // _NBUF, mid, 0)

        for k in range(half):
            g = n_chunks - half + k
            b, ob = g % _NBUF, g % 2
            gather_copy(g, b).wait()
            out_copy(g - 2, ob).wait()
            compact(b, ob)
            out_copy(g, ob).start()
        for k in range(half):
            g = n_chunks - half + k
            out_copy(g, g % 2).wait()

    return gather_kernel


def kernel(x, table):
    b, s = x.shape
    v, _ = table.shape
    idx = x.reshape(b * s).astype(jnp.int32)
    padded = _build_stage(v)(table)
    out = _build_gather(b * s, v)(idx, padded)
    return out.reshape(b, s, _D)

# --- scband reference (transcript-rebuilt; emitter-appended) ---
"""Pipeline reference for scband-token-embedding-773094113409 (READ-ONLY COPY).

The authoritative reference and input builder live on the scoring server;
editing this copy changes nothing except your own understanding.
"""

import jax, jax.numpy as jnp
import numpy as np
import math

VOCAB_SIZE = 1000000
D_MODEL = 64
BATCH = 4096
SEQ_LEN = 200


def setup_inputs(seed: int = 0) -> dict:
    key = jax.random.key(seed)
    k1, k2 = jax.random.split(key)
    x = jax.random.randint(k1, (BATCH, SEQ_LEN), 0, VOCAB_SIZE, dtype=jnp.int64 if jax.config.jax_enable_x64 else jnp.int32)
    # nn.Embedding default init: N(0, 1)
    table = jax.random.normal(k2, (VOCAB_SIZE, D_MODEL), dtype=jnp.float32)
    return {"x": x, "table": table}


def reference(x, table):
    # embedding lookup (gather) followed by sqrt(d_model) scaling
    emb = jnp.take(table, x, axis=0)
    return emb * (D_MODEL ** 0.5)

if __name__ == "__main__":
    import jax
    _d = setup_inputs()
    print(jax.jit(kernel)(*tuple(_d.values())))

</pallas_src>

<mosaic_0001>
#map = affine_map<(d0, d1) -> (0)>
#map1 = affine_map<(d0, d1) -> (0, 0)>
module attributes {stable_mosaic.version = 14 : i64} {
  func.func @gather_kernel(%arg0: i32, %arg1: i32, %arg2: memref<819200xi32, #tpu.memory_space<hbm>>, %arg3: memref<1000000x128xf32, #tpu.memory_space<hbm>>, %arg4: memref<819200x64xf32, #tpu.memory_space<hbm>>, %arg5: memref<25600xi32, #tpu.memory_space<vmem>>, %arg6: memref<4x128x128xf32, #tpu.memory_space<vmem>>, %arg7: memref<2x128x64xf32, #tpu.memory_space<vmem>>, %arg8: memref<!tpu.dma_semaphore, #tpu.memory_space<semaphore_mem>>, %arg9: memref<!tpu.dma_semaphore, #tpu.memory_space<semaphore_mem>>, %arg10: memref<!tpu.dma_semaphore, #tpu.memory_space<semaphore_mem>>, %arg11: memref<!tpu.dma_semaphore, #tpu.memory_space<semaphore_mem>>, %arg12: memref<!tpu.dma_semaphore, #tpu.memory_space<semaphore_mem>>, %arg13: memref<!tpu.dma_semaphore, #tpu.memory_space<semaphore_mem>>) attributes {dimension_semantics = [#tpu.dimension_semantics<core_parallel>, #tpu.dimension_semantics<subcore_parallel>], iteration_bounds = array<i64: 2, 16>, scalar_prefetch = 0 : i64, scratch_operands = 9 : i64, tpu.core_type = #tpu.core_type<sc_vector_subcore>, window_params = [{transform_indices = #map}, {transform_indices = #map1}, {transform_indices = #map1}]} {
    %mul3A = arith.constant 2 : i32
    %mul3A_0 = arith.muli %arg1, %mul3A : i32
    %add3A = arith.addi %mul3A_0, %arg0 : i32
    %mul3A_1 = arith.constant 25600 : i32
    %mul3A_2 = arith.muli %add3A, %mul3A_1 : i32
    "tpu.region"() ({
      %run_scoped3A = tpu.sem_alloc : memref<!tpu.dma_semaphore, #tpu.memory_space<semaphore_mem>>
      %dma_start3A_230 = tpu.memref_slice %arg2[%mul3A_2] : memref<819200xi32, #tpu.memory_space<hbm>> -> memref<25600xi32, #tpu.memory_space<hbm>>
      %dma_start3A_231 = tpu.memref_slice %arg2[%mul3A_2] : memref<819200xi32, #tpu.memory_space<hbm>> -> memref<25600xi32, #tpu.memory_space<hbm>>
      tpu.enqueue_dma source(%dma_start3A_231 : memref<25600xi32, #tpu.memory_space<hbm>>) target(%arg5 : memref<25600xi32, #tpu.memory_space<vmem>>) target_semaphore(%run_scoped3A : memref<!tpu.dma_semaphore, #tpu.memory_space<semaphore_mem>>)
      %dma_wait3A_232 = tpu.memref_slice %arg2[%mul3A_2] : memref<819200xi32, #tpu.memory_space<hbm>> -> memref<25600xi32, #tpu.memory_space<hbm>>
      %dma_wait3A_233 = tpu.memref_slice %arg2[%mul3A_2] : memref<819200xi32, #tpu.memory_space<hbm>> -> memref<25600xi32, #tpu.memory_space<hbm>>
      tpu.wait_dma2 semaphore(%run_scoped3A : memref<!tpu.dma_semaphore, #tpu.memory_space<semaphore_mem>>) src(%dma_wait3A_233 : memref<25600xi32, #tpu.memory_space<hbm>>) dst(%arg5 : memref<25600xi32, #tpu.memory_space<vmem>>)
      tpu.yield
    }) : () -> ()
    %dma_start3A = arith.constant 0 : i32
    %dma_start3A_3 = arith.constant 0 : i32
    %dma_start3A_4 = arith.constant 0 : i32
    %dma_start3A_5 = tpu.memref_slice %arg6[%dma_start3A, %dma_start3A_3, %dma_start3A_4] : memref<4x128x128xf32, #tpu.memory_space<vmem>> -> memref<1x128x128xf32, #tpu.memory_space<vmem>>
    %dma_start3A_6 = tpu.memref_squeeze %dma_start3A_5 : memref<1x128x128xf32, #tpu.memory_space<vmem>> -> memref<128x128xf32, #tpu.memory_space<vmem>>
    %dma_start3A_7 = arith.constant 0 : i32
    %dma_start3A_8 = tpu.memref_slice %arg5[%dma_start3A_7] : memref<25600xi32, #tpu.memory_space<vmem>> -> memref<128xi32, #tpu.memory_space<vmem>>
    %dma_start3A_9 = arith.constant 0 : i32
    %dma_start3A_10 = arith.constant 0 : i32
    %dma_start3A_11 = tpu.memref_slice %arg3[%dma_start3A_9, %dma_start3A_10] : memref<1000000x128xf32, #tpu.memory_space<hbm>> -> memref<1000000x128xf32, #tpu.memory_space<hbm>>
    tpu.enqueue_indirect_dma source(%dma_start3A_11 : memref<1000000x128xf32, #tpu.memory_space<hbm>>) target(%dma_start3A_6 : memref<128x128xf32, #tpu.memory_space<vmem>>) offsets(%dma_start3A_8 : memref<128xi32, #tpu.memory_space<vmem>>) semaphore(%arg8 : memref<!tpu.dma_semaphore, #tpu.memory_space<semaphore_mem>>)
    %dma_start3A_12 = arith.constant 1 : i32
    %dma_start3A_13 = arith.constant 0 : i32
    %dma_start3A_14 = arith.constant 0 : i32
    %dma_start3A_15 = tpu.memref_slice %arg6[%dma_start3A_12, %dma_start3A_13, %dma_start3A_14] : memref<4x128x128xf32, #tpu.memory_space<vmem>> -> memref<1x128x128xf32, #tpu.memory_space<vmem>>
    %dma_start3A_16 = tpu.memref_squeeze %dma_start3A_15 : memref<1x128x128xf32, #tpu.memory_space<vmem>> -> memref<128x128xf32, #tpu.memory_space<vmem>>
    %dma_start3A_17 = arith.constant 128 : i32
    %dma_start3A_18 = tpu.memref_slice %arg5[%dma_start3A_17] : memref<25600xi32, #tpu.memory_space<vmem>> -> memref<128xi32, #tpu.memory_space<vmem>>
    %dma_start3A_19 = arith.constant 0 : i32
    %dma_start3A_20 = arith.constant 0 : i32
    %dma_start3A_21 = tpu.memref_slice %arg3[%dma_start3A_19, %dma_start3A_20] : memref<1000000x128xf32, #tpu.memory_space<hbm>> -> memref<1000000x128xf32, #tpu.memory_space<hbm>>
    tpu.enqueue_indirect_dma source(%dma_start3A_21 : memref<1000000x128xf32, #tpu.memory_space<hbm>>) target(%dma_start3A_16 : memref<128x128xf32, #tpu.memory_space<vmem>>) offsets(%dma_start3A_18 : memref<128xi32, #tpu.memory_space<vmem>>) semaphore(%arg9 : memref<!tpu.dma_semaphore, #tpu.memory_space<semaphore_mem>>)
    %dma_wait3A = arith.constant 0 : i32
    %dma_wait3A_22 = arith.constant 0 : i32
    %dma_wait3A_23 = arith.constant 0 : i32
    %dma_wait3A_24 = tpu.memref_slice %arg6[%dma_wait3A, %dma_wait3A_22, %dma_wait3A_23] : memref<4x128x128xf32, #tpu.memory_space<vmem>> -> memref<1x128x128xf32, #tpu.memory_space<vmem>>
    %dma_wait3A_25 = tpu.memref_squeeze %dma_wait3A_24 : memref<1x128x128xf32, #tpu.memory_space<vmem>> -> memref<128x128xf32, #tpu.memory_space<vmem>>
    %dma_wait3A_26 = arith.constant 0 : i32
    %dma_wait3A_27 = tpu.memref_slice %arg5[%dma_wait3A_26] : memref<25600xi32, #tpu.memory_space<vmem>> -> memref<128xi32, #tpu.memory_space<vmem>>
    %dma_wait3A_28 = arith.constant 0 : i32
    %dma_wait3A_29 = arith.constant 0 : i32
    %dma_wait3A_30 = tpu.memref_slice %arg3[%dma_wait3A_28, %dma_wait3A_29] : memref<1000000x128xf32, #tpu.memory_space<hbm>> -> memref<1000000x128xf32, #tpu.memory_space<hbm>>
    tpu.wait_indirect_dma semaphore(%arg8 : memref<!tpu.dma_semaphore, #tpu.memory_space<semaphore_mem>>) src(%dma_wait3A_30 : memref<1000000x128xf32, #tpu.memory_space<hbm>>) dst(%dma_wait3A_25 : memref<128x128xf32, #tpu.memory_space<vmem>>)
    %scan3A = arith.constant 0 : i32
    %scan3A_31 = arith.constant 0 : i32
    %scan3A_32 = arith.constant 32 : i32
    %scan3A_33 = arith.addi %scan3A_31, %scan3A_32 : i32
    %scan3A_34 = arith.constant 1 : i32
    scf.for %scan3A_230 = %scan3A_31 to %scan3A_33 step %scan3A_34  : i32 {
      %mul3A_231 = arith.constant 4 : i32
      %mul3A_232 = arith.muli %scan3A_230, %mul3A_231 : i32
      %add3A_233 = arith.constant 0 : i32
      %add3A_234 = arith.addi %mul3A_232, %add3A_233 : i32
      %get3A = arith.constant 0 : i32
      %get3A_235 = arith.index_cast %get3A : i32 to index
      %get3A_236 = arith.index_cast %add3A_234 : i32 to index
      %get3A_237 = arith.constant 0 : index
      %get3A_238 = tpu.vector_load %arg6[%get3A_235, %get3A_236, %get3A_237] {strides = array<i32>} : memref<4x128x128xf32, #tpu.memory_space<vmem>>, vector<1x1x16xf32>,
      %get3A_239 = vector.shape_cast %get3A_238 : vector<1x1x16xf32> to vector<16xf32>
      %mul3A_240 = arith.constant 8.000000e+00 : f32
      %mul3A_241 = vector.broadcast %mul3A_240 : f32 to vector<16xf32>
      %mul3A_242 = arith.mulf %get3A_239, %mul3A_241 : vector<16xf32>
      %swap3A = arith.constant 0 : i32
      %swap3A_243 = arith.index_cast %swap3A : i32 to index
      %swap3A_244 = arith.index_cast %add3A_234 : i32 to index
      %swap3A_245 = arith.constant 0 : index
      %swap3A_246 = tpu.vector_load %arg7[%swap3A_243, %swap3A_244, %swap3A_245] {strides = array<i32>} : memref<2x128x64xf32, #tpu.memory_space<vmem>>, vector<1x1x16xf32>,
      %swap3A_247 = vector.shape_cast %swap3A_246 : vector<1x1x16xf32> to vector<16xf32>
      %swap3A_248 = vector.shape_cast %mul3A_242 : vector<16xf32> to vector<1x1x16xf32>
      tpu.vector_store %arg7[%swap3A_243, %swap3A_244, %swap3A_245], %swap3A_248 {strides = array<i32>} : memref<2x128x64xf32, #tpu.memory_space<vmem>>, vector<1x1x16xf32>,
      %get3A_249 = arith.constant 0 : i32
      %get3A_250 = arith.index_cast %get3A_249 : i32 to index
      %get3A_251 = arith.index_cast %add3A_234 : i32 to index
      %get3A_252 = arith.constant 16 : index
      %get3A_253 = tpu.vector_load %arg6[%get3A_250, %get3A_251, %get3A_252] {strides = array<i32>} : memref<4x128x128xf32, #tpu.memory_space<vmem>>, vector<1x1x16xf32>,
      %get3A_254 = vector.shape_cast %get3A_253 : vector<1x1x16xf32> to vector<16xf32>
      %mul3A_255 = arith.constant 8.000000e+00 : f32
      %mul3A_256 = vector.broadcast %mul3A_255 : f32 to vector<16xf32>
      %mul3A_257 = arith.mulf %get3A_254, %mul3A_256 : vector<16xf32>
      %swap3A_258 = arith.constant 0 : i32
      %swap3A_259 = arith.index_cast %swap3A_258 : i32 to index
      %swap3A_260 = arith.index_cast %add3A_234 : i32 to index
      %swap3A_261 = arith.constant 16 : index
      %swap3A_262 = tpu.vector_load %arg7[%swap3A_259, %swap3A_260, %swap3A_261] {strides = array<i32>} : memref<2x128x64xf32, #tpu.memory_space<vmem>>, vector<1x1x16xf32>,
      %swap3A_263 = vector.shape_cast %swap3A_262 : vector<1x1x16xf32> to vector<16xf32>
      %swap3A_264 = vector.shape_cast %mul3A_257 : vector<16xf32> to vector<1x1x16xf32>
      tpu.vector_store %arg7[%swap3A_259, %swap3A_260, %swap3A_261], %swap3A_264 {strides = array<i32>} : memref<2x128x64xf32, #tpu.memory_space<vmem>>, vector<1x1x16xf32>,
      %get3A_265 = arith.constant 0 : i32
      %get3A_266 = arith.index_cast %get3A_265 : i32 to index
      %get3A_267 = arith.index_cast %add3A_234 : i32 to index
      %get3A_268 = arith.constant 32 : index
      %get3A_269 = tpu.vector_load %arg6[%get3A_266, %get3A_267, %get3A_268] {strides = array<i32>} : memref<4x128x128xf32, #tpu.memory_space<vmem>>, vector<1x1x16xf32>,
      %get3A_270 = vector.shape_cast %get3A_269 : vector<1x1x16xf32> to vector<16xf32>
      %mul3A_271 = arith.constant 8.000000e+00 : f32
      %mul3A_272 = vector.broadcast %mul3A_271 : f32 to vector<16xf32>
      %mul3A_273 = arith.mulf %get3A_270, %mul3A_272 : vector<16xf32>
      %swap3A_274 = arith.constant 0 : i32
      %swap3A_275 = arith.index_cast %swap3A_274 : i32 to index
      %swap3A_276 = arith.index_cast %add3A_234 : i32 to index
      %swap3A_277 = arith.constant 32 : index
      %swap3A_278 = tpu.vector_load %arg7[%swap3A_275, %swap3A_276, %swap3A_277] {strides = array<i32>} : memref<2x128x64xf32, #tpu.memory_space<vmem>>, vector<1x1x16xf32>,
      %swap3A_279 = vector.shape_cast %swap3A_278 : vector<1x1x16xf32> to vector<16xf32>
      %swap3A_280 = vector.shape_cast %mul3A_273 : vector<16xf32> to vector<1x1x16xf32>
      tpu.vector_store %arg7[%swap3A_275, %swap3A_276, %swap3A_277], %swap3A_280 {strides = array<i32>} : memref<2x128x64xf32, #tpu.memory_space<vmem>>, vector<1x1x16xf32>,
      %get3A_281 = arith.constant 0 : i32
      %get3A_282 = arith.index_cast %get3A_281 : i32 to index
      %get3A_283 = arith.index_cast %add3A_234 : i32 to index
      %get3A_284 = arith.constant 48 : index
      %get3A_285 = tpu.vector_load %arg6[%get3A_282, %get3A_283, %get3A_284] {strides = array<i32>} : memref<4x128x128xf32, #tpu.memory_space<vmem>>, vector<1x1x16xf32>,
      %get3A_286 = vector.shape_cast %get3A_285 : vector<1x1x16xf32> to vector<16xf32>
      %mul3A_287 = arith.constant 8.000000e+00 : f32
      %mul3A_288 = vector.broadcast %mul3A_287 : f32 to vector<16xf32>
      %mul3A_289 = arith.mulf %get3A_286, %mul3A_288 : vector<16xf32>
      %swap3A_290 = arith.constant 0 : i32
      %swap3A_291 = arith.index_cast %swap3A_290 : i32 to index
      %swap3A_292 = arith.index_cast %add3A_234 : i32 to index
      %swap3A_293 = arith.constant 48 : index
      %swap3A_294 = tpu.vector_load %arg7[%swap3A_291, %swap3A_292, %swap3A_293] {strides = array<i32>} : memref<2x128x64xf32, #tpu.memory_space<vmem>>, vector<1x1x16xf32>,
      %swap3A_295 = vector.shape_cast %swap3A_294 : vector<1x1x16xf32> to vector<16xf32>
      %swap3A_296 = vector.shape_cast %mul3A_289 : vector<16xf32> to vector<1x1x16xf32>
      tpu.vector_store %arg7[%swap3A_291, %swap3A_292, %swap3A_293], %swap3A_296 {strides = array<i32>} : memref<2x128x64xf32, #tpu.memory_space<vmem>>, vector<1x1x16xf32>,
      %mul3A_297 = arith.constant 4 : i32
      %mul3A_298 = arith.muli %scan3A_230, %mul3A_297 : i32
      %add3A_299 = arith.constant 1 : i32
      %add3A_300 = arith.addi %mul3A_298, %add3A_299 : i32
      %get3A_301 = arith.constant 0 : i32
      %get3A_302 = arith.index_cast %get3A_301 : i32 to index
      %get3A_303 = arith.index_cast %add3A_300 : i32 to index
      %get3A_304 = arith.constant 0 : index
      %get3A_305 = tpu.vector_load %arg6[%get3A_302, %get3A_303, %get3A_304] {strides = array<i32>} : memref<4x128x128xf32, #tpu.memory_space<vmem>>, vector<1x1x16xf32>,
      %get3A_306 = vector.shape_cast %get3A_305 : vector<1x1x16xf32> to vector<16xf32>
      %mul3A_307 = arith.constant 8.000000e+00 : f32
      %mul3A_308 = vector.broadcast %mul3A_307 : f32 to vector<16xf32>
      %mul3A_309 = arith.mulf %get3A_306, %mul3A_308 : vector<16xf32>
      %swap3A_310 = arith.constant 0 : i32
      %swap3A_311 = arith.index_cast %swap3A_310 : i32 to index
      %swap3A_312 = arith.index_cast %add3A_300 : i32 to index
      %swap3A_313 = arith.constant 0 : index
      %swap3A_314 = tpu.vector_load %arg7[%swap3A_311, %swap3A_312, %swap3A_313] {strides = array<i32>} : memref<2x128x64xf32, #tpu.memory_space<vmem>>, vector<1x1x16xf32>,
      %swap3A_315 = vector.shape_cast %swap3A_314 : vector<1x1x16xf32> to vector<16xf32>
      %swap3A_316 = vector.shape_cast %mul3A_309 : vector<16xf32> to vector<1x1x16xf32>
      tpu.vector_store %arg7[%swap3A_311, %swap3A_312, %swap3A_313], %swap3A_316 {strides = array<i32>} : memref<2x128x64xf32, #tpu.memory_space<vmem>>, vector<1x1x16xf32>,
      %get3A_317 = arith.constant 0 : i32
      %get3A_318 = arith.index_cast %get3A_317 : i32 to index
      %get3A_319 = arith.index_cast %add3A_300 : i32 to index
      %get3A_320 = arith.constant 16 : index
      %get3A_321 = tpu.vector_load %arg6[%get3A_318, %get3A_319, %get3A_320] {strides = array<i32>} : memref<4x128x128xf32, #tpu.memory_space<vmem>>, vector<1x1x16xf32>,
      %get3A_322 = vector.shape_cast %get3A_321 : vector<1x1x16xf32> to vector<16xf32>
      %mul3A_323 = arith.constant 8.000000e+00 : f32
      %mul3A_324 = vector.broadcast %mul3A_323 : f32 to vector<16xf32>
      %mul3A_325 = arith.mulf %get3A_322, %mul3A_324 : vector<16xf32>
      %swap3A_326 = arith.constant 0 : i32
      %swap3A_327 = arith.index_cast %swap3A_326 : i32 to index
      %swap3A_328 = arith.index_cast %add3A_300 : i32 to index
      %swap3A_329 = arith.constant 16 : index
      %swap3A_330 = tpu.vector_load %arg7[%swap3A_327, %swap3A_328, %swap3A_329] {strides = array<i32>} : memref<2x128x64xf32, #tpu.memory_space<vmem>>, vector<1x1x16xf32>,
      %swap3A_331 = vector.shape_cast %swap3A_330 : vector<1x1x16xf32> to vector<16xf32>
      %swap3A_332 = vector.shape_cast %mul3A_325 : vector<16xf32> to vector<1x1x16xf32>
      tpu.vector_store %arg7[%swap3A_327, %swap3A_328, %swap3A_329], %swap3A_332 {strides = array<i32>} : memref<2x128x64xf32, #tpu.memory_space<vmem>>, vector<1x1x16xf32>,
      %get3A_333 = arith.constant 0 : i32
      %get3A_334 = arith.index_cast %get3A_333 : i32 to index
      %get3A_335 = arith.index_cast %add3A_300 : i32 to index
      %get3A_336 = arith.constant 32 : index
      %get3A_337 = tpu.vector_load %arg6[%get3A_334, %get3A_335, %get3A_336] {strides = array<i32>} : memref<4x128x128xf32, #tpu.memory_space<vmem>>, vector<1x1x16xf32>,
      %get3A_338 = vector.shape_cast %get3A_337 : vector<1x1x16xf32> to vector<16xf32>
      %mul3A_339 = arith.constant 8.000000e+00 : f32
      %mul3A_340 = vector.broadcast %mul3A_339 : f32 to vector<16xf32>
      %mul3A_341 = arith.mulf %get3A_338, %mul3A_340 : vector<16xf32>
      %swap3A_342 = arith.constant 0 : i32
      %swap3A_343 = arith.index_cast %swap3A_342 : i32 to index
      %swap3A_344 = arith.index_cast %add3A_300 : i32 to index
      %swap3A_345 = arith.constant 32 : index
      %swap3A_346 = tpu.vector_load %arg7[%swap3A_343, %swap3A_344, %swap3A_345] {strides = array<i32>} : memref<2x128x64xf32, #tpu.memory_space<vmem>>, vector<1x1x16xf32>,
      %swap3A_347 = vector.shape_cast %swap3A_346 : vector<1x1x16xf32> to vector<16xf32>
      %swap3A_348 = vector.shape_cast %mul3A_341 : vector<16xf32> to vector<1x1x16xf32>
      tpu.vector_store %arg7[%swap3A_343, %swap3A_344, %swap3A_345], %swap3A_348 {strides = array<i32>} : memref<2x128x64xf32, #tpu.memory_space<vmem>>, vector<1x1x16xf32>,
      %get3A_349 = arith.constant 0 : i32
      %get3A_350 = arith.index_cast %get3A_349 : i32 to index
      %get3A_351 = arith.index_cast %add3A_300 : i32 to index
      %get3A_352 = arith.constant 48 : index
      %get3A_353 = tpu.vector_load %arg6[%get3A_350, %get3A_351, %get3A_352] {strides = array<i32>} : memref<4x128x128xf32, #tpu.memory_space<vmem>>, vector<1x1x16xf32>,
      %get3A_354 = vector.shape_cast %get3A_353 : vector<1x1x16xf32> to vector<16xf32>
      %mul3A_355 = arith.constant 8.000000e+00 : f32
      %mul3A_356 = vector.broadcast %mul3A_355 : f32 to vector<16xf32>
      %mul3A_357 = arith.mulf %get3A_354, %mul3A_356 : vector<16xf32>
      %swap3A_358 = arith.constant 0 : i32
      %swap3A_359 = arith.index_cast %swap3A_358 : i32 to index
      %swap3A_360 = arith.index_cast %add3A_300 : i32 to index
      %swap3A_361 = arith.constant 48 : index
      %swap3A_362 = tpu.vector_load %arg7[%swap3A_359, %swap3A_360, %swap3A_361] {strides = array<i32>} : memref<2x128x64xf32, #tpu.memory_space<vmem>>, vector<1x1x16xf32>,
      %swap3A_363 = vector.shape_cast %swap3A_362 : vector<1x1x16xf32> to vector<16xf32>
      %swap3A_364 = vector.shape_cast %mul3A_357 : vector<16xf32> to vector<1x1x16xf32>
      tpu.vector_store %arg7[%swap3A_359, %swap3A_360, %swap3A_361], %swap3A_364 {strides = array<i32>} : memref<2x128x64xf32, #tpu.memory_space<vmem>>, vector<1x1x16xf32>,
      %mul3A_365 = arith.constant 4 : i32
      %mul3A_366 = arith.muli %scan3A_230, %mul3A_365 : i32
      %add3A_367 = arith.constant 2 : i32
      %add3A_368 = arith.addi %mul3A_366, %add3A_367 : i32
      %get3A_369 = arith.constant 0 : i32
      %get3A_370 = arith.index_cast %get3A_369 : i32 to index
      %get3A_371 = arith.index_cast %add3A_368 : i32 to index
      %get3A_372 = arith.constant 0 : index
      %get3A_373 = tpu.vector_load %arg6[%get3A_370, %get3A_371, %get3A_372] {strides = array<i32>} : memref<4x128x128xf32, #tpu.memory_space<vmem>>, vector<1x1x16xf32>,
      %get3A_374 = vector.shape_cast %get3A_373 : vector<1x1x16xf32> to vector<16xf32>
      %mul3A_375 = arith.constant 8.000000e+00 : f32
      %mul3A_376 = vector.broadcast %mul3A_375 : f32 to vector<16xf32>
      %mul3A_377 = arith.mulf %get3A_374, %mul3A_376 : vector<16xf32>
      %swap3A_378 = arith.constant 0 : i32
      %swap3A_379 = arith.index_cast %swap3A_378 : i32 to index
      %swap3A_380 = arith.index_cast %add3A_368 : i32 to index
      %swap3A_381 = arith.constant 0 : index
      %swap3A_382 = tpu.vector_load %arg7[%swap3A_379, %swap3A_380, %swap3A_381] {strides = array<i32>} : memref<2x128x64xf32, #tpu.memory_space<vmem>>, vector<1x1x16xf32>,
      %swap3A_383 = vector.shape_cast %swap3A_382 : vector<1x1x16xf32> to vector<16xf32>
      %swap3A_384 = vector.shape_cast %mul3A_377 : vector<16xf32> to vector<1x1x16xf32>
      tpu.vector_store %arg7[%swap3A_379, %swap3A_380, %swap3A_381], %swap3A_384 {strides = array<i32>} : memref<2x128x64xf32, #tpu.memory_space<vmem>>, vector<1x1x16xf32>,
      %get3A_385 = arith.constant 0 : i32
      %get3A_386 = arith.index_cast %get3A_385 : i32 to index
      %get3A_387 = arith.index_cast %add3A_368 : i32 to index
      %get3A_388 = arith.constant 16 : index
      %get3A_389 = tpu.vector_load %arg6[%get3A_386, %get3A_387, %get3A_388] {strides = array<i32>} : memref<4x128x128xf32, #tpu.memory_space<vmem>>, vector<1x1x16xf32>,
      %get3A_390 = vector.shape_cast %get3A_389 : vector<1x1x16xf32> to vector<16xf32>
      %mul3A_391 = arith.constant 8.000000e+00 : f32
      %mul3A_392 = vector.broadcast %mul3A_391 : f32 to vector<16xf32>
      %mul3A_393 = arith.mulf %get3A_390, %mul3A_392 : vector<16xf32>
      %swap3A_394 = arith.constant 0 : i32
      %swap3A_395 = arith.index_cast %swap3A_394 : i32 to index
      %swap3A_396 = arith.index_cast %add3A_368 : i32 to index
      %swap3A_397 = arith.constant 16 : index
      %swap3A_398 = tpu.vector_load %arg7[%swap3A_395, %swap3A_396, %swap3A_397] {strides = array<i32>} : memref<2x128x64xf32, #tpu.memory_space<vmem>>, vector<1x1x16xf32>,
      %swap3A_399 = vector.shape_cast %swap3A_398 : vector<1x1x16xf32> to vector<16xf32>
      %swap3A_400 = vector.shape_cast %mul3A_393 : vector<16xf32> to vector<1x1x16xf32>
      tpu.vector_store %arg7[%swap3A_395, %swap3A_396, %swap3A_397], %swap3A_400 {strides = array<i32>} : memref<2x128x64xf32, #tpu.memory_space<vmem>>, vector<1x1x16xf32>,
      %get3A_401 = arith.constant 0 : i32
      %get3A_402 = arith.index_cast %get3A_401 : i32 to index
      %get3A_403 = arith.index_cast %add3A_368 : i32 to index
      %get3A_404 = arith.constant 32 : index
      %get3A_405 = tpu.vector_load %arg6[%get3A_402, %get3A_403, %get3A_404] {strides = array<i32>} : memref<4x128x128xf32, #tpu.memory_space<vmem>>, vector<1x1x16xf32>,
      %get3A_406 = vector.shape_cast %get3A_405 : vector<1x1x16xf32> to vector<16xf32>
      %mul3A_407 = arith.constant 8.000000e+00 : f32
      %mul3A_408 = vector.broadcast %mul3A_407 : f32 to vector<16xf32>
      %mul3A_409 = arith.mulf %get3A_406, %mul3A_408 : vector<16xf32>
      %swap3A_410 = arith.constant 0 : i32
      %swap3A_411 = arith.index_cast %swap3A_410 : i32 to index
      %swap3A_412 = arith.index_cast %add3A_368 : i32 to index
      %swap3A_413 = arith.constant 32 : index
      %swap3A_414 = tpu.vector_load %arg7[%swap3A_411, %swap3A_412, %swap3A_413] {strides = array<i32>} : memref<2x128x64xf32, #tpu.memory_space<vmem>>, vector<1x1x16xf32>,
      %swap3A_415 = vector.shape_cast %swap3A_414 : vector<1x1x16xf32> to vector<16xf32>
      %swap3A_416 = vector.shape_cast %mul3A_409 : vector<16xf32> to vector<1x1x16xf32>
      tpu.vector_store %arg7[%swap3A_411, %swap3A_412, %swap3A_413], %swap3A_416 {strides = array<i32>} : memref<2x128x64xf32, #tpu.memory_space<vmem>>, vector<1x1x16xf32>,
      %get3A_417 = arith.constant 0 : i32
      %get3A_418 = arith.index_cast %get3A_417 : i32 to index
      %get3A_419 = arith.index_cast %add3A_368 : i32 to index
      %get3A_420 = arith.constant 48 : index
      %get3A_421 = tpu.vector_load %arg6[%get3A_418, %get3A_419, %get3A_420] {strides = array<i32>} : memref<4x128x128xf32, #tpu.memory_space<vmem>>, vector<1x1x16xf32>,
      %get3A_422 = vector.shape_cast %get3A_421 : vector<1x1x16xf32> to vector<16xf32>
      %mul3A_423 = arith.constant 8.000000e+00 : f32
      %mul3A_424 = vector.broadcast %mul3A_423 : f32 to vector<16xf32>
      %mul3A_425 = arith.mulf %get3A_422, %mul3A_424 : vector<16xf32>
      %swap3A_426 = arith.constant 0 : i32
      %swap3A_427 = arith.index_cast %swap3A_426 : i32 to index
      %swap3A_428 = arith.index_cast %add3A_368 : i32 to index
      %swap3A_429 = arith.constant 48 : index
      %swap3A_430 = tpu.vector_load %arg7[%swap3A_427, %swap3A_428, %swap3A_429] {strides = array<i32>} : memref<2x128x64xf32, #tpu.memory_space<vmem>>, vector<1x1x16xf32>,
      %swap3A_431 = vector.shape_cast %swap3A_430 : vector<1x1x16xf32> to vector<16xf32>
      %swap3A_432 = vector.shape_cast %mul3A_425 : vector<16xf32> to vector<1x1x16xf32>
      tpu.vector_store %arg7[%swap3A_427, %swap3A_428, %swap3A_429], %swap3A_432 {strides = array<i32>} : memref<2x128x64xf32, #tpu.memory_space<vmem>>, vector<1x1x16xf32>,
      %mul3A_433 = arith.constant 4 : i32
      %mul3A_434 = arith.muli %scan3A_230, %mul3A_433 : i32
      %add3A_435 = arith.constant 3 : i32
      %add3A_436 = arith.addi %mul3A_434, %add3A_435 : i32
      %get3A_437 = arith.constant 0 : i32
      %get3A_438 = arith.index_cast %get3A_437 : i32 to index
      %get3A_439 = arith.index_cast %add3A_436 : i32 to index
      %get3A_440 = arith.constant 0 : index
      %get3A_441 = tpu.vector_load %arg6[%get3A_438, %get3A_439, %get3A_440] {strides = array<i32>} : memref<4x128x128xf32, #tpu.memory_space<vmem>>, vector<1x1x16xf32>,
      %get3A_442 = vector.shape_cast %get3A_441 : vector<1x1x16xf32> to vector<16xf32>
      %mul3A_443 = arith.constant 8.000000e+00 : f32
      %mul3A_444 = vector.broadcast %mul3A_443 : f32 to vector<16xf32>
      %mul3A_445 = arith.mulf %get3A_442, %mul3A_444 : vector<16xf32>
      %swap3A_446 = arith.constant 0 : i32
      %swap3A_447 = arith.index_cast %swap3A_446 : i32 to index
      %swap3A_448 = arith.index_cast %add3A_436 : i32 to index
      %swap3A_449 = arith.constant 0 : index
      %swap3A_450 = tpu.vector_load %arg7[%swap3A_447, %swap3A_448, %swap3A_449] {strides = array<i32>} : memref<2x128x64xf32, #tpu.memory_space<vmem>>, vector<1x1x16xf32>,
      %swap3A_451 = vector.shape_cast %swap3A_450 : vector<1x1x16xf32> to vector<16xf32>
      %swap3A_452 = vector.shape_cast %mul3A_445 : vector<16xf32> to vector<1x1x16xf32>
      tpu.vector_store %arg7[%swap3A_447, %swap3A_448, %swap3A_449], %swap3A_452 {strides = array<i32>} : memref<2x128x64xf32, #tpu.memory_space<vmem>>, vector<1x1x16xf32>,
      %get3A_453 = arith.constant 0 : i32
      %get3A_454 = arith.index_cast %get3A_453 : i32 to index
      %get3A_455 = arith.index_cast %add3A_436 : i32 to index
      %get3A_456 = arith.constant 16 : index
      %get3A_457 = tpu.vector_load %arg6[%get3A_454, %get3A_455, %get3A_456] {strides = array<i32>} : memref<4x128x128xf32, #tpu.memory_space<vmem>>, vector<1x1x16xf32>,
      %get3A_458 = vector.shape_cast %get3A_457 : vector<1x1x16xf32> to vector<16xf32>
      %mul3A_459 = arith.constant 8.000000e+00 : f32
      %mul3A_460 = vector.broadcast %mul3A_459 : f32 to vector<16xf32>
      %mul3A_461 = arith.mulf %get3A_458, %mul3A_460 : vector<16xf32>
      %swap3A_462 = arith.constant 0 : i32
      %swap3A_463 = arith.index_cast %swap3A_462 : i32 to index
      %swap3A_464 = arith.index_cast %add3A_436 : i32 to index
      %swap3A_465 = arith.constant 16 : index
      %swap3A_466 = tpu.vector_load %arg7[%swap3A_463, %swap3A_464, %swap3A_465] {strides = array<i32>} : memref<2x128x64xf32, #tpu.memory_space<vmem>>, vector<1x1x16xf32>,
      %swap3A_467 = vector.shape_cast %swap3A_466 : vector<1x1x16xf32> to vector<16xf32>
      %swap3A_468 = vector.shape_cast %mul3A_461 : vector<16xf32> to vector<1x1x16xf32>
      tpu.vector_store %arg7[%swap3A_463, %swap3A_464, %swap3A_465], %swap3A_468 {strides = array<i32>} : memref<2x128x64xf32, #tpu.memory_space<vmem>>, vector<1x1x16xf32>,
      %get3A_469 = arith.constant 0 : i32
      %get3A_470 = arith.index_cast %get3A_469 : i32 to index
      %get3A_471 = arith.index_cast %add3A_436 : i32 to index
      %get3A_472 = arith.constant 32 : index
      %get3A_473 = tpu.vector_load %arg6[%get3A_470, %get3A_471, %get3A_472] {strides = array<i32>} : memref<4x128x128xf32, #tpu.memory_space<vmem>>, vector<1x1x16xf32>,
      %get3A_474 = vector.shape_cast %get3A_473 : vector<1x1x16xf32> to vector<16xf32>
      %mul3A_475 = arith.constant 8.000000e+00 : f32
      %mul3A_476 = vector.broadcast %mul3A_475 : f32 to vector<16xf32>
      %mul3A_477 = arith.mulf %get3A_474, %mul3A_476 : vector<16xf32>
      %swap3A_478 = arith.constant 0 : i32
      %swap3A_479 = arith.index_cast %swap3A_478 : i32 to index
      %swap3A_480 = arith.index_cast %add3A_436 : i32 to index
      %swap3A_481 = arith.constant 32 : index
      %swap3A_482 = tpu.vector_load %arg7[%swap3A_479, %swap3A_480, %swap3A_481] {strides = array<i32>} : memref<2x128x64xf32, #tpu.memory_space<vmem>>, vector<1x1x16xf32>,
      %swap3A_483 = vector.shape_cast %swap3A_482 : vector<1x1x16xf32> to vector<16xf32>
      %swap3A_484 = vector.shape_cast %mul3A_477 : vector<16xf32> to vector<1x1x16xf32>
      tpu.vector_store %arg7[%swap3A_479, %swap3A_480, %swap3A_481], %swap3A_484 {strides = array<i32>} : memref<2x128x64xf32, #tpu.memory_space<vmem>>, vector<1x1x16xf32>,
      %get3A_485 = arith.constant 0 : i32
      %get3A_486 = arith.index_cast %get3A_485 : i32 to index
      %get3A_487 = arith.index_cast %add3A_436 : i32 to index
      %get3A_488 = arith.constant 48 : index
      %get3A_489 = tpu.vector_load %arg6[%get3A_486, %get3A_487, %get3A_488] {strides = array<i32>} : memref<4x128x128xf32, #tpu.memory_space<vmem>>, vector<1x1x16xf32>,
      %get3A_490 = vector.shape_cast %get3A_489 : vector<1x1x16xf32> to vector<16xf32>
      %mul3A_491 = arith.constant 8.000000e+00 : f32
      %mul3A_492 = vector.broadcast %mul3A_491 : f32 to vector<16xf32>
      %mul3A_493 = arith.mulf %get3A_490, %mul3A_492 : vector<16xf32>
      %swap3A_494 = arith.constant 0 : i32
      %swap3A_495 = arith.index_cast %swap3A_494 : i32 to index
      %swap3A_496 = arith.index_cast %add3A_436 : i32 to index
      %swap3A_497 = arith.constant 48 : index
      %swap3A_498 = tpu.vector_load %arg7[%swap3A_495, %swap3A_496, %swap3A_497] {strides = array<i32>} : memref<2x128x64xf32, #tpu.memory_space<vmem>>, vector<1x1x16xf32>,
      %swap3A_499 = vector.shape_cast %swap3A_498 : vector<1x1x16xf32> to vector<16xf32>
      %swap3A_500 = vector.shape_cast %mul3A_493 : vector<16xf32> to vector<1x1x16xf32>
      tpu.vector_store %arg7[%swap3A_495, %swap3A_496, %swap3A_497], %swap3A_500 {strides = array<i32>} : memref<2x128x64xf32, #tpu.memory_space<vmem>>, vector<1x1x16xf32>,
    }
    %scan3A_35 = arith.constant 32 : i32
    %add3A_36 = arith.constant 0 : i32
    %add3A_37 = arith.addi %mul3A_2, %add3A_36 : i32
    %dma_start3A_38 = arith.constant 0 : i32
    %dma_start3A_39 = arith.constant 0 : i32
    %dma_start3A_40 = arith.constant 0 : i32
    %dma_start3A_41 = tpu.memref_slice %arg7[%dma_start3A_38, %dma_start3A_39, %dma_start3A_40] : memref<2x128x64xf32, #tpu.memory_space<vmem>> -> memref<1x128x64xf32, #tpu.memory_space<vmem>>
    %dma_start3A_42 = tpu.memref_squeeze %dma_start3A_41 : memref<1x128x64xf32, #tpu.memory_space<vmem>> -> memref<128x64xf32, #tpu.memory_space<vmem>>
    %dma_start3A_43 = arith.constant 0 : i32
    %dma_start3A_44 = tpu.memref_slice %arg4[%add3A_37, %dma_start3A_43] : memref<819200x64xf32, #tpu.memory_space<hbm>> -> memref<128x64xf32, #tpu.memory_space<hbm>>
    %dma_start3A_45 = arith.constant 0 : i32
    %dma_start3A_46 = tpu.memref_slice %arg4[%add3A_37, %dma_start3A_45] : memref<819200x64xf32, #tpu.memory_space<hbm>> -> memref<128x64xf32, #tpu.memory_space<hbm>>
    %dma_start3A_47 = arith.constant 0 : i32
    %dma_start3A_48 = arith.constant 0 : i32
    %dma_start3A_49 = tpu.memref_slice %arg7[%dma_start3A_38, %dma_start3A_47, %dma_start3A_48] : memref<2x128x64xf32, #tpu.memory_space<vmem>> -> memref<1x128x64xf32, #tpu.memory_space<vmem>>
    %dma_start3A_50 = tpu.memref_squeeze %dma_start3A_49 : memref<1x128x64xf32, #tpu.memory_space<vmem>> -> memref<128x64xf32, #tpu.memory_space<vmem>>
    tpu.enqueue_dma source(%dma_start3A_50 : memref<128x64xf32, #tpu.memory_space<vmem>>) target(%dma_start3A_46 : memref<128x64xf32, #tpu.memory_space<hbm>>) target_semaphore(%arg12 : memref<!tpu.dma_semaphore, #tpu.memory_space<semaphore_mem>>)
    %dma_start3A_51 = arith.constant 2 : i32
    %dma_start3A_52 = arith.constant 0 : i32
    %dma_start3A_53 = arith.constant 0 : i32
    %dma_start3A_54 = tpu.memref_slice %arg6[%dma_start3A_51, %dma_start3A_52, %dma_start3A_53] : memref<4x128x128xf32, #tpu.memory_space<vmem>> -> memref<1x128x128xf32, #tpu.memory_space<vmem>>
    %dma_start3A_55 = tpu.memref_squeeze %dma_start3A_54 : memref<1x128x128xf32, #tpu.memory_space<vmem>> -> memref<128x128xf32, #tpu.memory_space<vmem>>
    %dma_start3A_56 = arith.constant 256 : i32
    %dma_start3A_57 = tpu.memref_slice %arg5[%dma_start3A_56] : memref<25600xi32, #tpu.memory_space<vmem>> -> memref<128xi32, #tpu.memory_space<vmem>>
    %dma_start3A_58 = arith.constant 0 : i32
    %dma_start3A_59 = arith.constant 0 : i32
    %dma_start3A_60 = tpu.memref_slice %arg3[%dma_start3A_58, %dma_start3A_59] : memref<1000000x128xf32, #tpu.memory_space<hbm>> -> memref<1000000x128xf32, #tpu.memory_space<hbm>>
    tpu.enqueue_indirect_dma source(%dma_start3A_60 : memref<1000000x128xf32, #tpu.memory_space<hbm>>) target(%dma_start3A_55 : memref<128x128xf32, #tpu.memory_space<vmem>>) offsets(%dma_start3A_57 : memref<128xi32, #tpu.memory_space<vmem>>) semaphore(%arg10 : memref<!tpu.dma_semaphore, #tpu.memory_space<semaphore_mem>>)
    %dma_wait3A_61 = arith.constant 1 : i32
    %dma_wait3A_62 = arith.constant 0 : i32
    %dma_wait3A_63 = arith.constant 0 : i32
    %dma_wait3A_64 = tpu.memref_slice %arg6[%dma_wait3A_61, %dma_wait3A_62, %dma_wait3A_63] : memref<4x128x128xf32, #tpu.memory_space<vmem>> -> memref<1x128x128xf32, #tpu.memory_space<vmem>>
    %dma_wait3A_65 = tpu.memref_squeeze %dma_wait3A_64 : memref<1x128x128xf32, #tpu.memory_space<vmem>> -> memref<128x128xf32, #tpu.memory_space<vmem>>
    %dma_wait3A_66 = arith.constant 128 : i32
    %dma_wait3A_67 = tpu.memref_slice %arg5[%dma_wait3A_66] : memref<25600xi32, #tpu.memory_space<vmem>> -> memref<128xi32, #tpu.memory_space<vmem>>
    %dma_wait3A_68 = arith.constant 0 : i32
    %dma_wait3A_69 = arith.constant 0 : i32
    %dma_wait3A_70 = tpu.memref_slice %arg3[%dma_wait3A_68, %dma_wait3A_69] : memref<1000000x128xf32, #tpu.memory_space<hbm>> -> memref<1000000x128xf32, #tpu.memory_space<hbm>>
    tpu.wait_indirect_dma semaphore(%arg9 : memref<!tpu.dma_semaphore, #tpu.memory_space<semaphore_mem>>) src(%dma_wait3A_70 : memref<1000000x128xf32, #tpu.memory_space<hbm>>) dst(%dma_wait3A_65 : memref<128x128xf32, #tpu.memory_space<vmem>>)
    %scan3A_71 = arith.constant 0 : i32
    %scan3A_72 = arith.constant 0 : i32
    %scan3A_73 = arith.constant 32 : i32
    %scan3A_74 = arith.addi %scan3A_72, %scan3A_73 : i32
    %scan3A_75 = arith.constant 1 : i32
    scf.for %scan3A_230 = %scan3A_72 to %scan3A_74 step %scan3A_75  : i32 {
      %mul3A_231 = arith.constant 4 : i32
      %mul3A_232 = arith.muli %scan3A_230, %mul3A_231 : i32
      %add3A_233 = arith.constant 0 : i32
      %add3A_234 = arith.addi %mul3A_232, %add3A_233 : i32
      %get3A = arith.constant 1 : i32
      %get3A_235 = arith.index_cast %get3A : i32 to index
      %get3A_236 = arith.index_cast %add3A_234 : i32 to index
      %get3A_237 = arith.constant 0 : index
      %get3A_238 = tpu.vector_load %arg6[%get3A_235, %get3A_236, %get3A_237] {strides = array<i32>} : memref<4x128x128xf32, #tpu.memory_space<vmem>>, vector<1x1x16xf32>,
      %get3A_239 = vector.shape_cast %get3A_238 : vector<1x1x16xf32> to vector<16xf32>
      %mul3A_240 = arith.constant 8.000000e+00 : f32
      %mul3A_241 = vector.broadcast %mul3A_240 : f32 to vector<16xf32>
      %mul3A_242 = arith.mulf %get3A_239, %mul3A_241 : vector<16xf32>
      %swap3A = arith.constant 1 : i32
      %swap3A_243 = arith.index_cast %swap3A : i32 to index
      %swap3A_244 = arith.index_cast %add3A_234 : i32 to index
      %swap3A_245 = arith.constant 0 : index
      %swap3A_246 = tpu.vector_load %arg7[%swap3A_243, %swap3A_244, %swap3A_245] {strides = array<i32>} : memref<2x128x64xf32, #tpu.memory_space<vmem>>, vector<1x1x16xf32>,
      %swap3A_247 = vector.shape_cast %swap3A_246 : vector<1x1x16xf32> to vector<16xf32>
      %swap3A_248 = vector.shape_cast %mul3A_242 : vector<16xf32> to vector<1x1x16xf32>
      tpu.vector_store %arg7[%swap3A_243, %swap3A_244, %swap3A_245], %swap3A_248 {strides = array<i32>} : memref<2x128x64xf32, #tpu.memory_space<vmem>>, vector<1x1x16xf32>,
      %get3A_249 = arith.constant 1 : i32
      %get3A_250 = arith.index_cast %get3A_249 : i32 to index
      %get3A_251 = arith.index_cast %add3A_234 : i32 to index
      %get3A_252 = arith.constant 16 : index
      %get3A_253 = tpu.vector_load %arg6[%get3A_250, %get3A_251, %get3A_252] {strides = array<i32>} : memref<4x128x128xf32, #tpu.memory_space<vmem>>, vector<1x1x16xf32>,
      %get3A_254 = vector.shape_cast %get3A_253 : vector<1x1x16xf32> to vector<16xf32>
      %mul3A_255 = arith.constant 8.000000e+00 : f32
      %mul3A_256 = vector.broadcast %mul3A_255 : f32 to vector<16xf32>
      %mul3A_257 = arith.mulf %get3A_254, %mul3A_256 : vector<16xf32>
      %swap3A_258 = arith.constant 1 : i32
      %swap3A_259 = arith.index_cast %swap3A_258 : i32 to index
      %swap3A_260 = arith.index_cast %add3A_234 : i32 to index
      %swap3A_261 = arith.constant 16 : index
      %swap3A_262 = tpu.vector_load %arg7[%swap3A_259, %swap3A_260, %swap3A_261] {strides = array<i32>} : memref<2x128x64xf32, #tpu.memory_space<vmem>>, vector<1x1x16xf32>,
      %swap3A_263 = vector.shape_cast %swap3A_262 : vector<1x1x16xf32> to vector<16xf32>
      %swap3A_264 = vector.shape_cast %mul3A_257 : vector<16xf32> to vector<1x1x16xf32>
      tpu.vector_store %arg7[%swap3A_259, %swap3A_260, %swap3A_261], %swap3A_264 {strides = array<i32>} : memref<2x128x64xf32, #tpu.memory_space<vmem>>, vector<1x1x16xf32>,
      %get3A_265 = arith.constant 1 : i32
      %get3A_266 = arith.index_cast %get3A_265 : i32 to index
      %get3A_267 = arith.index_cast %add3A_234 : i32 to index
      %get3A_268 = arith.constant 32 : index
      %get3A_269 = tpu.vector_load %arg6[%get3A_266, %get3A_267, %get3A_268] {strides = array<i32>} : memref<4x128x128xf32, #tpu.memory_space<vmem>>, vector<1x1x16xf32>,
      %get3A_270 = vector.shape_cast %get3A_269 : vector<1x1x16xf32> to vector<16xf32>
      %mul3A_271 = arith.constant 8.000000e+00 : f32
      %mul3A_272 = vector.broadcast %mul3A_271 : f32 to vector<16xf32>
      %mul3A_273 = arith.mulf %get3A_270, %mul3A_272 : vector<16xf32>
      %swap3A_274 = arith.constant 1 : i32
      %swap3A_275 = arith.index_cast %swap3A_274 : i32 to index
      %swap3A_276 = arith.index_cast %add3A_234 : i32 to index
      %swap3A_277 = arith.constant 32 : index
      %swap3A_278 = tpu.vector_load %arg7[%swap3A_275, %swap3A_276, %swap3A_277] {strides = array<i32>} : memref<2x128x64xf32, #tpu.memory_space<vmem>>, vector<1x1x16xf32>,
      %swap3A_279 = vector.shape_cast %swap3A_278 : vector<1x1x16xf32> to vector<16xf32>
      %swap3A_280 = vector.shape_cast %mul3A_273 : vector<16xf32> to vector<1x1x16xf32>
      tpu.vector_store %arg7[%swap3A_275, %swap3A_276, %swap3A_277], %swap3A_280 {strides = array<i32>} : memref<2x128x64xf32, #tpu.memory_space<vmem>>, vector<1x1x16xf32>,
      %get3A_281 = arith.constant 1 : i32
      %get3A_282 = arith.index_cast %get3A_281 : i32 to index
      %get3A_283 = arith.index_cast %add3A_234 : i32 to index
      %get3A_284 = arith.constant 48 : index
      %get3A_285 = tpu.vector_load %arg6[%get3A_282, %get3A_283, %get3A_284] {strides = array<i32>} : memref<4x128x128xf32, #tpu.memory_space<vmem>>, vector<1x1x16xf32>,
      %get3A_286 = vector.shape_cast %get3A_285 : vector<1x1x16xf32> to vector<16xf32>
      %mul3A_287 = arith.constant 8.000000e+00 : f32
      %mul3A_288 = vector.broadcast %mul3A_287 : f32 to vector<16xf32>
      %mul3A_289 = arith.mulf %get3A_286, %mul3A_288 : vector<16xf32>
      %swap3A_290 = arith.constant 1 : i32
      %swap3A_291 = arith.index_cast %swap3A_290 : i32 to index
      %swap3A_292 = arith.index_cast %add3A_234 : i32 to index
      %swap3A_293 = arith.constant 48 : index
      %swap3A_294 = tpu.vector_load %arg7[%swap3A_291, %swap3A_292, %swap3A_293] {strides = array<i32>} : memref<2x128x64xf32, #tpu.memory_space<vmem>>, vector<1x1x16xf32>,
      %swap3A_295 = vector.shape_cast %swap3A_294 : vector<1x1x16xf32> to vector<16xf32>
      %swap3A_296 = vector.shape_cast %mul3A_289 : vector<16xf32> to vector<1x1x16xf32>
      tpu.vector_store %arg7[%swap3A_291, %swap3A_292, %swap3A_293], %swap3A_296 {strides = array<i32>} : memref<2x128x64xf32, #tpu.memory_space<vmem>>, vector<1x1x16xf32>,
      %mul3A_297 = arith.constant 4 : i32
      %mul3A_298 = arith.muli %scan3A_230, %mul3A_297 : i32
      %add3A_299 = arith.constant 1 : i32
      %add3A_300 = arith.addi %mul3A_298, %add3A_299 : i32
      %get3A_301 = arith.constant 1 : i32
      %get3A_302 = arith.index_cast %get3A_301 : i32 to index
      %get3A_303 = arith.index_cast %add3A_300 : i32 to index
      %get3A_304 = arith.constant 0 : index
      %get3A_305 = tpu.vector_load %arg6[%get3A_302, %get3A_303, %get3A_304] {strides = array<i32>} : memref<4x128x128xf32, #tpu.memory_space<vmem>>, vector<1x1x16xf32>,
      %get3A_306 = vector.shape_cast %get3A_305 : vector<1x1x16xf32> to vector<16xf32>
      %mul3A_307 = arith.constant 8.000000e+00 : f32
      %mul3A_308 = vector.broadcast %mul3A_307 : f32 to vector<16xf32>
      %mul3A_309 = arith.mulf %get3A_306, %mul3A_308 : vector<16xf32>
      %swap3A_310 = arith.constant 1 : i32
      %swap3A_311 = arith.index_cast %swap3A_310 : i32 to index
      %swap3A_312 = arith.index_cast %add3A_300 : i32 to index
      %swap3A_313 = arith.constant 0 : index
      %swap3A_314 = tpu.vector_load %arg7[%swap3A_311, %swap3A_312, %swap3A_313] {strides = array<i32>} : memref<2x128x64xf32, #tpu.memory_space<vmem>>, vector<1x1x16xf32>,
      %swap3A_315 = vector.shape_cast %swap3A_314 : vector<1x1x16xf32> to vector<16xf32>
      %swap3A_316 = vector.shape_cast %mul3A_309 : vector<16xf32> to vector<1x1x16xf32>
      tpu.vector_store %arg7[%swap3A_311, %swap3A_312, %swap3A_313], %swap3A_316 {strides = array<i32>} : memref<2x128x64xf32, #tpu.memory_space<vmem>>, vector<1x1x16xf32>,
      %get3A_317 = arith.constant 1 : i32
      %get3A_318 = arith.index_cast %get3A_317 : i32 to index
      %get3A_319 = arith.index_cast %add3A_300 : i32 to index
      %get3A_320 = arith.constant 16 : index
      %get3A_321 = tpu.vector_load %arg6[%get3A_318, %get3A_319, %get3A_320] {strides = array<i32>} : memref<4x128x128xf32, #tpu.memory_space<vmem>>, vector<1x1x16xf32>,
      %get3A_322 = vector.shape_cast %get3A_321 : vector<1x1x16xf32> to vector<16xf32>
      %mul3A_323 = arith.constant 8.000000e+00 : f32
      %mul3A_324 = vector.broadcast %mul3A_323 : f32 to vector<16xf32>
      %mul3A_325 = arith.mulf %get3A_322, %mul3A_324 : vector<16xf32>
      %swap3A_326 = arith.constant 1 : i32
      %swap3A_327 = arith.index_cast %swap3A_326 : i32 to index
      %swap3A_328 = arith.index_cast %add3A_300 : i32 to index
      %swap3A_329 = arith.constant 16 : index
      %swap3A_330 = tpu.vector_load %arg7[%swap3A_327, %swap3A_328, %swap3A_329] {strides = array<i32>} : memref<2x128x64xf32, #tpu.memory_space<vmem>>, vector<1x1x16xf32>,
      %swap3A_331 = vector.shape_cast %swap3A_330 : vector<1x1x16xf32> to vector<16xf32>
      %swap3A_332 = vector.shape_cast %mul3A_325 : vector<16xf32> to vector<1x1x16xf32>
      tpu.vector_store %arg7[%swap3A_327, %swap3A_328, %swap3A_329], %swap3A_332 {strides = array<i32>} : memref<2x128x64xf32, #tpu.memory_space<vmem>>, vector<1x1x16xf32>,
      %get3A_333 = arith.constant 1 : i32
      %get3A_334 = arith.index_cast %get3A_333 : i32 to index
      %get3A_335 = arith.index_cast %add3A_300 : i32 to index
      %get3A_336 = arith.constant 32 : index
      %get3A_337 = tpu.vector_load %arg6[%get3A_334, %get3A_335, %get3A_336] {strides = array<i32>} : memref<4x128x128xf32, #tpu.memory_space<vmem>>, vector<1x1x16xf32>,
      %get3A_338 = vector.shape_cast %get3A_337 : vector<1x1x16xf32> to vector<16xf32>
      %mul3A_339 = arith.constant 8.000000e+00 : f32
      %mul3A_340 = vector.broadcast %mul3A_339 : f32 to vector<16xf32>
      %mul3A_341 = arith.mulf %get3A_338, %mul3A_340 : vector<16xf32>
      %swap3A_342 = arith.constant 1 : i32
      %swap3A_343 = arith.index_cast %swap3A_342 : i32 to index
      %swap3A_344 = arith.index_cast %add3A_300 : i32 to index
      %swap3A_345 = arith.constant 32 : index
      %swap3A_346 = tpu.vector_load %arg7[%swap3A_343, %swap3A_344, %swap3A_345] {strides = array<i32>} : memref<2x128x64xf32, #tpu.memory_space<vmem>>, vector<1x1x16xf32>,
      %swap3A_347 = vector.shape_cast %swap3A_346 : vector<1x1x16xf32> to vector<16xf32>
      %swap3A_348 = vector.shape_cast %mul3A_341 : vector<16xf32> to vector<1x1x16xf32>
      tpu.vector_store %arg7[%swap3A_343, %swap3A_344, %swap3A_345], %swap3A_348 {strides = array<i32>} : memref<2x128x64xf32, #tpu.memory_space<vmem>>, vector<1x1x16xf32>,
      %get3A_349 = arith.constant 1 : i32
      %get3A_350 = arith.index_cast %get3A_349 : i32 to index
      %get3A_351 = arith.index_cast %add3A_300 : i32 to index
      %get3A_352 = arith.constant 48 : index
      %get3A_353 = tpu.vector_load %arg6[%get3A_350, %get3A_351, %get3A_352] {strides = array<i32>} : memref<4x128x128xf32, #tpu.memory_space<vmem>>, vector<1x1x16xf32>,
      %get3A_354 = vector.shape_cast %get3A_353 : vector<1x1x16xf32> to vector<16xf32>
      %mul3A_355 = arith.constant 8.000000e+00 : f32
      %mul3A_356 = vector.broadcast %mul3A_355 : f32 to vector<16xf32>
      %mul3A_357 = arith.mulf %get3A_354, %mul3A_356 : vector<16xf32>
      %swap3A_358 = arith.constant 1 : i32
      %swap3A_359 = arith.index_cast %swap3A_358 : i32 to index
      %swap3A_360 = arith.index_cast %add3A_300 : i32 to index
      %swap3A_361 = arith.constant 48 : index
      %swap3A_362 = tpu.vector_load %arg7[%swap3A_359, %swap3A_360, %swap3A_361] {strides = array<i32>} : memref<2x128x64xf32, #tpu.memory_space<vmem>>, vector<1x1x16xf32>,
      %swap3A_363 = vector.shape_cast %swap3A_362 : vector<1x1x16xf32> to vector<16xf32>
      %swap3A_364 = vector.shape_cast %mul3A_357 : vector<16xf32> to vector<1x1x16xf32>
      tpu.vector_store %arg7[%swap3A_359, %swap3A_360, %swap3A_361], %swap3A_364 {strides = array<i32>} : memref<2x128x64xf32, #tpu.memory_space<vmem>>, vector<1x1x16xf32>,
      %mul3A_365 = arith.constant 4 : i32
      %mul3A_366 = arith.muli %scan3A_230, %mul3A_365 : i32
      %add3A_367 = arith.constant 2 : i32
      %add3A_368 = arith.addi %mul3A_366, %add3A_367 : i32
      %get3A_369 = arith.constant 1 : i32
      %get3A_370 = arith.index_cast %get3A_369 : i32 to index
      %get3A_371 = arith.index_cast %add3A_368 : i32 to index
      %get3A_372 = arith.constant 0 : index
      %get3A_373 = tpu.vector_load %arg6[%get3A_370, %get3A_371, %get3A_372] {strides = array<i32>} : memref<4x128x128xf32, #tpu.memory_space<vmem>>, vector<1x1x16xf32>,
      %get3A_374 = vector.shape_cast %get3A_373 : vector<1x1x16xf32> to vector<16xf32>
      %mul3A_375 = arith.constant 8.000000e+00 : f32
      %mul3A_376 = vector.broadcast %mul3A_375 : f32 to vector<16xf32>
      %mul3A_377 = arith.mulf %get3A_374, %mul3A_376 : vector<16xf32>
      %swap3A_378 = arith.constant 1 : i32
      %swap3A_379 = arith.index_cast %swap3A_378 : i32 to index
      %swap3A_380 = arith.index_cast %add3A_368 : i32 to index
      %swap3A_381 = arith.constant 0 : index
      %swap3A_382 = tpu.vector_load %arg7[%swap3A_379, %swap3A_380, %swap3A_381] {strides = array<i32>} : memref<2x128x64xf32, #tpu.memory_space<vmem>>, vector<1x1x16xf32>,
      %swap3A_383 = vector.shape_cast %swap3A_382 : vector<1x1x16xf32> to vector<16xf32>
      %swap3A_384 = vector.shape_cast %mul3A_377 : vector<16xf32> to vector<1x1x16xf32>
      tpu.vector_store %arg7[%swap3A_379, %swap3A_380, %swap3A_381], %swap3A_384 {strides = array<i32>} : memref<2x128x64xf32, #tpu.memory_space<vmem>>, vector<1x1x16xf32>,
      %get3A_385 = arith.constant 1 : i32
      %get3A_386 = arith.index_cast %get3A_385 : i32 to index
      %get3A_387 = arith.index_cast %add3A_368 : i32 to index
      %get3A_388 = arith.constant 16 : index
      %get3A_389 = tpu.vector_load %arg6[%get3A_386, %get3A_387, %get3A_388] {strides = array<i32>} : memref<4x128x128xf32, #tpu.memory_space<vmem>>, vector<1x1x16xf32>,
      %get3A_390 = vector.shape_cast %get3A_389 : vector<1x1x16xf32> to vector<16xf32>
      %mul3A_391 = arith.constant 8.000000e+00 : f32
      %mul3A_392 = vector.broadcast %mul3A_391 : f32 to vector<16xf32>
      %mul3A_393 = arith.mulf %get3A_390, %mul3A_392 : vector<16xf32>
      %swap3A_394 = arith.constant 1 : i32
      %swap3A_395 = arith.index_cast %swap3A_394 : i32 to index
      %swap3A_396 = arith.index_cast %add3A_368 : i32 to index
      %swap3A_397 = arith.constant 16 : index
      %swap3A_398 = tpu.vector_load %arg7[%swap3A_395, %swap3A_396, %swap3A_397] {strides = array<i32>} : memref<2x128x64xf32, #tpu.memory_space<vmem>>, vector<1x1x16xf32>,
      %swap3A_399 = vector.shape_cast %swap3A_398 : vector<1x1x16xf32> to vector<16xf32>
      %swap3A_400 = vector.shape_cast %mul3A_393 : vector<16xf32> to vector<1x1x16xf32>
      tpu.vector_store %arg7[%swap3A_395, %swap3A_396, %swap3A_397], %swap3A_400 {strides = array<i32>} : memref<2x128x64xf32, #tpu.memory_space<vmem>>, vector<1x1x16xf32>,
      %get3A_401 = arith.constant 1 : i32
      %get3A_402 = arith.index_cast %get3A_401 : i32 to index
      %get3A_403 = arith.index_cast %add3A_368 : i32 to index
      %get3A_404 = arith.constant 32 : index
      %get3A_405 = tpu.vector_load %arg6[%get3A_402, %get3A_403, %get3A_404] {strides = array<i32>} : memref<4x128x128xf32, #tpu.memory_space<vmem>>, vector<1x1x16xf32>,
      %get3A_406 = vector.shape_cast %get3A_405 : vector<1x1x16xf32> to vector<16xf32>
      %mul3A_407 = arith.constant 8.000000e+00 : f32
      %mul3A_408 = vector.broadcast %mul3A_407 : f32 to vector<16xf32>
      %mul3A_409 = arith.mulf %get3A_406, %mul3A_408 : vector<16xf32>
      %swap3A_410 = arith.constant 1 : i32
      %swap3A_411 = arith.index_cast %swap3A_410 : i32 to index
      %swap3A_412 = arith.index_cast %add3A_368 : i32 to index
      %swap3A_413 = arith.constant 32 : index
      %swap3A_414 = tpu.vector_load %arg7[%swap3A_411, %swap3A_412, %swap3A_413] {strides = array<i32>} : memref<2x128x64xf32, #tpu.memory_space<vmem>>, vector<1x1x16xf32>,
      %swap3A_415 = vector.shape_cast %swap3A_414 : vector<1x1x16xf32> to vector<16xf32>
      %swap3A_416 = vector.shape_cast %mul3A_409 : vector<16xf32> to vector<1x1x16xf32>
      tpu.vector_store %arg7[%swap3A_411, %swap3A_412, %swap3A_413], %swap3A_416 {strides = array<i32>} : memref<2x128x64xf32, #tpu.memory_space<vmem>>, vector<1x1x16xf32>,
      %get3A_417 = arith.constant 1 : i32
      %get3A_418 = arith.index_cast %get3A_417 : i32 to index
      %get3A_419 = arith.index_cast %add3A_368 : i32 to index
      %get3A_420 = arith.constant 48 : index
      %get3A_421 = tpu.vector_load %arg6[%get3A_418, %get3A_419, %get3A_420] {strides = array<i32>} : memref<4x128x128xf32, #tpu.memory_space<vmem>>, vector<1x1x16xf32>,
      %get3A_422 = vector.shape_cast %get3A_421 : vector<1x1x16xf32> to vector<16xf32>
      %mul3A_423 = arith.constant 8.000000e+00 : f32
      %mul3A_424 = vector.broadcast %mul3A_423 : f32 to vector<16xf32>
      %mul3A_425 = arith.mulf %get3A_422, %mul3A_424 : vector<16xf32>
      %swap3A_426 = arith.constant 1 : i32
      %swap3A_427 = arith.index_cast %swap3A_426 : i32 to index
      %swap3A_428 = arith.index_cast %add3A_368 : i32 to index
      %swap3A_429 = arith.constant 48 : index
      %swap3A_430 = tpu.vector_load %arg7[%swap3A_427, %swap3A_428, %swap3A_429] {strides = array<i32>} : memref<2x128x64xf32, #tpu.memory_space<vmem>>, vector<1x1x16xf32>,
      %swap3A_431 = vector.shape_cast %swap3A_430 : vector<1x1x16xf32> to vector<16xf32>
      %swap3A_432 = vector.shape_cast %mul3A_425 : vector<16xf32> to vector<1x1x16xf32>
      tpu.vector_store %arg7[%swap3A_427, %swap3A_428, %swap3A_429], %swap3A_432 {strides = array<i32>} : memref<2x128x64xf32, #tpu.memory_space<vmem>>, vector<1x1x16xf32>,
      %mul3A_433 = arith.constant 4 : i32
      %mul3A_434 = arith.muli %scan3A_230, %mul3A_433 : i32
      %add3A_435 = arith.constant 3 : i32
      %add3A_436 = arith.addi %mul3A_434, %add3A_435 : i32
      %get3A_437 = arith.constant 1 : i32
      %get3A_438 = arith.index_cast %get3A_437 : i32 to index
      %get3A_439 = arith.index_cast %add3A_436 : i32 to index
      %get3A_440 = arith.constant 0 : index
      %get3A_441 = tpu.vector_load %arg6[%get3A_438, %get3A_439, %get3A_440] {strides = array<i32>} : memref<4x128x128xf32, #tpu.memory_space<vmem>>, vector<1x1x16xf32>,
      %get3A_442 = vector.shape_cast %get3A_441 : vector<1x1x16xf32> to vector<16xf32>
      %mul3A_443 = arith.constant 8.000000e+00 : f32
      %mul3A_444 = vector.broadcast %mul3A_443 : f32 to vector<16xf32>
      %mul3A_445 = arith.mulf %get3A_442, %mul3A_444 : vector<16xf32>
      %swap3A_446 = arith.constant 1 : i32
      %swap3A_447 = arith.index_cast %swap3A_446 : i32 to index
      %swap3A_448 = arith.index_cast %add3A_436 : i32 to index
      %swap3A_449 = arith.constant 0 : index
      %swap3A_450 = tpu.vector_load %arg7[%swap3A_447, %swap3A_448, %swap3A_449] {strides = array<i32>} : memref<2x128x64xf32, #tpu.memory_space<vmem>>, vector<1x1x16xf32>,
      %swap3A_451 = vector.shape_cast %swap3A_450 : vector<1x1x16xf32> to vector<16xf32>
      %swap3A_452 = vector.shape_cast %mul3A_445 : vector<16xf32> to vector<1x1x16xf32>
      tpu.vector_store %arg7[%swap3A_447, %swap3A_448, %swap3A_449], %swap3A_452 {strides = array<i32>} : memref<2x128x64xf32, #tpu.memory_space<vmem>>, vector<1x1x16xf32>,
      %get3A_453 = arith.constant 1 : i32
      %get3A_454 = arith.index_cast %get3A_453 : i32 to index
      %get3A_455 = arith.index_cast %add3A_436 : i32 to index
      %get3A_456 = arith.constant 16 : index
      %get3A_457 = tpu.vector_load %arg6[%get3A_454, %get3A_455, %get3A_456] {strides = array<i32>} : memref<4x128x128xf32, #tpu.memory_space<vmem>>, vector<1x1x16xf32>,
      %get3A_458 = vector.shape_cast %get3A_457 : vector<1x1x16xf32> to vector<16xf32>
      %mul3A_459 = arith.constant 8.000000e+00 : f32
      %mul3A_460 = vector.broadcast %mul3A_459 : f32 to vector<16xf32>
      %mul3A_461 = arith.mulf %get3A_458, %mul3A_460 : vector<16xf32>
      %swap3A_462 = arith.constant 1 : i32
      %swap3A_463 = arith.index_cast %swap3A_462 : i32 to index
      %swap3A_464 = arith.index_cast %add3A_436 : i32 to index
      %swap3A_465 = arith.constant 16 : index
      %swap3A_466 = tpu.vector_load %arg7[%swap3A_463, %swap3A_464, %swap3A_465] {strides = array<i32>} : memref<2x128x64xf32, #tpu.memory_space<vmem>>, vector<1x1x16xf32>,
      %swap3A_467 = vector.shape_cast %swap3A_466 : vector<1x1x16xf32> to vector<16xf32>
      %swap3A_468 = vector.shape_cast %mul3A_461 : vector<16xf32> to vector<1x1x16xf32>
      tpu.vector_store %arg7[%swap3A_463, %swap3A_464, %swap3A_465], %swap3A_468 {strides = array<i32>} : memref<2x128x64xf32, #tpu.memory_space<vmem>>, vector<1x1x16xf32>,
      %get3A_469 = arith.constant 1 : i32
      %get3A_470 = arith.index_cast %get3A_469 : i32 to index
      %get3A_471 = arith.index_cast %add3A_436 : i32 to index
      %get3A_472 = arith.constant 32 : index
      %get3A_473 = tpu.vector_load %arg6[%get3A_470, %get3A_471, %get3A_472] {strides = array<i32>} : memref<4x128x128xf32, #tpu.memory_space<vmem>>, vector<1x1x16xf32>,
      %get3A_474 = vector.shape_cast %get3A_473 : vector<1x1x16xf32> to vector<16xf32>
      %mul3A_475 = arith.constant 8.000000e+00 : f32
      %mul3A_476 = vector.broadcast %mul3A_475 : f32 to vector<16xf32>
      %mul3A_477 = arith.mulf %get3A_474, %mul3A_476 : vector<16xf32>
      %swap3A_478 = arith.constant 1 : i32
      %swap3A_479 = arith.index_cast %swap3A_478 : i32 to index
      %swap3A_480 = arith.index_cast %add3A_436 : i32 to index
      %swap3A_481 = arith.constant 32 : index
      %swap3A_482 = tpu.vector_load %arg7[%swap3A_479, %swap3A_480, %swap3A_481] {strides = array<i32>} : memref<2x128x64xf32, #tpu.memory_space<vmem>>, vector<1x1x16xf32>,
      %swap3A_483 = vector.shape_cast %swap3A_482 : vector<1x1x16xf32> to vector<16xf32>
      %swap3A_484 = vector.shape_cast %mul3A_477 : vector<16xf32> to vector<1x1x16xf32>
      tpu.vector_store %arg7[%swap3A_479, %swap3A_480, %swap3A_481], %swap3A_484 {strides = array<i32>} : memref<2x128x64xf32, #tpu.memory_space<vmem>>, vector<1x1x16xf32>,
      %get3A_485 = arith.constant 1 : i32
      %get3A_486 = arith.index_cast %get3A_485 : i32 to index
      %get3A_487 = arith.index_cast %add3A_436 : i32 to index
      %get3A_488 = arith.constant 48 : index
      %get3A_489 = tpu.vector_load %arg6[%get3A_486, %get3A_487, %get3A_488] {strides = array<i32>} : memref<4x128x128xf32, #tpu.memory_space<vmem>>, vector<1x1x16xf32>,
      %get3A_490 = vector.shape_cast %get3A_489 : vector<1x1x16xf32> to vector<16xf32>
      %mul3A_491 = arith.constant 8.000000e+00 : f32
      %mul3A_492 = vector.broadcast %mul3A_491 : f32 to vector<16xf32>
      %mul3A_493 = arith.mulf %get3A_490, %mul3A_492 : vector<16xf32>
      %swap3A_494 = arith.constant 1 : i32
      %swap3A_495 = arith.index_cast %swap3A_494 : i32 to index
      %swap3A_496 = arith.index_cast %add3A_436 : i32 to index
      %swap3A_497 = arith.constant 48 : index
      %swap3A_498 = tpu.vector_load %arg7[%swap3A_495, %swap3A_496, %swap3A_497] {strides = array<i32>} : memref<2x128x64xf32, #tpu.memory_space<vmem>>, vector<1x1x16xf32>,
      %swap3A_499 = vector.shape_cast %swap3A_498 : vector<1x1x16xf32> to vector<16xf32>
      %swap3A_500 = vector.shape_cast %mul3A_493 : vector<16xf32> to vector<1x1x16xf32>
      tpu.vector_store %arg7[%swap3A_495, %swap3A_496, %swap3A_497], %swap3A_500 {strides = array<i32>} : memref<2x128x64xf32, #tpu.memory_space<vmem>>, vector<1x1x16xf32>,
    }
    %scan3A_76 = arith.constant 32 : i32
    %add3A_77 = arith.constant 128 : i32
    %add3A_78 = arith.addi %mul3A_2, %add3A_77 : i32
    %dma_start3A_79 = arith.constant 1 : i32
    %dma_start3A_80 = arith.constant 0 : i32
    %dma_start3A_81 = arith.constant 0 : i32
    %dma_start3A_82 = tpu.memref_slice %arg7[%dma_start3A_79, %dma_start3A_80, %dma_start3A_81] : memref<2x128x64xf32, #tpu.memory_space<vmem>> -> memref<1x128x64xf32, #tpu.memory_space<vmem>>
    %dma_start3A_83 = tpu.memref_squeeze %dma_start3A_82 : memref<1x128x64xf32, #tpu.memory_space<vmem>> -> memref<128x64xf32, #tpu.memory_space<vmem>>
    %dma_start3A_84 = arith.constant 0 : i32
    %dma_start3A_85 = tpu.memref_slice %arg4[%add3A_78, %dma_start3A_84] : memref<819200x64xf32, #tpu.memory_space<hbm>> -> memref<128x64xf32, #tpu.memory_space<hbm>>
    %dma_start3A_86 = arith.constant 0 : i32
    %dma_start3A_87 = tpu.memref_slice %arg4[%add3A_78, %dma_start3A_86] : memref<819200x64xf32, #tpu.memory_space<hbm>> -> memref<128x64xf32, #tpu.memory_space<hbm>>
    %dma_start3A_88 = arith.constant 0 : i32
    %dma_start3A_89 = arith.constant 0 : i32
    %dma_start3A_90 = tpu.memref_slice %arg7[%dma_start3A_79, %dma_start3A_88, %dma_start3A_89] : memref<2x128x64xf32, #tpu.memory_space<vmem>> -> memref<1x128x64xf32, #tpu.memory_space<vmem>>
    %dma_start3A_91 = tpu.memref_squeeze %dma_start3A_90 : memref<1x128x64xf32, #tpu.memory_space<vmem>> -> memref<128x64xf32, #tpu.memory_space<vmem>>
    tpu.enqueue_dma source(%dma_start3A_91 : memref<128x64xf32, #tpu.memory_space<vmem>>) target(%dma_start3A_87 : memref<128x64xf32, #tpu.memory_space<hbm>>) target_semaphore(%arg13 : memref<!tpu.dma_semaphore, #tpu.memory_space<semaphore_mem>>)
    %dma_start3A_92 = arith.constant 3 : i32
    %dma_start3A_93 = arith.constant 0 : i32
    %dma_start3A_94 = arith.constant 0 : i32
    %dma_start3A_95 = tpu.memref_slice %arg6[%dma_start3A_92, %dma_start3A_93, %dma_start3A_94] : memref<4x128x128xf32, #tpu.memory_space<vmem>> -> memref<1x128x128xf32, #tpu.memory_space<vmem>>
    %dma_start3A_96 = tpu.memref_squeeze %dma_start3A_95 : memref<1x128x128xf32, #tpu.memory_space<vmem>> -> memref<128x128xf32, #tpu.memory_space<vmem>>
    %dma_start3A_97 = arith.constant 384 : i32
    %dma_start3A_98 = tpu.memref_slice %arg5[%dma_start3A_97] : memref<25600xi32, #tpu.memory_space<vmem>> -> memref<128xi32, #tpu.memory_space<vmem>>
    %dma_start3A_99 = arith.constant 0 : i32
    %dma_start3A_100 = arith.constant 0 : i32
    %dma_start3A_101 = tpu.memref_slice %arg3[%dma_start3A_99, %dma_start3A_100] : memref<1000000x128xf32, #tpu.memory_space<hbm>> -> memref<1000000x128xf32, #tpu.memory_space<hbm>>
    tpu.enqueue_indirect_dma source(%dma_start3A_101 : memref<1000000x128xf32, #tpu.memory_space<hbm>>) target(%dma_start3A_96 : memref<128x128xf32, #tpu.memory_space<vmem>>) offsets(%dma_start3A_98 : memref<128xi32, #tpu.memory_space<vmem>>) semaphore(%arg11 : memref<!tpu.dma_semaphore, #tpu.memory_space<semaphore_mem>>)
    %scan3A_102 = arith.constant 0 : i32
    %scan3A_103 = arith.constant 0 : i32
    %scan3A_104 = arith.constant 49 : i32
    %scan3A_105 = arith.addi %scan3A_103, %scan3A_104 : i32
    %scan3A_106 = arith.constant 1 : i32
    scf.for %scan3A_230 = %scan3A_103 to %scan3A_105 step %scan3A_106  : i32 {
      %mul3A_231 = arith.constant 4 : i32
      %mul3A_232 = arith.muli %scan3A_230, %mul3A_231 : i32
      %add3A_233 = arith.constant 2 : i32
      %add3A_234 = arith.addi %mul3A_232, %add3A_233 : i32
      %add3A_235 = arith.constant 0 : i32
      %add3A_236 = arith.addi %add3A_234, %add3A_235 : i32
      %mul3A_237 = arith.constant 128 : i32
      %mul3A_238 = arith.muli %add3A_236, %mul3A_237 : i32
      %dma_wait3A_239 = arith.constant 2 : i32
      %dma_wait3A_240 = arith.constant 0 : i32
      %dma_wait3A_241 = arith.constant 0 : i32
      %dma_wait3A_242 = tpu.memref_slice %arg6[%dma_wait3A_239, %dma_wait3A_240, %dma_wait3A_241] : memref<4x128x128xf32, #tpu.memory_space<vmem>> -> memref<1x128x128xf32, #tpu.memory_space<vmem>>
      %dma_wait3A_243 = tpu.memref_squeeze %dma_wait3A_242 : memref<1x128x128xf32, #tpu.memory_space<vmem>> -> memref<128x128xf32, #tpu.memory_space<vmem>>
      %dma_wait3A_244 = tpu.memref_slice %arg5[%mul3A_238] : memref<25600xi32, #tpu.memory_space<vmem>> -> memref<128xi32, #tpu.memory_space<vmem>>
      %dma_wait3A_245 = arith.constant 0 : i32
      %dma_wait3A_246 = arith.constant 0 : i32
      %dma_wait3A_247 = tpu.memref_slice %arg3[%dma_wait3A_245, %dma_wait3A_246] : memref<1000000x128xf32, #tpu.memory_space<hbm>> -> memref<1000000x128xf32, #tpu.memory_space<hbm>>
      tpu.wait_indirect_dma semaphore(%arg10 : memref<!tpu.dma_semaphore, #tpu.memory_space<semaphore_mem>>) src(%dma_wait3A_247 : memref<1000000x128xf32, #tpu.memory_space<hbm>>) dst(%dma_wait3A_243 : memref<128x128xf32, #tpu.memory_space<vmem>>)
      %sub3A = arith.constant 2 : i32
      %sub3A_248 = arith.subi %add3A_236, %sub3A : i32
      %mul3A_249 = arith.constant 128 : i32
      %mul3A_250 = arith.muli %sub3A_248, %mul3A_249 : i32
      %add3A_251 = arith.addi %mul3A_2, %mul3A_250 : i32
      %dma_wait3A_252 = arith.constant 0 : i32
      %dma_wait3A_253 = arith.constant 0 : i32
      %dma_wait3A_254 = arith.constant 0 : i32
      %dma_wait3A_255 = tpu.memref_slice %arg7[%dma_wait3A_252, %dma_wait3A_253, %dma_wait3A_254] : memref<2x128x64xf32, #tpu.memory_space<vmem>> -> memref<1x128x64xf32, #tpu.memory_space<vmem>>
      %dma_wait3A_256 = tpu.memref_squeeze %dma_wait3A_255 : memref<1x128x64xf32, #tpu.memory_space<vmem>> -> memref<128x64xf32, #tpu.memory_space<vmem>>
      %dma_wait3A_257 = arith.constant 0 : i32
      %dma_wait3A_258 = tpu.memref_slice %arg4[%add3A_251, %dma_wait3A_257] : memref<819200x64xf32, #tpu.memory_space<hbm>> -> memref<128x64xf32, #tpu.memory_space<hbm>>
      %dma_wait3A_259 = arith.constant 0 : i32
      %dma_wait3A_260 = tpu.memref_slice %arg4[%add3A_251, %dma_wait3A_259] : memref<819200x64xf32, #tpu.memory_space<hbm>> -> memref<128x64xf32, #tpu.memory_space<hbm>>
      %dma_wait3A_261 = arith.constant 0 : i32
      %dma_wait3A_262 = arith.constant 0 : i32
      %dma_wait3A_263 = tpu.memref_slice %arg7[%dma_wait3A_252, %dma_wait3A_261, %dma_wait3A_262] : memref<2x128x64xf32, #tpu.memory_space<vmem>> -> memref<1x128x64xf32, #tpu.memory_space<vmem>>
      %dma_wait3A_264 = tpu.memref_squeeze %dma_wait3A_263 : memref<1x128x64xf32, #tpu.memory_space<vmem>> -> memref<128x64xf32, #tpu.memory_space<vmem>>
      tpu.wait_dma2 semaphore(%arg12 : memref<!tpu.dma_semaphore, #tpu.memory_space<semaphore_mem>>) src(%dma_wait3A_264 : memref<128x64xf32, #tpu.memory_space<vmem>>) dst(%dma_wait3A_260 : memref<128x64xf32, #tpu.memory_space<hbm>>)
      %scan3A_265 = arith.constant 0 : i32
      %scan3A_266 = arith.constant 0 : i32
      %scan3A_267 = arith.constant 32 : i32
      %scan3A_268 = arith.addi %scan3A_266, %scan3A_267 : i32
      %scan3A_269 = arith.constant 1 : i32
      scf.for %scan3A_510 = %scan3A_266 to %scan3A_268 step %scan3A_269  : i32 {
        %mul3A_511 = arith.constant 4 : i32
        %mul3A_512 = arith.muli %scan3A_510, %mul3A_511 : i32
        %add3A_513 = arith.constant 0 : i32
        %add3A_514 = arith.addi %mul3A_512, %add3A_513 : i32
        %get3A = arith.constant 2 : i32
        %get3A_515 = arith.index_cast %get3A : i32 to index
        %get3A_516 = arith.index_cast %add3A_514 : i32 to index
        %get3A_517 = arith.constant 0 : index
        %get3A_518 = tpu.vector_load %arg6[%get3A_515, %get3A_516, %get3A_517] {strides = array<i32>} : memref<4x128x128xf32, #tpu.memory_space<vmem>>, vector<1x1x16xf32>,
        %get3A_519 = vector.shape_cast %get3A_518 : vector<1x1x16xf32> to vector<16xf32>
        %mul3A_520 = arith.constant 8.000000e+00 : f32
        %mul3A_521 = vector.broadcast %mul3A_520 : f32 to vector<16xf32>
        %mul3A_522 = arith.mulf %get3A_519, %mul3A_521 : vector<16xf32>
        %swap3A = arith.constant 0 : i32
        %swap3A_523 = arith.index_cast %swap3A : i32 to index
        %swap3A_524 = arith.index_cast %add3A_514 : i32 to index
        %swap3A_525 = arith.constant 0 : index
        %swap3A_526 = tpu.vector_load %arg7[%swap3A_523, %swap3A_524, %swap3A_525] {strides = array<i32>} : memref<2x128x64xf32, #tpu.memory_space<vmem>>, vector<1x1x16xf32>,
        %swap3A_527 = vector.shape_cast %swap3A_526 : vector<1x1x16xf32> to vector<16xf32>
        %swap3A_528 = vector.shape_cast %mul3A_522 : vector<16xf32> to vector<1x1x16xf32>
        tpu.vector_store %arg7[%swap3A_523, %swap3A_524, %swap3A_525], %swap3A_528 {strides = array<i32>} : memref<2x128x64xf32, #tpu.memory_space<vmem>>, vector<1x1x16xf32>,
        %get3A_529 = arith.constant 2 : i32
        %get3A_530 = arith.index_cast %get3A_529 : i32 to index
        %get3A_531 = arith.index_cast %add3A_514 : i32 to index
        %get3A_532 = arith.constant 16 : index
        %get3A_533 = tpu.vector_load %arg6[%get3A_530, %get3A_531, %get3A_532] {strides = array<i32>} : memref<4x128x128xf32, #tpu.memory_space<vmem>>, vector<1x1x16xf32>,
        %get3A_534 = vector.shape_cast %get3A_533 : vector<1x1x16xf32> to vector<16xf32>
        %mul3A_535 = arith.constant 8.000000e+00 : f32
        %mul3A_536 = vector.broadcast %mul3A_535 : f32 to vector<16xf32>
        %mul3A_537 = arith.mulf %get3A_534, %mul3A_536 : vector<16xf32>
        %swap3A_538 = arith.constant 0 : i32
        %swap3A_539 = arith.index_cast %swap3A_538 : i32 to index
        %swap3A_540 = arith.index_cast %add3A_514 : i32 to index
        %swap3A_541 = arith.constant 16 : index
        %swap3A_542 = tpu.vector_load %arg7[%swap3A_539, %swap3A_540, %swap3A_541] {strides = array<i32>} : memref<2x128x64xf32, #tpu.memory_space<vmem>>, vector<1x1x16xf32>,
        %swap3A_543 = vector.shape_cast %swap3A_542 : vector<1x1x16xf32> to vector<16xf32>
        %swap3A_544 = vector.shape_cast %mul3A_537 : vector<16xf32> to vector<1x1x16xf32>
        tpu.vector_store %arg7[%swap3A_539, %swap3A_540, %swap3A_541], %swap3A_544 {strides = array<i32>} : memref<2x128x64xf32, #tpu.memory_space<vmem>>, vector<1x1x16xf32>,
        %get3A_545 = arith.constant 2 : i32
        %get3A_546 = arith.index_cast %get3A_545 : i32 to index
        %get3A_547 = arith.index_cast %add3A_514 : i32 to index
        %get3A_548 = arith.constant 32 : index
        %get3A_549 = tpu.vector_load %arg6[%get3A_546, %get3A_547, %get3A_548] {strides = array<i32>} : memref<4x128x128xf32, #tpu.memory_space<vmem>>, vector<1x1x16xf32>,
        %get3A_550 = vector.shape_cast %get3A_549 : vector<1x1x16xf32> to vector<16xf32>
        %mul3A_551 = arith.constant 8.000000e+00 : f32
        %mul3A_552 = vector.broadcast %mul3A_551 : f32 to vector<16xf32>
        %mul3A_553 = arith.mulf %get3A_550, %mul3A_552 : vector<16xf32>
        %swap3A_554 = arith.constant 0 : i32
        %swap3A_555 = arith.index_cast %swap3A_554 : i32 to index
        %swap3A_556 = arith.index_cast %add3A_514 : i32 to index
        %swap3A_557 = arith.constant 32 : index
        %swap3A_558 = tpu.vector_load %arg7[%swap3A_555, %swap3A_556, %swap3A_557] {strides = array<i32>} : memref<2x128x64xf32, #tpu.memory_space<vmem>>, vector<1x1x16xf32>,
        %swap3A_559 = vector.shape_cast %swap3A_558 : vector<1x1x16xf32> to vector<16xf32>
        %swap3A_560 = vector.shape_cast %mul3A_553 : vector<16xf32> to vector<1x1x16xf32>
        tpu.vector_store %arg7[%swap3A_555, %swap3A_556, %swap3A_557], %swap3A_560 {strides = array<i32>} : memref<2x128x64xf32, #tpu.memory_space<vmem>>, vector<1x1x16xf32>,
        %get3A_561 = arith.constant 2 : i32
        %get3A_562 = arith.index_cast %get3A_561 : i32 to index
        %get3A_563 = arith.index_cast %add3A_514 : i32 to index
        %get3A_564 = arith.constant 48 : index
        %get3A_565 = tpu.vector_load %arg6[%get3A_562, %get3A_563, %get3A_564] {strides = array<i32>} : memref<4x128x128xf32, #tpu.memory_space<vmem>>, vector<1x1x16xf32>,
        %get3A_566 = vector.shape_cast %get3A_565 : vector<1x1x16xf32> to vector<16xf32>
        %mul3A_567 = arith.constant 8.000000e+00 : f32
        %mul3A_568 = vector.broadcast %mul3A_567 : f32 to vector<16xf32>
        %mul3A_569 = arith.mulf %get3A_566, %mul3A_568 : vector<16xf32>
        %swap3A_570 = arith.constant 0 : i32
        %swap3A_571 = arith.index_cast %swap3A_570 : i32 to index
        %swap3A_572 = arith.index_cast %add3A_514 : i32 to index
        %swap3A_573 = arith.constant 48 : index
        %swap3A_574 = tpu.vector_load %arg7[%swap3A_571, %swap3A_572, %swap3A_573] {strides = array<i32>} : memref<2x128x64xf32, #tpu.memory_space<vmem>>, vector<1x1x16xf32>,
        %swap3A_575 = vector.shape_cast %swap3A_574 : vector<1x1x16xf32> to vector<16xf32>
        %swap3A_576 = vector.shape_cast %mul3A_569 : vector<16xf32> to vector<1x1x16xf32>
        tpu.vector_store %arg7[%swap3A_571, %swap3A_572, %swap3A_573], %swap3A_576 {strides = array<i32>} : memref<2x128x64xf32, #tpu.memory_space<vmem>>, vector<1x1x16xf32>,
        %mul3A_577 = arith.constant 4 : i32
        %mul3A_578 = arith.muli %scan3A_510, %mul3A_577 : i32
        %add3A_579 = arith.constant 1 : i32
        %add3A_580 = arith.addi %mul3A_578, %add3A_579 : i32
        %get3A_581 = arith.constant 2 : i32
        %get3A_582 = arith.index_cast %get3A_581 : i32 to index
        %get3A_583 = arith.index_cast %add3A_580 : i32 to index
        %get3A_584 = arith.constant 0 : index
        %get3A_585 = tpu.vector_load %arg6[%get3A_582, %get3A_583, %get3A_584] {strides = array<i32>} : memref<4x128x128xf32, #tpu.memory_space<vmem>>, vector<1x1x16xf32>,
        %get3A_586 = vector.shape_cast %get3A_585 : vector<1x1x16xf32> to vector<16xf32>
        %mul3A_587 = arith.constant 8.000000e+00 : f32
        %mul3A_588 = vector.broadcast %mul3A_587 : f32 to vector<16xf32>
        %mul3A_589 = arith.mulf %get3A_586, %mul3A_588 : vector<16xf32>
        %swap3A_590 = arith.constant 0 : i32
        %swap3A_591 = arith.index_cast %swap3A_590 : i32 to index
        %swap3A_592 = arith.index_cast %add3A_580 : i32 to index
        %swap3A_593 = arith.constant 0 : index
        %swap3A_594 = tpu.vector_load %arg7[%swap3A_591, %swap3A_592, %swap3A_593] {strides = array<i32>} : memref<2x128x64xf32, #tpu.memory_space<vmem>>, vector<1x1x16xf32>,
        %swap3A_595 = vector.shape_cast %swap3A_594 : vector<1x1x16xf32> to vector<16xf32>
        %swap3A_596 = vector.shape_cast %mul3A_589 : vector<16xf32> to vector<1x1x16xf32>
        tpu.vector_store %arg7[%swap3A_591, %swap3A_592, %swap3A_593], %swap3A_596 {strides = array<i32>} : memref<2x128x64xf32, #tpu.memory_space<vmem>>, vector<1x1x16xf32>,
        %get3A_597 = arith.constant 2 : i32
        %get3A_598 = arith.index_cast %get3A_597 : i32 to index
        %get3A_599 = arith.index_cast %add3A_580 : i32 to index
        %get3A_600 = arith.constant 16 : index
        %get3A_601 = tpu.vector_load %arg6[%get3A_598, %get3A_599, %get3A_600] {strides = array<i32>} : memref<4x128x128xf32, #tpu.memory_space<vmem>>, vector<1x1x16xf32>,
        %get3A_602 = vector.shape_cast %get3A_601 : vector<1x1x16xf32> to vector<16xf32>
        %mul3A_603 = arith.constant 8.000000e+00 : f32
        %mul3A_604 = vector.broadcast %mul3A_603 : f32 to vector<16xf32>
        %mul3A_605 = arith.mulf %get3A_602, %mul3A_604 : vector<16xf32>
        %swap3A_606 = arith.constant 0 : i32
        %swap3A_607 = arith.index_cast %swap3A_606 : i32 to index
        %swap3A_608 = arith.index_cast %add3A_580 : i32 to index
        %swap3A_609 = arith.constant 16 : index
        %swap3A_610 = tpu.vector_load %arg7[%swap3A_607, %swap3A_608, %swap3A_609] {strides = array<i32>} : memref<2x128x64xf32, #tpu.memory_space<vmem>>, vector<1x1x16xf32>,
        %swap3A_611 = vector.shape_cast %swap3A_610 : vector<1x1x16xf32> to vector<16xf32>
        %swap3A_612 = vector.shape_cast %mul3A_605 : vector<16xf32> to vector<1x1x16xf32>
        tpu.vector_store %arg7[%swap3A_607, %swap3A_608, %swap3A_609], %swap3A_612 {strides = array<i32>} : memref<2x128x64xf32, #tpu.memory_space<vmem>>, vector<1x1x16xf32>,
        %get3A_613 = arith.constant 2 : i32
        %get3A_614 = arith.index_cast %get3A_613 : i32 to index
        %get3A_615 = arith.index_cast %add3A_580 : i32 to index
        %get3A_616 = arith.constant 32 : index
        %get3A_617 = tpu.vector_load %arg6[%get3A_614, %get3A_615, %get3A_616] {strides = array<i32>} : memref<4x128x128xf32, #tpu.memory_space<vmem>>, vector<1x1x16xf32>,
        %get3A_618 = vector.shape_cast %get3A_617 : vector<1x1x16xf32> to vector<16xf32>
        %mul3A_619 = arith.constant 8.000000e+00 : f32
        %mul3A_620 = vector.broadcast %mul3A_619 : f32 to vector<16xf32>
        %mul3A_621 = arith.mulf %get3A_618, %mul3A_620 : vector<16xf32>
        %swap3A_622 = arith.constant 0 : i32
        %swap3A_623 = arith.index_cast %swap3A_622 : i32 to index
        %swap3A_624 = arith.index_cast %add3A_580 : i32 to index
        %swap3A_625 = arith.constant 32 : index
        %swap3A_626 = tpu.vector_load %arg7[%swap3A_623, %swap3A_624, %swap3A_625] {strides = array<i32>} : memref<2x128x64xf32, #tpu.memory_space<vmem>>, vector<1x1x16xf32>,
        %swap3A_627 = vector.shape_cast %swap3A_626 : vector<1x1x16xf32> to vector<16xf32>
        %swap3A_628 = vector.shape_cast %mul3A_621 : vector<16xf32> to vector<1x1x16xf32>
        tpu.vector_store %arg7[%swap3A_623, %swap3A_624, %swap3A_625], %swap3A_628 {strides = array<i32>} : memref<2x128x64xf32, #tpu.memory_space<vmem>>, vector<1x1x16xf32>,
        %get3A_629 = arith.constant 2 : i32
        %get3A_630 = arith.index_cast %get3A_629 : i32 to index
        %get3A_631 = arith.index_cast %add3A_580 : i32 to index
        %get3A_632 = arith.constant 48 : index
        %get3A_633 = tpu.vector_load %arg6[%get3A_630, %get3A_631, %get3A_632] {strides = array<i32>} : memref<4x128x128xf32, #tpu.memory_space<vmem>>, vector<1x1x16xf32>,
        %get3A_634 = vector.shape_cast %get3A_633 : vector<1x1x16xf32> to vector<16xf32>
        %mul3A_635 = arith.constant 8.000000e+00 : f32
        %mul3A_636 = vector.broadcast %mul3A_635 : f32 to vector<16xf32>
        %mul3A_637 = arith.mulf %get3A_634, %mul3A_636 : vector<16xf32>
        %swap3A_638 = arith.constant 0 : i32
        %swap3A_639 = arith.index_cast %swap3A_638 : i32 to index
        %swap3A_640 = arith.index_cast %add3A_580 : i32 to index
        %swap3A_641 = arith.constant 48 : index
        %swap3A_642 = tpu.vector_load %arg7[%swap3A_639, %swap3A_640, %swap3A_641] {strides = array<i32>} : memref<2x128x64xf32, #tpu.memory_space<vmem>>, vector<1x1x16xf32>,
        %swap3A_643 = vector.shape_cast %swap3A_642 : vector<1x1x16xf32> to vector<16xf32>
        %swap3A_644 = vector.shape_cast %mul3A_637 : vector<16xf32> to vector<1x1x16xf32>
        tpu.vector_store %arg7[%swap3A_639, %swap3A_640, %swap3A_641], %swap3A_644 {strides = array<i32>} : memref<2x128x64xf32, #tpu.memory_space<vmem>>, vector<1x1x16xf32>,
        %mul3A_645 = arith.constant 4 : i32
        %mul3A_646 = arith.muli %scan3A_510, %mul3A_645 : i32
        %add3A_647 = arith.constant 2 : i32
        %add3A_648 = arith.addi %mul3A_646, %add3A_647 : i32
        %get3A_649 = arith.constant 2 : i32
        %get3A_650 = arith.index_cast %get3A_649 : i32 to index
        %get3A_651 = arith.index_cast %add3A_648 : i32 to index
        %get3A_652 = arith.constant 0 : index
        %get3A_653 = tpu.vector_load %arg6[%get3A_650, %get3A_651, %get3A_652] {strides = array<i32>} : memref<4x128x128xf32, #tpu.memory_space<vmem>>, vector<1x1x16xf32>,
        %get3A_654 = vector.shape_cast %get3A_653 : vector<1x1x16xf32> to vector<16xf32>
        %mul3A_655 = arith.constant 8.000000e+00 : f32
        %mul3A_656 = vector.broadcast %mul3A_655 : f32 to vector<16xf32>
        %mul3A_657 = arith.mulf %get3A_654, %mul3A_656 : vector<16xf32>
        %swap3A_658 = arith.constant 0 : i32
        %swap3A_659 = arith.index_cast %swap3A_658 : i32 to index
        %swap3A_660 = arith.index_cast %add3A_648 : i32 to index
        %swap3A_661 = arith.constant 0 : index
        %swap3A_662 = tpu.vector_load %arg7[%swap3A_659, %swap3A_660, %swap3A_661] {strides = array<i32>} : memref<2x128x64xf32, #tpu.memory_space<vmem>>, vector<1x1x16xf32>,
        %swap3A_663 = vector.shape_cast %swap3A_662 : vector<1x1x16xf32> to vector<16xf32>
        %swap3A_664 = vector.shape_cast %mul3A_657 : vector<16xf32> to vector<1x1x16xf32>
        tpu.vector_store %arg7[%swap3A_659, %swap3A_660, %swap3A_661], %swap3A_664 {strides = array<i32>} : memref<2x128x64xf32, #tpu.memory_space<vmem>>, vector<1x1x16xf32>,
        %get3A_665 = arith.constant 2 : i32
        %get3A_666 = arith.index_cast %get3A_665 : i32 to index
        %get3A_667 = arith.index_cast %add3A_648 : i32 to index
        %get3A_668 = arith.constant 16 : index
        %get3A_669 = tpu.vector_load %arg6[%get3A_666, %get3A_667, %get3A_668] {strides = array<i32>} : memref<4x128x128xf32, #tpu.memory_space<vmem>>, vector<1x1x16xf32>,
        %get3A_670 = vector.shape_cast %get3A_669 : vector<1x1x16xf32> to vector<16xf32>
        %mul3A_671 = arith.constant 8.000000e+00 : f32
        %mul3A_672 = vector.broadcast %mul3A_671 : f32 to vector<16xf32>
        %mul3A_673 = arith.mulf %get3A_670, %mul3A_672 : vector<16xf32>
        %swap3A_674 = arith.constant 0 : i32
        %swap3A_675 = arith.index_cast %swap3A_674 : i32 to index
        %swap3A_676 = arith.index_cast %add3A_648 : i32 to index
        %swap3A_677 = arith.constant 16 : index
        %swap3A_678 = tpu.vector_load %arg7[%swap3A_675, %swap3A_676, %swap3A_677] {strides = array<i32>} : memref<2x128x64xf32, #tpu.memory_space<vmem>>, vector<1x1x16xf32>,
        %swap3A_679 = vector.shape_cast %swap3A_678 : vector<1x1x16xf32> to vector<16xf32>
        %swap3A_680 = vector.shape_cast %mul3A_673 : vector<16xf32> to vector<1x1x16xf32>
        tpu.vector_store %arg7[%swap3A_675, %swap3A_676, %swap3A_677], %swap3A_680 {strides = array<i32>} : memref<2x128x64xf32, #tpu.memory_space<vmem>>, vector<1x1x16xf32>,
        %get3A_681 = arith.constant 2 : i32
        %get3A_682 = arith.index_cast %get3A_681 : i32 to index
        %get3A_683 = arith.index_cast %add3A_648 : i32 to index
        %get3A_684 = arith.constant 32 : index
        %get3A_685 = tpu.vector_load %arg6[%get3A_682, %get3A_683, %get3A_684] {strides = array<i32>} : memref<4x128x128xf32, #tpu.memory_space<vmem>>, vector<1x1x16xf32>,
        %get3A_686 = vector.shape_cast %get3A_685 : vector<1x1x16xf32> to vector<16xf32>
        %mul3A_687 = arith.constant 8.000000e+00 : f32
        %mul3A_688 = vector.broadcast %mul3A_687 : f32 to vector<16xf32>
        %mul3A_689 = arith.mulf %get3A_686, %mul3A_688 : vector<16xf32>
        %swap3A_690 = arith.constant 0 : i32
        %swap3A_691 = arith.index_cast %swap3A_690 : i32 to index
        %swap3A_692 = arith.index_cast %add3A_648 : i32 to index
        %swap3A_693 = arith.constant 32 : index
        %swap3A_694 = tpu.vector_load %arg7[%swap3A_691, %swap3A_692, %swap3A_693] {strides = array<i32>} : memref<2x128x64xf32, #tpu.memory_space<vmem>>, vector<1x1x16xf32>,
        %swap3A_695 = vector.shape_cast %swap3A_694 : vector<1x1x16xf32> to vector<16xf32>
        %swap3A_696 = vector.shape_cast %mul3A_689 : vector<16xf32> to vector<1x1x16xf32>
        tpu.vector_store %arg7[%swap3A_691, %swap3A_692, %swap3A_693], %swap3A_696 {strides = array<i32>} : memref<2x128x64xf32, #tpu.memory_space<vmem>>, vector<1x1x16xf32>,
        %get3A_697 = arith.constant 2 : i32
        %get3A_698 = arith.index_cast %get3A_697 : i32 to index
        %get3A_699 = arith.index_cast %add3A_648 : i32 to index
        %get3A_700 = arith.constant 48 : index
        %get3A_701 = tpu.vector_load %arg6[%get3A_698, %get3A_699, %get3A_700] {strides = array<i32>} : memref<4x128x128xf32, #tpu.memory_space<vmem>>, vector<1x1x16xf32>,
        %get3A_702 = vector.shape_cast %get3A_701 : vector<1x1x16xf32> to vector<16xf32>
        %mul3A_703 = arith.constant 8.000000e+00 : f32
        %mul3A_704 = vector.broadcast %mul3A_703 : f32 to vector<16xf32>
        %mul3A_705 = arith.mulf %get3A_702, %mul3A_704 : vector<16xf32>
        %swap3A_706 = arith.constant 0 : i32
        %swap3A_707 = arith.index_cast %swap3A_706 : i32 to index
        %swap3A_708 = arith.index_cast %add3A_648 : i32 to index
        %swap3A_709 = arith.constant 48 : index
        %swap3A_710 = tpu.vector_load %arg7[%swap3A_707, %swap3A_708, %swap3A_709] {strides = array<i32>} : memref<2x128x64xf32, #tpu.memory_space<vmem>>, vector<1x1x16xf32>,
        %swap3A_711 = vector.shape_cast %swap3A_710 : vector<1x1x16xf32> to vector<16xf32>
        %swap3A_712 = vector.shape_cast %mul3A_705 : vector<16xf32> to vector<1x1x16xf32>
        tpu.vector_store %arg7[%swap3A_707, %swap3A_708, %swap3A_709], %swap3A_712 {strides = array<i32>} : memref<2x128x64xf32, #tpu.memory_space<vmem>>, vector<1x1x16xf32>,
        %mul3A_713 = arith.constant 4 : i32
        %mul3A_714 = arith.muli %scan3A_510, %mul3A_713 : i32
        %add3A_715 = arith.constant 3 : i32
        %add3A_716 = arith.addi %mul3A_714, %add3A_715 : i32
        %get3A_717 = arith.constant 2 : i32
        %get3A_718 = arith.index_cast %get3A_717 : i32 to index
        %get3A_719 = arith.index_cast %add3A_716 : i32 to index
        %get3A_720 = arith.constant 0 : index
        %get3A_721 = tpu.vector_load %arg6[%get3A_718, %get3A_719, %get3A_720] {strides = array<i32>} : memref<4x128x128xf32, #tpu.memory_space<vmem>>, vector<1x1x16xf32>,
        %get3A_722 = vector.shape_cast %get3A_721 : vector<1x1x16xf32> to vector<16xf32>
        %mul3A_723 = arith.constant 8.000000e+00 : f32
        %mul3A_724 = vector.broadcast %mul3A_723 : f32 to vector<16xf32>
        %mul3A_725 = arith.mulf %get3A_722, %mul3A_724 : vector<16xf32>
        %swap3A_726 = arith.constant 0 : i32
        %swap3A_727 = arith.index_cast %swap3A_726 : i32 to index
        %swap3A_728 = arith.index_cast %add3A_716 : i32 to index
        %swap3A_729 = arith.constant 0 : index
        %swap3A_730 = tpu.vector_load %arg7[%swap3A_727, %swap3A_728, %swap3A_729] {strides = array<i32>} : memref<2x128x64xf32, #tpu.memory_space<vmem>>, vector<1x1x16xf32>,
        %swap3A_731 = vector.shape_cast %swap3A_730 : vector<1x1x16xf32> to vector<16xf32>
        %swap3A_732 = vector.shape_cast %mul3A_725 : vector<16xf32> to vector<1x1x16xf32>
        tpu.vector_store %arg7[%swap3A_727, %swap3A_728, %swap3A_729], %swap3A_732 {strides = array<i32>} : memref<2x128x64xf32, #tpu.memory_space<vmem>>, vector<1x1x16xf32>,
        %get3A_733 = arith.constant 2 : i32
        %get3A_734 = arith.index_cast %get3A_733 : i32 to index
        %get3A_735 = arith.index_cast %add3A_716 : i32 to index
        %get3A_736 = arith.constant 16 : index
        %get3A_737 = tpu.vector_load %arg6[%get3A_734, %get3A_735, %get3A_736] {strides = array<i32>} : memref<4x128x128xf32, #tpu.memory_space<vmem>>, vector<1x1x16xf32>,
        %get3A_738 = vector.shape_cast %get3A_737 : vector<1x1x16xf32> to vector<16xf32>
        %mul3A_739 = arith.constant 8.000000e+00 : f32
        %mul3A_740 = vector.broadcast %mul3A_739 : f32 to vector<16xf32>
        %mul3A_741 = arith.mulf %get3A_738, %mul3A_740 : vector<16xf32>
        %swap3A_742 = arith.constant 0 : i32
        %swap3A_743 = arith.index_cast %swap3A_742 : i32 to index
        %swap3A_744 = arith.index_cast %add3A_716 : i32 to index
        %swap3A_745 = arith.constant 16 : index
        %swap3A_746 = tpu.vector_load %arg7[%swap3A_743, %swap3A_744, %swap3A_745] {strides = array<i32>} : memref<2x128x64xf32, #tpu.memory_space<vmem>>, vector<1x1x16xf32>,
        %swap3A_747 = vector.shape_cast %swap3A_746 : vector<1x1x16xf32> to vector<16xf32>
        %swap3A_748 = vector.shape_cast %mul3A_741 : vector<16xf32> to vector<1x1x16xf32>
        tpu.vector_store %arg7[%swap3A_743, %swap3A_744, %swap3A_745], %swap3A_748 {strides = array<i32>} : memref<2x128x64xf32, #tpu.memory_space<vmem>>, vector<1x1x16xf32>,
        %get3A_749 = arith.constant 2 : i32
        %get3A_750 = arith.index_cast %get3A_749 : i32 to index
        %get3A_751 = arith.index_cast %add3A_716 : i32 to index
        %get3A_752 = arith.constant 32 : index
        %get3A_753 = tpu.vector_load %arg6[%get3A_750, %get3A_751, %get3A_752] {strides = array<i32>} : memref<4x128x128xf32, #tpu.memory_space<vmem>>, vector<1x1x16xf32>,
        %get3A_754 = vector.shape_cast %get3A_753 : vector<1x1x16xf32> to vector<16xf32>
        %mul3A_755 = arith.constant 8.000000e+00 : f32
        %mul3A_756 = vector.broadcast %mul3A_755 : f32 to vector<16xf32>
        %mul3A_757 = arith.mulf %get3A_754, %mul3A_756 : vector<16xf32>
        %swap3A_758 = arith.constant 0 : i32
        %swap3A_759 = arith.index_cast %swap3A_758 : i32 to index
        %swap3A_760 = arith.index_cast %add3A_716 : i32 to index
        %swap3A_761 = arith.constant 32 : index
        %swap3A_762 = tpu.vector_load %arg7[%swap3A_759, %swap3A_760, %swap3A_761] {strides = array<i32>} : memref<2x128x64xf32, #tpu.memory_space<vmem>>, vector<1x1x16xf32>,
        %swap3A_763 = vector.shape_cast %swap3A_762 : vector<1x1x16xf32> to vector<16xf32>
        %swap3A_764 = vector.shape_cast %mul3A_757 : vector<16xf32> to vector<1x1x16xf32>
        tpu.vector_store %arg7[%swap3A_759, %swap3A_760, %swap3A_761], %swap3A_764 {strides = array<i32>} : memref<2x128x64xf32, #tpu.memory_space<vmem>>, vector<1x1x16xf32>,
        %get3A_765 = arith.constant 2 : i32
        %get3A_766 = arith.index_cast %get3A_765 : i32 to index
        %get3A_767 = arith.index_cast %add3A_716 : i32 to index
        %get3A_768 = arith.constant 48 : index
        %get3A_769 = tpu.vector_load %arg6[%get3A_766, %get3A_767, %get3A_768] {strides = array<i32>} : memref<4x128x128xf32, #tpu.memory_space<vmem>>, vector<1x1x16xf32>,
        %get3A_770 = vector.shape_cast %get3A_769 : vector<1x1x16xf32> to vector<16xf32>
        %mul3A_771 = arith.constant 8.000000e+00 : f32
        %mul3A_772 = vector.broadcast %mul3A_771 : f32 to vector<16xf32>
        %mul3A_773 = arith.mulf %get3A_770, %mul3A_772 : vector<16xf32>
        %swap3A_774 = arith.constant 0 : i32
        %swap3A_775 = arith.index_cast %swap3A_774 : i32 to index
        %swap3A_776 = arith.index_cast %add3A_716 : i32 to index
        %swap3A_777 = arith.constant 48 : index
        %swap3A_778 = tpu.vector_load %arg7[%swap3A_775, %swap3A_776, %swap3A_777] {strides = array<i32>} : memref<2x128x64xf32, #tpu.memory_space<vmem>>, vector<1x1x16xf32>,
        %swap3A_779 = vector.shape_cast %swap3A_778 : vector<1x1x16xf32> to vector<16xf32>
        %swap3A_780 = vector.shape_cast %mul3A_773 : vector<16xf32> to vector<1x1x16xf32>
        tpu.vector_store %arg7[%swap3A_775, %swap3A_776, %swap3A_777], %swap3A_780 {strides = array<i32>} : memref<2x128x64xf32, #tpu.memory_space<vmem>>, vector<1x1x16xf32>,
      }
      %scan3A_270 = arith.constant 32 : i32
      %mul3A_271 = arith.constant 128 : i32
      %mul3A_272 = arith.muli %add3A_236, %mul3A_271 : i32
      %add3A_273 = arith.addi %mul3A_2, %mul3A_272 : i32
      %dma_start3A_274 = arith.constant 0 : i32
      %dma_start3A_275 = arith.constant 0 : i32
      %dma_start3A_276 = arith.constant 0 : i32
      %dma_start3A_277 = tpu.memref_slice %arg7[%dma_start3A_274, %dma_start3A_275, %dma_start3A_276] : memref<2x128x64xf32, #tpu.memory_space<vmem>> -> memref<1x128x64xf32, #tpu.memory_space<vmem>>
      %dma_start3A_278 = tpu.memref_squeeze %dma_start3A_277 : memref<1x128x64xf32, #tpu.memory_space<vmem>> -> memref<128x64xf32, #tpu.memory_space<vmem>>
      %dma_start3A_279 = arith.constant 0 : i32
      %dma_start3A_280 = tpu.memref_slice %arg4[%add3A_273, %dma_start3A_279] : memref<819200x64xf32, #tpu.memory_space<hbm>> -> memref<128x64xf32, #tpu.memory_space<hbm>>
      %dma_start3A_281 = arith.constant 0 : i32
      %dma_start3A_282 = tpu.memref_slice %arg4[%add3A_273, %dma_start3A_281] : memref<819200x64xf32, #tpu.memory_space<hbm>> -> memref<128x64xf32, #tpu.memory_space<hbm>>
      %dma_start3A_283 = arith.constant 0 : i32
      %dma_start3A_284 = arith.constant 0 : i32
      %dma_start3A_285 = tpu.memref_slice %arg7[%dma_start3A_274, %dma_start3A_283, %dma_start3A_284] : memref<2x128x64xf32, #tpu.memory_space<vmem>> -> memref<1x128x64xf32, #tpu.memory_space<vmem>>
      %dma_start3A_286 = tpu.memref_squeeze %dma_start3A_285 : memref<1x128x64xf32, #tpu.memory_space<vmem>> -> memref<128x64xf32, #tpu.memory_space<vmem>>
      tpu.enqueue_dma source(%dma_start3A_286 : memref<128x64xf32, #tpu.memory_space<vmem>>) target(%dma_start3A_282 : memref<128x64xf32, #tpu.memory_space<hbm>>) target_semaphore(%arg12 : memref<!tpu.dma_semaphore, #tpu.memory_space<semaphore_mem>>)
      %add3A_287 = arith.constant 2 : i32
      %add3A_288 = arith.addi %add3A_236, %add3A_287 : i32
      %mul3A_289 = arith.constant 128 : i32
      %mul3A_290 = arith.muli %add3A_288, %mul3A_289 : i32
      %dma_start3A_291 = arith.constant 0 : i32
      %dma_start3A_292 = arith.constant 0 : i32
      %dma_start3A_293 = arith.constant 0 : i32
      %dma_start3A_294 = tpu.memref_slice %arg6[%dma_start3A_291, %dma_start3A_292, %dma_start3A_293] : memref<4x128x128xf32, #tpu.memory_space<vmem>> -> memref<1x128x128xf32, #tpu.memory_space<vmem>>
      %dma_start3A_295 = tpu.memref_squeeze %dma_start3A_294 : memref<1x128x128xf32, #tpu.memory_space<vmem>> -> memref<128x128xf32, #tpu.memory_space<vmem>>
      %dma_start3A_296 = tpu.memref_slice %arg5[%mul3A_290] : memref<25600xi32, #tpu.memory_space<vmem>> -> memref<128xi32, #tpu.memory_space<vmem>>
      %dma_start3A_297 = arith.constant 0 : i32
      %dma_start3A_298 = arith.constant 0 : i32
      %dma_start3A_299 = tpu.memref_slice %arg3[%dma_start3A_297, %dma_start3A_298] : memref<1000000x128xf32, #tpu.memory_space<hbm>> -> memref<1000000x128xf32, #tpu.memory_space<hbm>>
      tpu.enqueue_indirect_dma source(%dma_start3A_299 : memref<1000000x128xf32, #tpu.memory_space<hbm>>) target(%dma_start3A_295 : memref<128x128xf32, #tpu.memory_space<vmem>>) offsets(%dma_start3A_296 : memref<128xi32, #tpu.memory_space<vmem>>) semaphore(%arg8 : memref<!tpu.dma_semaphore, #tpu.memory_space<semaphore_mem>>)
      %mul3A_300 = arith.constant 4 : i32
      %mul3A_301 = arith.muli %scan3A_230, %mul3A_300 : i32
      %add3A_302 = arith.constant 2 : i32
      %add3A_303 = arith.addi %mul3A_301, %add3A_302 : i32
      %add3A_304 = arith.constant 1 : i32
      %add3A_305 = arith.addi %add3A_303, %add3A_304 : i32
      %mul3A_306 = arith.constant 128 : i32
      %mul3A_307 = arith.muli %add3A_305, %mul3A_306 : i32
      %dma_wait3A_308 = arith.constant 3 : i32
      %dma_wait3A_309 = arith.constant 0 : i32
      %dma_wait3A_310 = arith.constant 0 : i32
      %dma_wait3A_311 = tpu.memref_slice %arg6[%dma_wait3A_308, %dma_wait3A_309, %dma_wait3A_310] : memref<4x128x128xf32, #tpu.memory_space<vmem>> -> memref<1x128x128xf32, #tpu.memory_space<vmem>>
      %dma_wait3A_312 = tpu.memref_squeeze %dma_wait3A_311 : memref<1x128x128xf32, #tpu.memory_space<vmem>> -> memref<128x128xf32, #tpu.memory_space<vmem>>
      %dma_wait3A_313 = tpu.memref_slice %arg5[%mul3A_307] : memref<25600xi32, #tpu.memory_space<vmem>> -> memref<128xi32, #tpu.memory_space<vmem>>
      %dma_wait3A_314 = arith.constant 0 : i32
      %dma_wait3A_315 = arith.constant 0 : i32
      %dma_wait3A_316 = tpu.memref_slice %arg3[%dma_wait3A_314, %dma_wait3A_315] : memref<1000000x128xf32, #tpu.memory_space<hbm>> -> memref<1000000x128xf32, #tpu.memory_space<hbm>>
      tpu.wait_indirect_dma semaphore(%arg11 : memref<!tpu.dma_semaphore, #tpu.memory_space<semaphore_mem>>) src(%dma_wait3A_316 : memref<1000000x128xf32, #tpu.memory_space<hbm>>) dst(%dma_wait3A_312 : memref<128x128xf32, #tpu.memory_space<vmem>>)
      %sub3A_317 = arith.constant 2 : i32
      %sub3A_318 = arith.subi %add3A_305, %sub3A_317 : i32
      %mul3A_319 = arith.constant 128 : i32
      %mul3A_320 = arith.muli %sub3A_318, %mul3A_319 : i32
      %add3A_321 = arith.addi %mul3A_2, %mul3A_320 : i32
      %dma_wait3A_322 = arith.constant 1 : i32
      %dma_wait3A_323 = arith.constant 0 : i32
      %dma_wait3A_324 = arith.constant 0 : i32
      %dma_wait3A_325 = tpu.memref_slice %arg7[%dma_wait3A_322, %dma_wait3A_323, %dma_wait3A_324] : memref<2x128x64xf32, #tpu.memory_space<vmem>> -> memref<1x128x64xf32, #tpu.memory_space<vmem>>
      %dma_wait3A_326 = tpu.memref_squeeze %dma_wait3A_325 : memref<1x128x64xf32, #tpu.memory_space<vmem>> -> memref<128x64xf32, #tpu.memory_space<vmem>>
      %dma_wait3A_327 = arith.constant 0 : i32
      %dma_wait3A_328 = tpu.memref_slice %arg4[%add3A_321, %dma_wait3A_327] : memref<819200x64xf32, #tpu.memory_space<hbm>> -> memref<128x64xf32, #tpu.memory_space<hbm>>
      %dma_wait3A_329 = arith.constant 0 : i32
      %dma_wait3A_330 = tpu.memref_slice %arg4[%add3A_321, %dma_wait3A_329] : memref<819200x64xf32, #tpu.memory_space<hbm>> -> memref<128x64xf32, #tpu.memory_space<hbm>>
      %dma_wait3A_331 = arith.constant 0 : i32
      %dma_wait3A_332 = arith.constant 0 : i32
      %dma_wait3A_333 = tpu.memref_slice %arg7[%dma_wait3A_322, %dma_wait3A_331, %dma_wait3A_332] : memref<2x128x64xf32, #tpu.memory_space<vmem>> -> memref<1x128x64xf32, #tpu.memory_space<vmem>>
      %dma_wait3A_334 = tpu.memref_squeeze %dma_wait3A_333 : memref<1x128x64xf32, #tpu.memory_space<vmem>> -> memref<128x64xf32, #tpu.memory_space<vmem>>
      tpu.wait_dma2 semaphore(%arg13 : memref<!tpu.dma_semaphore, #tpu.memory_space<semaphore_mem>>) src(%dma_wait3A_334 : memref<128x64xf32, #tpu.memory_space<vmem>>) dst(%dma_wait3A_330 : memref<128x64xf32, #tpu.memory_space<hbm>>)
      %scan3A_335 = arith.constant 0 : i32
      %scan3A_336 = arith.constant 0 : i32
      %scan3A_337 = arith.constant 32 : i32
      %scan3A_338 = arith.addi %scan3A_336, %scan3A_337 : i32
      %scan3A_339 = arith.constant 1 : i32
      scf.for %scan3A_510 = %scan3A_336 to %scan3A_338 step %scan3A_339  : i32 {
        %mul3A_511 = arith.constant 4 : i32
        %mul3A_512 = arith.muli %scan3A_510, %mul3A_511 : i32
        %add3A_513 = arith.constant 0 : i32
        %add3A_514 = arith.addi %mul3A_512, %add3A_513 : i32
        %get3A = arith.constant 3 : i32
        %get3A_515 = arith.index_cast %get3A : i32 to index
        %get3A_516 = arith.index_cast %add3A_514 : i32 to index
        %get3A_517 = arith.constant 0 : index
        %get3A_518 = tpu.vector_load %arg6[%get3A_515, %get3A_516, %get3A_517] {strides = array<i32>} : memref<4x128x128xf32, #tpu.memory_space<vmem>>, vector<1x1x16xf32>,
        %get3A_519 = vector.shape_cast %get3A_518 : vector<1x1x16xf32> to vector<16xf32>
        %mul3A_520 = arith.constant 8.000000e+00 : f32
        %mul3A_521 = vector.broadcast %mul3A_520 : f32 to vector<16xf32>
        %mul3A_522 = arith.mulf %get3A_519, %mul3A_521 : vector<16xf32>
        %swap3A = arith.constant 1 : i32
        %swap3A_523 = arith.index_cast %swap3A : i32 to index
        %swap3A_524 = arith.index_cast %add3A_514 : i32 to index
        %swap3A_525 = arith.constant 0 : index
        %swap3A_526 = tpu.vector_load %arg7[%swap3A_523, %swap3A_524, %swap3A_525] {strides = array<i32>} : memref<2x128x64xf32, #tpu.memory_space<vmem>>, vector<1x1x16xf32>,
        %swap3A_527 = vector.shape_cast %swap3A_526 : vector<1x1x16xf32> to vector<16xf32>
        %swap3A_528 = vector.shape_cast %mul3A_522 : vector<16xf32> to vector<1x1x16xf32>
        tpu.vector_store %arg7[%swap3A_523, %swap3A_524, %swap3A_525], %swap3A_528 {strides = array<i32>} : memref<2x128x64xf32, #tpu.memory_space<vmem>>, vector<1x1x16xf32>,
        %get3A_529 = arith.constant 3 : i32
        %get3A_530 = arith.index_cast %get3A_529 : i32 to index
        %get3A_531 = arith.index_cast %add3A_514 : i32 to index
        %get3A_532 = arith.constant 16 : index
        %get3A_533 = tpu.vector_load %arg6[%get3A_530, %get3A_531, %get3A_532] {strides = array<i32>} : memref<4x128x128xf32, #tpu.memory_space<vmem>>, vector<1x1x16xf32>,
        %get3A_534 = vector.shape_cast %get3A_533 : vector<1x1x16xf32> to vector<16xf32>
        %mul3A_535 = arith.constant 8.000000e+00 : f32
        %mul3A_536 = vector.broadcast %mul3A_535 : f32 to vector<16xf32>
        %mul3A_537 = arith.mulf %get3A_534, %mul3A_536 : vector<16xf32>
        %swap3A_538 = arith.constant 1 : i32
        %swap3A_539 = arith.index_cast %swap3A_538 : i32 to index
        %swap3A_540 = arith.index_cast %add3A_514 : i32 to index
        %swap3A_541 = arith.constant 16 : index
        %swap3A_542 = tpu.vector_load %arg7[%swap3A_539, %swap3A_540, %swap3A_541] {strides = array<i32>} : memref<2x128x64xf32, #tpu.memory_space<vmem>>, vector<1x1x16xf32>,
        %swap3A_543 = vector.shape_cast %swap3A_542 : vector<1x1x16xf32> to vector<16xf32>
        %swap3A_544 = vector.shape_cast %mul3A_537 : vector<16xf32> to vector<1x1x16xf32>
        tpu.vector_store %arg7[%swap3A_539, %swap3A_540, %swap3A_541], %swap3A_544 {strides = array<i32>} : memref<2x128x64xf32, #tpu.memory_space<vmem>>, vector<1x1x16xf32>,
        %get3A_545 = arith.constant 3 : i32
        %get3A_546 = arith.index_cast %get3A_545 : i32 to index
        %get3A_547 = arith.index_cast %add3A_514 : i32 to index
        %get3A_548 = arith.constant 32 : index
        %get3A_549 = tpu.vector_load %arg6[%get3A_546, %get3A_547, %get3A_548] {strides = array<i32>} : memref<4x128x128xf32, #tpu.memory_space<vmem>>, vector<1x1x16xf32>,
        %get3A_550 = vector.shape_cast %get3A_549 : vector<1x1x16xf32> to vector<16xf32>
        %mul3A_551 = arith.constant 8.000000e+00 : f32
        %mul3A_552 = vector.broadcast %mul3A_551 : f32 to vector<16xf32>
        %mul3A_553 = arith.mulf %get3A_550, %mul3A_552 : vector<16xf32>
        %swap3A_554 = arith.constant 1 : i32
        %swap3A_555 = arith.index_cast %swap3A_554 : i32 to index
        %swap3A_556 = arith.index_cast %add3A_514 : i32 to index
        %swap3A_557 = arith.constant 32 : index
        %swap3A_558 = tpu.vector_load %arg7[%swap3A_555, %swap3A_556, %swap3A_557] {strides = array<i32>} : memref<2x128x64xf32, #tpu.memory_space<vmem>>, vector<1x1x16xf32>,
        %swap3A_559 = vector.shape_cast %swap3A_558 : vector<1x1x16xf32> to vector<16xf32>
        %swap3A_560 = vector.shape_cast %mul3A_553 : vector<16xf32> to vector<1x1x16xf32>
        tpu.vector_store %arg7[%swap3A_555, %swap3A_556, %swap3A_557], %swap3A_560 {strides = array<i32>} : memref<2x128x64xf32, #tpu.memory_space<vmem>>, vector<1x1x16xf32>,
        %get3A_561 = arith.constant 3 : i32
        %get3A_562 = arith.index_cast %get3A_561 : i32 to index
        %get3A_563 = arith.index_cast %add3A_514 : i32 to index
        %get3A_564 = arith.constant 48 : index
        %get3A_565 = tpu.vector_load %arg6[%get3A_562, %get3A_563, %get3A_564] {strides = array<i32>} : memref<4x128x128xf32, #tpu.memory_space<vmem>>, vector<1x1x16xf32>,
        %get3A_566 = vector.shape_cast %get3A_565 : vector<1x1x16xf32> to vector<16xf32>
        %mul3A_567 = arith.constant 8.000000e+00 : f32
        %mul3A_568 = vector.broadcast %mul3A_567 : f32 to vector<16xf32>
        %mul3A_569 = arith.mulf %get3A_566, %mul3A_568 : vector<16xf32>
        %swap3A_570 = arith.constant 1 : i32
        %swap3A_571 = arith.index_cast %swap3A_570 : i32 to index
        %swap3A_572 = arith.index_cast %add3A_514 : i32 to index
        %swap3A_573 = arith.constant 48 : index
        %swap3A_574 = tpu.vector_load %arg7[%swap3A_571, %swap3A_572, %swap3A_573] {strides = array<i32>} : memref<2x128x64xf32, #tpu.memory_space<vmem>>, vector<1x1x16xf32>,
        %swap3A_575 = vector.shape_cast %swap3A_574 : vector<1x1x16xf32> to vector<16xf32>
        %swap3A_576 = vector.shape_cast %mul3A_569 : vector<16xf32> to vector<1x1x16xf32>
        tpu.vector_store %arg7[%swap3A_571, %swap3A_572, %swap3A_573], %swap3A_576 {strides = array<i32>} : memref<2x128x64xf32, #tpu.memory_space<vmem>>, vector<1x1x16xf32>,
        %mul3A_577 = arith.constant 4 : i32
        %mul3A_578 = arith.muli %scan3A_510, %mul3A_577 : i32
        %add3A_579 = arith.constant 1 : i32
        %add3A_580 = arith.addi %mul3A_578, %add3A_579 : i32
        %get3A_581 = arith.constant 3 : i32
        %get3A_582 = arith.index_cast %get3A_581 : i32 to index
        %get3A_583 = arith.index_cast %add3A_580 : i32 to index
        %get3A_584 = arith.constant 0 : index
        %get3A_585 = tpu.vector_load %arg6[%get3A_582, %get3A_583, %get3A_584] {strides = array<i32>} : memref<4x128x128xf32, #tpu.memory_space<vmem>>, vector<1x1x16xf32>,
        %get3A_586 = vector.shape_cast %get3A_585 : vector<1x1x16xf32> to vector<16xf32>
        %mul3A_587 = arith.constant 8.000000e+00 : f32
        %mul3A_588 = vector.broadcast %mul3A_587 : f32 to vector<16xf32>
        %mul3A_589 = arith.mulf %get3A_586, %mul3A_588 : vector<16xf32>
        %swap3A_590 = arith.constant 1 : i32
        %swap3A_591 = arith.index_cast %swap3A_590 : i32 to index
        %swap3A_592 = arith.index_cast %add3A_580 : i32 to index
        %swap3A_593 = arith.constant 0 : index
        %swap3A_594 = tpu.vector_load %arg7[%swap3A_591, %swap3A_592, %swap3A_593] {strides = array<i32>} : memref<2x128x64xf32, #tpu.memory_space<vmem>>, vector<1x1x16xf32>,
        %swap3A_595 = vector.shape_cast %swap3A_594 : vector<1x1x16xf32> to vector<16xf32>
        %swap3A_596 = vector.shape_cast %mul3A_589 : vector<16xf32> to vector<1x1x16xf32>
        tpu.vector_store %arg7[%swap3A_591, %swap3A_592, %swap3A_593], %swap3A_596 {strides = array<i32>} : memref<2x128x64xf32, #tpu.memory_space<vmem>>, vector<1x1x16xf32>,
        %get3A_597 = arith.constant 3 : i32
        %get3A_598 = arith.index_cast %get3A_597 : i32 to index
        %get3A_599 = arith.index_cast %add3A_580 : i32 to index
        %get3A_600 = arith.constant 16 : index
        %get3A_601 = tpu.vector_load %arg6[%get3A_598, %get3A_599, %get3A_600] {strides = array<i32>} : memref<4x128x128xf32, #tpu.memory_space<vmem>>, vector<1x1x16xf32>,
        %get3A_602 = vector.shape_cast %get3A_601 : vector<1x1x16xf32> to vector<16xf32>
        %mul3A_603 = arith.constant 8.000000e+00 : f32
        %mul3A_604 = vector.broadcast %mul3A_603 : f32 to vector<16xf32>
        %mul3A_605 = arith.mulf %get3A_602, %mul3A_604 : vector<16xf32>
        %swap3A_606 = arith.constant 1 : i32
        %swap3A_607 = arith.index_cast %swap3A_606 : i32 to index
        %swap3A_608 = arith.index_cast %add3A_580 : i32 to index
        %swap3A_609 = arith.constant 16 : index
        %swap3A_610 = tpu.vector_load %arg7[%swap3A_607, %swap3A_608, %swap3A_609] {strides = array<i32>} : memref<2x128x64xf32, #tpu.memory_space<vmem>>, vector<1x1x16xf32>,
        %swap3A_611 = vector.shape_cast %swap3A_610 : vector<1x1x16xf32> to vector<16xf32>
        %swap3A_612 = vector.shape_cast %mul3A_605 : vector<16xf32> to vector<1x1x16xf32>
        tpu.vector_store %arg7[%swap3A_607, %swap3A_608, %swap3A_609], %swap3A_612 {strides = array<i32>} : memref<2x128x64xf32, #tpu.memory_space<vmem>>, vector<1x1x16xf32>,
        %get3A_613 = arith.constant 3 : i32
        %get3A_614 = arith.index_cast %get3A_613 : i32 to index
        %get3A_615 = arith.index_cast %add3A_580 : i32 to index
        %get3A_616 = arith.constant 32 : index
        %get3A_617 = tpu.vector_load %arg6[%get3A_614, %get3A_615, %get3A_616] {strides = array<i32>} : memref<4x128x128xf32, #tpu.memory_space<vmem>>, vector<1x1x16xf32>,
        %get3A_618 = vector.shape_cast %get3A_617 : vector<1x1x16xf32> to vector<16xf32>
        %mul3A_619 = arith.constant 8.000000e+00 : f32
        %mul3A_620 = vector.broadcast %mul3A_619 : f32 to vector<16xf32>
        %mul3A_621 = arith.mulf %get3A_618, %mul3A_620 : vector<16xf32>
        %swap3A_622 = arith.constant 1 : i32
        %swap3A_623 = arith.index_cast %swap3A_622 : i32 to index
        %swap3A_624 = arith.index_cast %add3A_580 : i32 to index
        %swap3A_625 = arith.constant 32 : index
        %swap3A_626 = tpu.vector_load %arg7[%swap3A_623, %swap3A_624, %swap3A_625] {strides = array<i32>} : memref<2x128x64xf32, #tpu.memory_space<vmem>>, vector<1x1x16xf32>,
        %swap3A_627 = vector.shape_cast %swap3A_626 : vector<1x1x16xf32> to vector<16xf32>
        %swap3A_628 = vector.shape_cast %mul3A_621 : vector<16xf32> to vector<1x1x16xf32>
        tpu.vector_store %arg7[%swap3A_623, %swap3A_624, %swap3A_625], %swap3A_628 {strides = array<i32>} : memref<2x128x64xf32, #tpu.memory_space<vmem>>, vector<1x1x16xf32>,
        %get3A_629 = arith.constant 3 : i32
        %get3A_630 = arith.index_cast %get3A_629 : i32 to index
        %get3A_631 = arith.index_cast %add3A_580 : i32 to index
        %get3A_632 = arith.constant 48 : index
        %get3A_633 = tpu.vector_load %arg6[%get3A_630, %get3A_631, %get3A_632] {strides = array<i32>} : memref<4x128x128xf32, #tpu.memory_space<vmem>>, vector<1x1x16xf32>,
        %get3A_634 = vector.shape_cast %get3A_633 : vector<1x1x16xf32> to vector<16xf32>
        %mul3A_635 = arith.constant 8.000000e+00 : f32
        %mul3A_636 = vector.broadcast %mul3A_635 : f32 to vector<16xf32>
        %mul3A_637 = arith.mulf %get3A_634, %mul3A_636 : vector<16xf32>
        %swap3A_638 = arith.constant 1 : i32
        %swap3A_639 = arith.index_cast %swap3A_638 : i32 to index
        %swap3A_640 = arith.index_cast %add3A_580 : i32 to index
        %swap3A_641 = arith.constant 48 : index
        %swap3A_642 = tpu.vector_load %arg7[%swap3A_639, %swap3A_640, %swap3A_641] {strides = array<i32>} : memref<2x128x64xf32, #tpu.memory_space<vmem>>, vector<1x1x16xf32>,
        %swap3A_643 = vector.shape_cast %swap3A_642 : vector<1x1x16xf32> to vector<16xf32>
        %swap3A_644 = vector.shape_cast %mul3A_637 : vector<16xf32> to vector<1x1x16xf32>
        tpu.vector_store %arg7[%swap3A_639, %swap3A_640, %swap3A_641], %swap3A_644 {strides = array<i32>} : memref<2x128x64xf32, #tpu.memory_space<vmem>>, vector<1x1x16xf32>,
        %mul3A_645 = arith.constant 4 : i32
        %mul3A_646 = arith.muli %scan3A_510, %mul3A_645 : i32
        %add3A_647 = arith.constant 2 : i32
        %add3A_648 = arith.addi %mul3A_646, %add3A_647 : i32
        %get3A_649 = arith.constant 3 : i32
        %get3A_650 = arith.index_cast %get3A_649 : i32 to index
        %get3A_651 = arith.index_cast %add3A_648 : i32 to index
        %get3A_652 = arith.constant 0 : index
        %get3A_653 = tpu.vector_load %arg6[%get3A_650, %get3A_651, %get3A_652] {strides = array<i32>} : memref<4x128x128xf32, #tpu.memory_space<vmem>>, vector<1x1x16xf32>,
        %get3A_654 = vector.shape_cast %get3A_653 : vector<1x1x16xf32> to vector<16xf32>
        %mul3A_655 = arith.constant 8.000000e+00 : f32
        %mul3A_656 = vector.broadcast %mul3A_655 : f32 to vector<16xf32>
        %mul3A_657 = arith.mulf %get3A_654, %mul3A_656 : vector<16xf32>
        %swap3A_658 = arith.constant 1 : i32
        %swap3A_659 = arith.index_cast %swap3A_658 : i32 to index
        %swap3A_660 = arith.index_cast %add3A_648 : i32 to index
        %swap3A_661 = arith.constant 0 : index
        %swap3A_662 = tpu.vector_load %arg7[%swap3A_659, %swap3A_660, %swap3A_661] {strides = array<i32>} : memref<2x128x64xf32, #tpu.memory_space<vmem>>, vector<1x1x16xf32>,
        %swap3A_663 = vector.shape_cast %swap3A_662 : vector<1x1x16xf32> to vector<16xf32>
        %swap3A_664 = vector.shape_cast %mul3A_657 : vector<16xf32> to vector<1x1x16xf32>
        tpu.vector_store %arg7[%swap3A_659, %swap3A_660, %swap3A_661], %swap3A_664 {strides = array<i32>} : memref<2x128x64xf32, #tpu.memory_space<vmem>>, vector<1x1x16xf32>,
        %get3A_665 = arith.constant 3 : i32
        %get3A_666 = arith.index_cast %get3A_665 : i32 to index
        %get3A_667 = arith.index_cast %add3A_648 : i32 to index
        %get3A_668 = arith.constant 16 : index
        %get3A_669 = tpu.vector_load %arg6[%get3A_666, %get3A_667, %get3A_668] {strides = array<i32>} : memref<4x128x128xf32, #tpu.memory_space<vmem>>, vector<1x1x16xf32>,
        %get3A_670 = vector.shape_cast %get3A_669 : vector<1x1x16xf32> to vector<16xf32>
        %mul3A_671 = arith.constant 8.000000e+00 : f32
        %mul3A_672 = vector.broadcast %mul3A_671 : f32 to vector<16xf32>
        %mul3A_673 = arith.mulf %get3A_670, %mul3A_672 : vector<16xf32>
        %swap3A_674 = arith.constant 1 : i32
        %swap3A_675 = arith.index_cast %swap3A_674 : i32 to index
        %swap3A_676 = arith.index_cast %add3A_648 : i32 to index
        %swap3A_677 = arith.constant 16 : index
        %swap3A_678 = tpu.vector_load %arg7[%swap3A_675, %swap3A_676, %swap3A_677] {strides = array<i32>} : memref<2x128x64xf32, #tpu.memory_space<vmem>>, vector<1x1x16xf32>,
        %swap3A_679 = vector.shape_cast %swap3A_678 : vector<1x1x16xf32> to vector<16xf32>
        %swap3A_680 = vector.shape_cast %mul3A_673 : vector<16xf32> to vector<1x1x16xf32>
        tpu.vector_store %arg7[%swap3A_675, %swap3A_676, %swap3A_677], %swap3A_680 {strides = array<i32>} : memref<2x128x64xf32, #tpu.memory_space<vmem>>, vector<1x1x16xf32>,
        %get3A_681 = arith.constant 3 : i32
        %get3A_682 = arith.index_cast %get3A_681 : i32 to index
        %get3A_683 = arith.index_cast %add3A_648 : i32 to index
        %get3A_684 = arith.constant 32 : index
        %get3A_685 = tpu.vector_load %arg6[%get3A_682, %get3A_683, %get3A_684] {strides = array<i32>} : memref<4x128x128xf32, #tpu.memory_space<vmem>>, vector<1x1x16xf32>,
        %get3A_686 = vector.shape_cast %get3A_685 : vector<1x1x16xf32> to vector<16xf32>
        %mul3A_687 = arith.constant 8.000000e+00 : f32
        %mul3A_688 = vector.broadcast %mul3A_687 : f32 to vector<16xf32>
        %mul3A_689 = arith.mulf %get3A_686, %mul3A_688 : vector<16xf32>
        %swap3A_690 = arith.constant 1 : i32
        %swap3A_691 = arith.index_cast %swap3A_690 : i32 to index
        %swap3A_692 = arith.index_cast %add3A_648 : i32 to index
        %swap3A_693 = arith.constant 32 : index
        %swap3A_694 = tpu.vector_load %arg7[%swap3A_691, %swap3A_692, %swap3A_693] {strides = array<i32>} : memref<2x128x64xf32, #tpu.memory_space<vmem>>, vector<1x1x16xf32>,
        %swap3A_695 = vector.shape_cast %swap3A_694 : vector<1x1x16xf32> to vector<16xf32>
        %swap3A_696 = vector.shape_cast %mul3A_689 : vector<16xf32> to vector<1x1x16xf32>
        tpu.vector_store %arg7[%swap3A_691, %swap3A_692, %swap3A_693], %swap3A_696 {strides = array<i32>} : memref<2x128x64xf32, #tpu.memory_space<vmem>>, vector<1x1x16xf32>,
        %get3A_697 = arith.constant 3 : i32
        %get3A_698 = arith.index_cast %get3A_697 : i32 to index
        %get3A_699 = arith.index_cast %add3A_648 : i32 to index
        %get3A_700 = arith.constant 48 : index
        %get3A_701 = tpu.vector_load %arg6[%get3A_698, %get3A_699, %get3A_700] {strides = array<i32>} : memref<4x128x128xf32, #tpu.memory_space<vmem>>, vector<1x1x16xf32>,
        %get3A_702 = vector.shape_cast %get3A_701 : vector<1x1x16xf32> to vector<16xf32>
        %mul3A_703 = arith.constant 8.000000e+00 : f32
        %mul3A_704 = vector.broadcast %mul3A_703 : f32 to vector<16xf32>
        %mul3A_705 = arith.mulf %get3A_702, %mul3A_704 : vector<16xf32>
        %swap3A_706 = arith.constant 1 : i32
        %swap3A_707 = arith.index_cast %swap3A_706 : i32 to index
        %swap3A_708 = arith.index_cast %add3A_648 : i32 to index
        %swap3A_709 = arith.constant 48 : index
        %swap3A_710 = tpu.vector_load %arg7[%swap3A_707, %swap3A_708, %swap3A_709] {strides = array<i32>} : memref<2x128x64xf32, #tpu.memory_space<vmem>>, vector<1x1x16xf32>,
        %swap3A_711 = vector.shape_cast %swap3A_710 : vector<1x1x16xf32> to vector<16xf32>
        %swap3A_712 = vector.shape_cast %mul3A_705 : vector<16xf32> to vector<1x1x16xf32>
        tpu.vector_store %arg7[%swap3A_707, %swap3A_708, %swap3A_709], %swap3A_712 {strides = array<i32>} : memref<2x128x64xf32, #tpu.memory_space<vmem>>, vector<1x1x16xf32>,
        %mul3A_713 = arith.constant 4 : i32
        %mul3A_714 = arith.muli %scan3A_510, %mul3A_713 : i32
        %add3A_715 = arith.constant 3 : i32
        %add3A_716 = arith.addi %mul3A_714, %add3A_715 : i32
        %get3A_717 = arith.constant 3 : i32
        %get3A_718 = arith.index_cast %get3A_717 : i32 to index
        %get3A_719 = arith.index_cast %add3A_716 : i32 to index
        %get3A_720 = arith.constant 0 : index
        %get3A_721 = tpu.vector_load %arg6[%get3A_718, %get3A_719, %get3A_720] {strides = array<i32>} : memref<4x128x128xf32, #tpu.memory_space<vmem>>, vector<1x1x16xf32>,
        %get3A_722 = vector.shape_cast %get3A_721 : vector<1x1x16xf32> to vector<16xf32>
        %mul3A_723 = arith.constant 8.000000e+00 : f32
        %mul3A_724 = vector.broadcast %mul3A_723 : f32 to vector<16xf32>
        %mul3A_725 = arith.mulf %get3A_722, %mul3A_724 : vector<16xf32>
        %swap3A_726 = arith.constant 1 : i32
        %swap3A_727 = arith.index_cast %swap3A_726 : i32 to index
        %swap3A_728 = arith.index_cast %add3A_716 : i32 to index
        %swap3A_729 = arith.constant 0 : index
        %swap3A_730 = tpu.vector_load %arg7[%swap3A_727, %swap3A_728, %swap3A_729] {strides = array<i32>} : memref<2x128x64xf32, #tpu.memory_space<vmem>>, vector<1x1x16xf32>,
        %swap3A_731 = vector.shape_cast %swap3A_730 : vector<1x1x16xf32> to vector<16xf32>
        %swap3A_732 = vector.shape_cast %mul3A_725 : vector<16xf32> to vector<1x1x16xf32>
        tpu.vector_store %arg7[%swap3A_727, %swap3A_728, %swap3A_729], %swap3A_732 {strides = array<i32>} : memref<2x128x64xf32, #tpu.memory_space<vmem>>, vector<1x1x16xf32>,
        %get3A_733 = arith.constant 3 : i32
        %get3A_734 = arith.index_cast %get3A_733 : i32 to index
        %get3A_735 = arith.index_cast %add3A_716 : i32 to index
        %get3A_736 = arith.constant 16 : index
        %get3A_737 = tpu.vector_load %arg6[%get3A_734, %get3A_735, %get3A_736] {strides = array<i32>} : memref<4x128x128xf32, #tpu.memory_space<vmem>>, vector<1x1x16xf32>,
        %get3A_738 = vector.shape_cast %get3A_737 : vector<1x1x16xf32> to vector<16xf32>
        %mul3A_739 = arith.constant 8.000000e+00 : f32
        %mul3A_740 = vector.broadcast %mul3A_739 : f32 to vector<16xf32>
        %mul3A_741 = arith.mulf %get3A_738, %mul3A_740 : vector<16xf32>
        %swap3A_742 = arith.constant 1 : i32
        %swap3A_743 = arith.index_cast %swap3A_742 : i32 to index
        %swap3A_744 = arith.index_cast %add3A_716 : i32 to index
        %swap3A_745 = arith.constant 16 : index
        %swap3A_746 = tpu.vector_load %arg7[%swap3A_743, %swap3A_744, %swap3A_745] {strides = array<i32>} : memref<2x128x64xf32, #tpu.memory_space<vmem>>, vector<1x1x16xf32>,
        %swap3A_747 = vector.shape_cast %swap3A_746 : vector<1x1x16xf32> to vector<16xf32>
        %swap3A_748 = vector.shape_cast %mul3A_741 : vector<16xf32> to vector<1x1x16xf32>
        tpu.vector_store %arg7[%swap3A_743, %swap3A_744, %swap3A_745], %swap3A_748 {strides = array<i32>} : memref<2x128x64xf32, #tpu.memory_space<vmem>>, vector<1x1x16xf32>,
        %get3A_749 = arith.constant 3 : i32
        %get3A_750 = arith.index_cast %get3A_749 : i32 to index
        %get3A_751 = arith.index_cast %add3A_716 : i32 to index
        %get3A_752 = arith.constant 32 : index
        %get3A_753 = tpu.vector_load %arg6[%get3A_750, %get3A_751, %get3A_752] {strides = array<i32>} : memref<4x128x128xf32, #tpu.memory_space<vmem>>, vector<1x1x16xf32>,
        %get3A_754 = vector.shape_cast %get3A_753 : vector<1x1x16xf32> to vector<16xf32>
        %mul3A_755 = arith.constant 8.000000e+00 : f32
        %mul3A_756 = vector.broadcast %mul3A_755 : f32 to vector<16xf32>
        %mul3A_757 = arith.mulf %get3A_754, %mul3A_756 : vector<16xf32>
        %swap3A_758 = arith.constant 1 : i32
        %swap3A_759 = arith.index_cast %swap3A_758 : i32 to index
        %swap3A_760 = arith.index_cast %add3A_716 : i32 to index
        %swap3A_761 = arith.constant 32 : index
        %swap3A_762 = tpu.vector_load %arg7[%swap3A_759, %swap3A_760, %swap3A_761] {strides = array<i32>} : memref<2x128x64xf32, #tpu.memory_space<vmem>>, vector<1x1x16xf32>,
        %swap3A_763 = vector.shape_cast %swap3A_762 : vector<1x1x16xf32> to vector<16xf32>
        %swap3A_764 = vector.shape_cast %mul3A_757 : vector<16xf32> to vector<1x1x16xf32>
        tpu.vector_store %arg7[%swap3A_759, %swap3A_760, %swap3A_761], %swap3A_764 {strides = array<i32>} : memref<2x128x64xf32, #tpu.memory_space<vmem>>, vector<1x1x16xf32>,
        %get3A_765 = arith.constant 3 : i32
        %get3A_766 = arith.index_cast %get3A_765 : i32 to index
        %get3A_767 = arith.index_cast %add3A_716 : i32 to index
        %get3A_768 = arith.constant 48 : index
        %get3A_769 = tpu.vector_load %arg6[%get3A_766, %get3A_767, %get3A_768] {strides = array<i32>} : memref<4x128x128xf32, #tpu.memory_space<vmem>>, vector<1x1x16xf32>,
        %get3A_770 = vector.shape_cast %get3A_769 : vector<1x1x16xf32> to vector<16xf32>
        %mul3A_771 = arith.constant 8.000000e+00 : f32
        %mul3A_772 = vector.broadcast %mul3A_771 : f32 to vector<16xf32>
        %mul3A_773 = arith.mulf %get3A_770, %mul3A_772 : vector<16xf32>
        %swap3A_774 = arith.constant 1 : i32
        %swap3A_775 = arith.index_cast %swap3A_774 : i32 to index
        %swap3A_776 = arith.index_cast %add3A_716 : i32 to index
        %swap3A_777 = arith.constant 48 : index
        %swap3A_778 = tpu.vector_load %arg7[%swap3A_775, %swap3A_776, %swap3A_777] {strides = array<i32>} : memref<2x128x64xf32, #tpu.memory_space<vmem>>, vector<1x1x16xf32>,
        %swap3A_779 = vector.shape_cast %swap3A_778 : vector<1x1x16xf32> to vector<16xf32>
        %swap3A_780 = vector.shape_cast %mul3A_773 : vector<16xf32> to vector<1x1x16xf32>
        tpu.vector_store %arg7[%swap3A_775, %swap3A_776, %swap3A_777], %swap3A_780 {strides = array<i32>} : memref<2x128x64xf32, #tpu.memory_space<vmem>>, vector<1x1x16xf32>,
      }
      %scan3A_340 = arith.constant 32 : i32
      %mul3A_341 = arith.constant 128 : i32
      %mul3A_342 = arith.muli %add3A_305, %mul3A_341 : i32
      %add3A_343 = arith.addi %mul3A_2, %mul3A_342 : i32
      %dma_start3A_344 = arith.constant 1 : i32
      %dma_start3A_345 = arith.constant 0 : i32
      %dma_start3A_346 = arith.constant 0 : i32
      %dma_start3A_347 = tpu.memref_slice %arg7[%dma_start3A_344, %dma_start3A_345, %dma_start3A_346] : memref<2x128x64xf32, #tpu.memory_space<vmem>> -> memref<1x128x64xf32, #tpu.memory_space<vmem>>
      %dma_start3A_348 = tpu.memref_squeeze %dma_start3A_347 : memref<1x128x64xf32, #tpu.memory_space<vmem>> -> memref<128x64xf32, #tpu.memory_space<vmem>>
      %dma_start3A_349 = arith.constant 0 : i32
      %dma_start3A_350 = tpu.memref_slice %arg4[%add3A_343, %dma_start3A_349] : memref<819200x64xf32, #tpu.memory_space<hbm>> -> memref<128x64xf32, #tpu.memory_space<hbm>>
      %dma_start3A_351 = arith.constant 0 : i32
      %dma_start3A_352 = tpu.memref_slice %arg4[%add3A_343, %dma_start3A_351] : memref<819200x64xf32, #tpu.memory_space<hbm>> -> memref<128x64xf32, #tpu.memory_space<hbm>>
      %dma_start3A_353 = arith.constant 0 : i32
      %dma_start3A_354 = arith.constant 0 : i32
      %dma_start3A_355 = tpu.memref_slice %arg7[%dma_start3A_344, %dma_start3A_353, %dma_start3A_354] : memref<2x128x64xf32, #tpu.memory_space<vmem>> -> memref<1x128x64xf32, #tpu.memory_space<vmem>>
      %dma_start3A_356 = tpu.memref_squeeze %dma_start3A_355 : memref<1x128x64xf32, #tpu.memory_space<vmem>> -> memref<128x64xf32, #tpu.memory_space<vmem>>
      tpu.enqueue_dma source(%dma_start3A_356 : memref<128x64xf32, #tpu.memory_space<vmem>>) target(%dma_start3A_352 : memref<128x64xf32, #tpu.memory_space<hbm>>) target_semaphore(%arg13 : memref<!tpu.dma_semaphore, #tpu.memory_space<semaphore_mem>>)
      %add3A_357 = arith.constant 2 : i32
      %add3A_358 = arith.addi %add3A_305, %add3A_357 : i32
      %mul3A_359 = arith.constant 128 : i32
      %mul3A_360 = arith.muli %add3A_358, %mul3A_359 : i32
      %dma_start3A_361 = arith.constant 1 : i32
      %dma_start3A_362 = arith.constant 0 : i32
      %dma_start3A_363 = arith.constant 0 : i32
      %dma_start3A_364 = tpu.memref_slice %arg6[%dma_start3A_361, %dma_start3A_362, %dma_start3A_363] : memref<4x128x128xf32, #tpu.memory_space<vmem>> -> memref<1x128x128xf32, #tpu.memory_space<vmem>>
      %dma_start3A_365 = tpu.memref_squeeze %dma_start3A_364 : memref<1x128x128xf32, #tpu.memory_space<vmem>> -> memref<128x128xf32, #tpu.memory_space<vmem>>
      %dma_start3A_366 = tpu.memref_slice %arg5[%mul3A_360] : memref<25600xi32, #tpu.memory_space<vmem>> -> memref<128xi32, #tpu.memory_space<vmem>>
      %dma_start3A_367 = arith.constant 0 : i32
      %dma_start3A_368 = arith.constant 0 : i32
      %dma_start3A_369 = tpu.memref_slice %arg3[%dma_start3A_367, %dma_start3A_368] : memref<1000000x128xf32, #tpu.memory_space<hbm>> -> memref<1000000x128xf32, #tpu.memory_space<hbm>>
      tpu.enqueue_indirect_dma source(%dma_start3A_369 : memref<1000000x128xf32, #tpu.memory_space<hbm>>) target(%dma_start3A_365 : memref<128x128xf32, #tpu.memory_space<vmem>>) offsets(%dma_start3A_366 : memref<128xi32, #tpu.memory_space<vmem>>) semaphore(%arg9 : memref<!tpu.dma_semaphore, #tpu.memory_space<semaphore_mem>>)
      %mul3A_370 = arith.constant 4 : i32
      %mul3A_371 = arith.muli %scan3A_230, %mul3A_370 : i32
      %add3A_372 = arith.constant 2 : i32
      %add3A_373 = arith.addi %mul3A_371, %add3A_372 : i32
      %add3A_374 = arith.constant 2 : i32
      %add3A_375 = arith.addi %add3A_373, %add3A_374 : i32
      %mul3A_376 = arith.constant 128 : i32
      %mul3A_377 = arith.muli %add3A_375, %mul3A_376 : i32
      %dma_wait3A_378 = arith.constant 0 : i32
      %dma_wait3A_379 = arith.constant 0 : i32
      %dma_wait3A_380 = arith.constant 0 : i32
      %dma_wait3A_381 = tpu.memref_slice %arg6[%dma_wait3A_378, %dma_wait3A_379, %dma_wait3A_380] : memref<4x128x128xf32, #tpu.memory_space<vmem>> -> memref<1x128x128xf32, #tpu.memory_space<vmem>>
      %dma_wait3A_382 = tpu.memref_squeeze %dma_wait3A_381 : memref<1x128x128xf32, #tpu.memory_space<vmem>> -> memref<128x128xf32, #tpu.memory_space<vmem>>
      %dma_wait3A_383 = tpu.memref_slice %arg5[%mul3A_377] : memref<25600xi32, #tpu.memory_space<vmem>> -> memref<128xi32, #tpu.memory_space<vmem>>
      %dma_wait3A_384 = arith.constant 0 : i32
      %dma_wait3A_385 = arith.constant 0 : i32
      %dma_wait3A_386 = tpu.memref_slice %arg3[%dma_wait3A_384, %dma_wait3A_385] : memref<1000000x128xf32, #tpu.memory_space<hbm>> -> memref<1000000x128xf32, #tpu.memory_space<hbm>>
      tpu.wait_indirect_dma semaphore(%arg8 : memref<!tpu.dma_semaphore, #tpu.memory_space<semaphore_mem>>) src(%dma_wait3A_386 : memref<1000000x128xf32, #tpu.memory_space<hbm>>) dst(%dma_wait3A_382 : memref<128x128xf32, #tpu.memory_space<vmem>>)
      %sub3A_387 = arith.constant 2 : i32
      %sub3A_388 = arith.subi %add3A_375, %sub3A_387 : i32
      %mul3A_389 = arith.constant 128 : i32
      %mul3A_390 = arith.muli %sub3A_388, %mul3A_389 : i32
      %add3A_391 = arith.addi %mul3A_2, %mul3A_390 : i32
      %dma_wait3A_392 = arith.constant 0 : i32
      %dma_wait3A_393 = arith.constant 0 : i32
      %dma_wait3A_394 = arith.constant 0 : i32
      %dma_wait3A_395 = tpu.memref_slice %arg7[%dma_wait3A_392, %dma_wait3A_393, %dma_wait3A_394] : memref<2x128x64xf32, #tpu.memory_space<vmem>> -> memref<1x128x64xf32, #tpu.memory_space<vmem>>
      %dma_wait3A_396 = tpu.memref_squeeze %dma_wait3A_395 : memref<1x128x64xf32, #tpu.memory_space<vmem>> -> memref<128x64xf32, #tpu.memory_space<vmem>>
      %dma_wait3A_397 = arith.constant 0 : i32
      %dma_wait3A_398 = tpu.memref_slice %arg4[%add3A_391, %dma_wait3A_397] : memref<819200x64xf32, #tpu.memory_space<hbm>> -> memref<128x64xf32, #tpu.memory_space<hbm>>
      %dma_wait3A_399 = arith.constant 0 : i32
      %dma_wait3A_400 = tpu.memref_slice %arg4[%add3A_391, %dma_wait3A_399] : memref<819200x64xf32, #tpu.memory_space<hbm>> -> memref<128x64xf32, #tpu.memory_space<hbm>>
      %dma_wait3A_401 = arith.constant 0 : i32
      %dma_wait3A_402 = arith.constant 0 : i32
      %dma_wait3A_403 = tpu.memref_slice %arg7[%dma_wait3A_392, %dma_wait3A_401, %dma_wait3A_402] : memref<2x128x64xf32, #tpu.memory_space<vmem>> -> memref<1x128x64xf32, #tpu.memory_space<vmem>>
      %dma_wait3A_404 = tpu.memref_squeeze %dma_wait3A_403 : memref<1x128x64xf32, #tpu.memory_space<vmem>> -> memref<128x64xf32, #tpu.memory_space<vmem>>
      tpu.wait_dma2 semaphore(%arg12 : memref<!tpu.dma_semaphore, #tpu.memory_space<semaphore_mem>>) src(%dma_wait3A_404 : memref<128x64xf32, #tpu.memory_space<vmem>>) dst(%dma_wait3A_400 : memref<128x64xf32, #tpu.memory_space<hbm>>)
      %scan3A_405 = arith.constant 0 : i32
      %scan3A_406 = arith.constant 0 : i32
      %scan3A_407 = arith.constant 32 : i32
      %scan3A_408 = arith.addi %scan3A_406, %scan3A_407 : i32
      %scan3A_409 = arith.constant 1 : i32
      scf.for %scan3A_510 = %scan3A_406 to %scan3A_408 step %scan3A_409  : i32 {
        %mul3A_511 = arith.constant 4 : i32
        %mul3A_512 = arith.muli %scan3A_510, %mul3A_511 : i32
        %add3A_513 = arith.constant 0 : i32
        %add3A_514 = arith.addi %mul3A_512, %add3A_513 : i32
        %get3A = arith.constant 0 : i32
        %get3A_515 = arith.index_cast %get3A : i32 to index
        %get3A_516 = arith.index_cast %add3A_514 : i32 to index
        %get3A_517 = arith.constant 0 : index
        %get3A_518 = tpu.vector_load %arg6[%get3A_515, %get3A_516, %get3A_517] {strides = array<i32>} : memref<4x128x128xf32, #tpu.memory_space<vmem>>, vector<1x1x16xf32>,
        %get3A_519 = vector.shape_cast %get3A_518 : vector<1x1x16xf32> to vector<16xf32>
        %mul3A_520 = arith.constant 8.000000e+00 : f32
        %mul3A_521 = vector.broadcast %mul3A_520 : f32 to vector<16xf32>
        %mul3A_522 = arith.mulf %get3A_519, %mul3A_521 : vector<16xf32>
        %swap3A = arith.constant 0 : i32
        %swap3A_523 = arith.index_cast %swap3A : i32 to index
        %swap3A_524 = arith.index_cast %add3A_514 : i32 to index
        %swap3A_525 = arith.constant 0 : index
        %swap3A_526 = tpu.vector_load %arg7[%swap3A_523, %swap3A_524, %swap3A_525] {strides = array<i32>} : memref<2x128x64xf32, #tpu.memory_space<vmem>>, vector<1x1x16xf32>,
        %swap3A_527 = vector.shape_cast %swap3A_526 : vector<1x1x16xf32> to vector<16xf32>
        %swap3A_528 = vector.shape_cast %mul3A_522 : vector<16xf32> to vector<1x1x16xf32>
        tpu.vector_store %arg7[%swap3A_523, %swap3A_524, %swap3A_525], %swap3A_528 {strides = array<i32>} : memref<2x128x64xf32, #tpu.memory_space<vmem>>, vector<1x1x16xf32>,
        %get3A_529 = arith.constant 0 : i32
        %get3A_530 = arith.index_cast %get3A_529 : i32 to index
        %get3A_531 = arith.index_cast %add3A_514 : i32 to index
        %get3A_532 = arith.constant 16 : index
        %get3A_533 = tpu.vector_load %arg6[%get3A_530, %get3A_531, %get3A_532] {strides = array<i32>} : memref<4x128x128xf32, #tpu.memory_space<vmem>>, vector<1x1x16xf32>,
        %get3A_534 = vector.shape_cast %get3A_533 : vector<1x1x16xf32> to vector<16xf32>
        %mul3A_535 = arith.constant 8.000000e+00 : f32
        %mul3A_536 = vector.broadcast %mul3A_535 : f32 to vector<16xf32>
        %mul3A_537 = arith.mulf %get3A_534, %mul3A_536 : vector<16xf32>
        %swap3A_538 = arith.constant 0 : i32
        %swap3A_539 = arith.index_cast %swap3A_538 : i32 to index
        %swap3A_540 = arith.index_cast %add3A_514 : i32 to index
        %swap3A_541 = arith.constant 16 : index
        %swap3A_542 = tpu.vector_load %arg7[%swap3A_539, %swap3A_540, %swap3A_541] {strides = array<i32>} : memref<2x128x64xf32, #tpu.memory_space<vmem>>, vector<1x1x16xf32>,
        %swap3A_543 = vector.shape_cast %swap3A_542 : vector<1x1x16xf32> to vector<16xf32>
        %swap3A_544 = vector.shape_cast %mul3A_537 : vector<16xf32> to vector<1x1x16xf32>
        tpu.vector_store %arg7[%swap3A_539, %swap3A_540, %swap3A_541], %swap3A_544 {strides = array<i32>} : memref<2x128x64xf32, #tpu.memory_space<vmem>>, vector<1x1x16xf32>,
        %get3A_545 = arith.constant 0 : i32
        %get3A_546 = arith.index_cast %get3A_545 : i32 to index
        %get3A_547 = arith.index_cast %add3A_514 : i32 to index
        %get3A_548 = arith.constant 32 : index
        %get3A_549 = tpu.vector_load %arg6[%get3A_546, %get3A_547, %get3A_548] {strides = array<i32>} : memref<4x128x128xf32, #tpu.memory_space<vmem>>, vector<1x1x16xf32>,
        %get3A_550 = vector.shape_cast %get3A_549 : vector<1x1x16xf32> to vector<16xf32>
        %mul3A_551 = arith.constant 8.000000e+00 : f32
        %mul3A_552 = vector.broadcast %mul3A_551 : f32 to vector<16xf32>
        %mul3A_553 = arith.mulf %get3A_550, %mul3A_552 : vector<16xf32>
        %swap3A_554 = arith.constant 0 : i32
        %swap3A_555 = arith.index_cast %swap3A_554 : i32 to index
        %swap3A_556 = arith.index_cast %add3A_514 : i32 to index
        %swap3A_557 = arith.constant 32 : index
        %swap3A_558 = tpu.vector_load %arg7[%swap3A_555, %swap3A_556, %swap3A_557] {strides = array<i32>} : memref<2x128x64xf32, #tpu.memory_space<vmem>>, vector<1x1x16xf32>,
        %swap3A_559 = vector.shape_cast %swap3A_558 : vector<1x1x16xf32> to vector<16xf32>
        %swap3A_560 = vector.shape_cast %mul3A_553 : vector<16xf32> to vector<1x1x16xf32>
        tpu.vector_store %arg7[%swap3A_555, %swap3A_556, %swap3A_557], %swap3A_560 {strides = array<i32>} : memref<2x128x64xf32, #tpu.memory_space<vmem>>, vector<1x1x16xf32>,
        %get3A_561 = arith.constant 0 : i32
        %get3A_562 = arith.index_cast %get3A_561 : i32 to index
        %get3A_563 = arith.index_cast %add3A_514 : i32 to index
        %get3A_564 = arith.constant 48 : index
        %get3A_565 = tpu.vector_load %arg6[%get3A_562, %get3A_563, %get3A_564] {strides = array<i32>} : memref<4x128x128xf32, #tpu.memory_space<vmem>>, vector<1x1x16xf32>,
        %get3A_566 = vector.shape_cast %get3A_565 : vector<1x1x16xf32> to vector<16xf32>
        %mul3A_567 = arith.constant 8.000000e+00 : f32
        %mul3A_568 = vector.broadcast %mul3A_567 : f32 to vector<16xf32>
        %mul3A_569 = arith.mulf %get3A_566, %mul3A_568 : vector<16xf32>
        %swap3A_570 = arith.constant 0 : i32
        %swap3A_571 = arith.index_cast %swap3A_570 : i32 to index
        %swap3A_572 = arith.index_cast %add3A_514 : i32 to index
        %swap3A_573 = arith.constant 48 : index
        %swap3A_574 = tpu.vector_load %arg7[%swap3A_571, %swap3A_572, %swap3A_573] {strides = array<i32>} : memref<2x128x64xf32, #tpu.memory_space<vmem>>, vector<1x1x16xf32>,
        %swap3A_575 = vector.shape_cast %swap3A_574 : vector<1x1x16xf32> to vector<16xf32>
        %swap3A_576 = vector.shape_cast %mul3A_569 : vector<16xf32> to vector<1x1x16xf32>
        tpu.vector_store %arg7[%swap3A_571, %swap3A_572, %swap3A_573], %swap3A_576 {strides = array<i32>} : memref<2x128x64xf32, #tpu.memory_space<vmem>>, vector<1x1x16xf32>,
        %mul3A_577 = arith.constant 4 : i32
        %mul3A_578 = arith.muli %scan3A_510, %mul3A_577 : i32
        %add3A_579 = arith.constant 1 : i32
        %add3A_580 = arith.addi %mul3A_578, %add3A_579 : i32
        %get3A_581 = arith.constant 0 : i32
        %get3A_582 = arith.index_cast %get3A_581 : i32 to index
        %get3A_583 = arith.index_cast %add3A_580 : i32 to index
        %get3A_584 = arith.constant 0 : index
        %get3A_585 = tpu.vector_load %arg6[%get3A_582, %get3A_583, %get3A_584] {strides = array<i32>} : memref<4x128x128xf32, #tpu.memory_space<vmem>>, vector<1x1x16xf32>,
        %get3A_586 = vector.shape_cast %get3A_585 : vector<1x1x16xf32> to vector<16xf32>
        %mul3A_587 = arith.constant 8.000000e+00 : f32
        %mul3A_588 = vector.broadcast %mul3A_587 : f32 to vector<16xf32>
        %mul3A_589 = arith.mulf %get3A_586, %mul3A_588 : vector<16xf32>
        %swap3A_590 = arith.constant 0 : i32
        %swap3A_591 = arith.index_cast %swap3A_590 : i32 to index
        %swap3A_592 = arith.index_cast %add3A_580 : i32 to index
        %swap3A_593 = arith.constant 0 : index
        %swap3A_594 = tpu.vector_load %arg7[%swap3A_591, %swap3A_592, %swap3A_593] {strides = array<i32>} : memref<2x128x64xf32, #tpu.memory_space<vmem>>, vector<1x1x16xf32>,
        %swap3A_595 = vector.shape_cast %swap3A_594 : vector<1x1x16xf32> to vector<16xf32>
        %swap3A_596 = vector.shape_cast %mul3A_589 : vector<16xf32> to vector<1x1x16xf32>
        tpu.vector_store %arg7[%swap3A_591, %swap3A_592, %swap3A_593], %swap3A_596 {strides = array<i32>} : memref<2x128x64xf32, #tpu.memory_space<vmem>>, vector<1x1x16xf32>,
        %get3A_597 = arith.constant 0 : i32
        %get3A_598 = arith.index_cast %get3A_597 : i32 to index
        %get3A_599 = arith.index_cast %add3A_580 : i32 to index
        %get3A_600 = arith.constant 16 : index
        %get3A_601 = tpu.vector_load %arg6[%get3A_598, %get3A_599, %get3A_600] {strides = array<i32>} : memref<4x128x128xf32, #tpu.memory_space<vmem>>, vector<1x1x16xf32>,
        %get3A_602 = vector.shape_cast %get3A_601 : vector<1x1x16xf32> to vector<16xf32>
        %mul3A_603 = arith.constant 8.000000e+00 : f32
        %mul3A_604 = vector.broadcast %mul3A_603 : f32 to vector<16xf32>
        %mul3A_605 = arith.mulf %get3A_602, %mul3A_604 : vector<16xf32>
        %swap3A_606 = arith.constant 0 : i32
        %swap3A_607 = arith.index_cast %swap3A_606 : i32 to index
        %swap3A_608 = arith.index_cast %add3A_580 : i32 to index
        %swap3A_609 = arith.constant 16 : index
        %swap3A_610 = tpu.vector_load %arg7[%swap3A_607, %swap3A_608, %swap3A_609] {strides = array<i32>} : memref<2x128x64xf32, #tpu.memory_space<vmem>>, vector<1x1x16xf32>,
        %swap3A_611 = vector.shape_cast %swap3A_610 : vector<1x1x16xf32> to vector<16xf32>
        %swap3A_612 = vector.shape_cast %mul3A_605 : vector<16xf32> to vector<1x1x16xf32>
        tpu.vector_store %arg7[%swap3A_607, %swap3A_608, %swap3A_609], %swap3A_612 {strides = array<i32>} : memref<2x128x64xf32, #tpu.memory_space<vmem>>, vector<1x1x16xf32>,
        %get3A_613 = arith.constant 0 : i32
        %get3A_614 = arith.index_cast %get3A_613 : i32 to index
        %get3A_615 = arith.index_cast %add3A_580 : i32 to index
        %get3A_616 = arith.constant 32 : index
        %get3A_617 = tpu.vector_load %arg6[%get3A_614, %get3A_615, %get3A_616] {strides = array<i32>} : memref<4x128x128xf32, #tpu.memory_space<vmem>>, vector<1x1x16xf32>,
        %get3A_618 = vector.shape_cast %get3A_617 : vector<1x1x16xf32> to vector<16xf32>
        %mul3A_619 = arith.constant 8.000000e+00 : f32
        %mul3A_620 = vector.broadcast %mul3A_619 : f32 to vector<16xf32>
        %mul3A_621 = arith.mulf %get3A_618, %mul3A_620 : vector<16xf32>
        %swap3A_622 = arith.constant 0 : i32
        %swap3A_623 = arith.index_cast %swap3A_622 : i32 to index
        %swap3A_624 = arith.index_cast %add3A_580 : i32 to index
        %swap3A_625 = arith.constant 32 : index
        %swap3A_626 = tpu.vector_load %arg7[%swap3A_623, %swap3A_624, %swap3A_625] {strides = array<i32>} : memref<2x128x64xf32, #tpu.memory_space<vmem>>, vector<1x1x16xf32>,
        %swap3A_627 = vector.shape_cast %swap3A_626 : vector<1x1x16xf32> to vector<16xf32>
        %swap3A_628 = vector.shape_cast %mul3A_621 : vector<16xf32> to vector<1x1x16xf32>
        tpu.vector_store %arg7[%swap3A_623, %swap3A_624, %swap3A_625], %swap3A_628 {strides = array<i32>} : memref<2x128x64xf32, #tpu.memory_space<vmem>>, vector<1x1x16xf32>,
        %get3A_629 = arith.constant 0 : i32
        %get3A_630 = arith.index_cast %get3A_629 : i32 to index
        %get3A_631 = arith.index_cast %add3A_580 : i32 to index
        %get3A_632 = arith.constant 48 : index
        %get3A_633 = tpu.vector_load %arg6[%get3A_630, %get3A_631, %get3A_632] {strides = array<i32>} : memref<4x128x128xf32, #tpu.memory_space<vmem>>, vector<1x1x16xf32>,
        %get3A_634 = vector.shape_cast %get3A_633 : vector<1x1x16xf32> to vector<16xf32>
        %mul3A_635 = arith.constant 8.000000e+00 : f32
        %mul3A_636 = vector.broadcast %mul3A_635 : f32 to vector<16xf32>
        %mul3A_637 = arith.mulf %get3A_634, %mul3A_636 : vector<16xf32>
        %swap3A_638 = arith.constant 0 : i32
        %swap3A_639 = arith.index_cast %swap3A_638 : i32 to index
        %swap3A_640 = arith.index_cast %add3A_580 : i32 to index
        %swap3A_641 = arith.constant 48 : index
        %swap3A_642 = tpu.vector_load %arg7[%swap3A_639, %swap3A_640, %swap3A_641] {strides = array<i32>} : memref<2x128x64xf32, #tpu.memory_space<vmem>>, vector<1x1x16xf32>,
        %swap3A_643 = vector.shape_cast %swap3A_642 : vector<1x1x16xf32> to vector<16xf32>
        %swap3A_644 = vector.shape_cast %mul3A_637 : vector<16xf32> to vector<1x1x16xf32>
        tpu.vector_store %arg7[%swap3A_639, %swap3A_640, %swap3A_641], %swap3A_644 {strides = array<i32>} : memref<2x128x64xf32, #tpu.memory_space<vmem>>, vector<1x1x16xf32>,
        %mul3A_645 = arith.constant 4 : i32
        %mul3A_646 = arith.muli %scan3A_510, %mul3A_645 : i32
        %add3A_647 = arith.constant 2 : i32
        %add3A_648 = arith.addi %mul3A_646, %add3A_647 : i32
        %get3A_649 = arith.constant 0 : i32
        %get3A_650 = arith.index_cast %get3A_649 : i32 to index
        %get3A_651 = arith.index_cast %add3A_648 : i32 to index
        %get3A_652 = arith.constant 0 : index
        %get3A_653 = tpu.vector_load %arg6[%get3A_650, %get3A_651, %get3A_652] {strides = array<i32>} : memref<4x128x128xf32, #tpu.memory_space<vmem>>, vector<1x1x16xf32>,
        %get3A_654 = vector.shape_cast %get3A_653 : vector<1x1x16xf32> to vector<16xf32>
        %mul3A_655 = arith.constant 8.000000e+00 : f32
        %mul3A_656 = vector.broadcast %mul3A_655 : f32 to vector<16xf32>
        %mul3A_657 = arith.mulf %get3A_654, %mul3A_656 : vector<16xf32>
        %swap3A_658 = arith.constant 0 : i32
        %swap3A_659 = arith.index_cast %swap3A_658 : i32 to index
        %swap3A_660 = arith.index_cast %add3A_648 : i32 to index
        %swap3A_661 = arith.constant 0 : index
        %swap3A_662 = tpu.vector_load %arg7[%swap3A_659, %swap3A_660, %swap3A_661] {strides = array<i32>} : memref<2x128x64xf32, #tpu.memory_space<vmem>>, vector<1x1x16xf32>,
        %swap3A_663 = vector.shape_cast %swap3A_662 : vector<1x1x16xf32> to vector<16xf32>
        %swap3A_664 = vector.shape_cast %mul3A_657 : vector<16xf32> to vector<1x1x16xf32>
        tpu.vector_store %arg7[%swap3A_659, %swap3A_660, %swap3A_661], %swap3A_664 {strides = array<i32>} : memref<2x128x64xf32, #tpu.memory_space<vmem>>, vector<1x1x16xf32>,
        %get3A_665 = arith.constant 0 : i32
        %get3A_666 = arith.index_cast %get3A_665 : i32 to index
        %get3A_667 = arith.index_cast %add3A_648 : i32 to index
        %get3A_668 = arith.constant 16 : index
        %get3A_669 = tpu.vector_load %arg6[%get3A_666, %get3A_667, %get3A_668] {strides = array<i32>} : memref<4x128x128xf32, #tpu.memory_space<vmem>>, vector<1x1x16xf32>,
        %get3A_670 = vector.shape_cast %get3A_669 : vector<1x1x16xf32> to vector<16xf32>
        %mul3A_671 = arith.constant 8.000000e+00 : f32
        %mul3A_672 = vector.broadcast %mul3A_671 : f32 to vector<16xf32>
        %mul3A_673 = arith.mulf %get3A_670, %mul3A_672 : vector<16xf32>
        %swap3A_674 = arith.constant 0 : i32
        %swap3A_675 = arith.index_cast %swap3A_674 : i32 to index
        %swap3A_676 = arith.index_cast %add3A_648 : i32 to index
        %swap3A_677 = arith.constant 16 : index
        %swap3A_678 = tpu.vector_load %arg7[%swap3A_675, %swap3A_676, %swap3A_677] {strides = array<i32>} : memref<2x128x64xf32, #tpu.memory_space<vmem>>, vector<1x1x16xf32>,
        %swap3A_679 = vector.shape_cast %swap3A_678 : vector<1x1x16xf32> to vector<16xf32>
        %swap3A_680 = vector.shape_cast %mul3A_673 : vector<16xf32> to vector<1x1x16xf32>
        tpu.vector_store %arg7[%swap3A_675, %swap3A_676, %swap3A_677], %swap3A_680 {strides = array<i32>} : memref<2x128x64xf32, #tpu.memory_space<vmem>>, vector<1x1x16xf32>,
        %get3A_681 = arith.constant 0 : i32
        %get3A_682 = arith.index_cast %get3A_681 : i32 to index
        %get3A_683 = arith.index_cast %add3A_648 : i32 to index
        %get3A_684 = arith.constant 32 : index
        %get3A_685 = tpu.vector_load %arg6[%get3A_682, %get3A_683, %get3A_684] {strides = array<i32>} : memref<4x128x128xf32, #tpu.memory_space<vmem>>, vector<1x1x16xf32>,
        %get3A_686 = vector.shape_cast %get3A_685 : vector<1x1x16xf32> to vector<16xf32>
        %mul3A_687 = arith.constant 8.000000e+00 : f32
        %mul3A_688 = vector.broadcast %mul3A_687 : f32 to vector<16xf32>
        %mul3A_689 = arith.mulf %get3A_686, %mul3A_688 : vector<16xf32>
        %swap3A_690 = arith.constant 0 : i32
        %swap3A_691 = arith.index_cast %swap3A_690 : i32 to index
        %swap3A_692 = arith.index_cast %add3A_648 : i32 to index
        %swap3A_693 = arith.constant 32 : index
        %swap3A_694 = tpu.vector_load %arg7[%swap3A_691, %swap3A_692, %swap3A_693] {strides = array<i32>} : memref<2x128x64xf32, #tpu.memory_space<vmem>>, vector<1x1x16xf32>,
        %swap3A_695 = vector.shape_cast %swap3A_694 : vector<1x1x16xf32> to vector<16xf32>
        %swap3A_696 = vector.shape_cast %mul3A_689 : vector<16xf32> to vector<1x1x16xf32>
        tpu.vector_store %arg7[%swap3A_691, %swap3A_692, %swap3A_693], %swap3A_696 {strides = array<i32>} : memref<2x128x64xf32, #tpu.memory_space<vmem>>, vector<1x1x16xf32>,
        %get3A_697 = arith.constant 0 : i32
        %get3A_698 = arith.index_cast %get3A_697 : i32 to index
        %get3A_699 = arith.index_cast %add3A_648 : i32 to index
        %get3A_700 = arith.constant 48 : index
        %get3A_701 = tpu.vector_load %arg6[%get3A_698, %get3A_699, %get3A_700] {strides = array<i32>} : memref<4x128x128xf32, #tpu.memory_space<vmem>>, vector<1x1x16xf32>,
        %get3A_702 = vector.shape_cast %get3A_701 : vector<1x1x16xf32> to vector<16xf32>
        %mul3A_703 = arith.constant 8.000000e+00 : f32
        %mul3A_704 = vector.broadcast %mul3A_703 : f32 to vector<16xf32>
        %mul3A_705 = arith.mulf %get3A_702, %mul3A_704 : vector<16xf32>
        %swap3A_706 = arith.constant 0 : i32
        %swap3A_707 = arith.index_cast %swap3A_706 : i32 to index
        %swap3A_708 = arith.index_cast %add3A_648 : i32 to index
        %swap3A_709 = arith.constant 48 : index
        %swap3A_710 = tpu.vector_load %arg7[%swap3A_707, %swap3A_708, %swap3A_709] {strides = array<i32>} : memref<2x128x64xf32, #tpu.memory_space<vmem>>, vector<1x1x16xf32>,
        %swap3A_711 = vector.shape_cast %swap3A_710 : vector<1x1x16xf32> to vector<16xf32>
        %swap3A_712 = vector.shape_cast %mul3A_705 : vector<16xf32> to vector<1x1x16xf32>
        tpu.vector_store %arg7[%swap3A_707, %swap3A_708, %swap3A_709], %swap3A_712 {strides = array<i32>} : memref<2x128x64xf32, #tpu.memory_space<vmem>>, vector<1x1x16xf32>,
        %mul3A_713 = arith.constant 4 : i32
        %mul3A_714 = arith.muli %scan3A_510, %mul3A_713 : i32
        %add3A_715 = arith.constant 3 : i32
        %add3A_716 = arith.addi %mul3A_714, %add3A_715 : i32
        %get3A_717 = arith.constant 0 : i32
        %get3A_718 = arith.index_cast %get3A_717 : i32 to index
        %get3A_719 = arith.index_cast %add3A_716 : i32 to index
        %get3A_720 = arith.constant 0 : index
        %get3A_721 = tpu.vector_load %arg6[%get3A_718, %get3A_719, %get3A_720] {strides = array<i32>} : memref<4x128x128xf32, #tpu.memory_space<vmem>>, vector<1x1x16xf32>,
        %get3A_722 = vector.shape_cast %get3A_721 : vector<1x1x16xf32> to vector<16xf32>
        %mul3A_723 = arith.constant 8.000000e+00 : f32
        %mul3A_724 = vector.broadcast %mul3A_723 : f32 to vector<16xf32>
        %mul3A_725 = arith.mulf %get3A_722, %mul3A_724 : vector<16xf32>
        %swap3A_726 = arith.constant 0 : i32
        %swap3A_727 = arith.index_cast %swap3A_726 : i32 to index
        %swap3A_728 = arith.index_cast %add3A_716 : i32 to index
        %swap3A_729 = arith.constant 0 : index
        %swap3A_730 = tpu.vector_load %arg7[%swap3A_727, %swap3A_728, %swap3A_729] {strides = array<i32>} : memref<2x128x64xf32, #tpu.memory_space<vmem>>, vector<1x1x16xf32>,
        %swap3A_731 = vector.shape_cast %swap3A_730 : vector<1x1x16xf32> to vector<16xf32>
        %swap3A_732 = vector.shape_cast %mul3A_725 : vector<16xf32> to vector<1x1x16xf32>
        tpu.vector_store %arg7[%swap3A_727, %swap3A_728, %swap3A_729], %swap3A_732 {strides = array<i32>} : memref<2x128x64xf32, #tpu.memory_space<vmem>>, vector<1x1x16xf32>,
        %get3A_733 = arith.constant 0 : i32
        %get3A_734 = arith.index_cast %get3A_733 : i32 to index
        %get3A_735 = arith.index_cast %add3A_716 : i32 to index
        %get3A_736 = arith.constant 16 : index
        %get3A_737 = tpu.vector_load %arg6[%get3A_734, %get3A_735, %get3A_736] {strides = array<i32>} : memref<4x128x128xf32, #tpu.memory_space<vmem>>, vector<1x1x16xf32>,
        %get3A_738 = vector.shape_cast %get3A_737 : vector<1x1x16xf32> to vector<16xf32>
        %mul3A_739 = arith.constant 8.000000e+00 : f32
        %mul3A_740 = vector.broadcast %mul3A_739 : f32 to vector<16xf32>
        %mul3A_741 = arith.mulf %get3A_738, %mul3A_740 : vector<16xf32>
        %swap3A_742 = arith.constant 0 : i32
        %swap3A_743 = arith.index_cast %swap3A_742 : i32 to index
        %swap3A_744 = arith.index_cast %add3A_716 : i32 to index
        %swap3A_745 = arith.constant 16 : index
        %swap3A_746 = tpu.vector_load %arg7[%swap3A_743, %swap3A_744, %swap3A_745] {strides = array<i32>} : memref<2x128x64xf32, #tpu.memory_space<vmem>>, vector<1x1x16xf32>,
        %swap3A_747 = vector.shape_cast %swap3A_746 : vector<1x1x16xf32> to vector<16xf32>
        %swap3A_748 = vector.shape_cast %mul3A_741 : vector<16xf32> to vector<1x1x16xf32>
        tpu.vector_store %arg7[%swap3A_743, %swap3A_744, %swap3A_745], %swap3A_748 {strides = array<i32>} : memref<2x128x64xf32, #tpu.memory_space<vmem>>, vector<1x1x16xf32>,
        %get3A_749 = arith.constant 0 : i32
        %get3A_750 = arith.index_cast %get3A_749 : i32 to index
        %get3A_751 = arith.index_cast %add3A_716 : i32 to index
        %get3A_752 = arith.constant 32 : index
        %get3A_753 = tpu.vector_load %arg6[%get3A_750, %get3A_751, %get3A_752] {strides = array<i32>} : memref<4x128x128xf32, #tpu.memory_space<vmem>>, vector<1x1x16xf32>,
        %get3A_754 = vector.shape_cast %get3A_753 : vector<1x1x16xf32> to vector<16xf32>
        %mul3A_755 = arith.constant 8.000000e+00 : f32
        %mul3A_756 = vector.broadcast %mul3A_755 : f32 to vector<16xf32>
        %mul3A_757 = arith.mulf %get3A_754, %mul3A_756 : vector<16xf32>
        %swap3A_758 = arith.constant 0 : i32
        %swap3A_759 = arith.index_cast %swap3A_758 : i32 to index
        %swap3A_760 = arith.index_cast %add3A_716 : i32 to index
        %swap3A_761 = arith.constant 32 : index
        %swap3A_762 = tpu.vector_load %arg7[%swap3A_759, %swap3A_760, %swap3A_761] {strides = array<i32>} : memref<2x128x64xf32, #tpu.memory_space<vmem>>, vector<1x1x16xf32>,
        %swap3A_763 = vector.shape_cast %swap3A_762 : vector<1x1x16xf32> to vector<16xf32>
        %swap3A_764 = vector.shape_cast %mul3A_757 : vector<16xf32> to vector<1x1x16xf32>
        tpu.vector_store %arg7[%swap3A_759, %swap3A_760, %swap3A_761], %swap3A_764 {strides = array<i32>} : memref<2x128x64xf32, #tpu.memory_space<vmem>>, vector<1x1x16xf32>,
        %get3A_765 = arith.constant 0 : i32
        %get3A_766 = arith.index_cast %get3A_765 : i32 to index
        %get3A_767 = arith.index_cast %add3A_716 : i32 to index
        %get3A_768 = arith.constant 48 : index
        %get3A_769 = tpu.vector_load %arg6[%get3A_766, %get3A_767, %get3A_768] {strides = array<i32>} : memref<4x128x128xf32, #tpu.memory_space<vmem>>, vector<1x1x16xf32>,
        %get3A_770 = vector.shape_cast %get3A_769 : vector<1x1x16xf32> to vector<16xf32>
        %mul3A_771 = arith.constant 8.000000e+00 : f32
        %mul3A_772 = vector.broadcast %mul3A_771 : f32 to vector<16xf32>
        %mul3A_773 = arith.mulf %get3A_770, %mul3A_772 : vector<16xf32>
        %swap3A_774 = arith.constant 0 : i32
        %swap3A_775 = arith.index_cast %swap3A_774 : i32 to index
        %swap3A_776 = arith.index_cast %add3A_716 : i32 to index
        %swap3A_777 = arith.constant 48 : index
        %swap3A_778 = tpu.vector_load %arg7[%swap3A_775, %swap3A_776, %swap3A_777] {strides = array<i32>} : memref<2x128x64xf32, #tpu.memory_space<vmem>>, vector<1x1x16xf32>,
        %swap3A_779 = vector.shape_cast %swap3A_778 : vector<1x1x16xf32> to vector<16xf32>
        %swap3A_780 = vector.shape_cast %mul3A_773 : vector<16xf32> to vector<1x1x16xf32>
        tpu.vector_store %arg7[%swap3A_775, %swap3A_776, %swap3A_777], %swap3A_780 {strides = array<i32>} : memref<2x128x64xf32, #tpu.memory_space<vmem>>, vector<1x1x16xf32>,
      }
      %scan3A_410 = arith.constant 32 : i32
      %mul3A_411 = arith.constant 128 : i32
      %mul3A_412 = arith.muli %add3A_375, %mul3A_411 : i32
      %add3A_413 = arith.addi %mul3A_2, %mul3A_412 : i32
      %dma_start3A_414 = arith.constant 0 : i32
      %dma_start3A_415 = arith.constant 0 : i32
      %dma_start3A_416 = arith.constant 0 : i32
      %dma_start3A_417 = tpu.memref_slice %arg7[%dma_start3A_414, %dma_start3A_415, %dma_start3A_416] : memref<2x128x64xf32, #tpu.memory_space<vmem>> -> memref<1x128x64xf32, #tpu.memory_space<vmem>>
      %dma_start3A_418 = tpu.memref_squeeze %dma_start3A_417 : memref<1x128x64xf32, #tpu.memory_space<vmem>> -> memref<128x64xf32, #tpu.memory_space<vmem>>
      %dma_start3A_419 = arith.constant 0 : i32
      %dma_start3A_420 = tpu.memref_slice %arg4[%add3A_413, %dma_start3A_419] : memref<819200x64xf32, #tpu.memory_space<hbm>> -> memref<128x64xf32, #tpu.memory_space<hbm>>
      %dma_start3A_421 = arith.constant 0 : i32
      %dma_start3A_422 = tpu.memref_slice %arg4[%add3A_413, %dma_start3A_421] : memref<819200x64xf32, #tpu.memory_space<hbm>> -> memref<128x64xf32, #tpu.memory_space<hbm>>
      %dma_start3A_423 = arith.constant 0 : i32
      %dma_start3A_424 = arith.constant 0 : i32
      %dma_start3A_425 = tpu.memref_slice %arg7[%dma_start3A_414, %dma_start3A_423, %dma_start3A_424] : memref<2x128x64xf32, #tpu.memory_space<vmem>> -> memref<1x128x64xf32, #tpu.memory_space<vmem>>
      %dma_start3A_426 = tpu.memref_squeeze %dma_start3A_425 : memref<1x128x64xf32, #tpu.memory_space<vmem>> -> memref<128x64xf32, #tpu.memory_space<vmem>>
      tpu.enqueue_dma source(%dma_start3A_426 : memref<128x64xf32, #tpu.memory_space<vmem>>) target(%dma_start3A_422 : memref<128x64xf32, #tpu.memory_space<hbm>>) target_semaphore(%arg12 : memref<!tpu.dma_semaphore, #tpu.memory_space<semaphore_mem>>)
      %add3A_427 = arith.constant 2 : i32
      %add3A_428 = arith.addi %add3A_375, %add3A_427 : i32
      %mul3A_429 = arith.constant 128 : i32
      %mul3A_430 = arith.muli %add3A_428, %mul3A_429 : i32
      %dma_start3A_431 = arith.constant 2 : i32
      %dma_start3A_432 = arith.constant 0 : i32
      %dma_start3A_433 = arith.constant 0 : i32
      %dma_start3A_434 = tpu.memref_slice %arg6[%dma_start3A_431, %dma_start3A_432, %dma_start3A_433] : memref<4x128x128xf32, #tpu.memory_space<vmem>> -> memref<1x128x128xf32, #tpu.memory_space<vmem>>
      %dma_start3A_435 = tpu.memref_squeeze %dma_start3A_434 : memref<1x128x128xf32, #tpu.memory_space<vmem>> -> memref<128x128xf32, #tpu.memory_space<vmem>>
      %dma_start3A_436 = tpu.memref_slice %arg5[%mul3A_430] : memref<25600xi32, #tpu.memory_space<vmem>> -> memref<128xi32, #tpu.memory_space<vmem>>
      %dma_start3A_437 = arith.constant 0 : i32
      %dma_start3A_438 = arith.constant 0 : i32
      %dma_start3A_439 = tpu.memref_slice %arg3[%dma_start3A_437, %dma_start3A_438] : memref<1000000x128xf32, #tpu.memory_space<hbm>> -> memref<1000000x128xf32, #tpu.memory_space<hbm>>
      tpu.enqueue_indirect_dma source(%dma_start3A_439 : memref<1000000x128xf32, #tpu.memory_space<hbm>>) target(%dma_start3A_435 : memref<128x128xf32, #tpu.memory_space<vmem>>) offsets(%dma_start3A_436 : memref<128xi32, #tpu.memory_space<vmem>>) semaphore(%arg10 : memref<!tpu.dma_semaphore, #tpu.memory_space<semaphore_mem>>)
      %mul3A_440 = arith.constant 4 : i32
      %mul3A_441 = arith.muli %scan3A_230, %mul3A_440 : i32
      %add3A_442 = arith.constant 2 : i32
      %add3A_443 = arith.addi %mul3A_441, %add3A_442 : i32
      %add3A_444 = arith.constant 3 : i32
      %add3A_445 = arith.addi %add3A_443, %add3A_444 : i32
      %mul3A_446 = arith.constant 128 : i32
      %mul3A_447 = arith.muli %add3A_445, %mul3A_446 : i32
      %dma_wait3A_448 = arith.constant 1 : i32
      %dma_wait3A_449 = arith.constant 0 : i32
      %dma_wait3A_450 = arith.constant 0 : i32
      %dma_wait3A_451 = tpu.memref_slice %arg6[%dma_wait3A_448, %dma_wait3A_449, %dma_wait3A_450] : memref<4x128x128xf32, #tpu.memory_space<vmem>> -> memref<1x128x128xf32, #tpu.memory_space<vmem>>
      %dma_wait3A_452 = tpu.memref_squeeze %dma_wait3A_451 : memref<1x128x128xf32, #tpu.memory_space<vmem>> -> memref<128x128xf32, #tpu.memory_space<vmem>>
      %dma_wait3A_453 = tpu.memref_slice %arg5[%mul3A_447] : memref<25600xi32, #tpu.memory_space<vmem>> -> memref<128xi32, #tpu.memory_space<vmem>>
      %dma_wait3A_454 = arith.constant 0 : i32
      %dma_wait3A_455 = arith.constant 0 : i32
      %dma_wait3A_456 = tpu.memref_slice %arg3[%dma_wait3A_454, %dma_wait3A_455] : memref<1000000x128xf32, #tpu.memory_space<hbm>> -> memref<1000000x128xf32, #tpu.memory_space<hbm>>
      tpu.wait_indirect_dma semaphore(%arg9 : memref<!tpu.dma_semaphore, #tpu.memory_space<semaphore_mem>>) src(%dma_wait3A_456 : memref<1000000x128xf32, #tpu.memory_space<hbm>>) dst(%dma_wait3A_452 : memref<128x128xf32, #tpu.memory_space<vmem>>)
      %sub3A_457 = arith.constant 2 : i32
      %sub3A_458 = arith.subi %add3A_445, %sub3A_457 : i32
      %mul3A_459 = arith.constant 128 : i32
      %mul3A_460 = arith.muli %sub3A_458, %mul3A_459 : i32
      %add3A_461 = arith.addi %mul3A_2, %mul3A_460 : i32
      %dma_wait3A_462 = arith.constant 1 : i32
      %dma_wait3A_463 = arith.constant 0 : i32
      %dma_wait3A_464 = arith.constant 0 : i32
      %dma_wait3A_465 = tpu.memref_slice %arg7[%dma_wait3A_462, %dma_wait3A_463, %dma_wait3A_464] : memref<2x128x64xf32, #tpu.memory_space<vmem>> -> memref<1x128x64xf32, #tpu.memory_space<vmem>>
      %dma_wait3A_466 = tpu.memref_squeeze %dma_wait3A_465 : memref<1x128x64xf32, #tpu.memory_space<vmem>> -> memref<128x64xf32, #tpu.memory_space<vmem>>
      %dma_wait3A_467 = arith.constant 0 : i32
      %dma_wait3A_468 = tpu.memref_slice %arg4[%add3A_461, %dma_wait3A_467] : memref<819200x64xf32, #tpu.memory_space<hbm>> -> memref<128x64xf32, #tpu.memory_space<hbm>>
      %dma_wait3A_469 = arith.constant 0 : i32
      %dma_wait3A_470 = tpu.memref_slice %arg4[%add3A_461, %dma_wait3A_469] : memref<819200x64xf32, #tpu.memory_space<hbm>> -> memref<128x64xf32, #tpu.memory_space<hbm>>
      %dma_wait3A_471 = arith.constant 0 : i32
      %dma_wait3A_472 = arith.constant 0 : i32
      %dma_wait3A_473 = tpu.memref_slice %arg7[%dma_wait3A_462, %dma_wait3A_471, %dma_wait3A_472] : memref<2x128x64xf32, #tpu.memory_space<vmem>> -> memref<1x128x64xf32, #tpu.memory_space<vmem>>
      %dma_wait3A_474 = tpu.memref_squeeze %dma_wait3A_473 : memref<1x128x64xf32, #tpu.memory_space<vmem>> -> memref<128x64xf32, #tpu.memory_space<vmem>>
      tpu.wait_dma2 semaphore(%arg13 : memref<!tpu.dma_semaphore, #tpu.memory_space<semaphore_mem>>) src(%dma_wait3A_474 : memref<128x64xf32, #tpu.memory_space<vmem>>) dst(%dma_wait3A_470 : memref<128x64xf32, #tpu.memory_space<hbm>>)
      %scan3A_475 = arith.constant 0 : i32
      %scan3A_476 = arith.constant 0 : i32
      %scan3A_477 = arith.constant 32 : i32
      %scan3A_478 = arith.addi %scan3A_476, %scan3A_477 : i32
      %scan3A_479 = arith.constant 1 : i32
      scf.for %scan3A_510 = %scan3A_476 to %scan3A_478 step %scan3A_479  : i32 {
        %mul3A_511 = arith.constant 4 : i32
        %mul3A_512 = arith.muli %scan3A_510, %mul3A_511 : i32
        %add3A_513 = arith.constant 0 : i32
        %add3A_514 = arith.addi %mul3A_512, %add3A_513 : i32
        %get3A = arith.constant 1 : i32
        %get3A_515 = arith.index_cast %get3A : i32 to index
        %get3A_516 = arith.index_cast %add3A_514 : i32 to index
        %get3A_517 = arith.constant 0 : index
        %get3A_518 = tpu.vector_load %arg6[%get3A_515, %get3A_516, %get3A_517] {strides = array<i32>} : memref<4x128x128xf32, #tpu.memory_space<vmem>>, vector<1x1x16xf32>,
        %get3A_519 = vector.shape_cast %get3A_518 : vector<1x1x16xf32> to vector<16xf32>
        %mul3A_520 = arith.constant 8.000000e+00 : f32
        %mul3A_521 = vector.broadcast %mul3A_520 : f32 to vector<16xf32>
        %mul3A_522 = arith.mulf %get3A_519, %mul3A_521 : vector<16xf32>
        %swap3A = arith.constant 1 : i32
        %swap3A_523 = arith.index_cast %swap3A : i32 to index
        %swap3A_524 = arith.index_cast %add3A_514 : i32 to index
        %swap3A_525 = arith.constant 0 : index
        %swap3A_526 = tpu.vector_load %arg7[%swap3A_523, %swap3A_524, %swap3A_525] {strides = array<i32>} : memref<2x128x64xf32, #tpu.memory_space<vmem>>, vector<1x1x16xf32>,
        %swap3A_527 = vector.shape_cast %swap3A_526 : vector<1x1x16xf32> to vector<16xf32>
        %swap3A_528 = vector.shape_cast %mul3A_522 : vector<16xf32> to vector<1x1x16xf32>
        tpu.vector_store %arg7[%swap3A_523, %swap3A_524, %swap3A_525], %swap3A_528 {strides = array<i32>} : memref<2x128x64xf32, #tpu.memory_space<vmem>>, vector<1x1x16xf32>,
        %get3A_529 = arith.constant 1 : i32
        %get3A_530 = arith.index_cast %get3A_529 : i32 to index
        %get3A_531 = arith.index_cast %add3A_514 : i32 to index
        %get3A_532 = arith.constant 16 : index
        %get3A_533 = tpu.vector_load %arg6[%get3A_530, %get3A_531, %get3A_532] {strides = array<i32>} : memref<4x128x128xf32, #tpu.memory_space<vmem>>, vector<1x1x16xf32>,
        %get3A_534 = vector.shape_cast %get3A_533 : vector<1x1x16xf32> to vector<16xf32>
        %mul3A_535 = arith.constant 8.000000e+00 : f32
        %mul3A_536 = vector.broadcast %mul3A_535 : f32 to vector<16xf32>
        %mul3A_537 = arith.mulf %get3A_534, %mul3A_536 : vector<16xf32>
        %swap3A_538 = arith.constant 1 : i32
        %swap3A_539 = arith.index_cast %swap3A_538 : i32 to index
        %swap3A_540 = arith.index_cast %add3A_514 : i32 to index
        %swap3A_541 = arith.constant 16 : index
        %swap3A_542 = tpu.vector_load %arg7[%swap3A_539, %swap3A_540, %swap3A_541] {strides = array<i32>} : memref<2x128x64xf32, #tpu.memory_space<vmem>>, vector<1x1x16xf32>,
        %swap3A_543 = vector.shape_cast %swap3A_542 : vector<1x1x16xf32> to vector<16xf32>
        %swap3A_544 = vector.shape_cast %mul3A_537 : vector<16xf32> to vector<1x1x16xf32>
        tpu.vector_store %arg7[%swap3A_539, %swap3A_540, %swap3A_541], %swap3A_544 {strides = array<i32>} : memref<2x128x64xf32, #tpu.memory_space<vmem>>, vector<1x1x16xf32>,
        %get3A_545 = arith.constant 1 : i32
        %get3A_546 = arith.index_cast %get3A_545 : i32 to index
        %get3A_547 = arith.index_cast %add3A_514 : i32 to index
        %get3A_548 = arith.constant 32 : index
        %get3A_549 = tpu.vector_load %arg6[%get3A_546, %get3A_547, %get3A_548] {strides = array<i32>} : memref<4x128x128xf32, #tpu.memory_space<vmem>>, vector<1x1x16xf32>,
        %get3A_550 = vector.shape_cast %get3A_549 : vector<1x1x16xf32> to vector<16xf32>
        %mul3A_551 = arith.constant 8.000000e+00 : f32
        %mul3A_552 = vector.broadcast %mul3A_551 : f32 to vector<16xf32>
        %mul3A_553 = arith.mulf %get3A_550, %mul3A_552 : vector<16xf32>
        %swap3A_554 = arith.constant 1 : i32
        %swap3A_555 = arith.index_cast %swap3A_554 : i32 to index
        %swap3A_556 = arith.index_cast %add3A_514 : i32 to index
        %swap3A_557 = arith.constant 32 : index
        %swap3A_558 = tpu.vector_load %arg7[%swap3A_555, %swap3A_556, %swap3A_557] {strides = array<i32>} : memref<2x128x64xf32, #tpu.memory_space<vmem>>, vector<1x1x16xf32>,
        %swap3A_559 = vector.shape_cast %swap3A_558 : vector<1x1x16xf32> to vector<16xf32>
        %swap3A_560 = vector.shape_cast %mul3A_553 : vector<16xf32> to vector<1x1x16xf32>
        tpu.vector_store %arg7[%swap3A_555, %swap3A_556, %swap3A_557], %swap3A_560 {strides = array<i32>} : memref<2x128x64xf32, #tpu.memory_space<vmem>>, vector<1x1x16xf32>,
        %get3A_561 = arith.constant 1 : i32
        %get3A_562 = arith.index_cast %get3A_561 : i32 to index
        %get3A_563 = arith.index_cast %add3A_514 : i32 to index
        %get3A_564 = arith.constant 48 : index
        %get3A_565 = tpu.vector_load %arg6[%get3A_562, %get3A_563, %get3A_564] {strides = array<i32>} : memref<4x128x128xf32, #tpu.memory_space<vmem>>, vector<1x1x16xf32>,
        %get3A_566 = vector.shape_cast %get3A_565 : vector<1x1x16xf32> to vector<16xf32>
        %mul3A_567 = arith.constant 8.000000e+00 : f32
        %mul3A_568 = vector.broadcast %mul3A_567 : f32 to vector<16xf32>
        %mul3A_569 = arith.mulf %get3A_566, %mul3A_568 : vector<16xf32>
        %swap3A_570 = arith.constant 1 : i32
        %swap3A_571 = arith.index_cast %swap3A_570 : i32 to index
        %swap3A_572 = arith.index_cast %add3A_514 : i32 to index
        %swap3A_573 = arith.constant 48 : index
        %swap3A_574 = tpu.vector_load %arg7[%swap3A_571, %swap3A_572, %swap3A_573] {strides = array<i32>} : memref<2x128x64xf32, #tpu.memory_space<vmem>>, vector<1x1x16xf32>,
        %swap3A_575 = vector.shape_cast %swap3A_574 : vector<1x1x16xf32> to vector<16xf32>
        %swap3A_576 = vector.shape_cast %mul3A_569 : vector<16xf32> to vector<1x1x16xf32>
        tpu.vector_store %arg7[%swap3A_571, %swap3A_572, %swap3A_573], %swap3A_576 {strides = array<i32>} : memref<2x128x64xf32, #tpu.memory_space<vmem>>, vector<1x1x16xf32>,
        %mul3A_577 = arith.constant 4 : i32
        %mul3A_578 = arith.muli %scan3A_510, %mul3A_577 : i32
        %add3A_579 = arith.constant 1 : i32
        %add3A_580 = arith.addi %mul3A_578, %add3A_579 : i32
        %get3A_581 = arith.constant 1 : i32
        %get3A_582 = arith.index_cast %get3A_581 : i32 to index
        %get3A_583 = arith.index_cast %add3A_580 : i32 to index
        %get3A_584 = arith.constant 0 : index
        %get3A_585 = tpu.vector_load %arg6[%get3A_582, %get3A_583, %get3A_584] {strides = array<i32>} : memref<4x128x128xf32, #tpu.memory_space<vmem>>, vector<1x1x16xf32>,
        %get3A_586 = vector.shape_cast %get3A_585 : vector<1x1x16xf32> to vector<16xf32>
        %mul3A_587 = arith.constant 8.000000e+00 : f32
        %mul3A_588 = vector.broadcast %mul3A_587 : f32 to vector<16xf32>
        %mul3A_589 = arith.mulf %get3A_586, %mul3A_588 : vector<16xf32>
        %swap3A_590 = arith.constant 1 : i32
        %swap3A_591 = arith.index_cast %swap3A_590 : i32 to index
        %swap3A_592 = arith.index_cast %add3A_580 : i32 to index
        %swap3A_593 = arith.constant 0 : index
        %swap3A_594 = tpu.vector_load %arg7[%swap3A_591, %swap3A_592, %swap3A_593] {strides = array<i32>} : memref<2x128x64xf32, #tpu.memory_space<vmem>>, vector<1x1x16xf32>,
        %swap3A_595 = vector.shape_cast %swap3A_594 : vector<1x1x16xf32> to vector<16xf32>
        %swap3A_596 = vector.shape_cast %mul3A_589 : vector<16xf32> to vector<1x1x16xf32>
        tpu.vector_store %arg7[%swap3A_591, %swap3A_592, %swap3A_593], %swap3A_596 {strides = array<i32>} : memref<2x128x64xf32, #tpu.memory_space<vmem>>, vector<1x1x16xf32>,
        %get3A_597 = arith.constant 1 : i32
        %get3A_598 = arith.index_cast %get3A_597 : i32 to index
        %get3A_599 = arith.index_cast %add3A_580 : i32 to index
        %get3A_600 = arith.constant 16 : index
        %get3A_601 = tpu.vector_load %arg6[%get3A_598, %get3A_599, %get3A_600] {strides = array<i32>} : memref<4x128x128xf32, #tpu.memory_space<vmem>>, vector<1x1x16xf32>,
        %get3A_602 = vector.shape_cast %get3A_601 : vector<1x1x16xf32> to vector<16xf32>
        %mul3A_603 = arith.constant 8.000000e+00 : f32
        %mul3A_604 = vector.broadcast %mul3A_603 : f32 to vector<16xf32>
        %mul3A_605 = arith.mulf %get3A_602, %mul3A_604 : vector<16xf32>
        %swap3A_606 = arith.constant 1 : i32
        %swap3A_607 = arith.index_cast %swap3A_606 : i32 to index
        %swap3A_608 = arith.index_cast %add3A_580 : i32 to index
        %swap3A_609 = arith.constant 16 : index
        %swap3A_610 = tpu.vector_load %arg7[%swap3A_607, %swap3A_608, %swap3A_609] {strides = array<i32>} : memref<2x128x64xf32, #tpu.memory_space<vmem>>, vector<1x1x16xf32>,
        %swap3A_611 = vector.shape_cast %swap3A_610 : vector<1x1x16xf32> to vector<16xf32>
        %swap3A_612 = vector.shape_cast %mul3A_605 : vector<16xf32> to vector<1x1x16xf32>
        tpu.vector_store %arg7[%swap3A_607, %swap3A_608, %swap3A_609], %swap3A_612 {strides = array<i32>} : memref<2x128x64xf32, #tpu.memory_space<vmem>>, vector<1x1x16xf32>,
        %get3A_613 = arith.constant 1 : i32
        %get3A_614 = arith.index_cast %get3A_613 : i32 to index
        %get3A_615 = arith.index_cast %add3A_580 : i32 to index
        %get3A_616 = arith.constant 32 : index
        %get3A_617 = tpu.vector_load %arg6[%get3A_614, %get3A_615, %get3A_616] {strides = array<i32>} : memref<4x128x128xf32, #tpu.memory_space<vmem>>, vector<1x1x16xf32>,
        %get3A_618 = vector.shape_cast %get3A_617 : vector<1x1x16xf32> to vector<16xf32>
        %mul3A_619 = arith.constant 8.000000e+00 : f32
        %mul3A_620 = vector.broadcast %mul3A_619 : f32 to vector<16xf32>
        %mul3A_621 = arith.mulf %get3A_618, %mul3A_620 : vector<16xf32>
        %swap3A_622 = arith.constant 1 : i32
        %swap3A_623 = arith.index_cast %swap3A_622 : i32 to index
        %swap3A_624 = arith.index_cast %add3A_580 : i32 to index
        %swap3A_625 = arith.constant 32 : index
        %swap3A_626 = tpu.vector_load %arg7[%swap3A_623, %swap3A_624, %swap3A_625] {strides = array<i32>} : memref<2x128x64xf32, #tpu.memory_space<vmem>>, vector<1x1x16xf32>,
        %swap3A_627 = vector.shape_cast %swap3A_626 : vector<1x1x16xf32> to vector<16xf32>
        %swap3A_628 = vector.shape_cast %mul3A_621 : vector<16xf32> to vector<1x1x16xf32>
        tpu.vector_store %arg7[%swap3A_623, %swap3A_624, %swap3A_625], %swap3A_628 {strides = array<i32>} : memref<2x128x64xf32, #tpu.memory_space<vmem>>, vector<1x1x16xf32>,
        %get3A_629 = arith.constant 1 : i32
        %get3A_630 = arith.index_cast %get3A_629 : i32 to index
        %get3A_631 = arith.index_cast %add3A_580 : i32 to index
        %get3A_632 = arith.constant 48 : index
        %get3A_633 = tpu.vector_load %arg6[%get3A_630, %get3A_631, %get3A_632] {strides = array<i32>} : memref<4x128x128xf32, #tpu.memory_space<vmem>>, vector<1x1x16xf32>,
        %get3A_634 = vector.shape_cast %get3A_633 : vector<1x1x16xf32> to vector<16xf32>
        %mul3A_635 = arith.constant 8.000000e+00 : f32
        %mul3A_636 = vector.broadcast %mul3A_635 : f32 to vector<16xf32>
        %mul3A_637 = arith.mulf %get3A_634, %mul3A_636 : vector<16xf32>
        %swap3A_638 = arith.constant 1 : i32
        %swap3A_639 = arith.index_cast %swap3A_638 : i32 to index
        %swap3A_640 = arith.index_cast %add3A_580 : i32 to index
        %swap3A_641 = arith.constant 48 : index
        %swap3A_642 = tpu.vector_load %arg7[%swap3A_639, %swap3A_640, %swap3A_641] {strides = array<i32>} : memref<2x128x64xf32, #tpu.memory_space<vmem>>, vector<1x1x16xf32>,
        %swap3A_643 = vector.shape_cast %swap3A_642 : vector<1x1x16xf32> to vector<16xf32>
        %swap3A_644 = vector.shape_cast %mul3A_637 : vector<16xf32> to vector<1x1x16xf32>
        tpu.vector_store %arg7[%swap3A_639, %swap3A_640, %swap3A_641], %swap3A_644 {strides = array<i32>} : memref<2x128x64xf32, #tpu.memory_space<vmem>>, vector<1x1x16xf32>,
        %mul3A_645 = arith.constant 4 : i32
        %mul3A_646 = arith.muli %scan3A_510, %mul3A_645 : i32
        %add3A_647 = arith.constant 2 : i32
        %add3A_648 = arith.addi %mul3A_646, %add3A_647 : i32
        %get3A_649 = arith.constant 1 : i32
        %get3A_650 = arith.index_cast %get3A_649 : i32 to index
        %get3A_651 = arith.index_cast %add3A_648 : i32 to index
        %get3A_652 = arith.constant 0 : index
        %get3A_653 = tpu.vector_load %arg6[%get3A_650, %get3A_651, %get3A_652] {strides = array<i32>} : memref<4x128x128xf32, #tpu.memory_space<vmem>>, vector<1x1x16xf32>,
        %get3A_654 = vector.shape_cast %get3A_653 : vector<1x1x16xf32> to vector<16xf32>
        %mul3A_655 = arith.constant 8.000000e+00 : f32
        %mul3A_656 = vector.broadcast %mul3A_655 : f32 to vector<16xf32>
        %mul3A_657 = arith.mulf %get3A_654, %mul3A_656 : vector<16xf32>
        %swap3A_658 = arith.constant 1 : i32
        %swap3A_659 = arith.index_cast %swap3A_658 : i32 to index
        %swap3A_660 = arith.index_cast %add3A_648 : i32 to index
        %swap3A_661 = arith.constant 0 : index
        %swap3A_662 = tpu.vector_load %arg7[%swap3A_659, %swap3A_660, %swap3A_661] {strides = array<i32>} : memref<2x128x64xf32, #tpu.memory_space<vmem>>, vector<1x1x16xf32>,
        %swap3A_663 = vector.shape_cast %swap3A_662 : vector<1x1x16xf32> to vector<16xf32>
        %swap3A_664 = vector.shape_cast %mul3A_657 : vector<16xf32> to vector<1x1x16xf32>
        tpu.vector_store %arg7[%swap3A_659, %swap3A_660, %swap3A_661], %swap3A_664 {strides = array<i32>} : memref<2x128x64xf32, #tpu.memory_space<vmem>>, vector<1x1x16xf32>,
        %get3A_665 = arith.constant 1 : i32
        %get3A_666 = arith.index_cast %get3A_665 : i32 to index
        %get3A_667 = arith.index_cast %add3A_648 : i32 to index
        %get3A_668 = arith.constant 16 : index
        %get3A_669 = tpu.vector_load %arg6[%get3A_666, %get3A_667, %get3A_668] {strides = array<i32>} : memref<4x128x128xf32, #tpu.memory_space<vmem>>, vector<1x1x16xf32>,
        %get3A_670 = vector.shape_cast %get3A_669 : vector<1x1x16xf32> to vector<16xf32>
        %mul3A_671 = arith.constant 8.000000e+00 : f32
        %mul3A_672 = vector.broadcast %mul3A_671 : f32 to vector<16xf32>
        %mul3A_673 = arith.mulf %get3A_670, %mul3A_672 : vector<16xf32>
        %swap3A_674 = arith.constant 1 : i32
        %swap3A_675 = arith.index_cast %swap3A_674 : i32 to index
        %swap3A_676 = arith.index_cast %add3A_648 : i32 to index
        %swap3A_677 = arith.constant 16 : index
        %swap3A_678 = tpu.vector_load %arg7[%swap3A_675, %swap3A_676, %swap3A_677] {strides = array<i32>} : memref<2x128x64xf32, #tpu.memory_space<vmem>>, vector<1x1x16xf32>,
        %swap3A_679 = vector.shape_cast %swap3A_678 : vector<1x1x16xf32> to vector<16xf32>
        %swap3A_680 = vector.shape_cast %mul3A_673 : vector<16xf32> to vector<1x1x16xf32>
        tpu.vector_store %arg7[%swap3A_675, %swap3A_676, %swap3A_677], %swap3A_680 {strides = array<i32>} : memref<2x128x64xf32, #tpu.memory_space<vmem>>, vector<1x1x16xf32>,
        %get3A_681 = arith.constant 1 : i32
        %get3A_682 = arith.index_cast %get3A_681 : i32 to index
        %get3A_683 = arith.index_cast %add3A_648 : i32 to index
        %get3A_684 = arith.constant 32 : index
        %get3A_685 = tpu.vector_load %arg6[%get3A_682, %get3A_683, %get3A_684] {strides = array<i32>} : memref<4x128x128xf32, #tpu.memory_space<vmem>>, vector<1x1x16xf32>,
        %get3A_686 = vector.shape_cast %get3A_685 : vector<1x1x16xf32> to vector<16xf32>
        %mul3A_687 = arith.constant 8.000000e+00 : f32
        %mul3A_688 = vector.broadcast %mul3A_687 : f32 to vector<16xf32>
        %mul3A_689 = arith.mulf %get3A_686, %mul3A_688 : vector<16xf32>
        %swap3A_690 = arith.constant 1 : i32
        %swap3A_691 = arith.index_cast %swap3A_690 : i32 to index
        %swap3A_692 = arith.index_cast %add3A_648 : i32 to index
        %swap3A_693 = arith.constant 32 : index
        %swap3A_694 = tpu.vector_load %arg7[%swap3A_691, %swap3A_692, %swap3A_693] {strides = array<i32>} : memref<2x128x64xf32, #tpu.memory_space<vmem>>, vector<1x1x16xf32>,
        %swap3A_695 = vector.shape_cast %swap3A_694 : vector<1x1x16xf32> to vector<16xf32>
        %swap3A_696 = vector.shape_cast %mul3A_689 : vector<16xf32> to vector<1x1x16xf32>
        tpu.vector_store %arg7[%swap3A_691, %swap3A_692, %swap3A_693], %swap3A_696 {strides = array<i32>} : memref<2x128x64xf32, #tpu.memory_space<vmem>>, vector<1x1x16xf32>,
        %get3A_697 = arith.constant 1 : i32
        %get3A_698 = arith.index_cast %get3A_697 : i32 to index
        %get3A_699 = arith.index_cast %add3A_648 : i32 to index
        %get3A_700 = arith.constant 48 : index
        %get3A_701 = tpu.vector_load %arg6[%get3A_698, %get3A_699, %get3A_700] {strides = array<i32>} : memref<4x128x128xf32, #tpu.memory_space<vmem>>, vector<1x1x16xf32>,
        %get3A_702 = vector.shape_cast %get3A_701 : vector<1x1x16xf32> to vector<16xf32>
        %mul3A_703 = arith.constant 8.000000e+00 : f32
        %mul3A_704 = vector.broadcast %mul3A_703 : f32 to vector<16xf32>
        %mul3A_705 = arith.mulf %get3A_702, %mul3A_704 : vector<16xf32>
        %swap3A_706 = arith.constant 1 : i32
        %swap3A_707 = arith.index_cast %swap3A_706 : i32 to index
        %swap3A_708 = arith.index_cast %add3A_648 : i32 to index
        %swap3A_709 = arith.constant 48 : index
        %swap3A_710 = tpu.vector_load %arg7[%swap3A_707, %swap3A_708, %swap3A_709] {strides = array<i32>} : memref<2x128x64xf32, #tpu.memory_space<vmem>>, vector<1x1x16xf32>,
        %swap3A_711 = vector.shape_cast %swap3A_710 : vector<1x1x16xf32> to vector<16xf32>
        %swap3A_712 = vector.shape_cast %mul3A_705 : vector<16xf32> to vector<1x1x16xf32>
        tpu.vector_store %arg7[%swap3A_707, %swap3A_708, %swap3A_709], %swap3A_712 {strides = array<i32>} : memref<2x128x64xf32, #tpu.memory_space<vmem>>, vector<1x1x16xf32>,
        %mul3A_713 = arith.constant 4 : i32
        %mul3A_714 = arith.muli %scan3A_510, %mul3A_713 : i32
        %add3A_715 = arith.constant 3 : i32
        %add3A_716 = arith.addi %mul3A_714, %add3A_715 : i32
        %get3A_717 = arith.constant 1 : i32
        %get3A_718 = arith.index_cast %get3A_717 : i32 to index
        %get3A_719 = arith.index_cast %add3A_716 : i32 to index
        %get3A_720 = arith.constant 0 : index
        %get3A_721 = tpu.vector_load %arg6[%get3A_718, %get3A_719, %get3A_720] {strides = array<i32>} : memref<4x128x128xf32, #tpu.memory_space<vmem>>, vector<1x1x16xf32>,
        %get3A_722 = vector.shape_cast %get3A_721 : vector<1x1x16xf32> to vector<16xf32>
        %mul3A_723 = arith.constant 8.000000e+00 : f32
        %mul3A_724 = vector.broadcast %mul3A_723 : f32 to vector<16xf32>
        %mul3A_725 = arith.mulf %get3A_722, %mul3A_724 : vector<16xf32>
        %swap3A_726 = arith.constant 1 : i32
        %swap3A_727 = arith.index_cast %swap3A_726 : i32 to index
        %swap3A_728 = arith.index_cast %add3A_716 : i32 to index
        %swap3A_729 = arith.constant 0 : index
        %swap3A_730 = tpu.vector_load %arg7[%swap3A_727, %swap3A_728, %swap3A_729] {strides = array<i32>} : memref<2x128x64xf32, #tpu.memory_space<vmem>>, vector<1x1x16xf32>,
        %swap3A_731 = vector.shape_cast %swap3A_730 : vector<1x1x16xf32> to vector<16xf32>
        %swap3A_732 = vector.shape_cast %mul3A_725 : vector<16xf32> to vector<1x1x16xf32>
        tpu.vector_store %arg7[%swap3A_727, %swap3A_728, %swap3A_729], %swap3A_732 {strides = array<i32>} : memref<2x128x64xf32, #tpu.memory_space<vmem>>, vector<1x1x16xf32>,
        %get3A_733 = arith.constant 1 : i32
        %get3A_734 = arith.index_cast %get3A_733 : i32 to index
        %get3A_735 = arith.index_cast %add3A_716 : i32 to index
        %get3A_736 = arith.constant 16 : index
        %get3A_737 = tpu.vector_load %arg6[%get3A_734, %get3A_735, %get3A_736] {strides = array<i32>} : memref<4x128x128xf32, #tpu.memory_space<vmem>>, vector<1x1x16xf32>,
        %get3A_738 = vector.shape_cast %get3A_737 : vector<1x1x16xf32> to vector<16xf32>
        %mul3A_739 = arith.constant 8.000000e+00 : f32
        %mul3A_740 = vector.broadcast %mul3A_739 : f32 to vector<16xf32>
        %mul3A_741 = arith.mulf %get3A_738, %mul3A_740 : vector<16xf32>
        %swap3A_742 = arith.constant 1 : i32
        %swap3A_743 = arith.index_cast %swap3A_742 : i32 to index
        %swap3A_744 = arith.index_cast %add3A_716 : i32 to index
        %swap3A_745 = arith.constant 16 : index
        %swap3A_746 = tpu.vector_load %arg7[%swap3A_743, %swap3A_744, %swap3A_745] {strides = array<i32>} : memref<2x128x64xf32, #tpu.memory_space<vmem>>, vector<1x1x16xf32>,
        %swap3A_747 = vector.shape_cast %swap3A_746 : vector<1x1x16xf32> to vector<16xf32>
        %swap3A_748 = vector.shape_cast %mul3A_741 : vector<16xf32> to vector<1x1x16xf32>
        tpu.vector_store %arg7[%swap3A_743, %swap3A_744, %swap3A_745], %swap3A_748 {strides = array<i32>} : memref<2x128x64xf32, #tpu.memory_space<vmem>>, vector<1x1x16xf32>,
        %get3A_749 = arith.constant 1 : i32
        %get3A_750 = arith.index_cast %get3A_749 : i32 to index
        %get3A_751 = arith.index_cast %add3A_716 : i32 to index
        %get3A_752 = arith.constant 32 : index
        %get3A_753 = tpu.vector_load %arg6[%get3A_750, %get3A_751, %get3A_752] {strides = array<i32>} : memref<4x128x128xf32, #tpu.memory_space<vmem>>, vector<1x1x16xf32>,
        %get3A_754 = vector.shape_cast %get3A_753 : vector<1x1x16xf32> to vector<16xf32>
        %mul3A_755 = arith.constant 8.000000e+00 : f32
        %mul3A_756 = vector.broadcast %mul3A_755 : f32 to vector<16xf32>
        %mul3A_757 = arith.mulf %get3A_754, %mul3A_756 : vector<16xf32>
        %swap3A_758 = arith.constant 1 : i32
        %swap3A_759 = arith.index_cast %swap3A_758 : i32 to index
        %swap3A_760 = arith.index_cast %add3A_716 : i32 to index
        %swap3A_761 = arith.constant 32 : index
        %swap3A_762 = tpu.vector_load %arg7[%swap3A_759, %swap3A_760, %swap3A_761] {strides = array<i32>} : memref<2x128x64xf32, #tpu.memory_space<vmem>>, vector<1x1x16xf32>,
        %swap3A_763 = vector.shape_cast %swap3A_762 : vector<1x1x16xf32> to vector<16xf32>
        %swap3A_764 = vector.shape_cast %mul3A_757 : vector<16xf32> to vector<1x1x16xf32>
        tpu.vector_store %arg7[%swap3A_759, %swap3A_760, %swap3A_761], %swap3A_764 {strides = array<i32>} : memref<2x128x64xf32, #tpu.memory_space<vmem>>, vector<1x1x16xf32>,
        %get3A_765 = arith.constant 1 : i32
        %get3A_766 = arith.index_cast %get3A_765 : i32 to index
        %get3A_767 = arith.index_cast %add3A_716 : i32 to index
        %get3A_768 = arith.constant 48 : index
        %get3A_769 = tpu.vector_load %arg6[%get3A_766, %get3A_767, %get3A_768] {strides = array<i32>} : memref<4x128x128xf32, #tpu.memory_space<vmem>>, vector<1x1x16xf32>,
        %get3A_770 = vector.shape_cast %get3A_769 : vector<1x1x16xf32> to vector<16xf32>
        %mul3A_771 = arith.constant 8.000000e+00 : f32
        %mul3A_772 = vector.broadcast %mul3A_771 : f32 to vector<16xf32>
        %mul3A_773 = arith.mulf %get3A_770, %mul3A_772 : vector<16xf32>
        %swap3A_774 = arith.constant 1 : i32
        %swap3A_775 = arith.index_cast %swap3A_774 : i32 to index
        %swap3A_776 = arith.index_cast %add3A_716 : i32 to index
        %swap3A_777 = arith.constant 48 : index
        %swap3A_778 = tpu.vector_load %arg7[%swap3A_775, %swap3A_776, %swap3A_777] {strides = array<i32>} : memref<2x128x64xf32, #tpu.memory_space<vmem>>, vector<1x1x16xf32>,
        %swap3A_779 = vector.shape_cast %swap3A_778 : vector<1x1x16xf32> to vector<16xf32>
        %swap3A_780 = vector.shape_cast %mul3A_773 : vector<16xf32> to vector<1x1x16xf32>
        tpu.vector_store %arg7[%swap3A_775, %swap3A_776, %swap3A_777], %swap3A_780 {strides = array<i32>} : memref<2x128x64xf32, #tpu.memory_space<vmem>>, vector<1x1x16xf32>,
      }
      %scan3A_480 = arith.constant 32 : i32
      %mul3A_481 = arith.constant 128 : i32
      %mul3A_482 = arith.muli %add3A_445, %mul3A_481 : i32
      %add3A_483 = arith.addi %mul3A_2, %mul3A_482 : i32
      %dma_start3A_484 = arith.constant 1 : i32
      %dma_start3A_485 = arith.constant 0 : i32
      %dma_start3A_486 = arith.constant 0 : i32
      %dma_start3A_487 = tpu.memref_slice %arg7[%dma_start3A_484, %dma_start3A_485, %dma_start3A_486] : memref<2x128x64xf32, #tpu.memory_space<vmem>> -> memref<1x128x64xf32, #tpu.memory_space<vmem>>
      %dma_start3A_488 = tpu.memref_squeeze %dma_start3A_487 : memref<1x128x64xf32, #tpu.memory_space<vmem>> -> memref<128x64xf32, #tpu.memory_space<vmem>>
      %dma_start3A_489 = arith.constant 0 : i32
      %dma_start3A_490 = tpu.memref_slice %arg4[%add3A_483, %dma_start3A_489] : memref<819200x64xf32, #tpu.memory_space<hbm>> -> memref<128x64xf32, #tpu.memory_space<hbm>>
      %dma_start3A_491 = arith.constant 0 : i32
      %dma_start3A_492 = tpu.memref_slice %arg4[%add3A_483, %dma_start3A_491] : memref<819200x64xf32, #tpu.memory_space<hbm>> -> memref<128x64xf32, #tpu.memory_space<hbm>>
      %dma_start3A_493 = arith.constant 0 : i32
      %dma_start3A_494 = arith.constant 0 : i32
      %dma_start3A_495 = tpu.memref_slice %arg7[%dma_start3A_484, %dma_start3A_493, %dma_start3A_494] : memref<2x128x64xf32, #tpu.memory_space<vmem>> -> memref<1x128x64xf32, #tpu.memory_space<vmem>>
      %dma_start3A_496 = tpu.memref_squeeze %dma_start3A_495 : memref<1x128x64xf32, #tpu.memory_space<vmem>> -> memref<128x64xf32, #tpu.memory_space<vmem>>
      tpu.enqueue_dma source(%dma_start3A_496 : memref<128x64xf32, #tpu.memory_space<vmem>>) target(%dma_start3A_492 : memref<128x64xf32, #tpu.memory_space<hbm>>) target_semaphore(%arg13 : memref<!tpu.dma_semaphore, #tpu.memory_space<semaphore_mem>>)
      %add3A_497 = arith.constant 2 : i32
      %add3A_498 = arith.addi %add3A_445, %add3A_497 : i32
      %mul3A_499 = arith.constant 128 : i32
      %mul3A_500 = arith.muli %add3A_498, %mul3A_499 : i32
      %dma_start3A_501 = arith.constant 3 : i32
      %dma_start3A_502 = arith.constant 0 : i32
      %dma_start3A_503 = arith.constant 0 : i32
      %dma_start3A_504 = tpu.memref_slice %arg6[%dma_start3A_501, %dma_start3A_502, %dma_start3A_503] : memref<4x128x128xf32, #tpu.memory_space<vmem>> -> memref<1x128x128xf32, #tpu.memory_space<vmem>>
      %dma_start3A_505 = tpu.memref_squeeze %dma_start3A_504 : memref<1x128x128xf32, #tpu.memory_space<vmem>> -> memref<128x128xf32, #tpu.memory_space<vmem>>
      %dma_start3A_506 = tpu.memref_slice %arg5[%mul3A_500] : memref<25600xi32, #tpu.memory_space<vmem>> -> memref<128xi32, #tpu.memory_space<vmem>>
      %dma_start3A_507 = arith.constant 0 : i32
      %dma_start3A_508 = arith.constant 0 : i32
      %dma_start3A_509 = tpu.memref_slice %arg3[%dma_start3A_507, %dma_start3A_508] : memref<1000000x128xf32, #tpu.memory_space<hbm>> -> memref<1000000x128xf32, #tpu.memory_space<hbm>>
      tpu.enqueue_indirect_dma source(%dma_start3A_509 : memref<1000000x128xf32, #tpu.memory_space<hbm>>) target(%dma_start3A_505 : memref<128x128xf32, #tpu.memory_space<vmem>>) offsets(%dma_start3A_506 : memref<128xi32, #tpu.memory_space<vmem>>) semaphore(%arg11 : memref<!tpu.dma_semaphore, #tpu.memory_space<semaphore_mem>>)
    }
    %scan3A_107 = arith.constant 49 : i32
    %dma_wait3A_108 = arith.constant 2 : i32
    %dma_wait3A_109 = arith.constant 0 : i32
    %dma_wait3A_110 = arith.constant 0 : i32
    %dma_wait3A_111 = tpu.memref_slice %arg6[%dma_wait3A_108, %dma_wait3A_109, %dma_wait3A_110] : memref<4x128x128xf32, #tpu.memory_space<vmem>> -> memref<1x128x128xf32, #tpu.memory_space<vmem>>
    %dma_wait3A_112 = tpu.memref_squeeze %dma_wait3A_111 : memref<1x128x128xf32, #tpu.memory_space<vmem>> -> memref<128x128xf32, #tpu.memory_space<vmem>>
    %dma_wait3A_113 = arith.constant 25344 : i32
    %dma_wait3A_114 = tpu.memref_slice %arg5[%dma_wait3A_113] : memref<25600xi32, #tpu.memory_space<vmem>> -> memref<128xi32, #tpu.memory_space<vmem>>
    %dma_wait3A_115 = arith.constant 0 : i32
    %dma_wait3A_116 = arith.constant 0 : i32
    %dma_wait3A_117 = tpu.memref_slice %arg3[%dma_wait3A_115, %dma_wait3A_116] : memref<1000000x128xf32, #tpu.memory_space<hbm>> -> memref<1000000x128xf32, #tpu.memory_space<hbm>>
    tpu.wait_indirect_dma semaphore(%arg10 : memref<!tpu.dma_semaphore, #tpu.memory_space<semaphore_mem>>) src(%dma_wait3A_117 : memref<1000000x128xf32, #tpu.memory_space<hbm>>) dst(%dma_wait3A_112 : memref<128x128xf32, #tpu.memory_space<vmem>>)
    %add3A_118 = arith.constant 25088 : i32
    %add3A_119 = arith.addi %mul3A_2, %add3A_118 : i32
    %dma_wait3A_120 = arith.constant 0 : i32
    %dma_wait3A_121 = arith.constant 0 : i32
    %dma_wait3A_122 = arith.constant 0 : i32
    %dma_wait3A_123 = tpu.memref_slice %arg7[%dma_wait3A_120, %dma_wait3A_121, %dma_wait3A_122] : memref<2x128x64xf32, #tpu.memory_space<vmem>> -> memref<1x128x64xf32, #tpu.memory_space<vmem>>
    %dma_wait3A_124 = tpu.memref_squeeze %dma_wait3A_123 : memref<1x128x64xf32, #tpu.memory_space<vmem>> -> memref<128x64xf32, #tpu.memory_space<vmem>>
    %dma_wait3A_125 = arith.constant 0 : i32
    %dma_wait3A_126 = tpu.memref_slice %arg4[%add3A_119, %dma_wait3A_125] : memref<819200x64xf32, #tpu.memory_space<hbm>> -> memref<128x64xf32, #tpu.memory_space<hbm>>
    %dma_wait3A_127 = arith.constant 0 : i32
    %dma_wait3A_128 = tpu.memref_slice %arg4[%add3A_119, %dma_wait3A_127] : memref<819200x64xf32, #tpu.memory_space<hbm>> -> memref<128x64xf32, #tpu.memory_space<hbm>>
    %dma_wait3A_129 = arith.constant 0 : i32
    %dma_wait3A_130 = arith.constant 0 : i32
    %dma_wait3A_131 = tpu.memref_slice %arg7[%dma_wait3A_120, %dma_wait3A_129, %dma_wait3A_130] : memref<2x128x64xf32, #tpu.memory_space<vmem>> -> memref<1x128x64xf32, #tpu.memory_space<vmem>>
    %dma_wait3A_132 = tpu.memref_squeeze %dma_wait3A_131 : memref<1x128x64xf32, #tpu.memory_space<vmem>> -> memref<128x64xf32, #tpu.memory_space<vmem>>
    tpu.wait_dma2 semaphore(%arg12 : memref<!tpu.dma_semaphore, #tpu.memory_space<semaphore_mem>>) src(%dma_wait3A_132 : memref<128x64xf32, #tpu.memory_space<vmem>>) dst(%dma_wait3A_128 : memref<128x64xf32, #tpu.memory_space<hbm>>)
    %scan3A_133 = arith.constant 0 : i32
    %scan3A_134 = arith.constant 0 : i32
    %scan3A_135 = arith.constant 32 : i32
    %scan3A_136 = arith.addi %scan3A_134, %scan3A_135 : i32
    %scan3A_137 = arith.constant 1 : i32
    scf.for %scan3A_230 = %scan3A_134 to %scan3A_136 step %scan3A_137  : i32 {
      %mul3A_231 = arith.constant 4 : i32
      %mul3A_232 = arith.muli %scan3A_230, %mul3A_231 : i32
      %add3A_233 = arith.constant 0 : i32
      %add3A_234 = arith.addi %mul3A_232, %add3A_233 : i32
      %get3A = arith.constant 2 : i32
      %get3A_235 = arith.index_cast %get3A : i32 to index
      %get3A_236 = arith.index_cast %add3A_234 : i32 to index
      %get3A_237 = arith.constant 0 : index
      %get3A_238 = tpu.vector_load %arg6[%get3A_235, %get3A_236, %get3A_237] {strides = array<i32>} : memref<4x128x128xf32, #tpu.memory_space<vmem>>, vector<1x1x16xf32>,
      %get3A_239 = vector.shape_cast %get3A_238 : vector<1x1x16xf32> to vector<16xf32>
      %mul3A_240 = arith.constant 8.000000e+00 : f32
      %mul3A_241 = vector.broadcast %mul3A_240 : f32 to vector<16xf32>
      %mul3A_242 = arith.mulf %get3A_239, %mul3A_241 : vector<16xf32>
      %swap3A = arith.constant 0 : i32
      %swap3A_243 = arith.index_cast %swap3A : i32 to index
      %swap3A_244 = arith.index_cast %add3A_234 : i32 to index
      %swap3A_245 = arith.constant 0 : index
      %swap3A_246 = tpu.vector_load %arg7[%swap3A_243, %swap3A_244, %swap3A_245] {strides = array<i32>} : memref<2x128x64xf32, #tpu.memory_space<vmem>>, vector<1x1x16xf32>,
      %swap3A_247 = vector.shape_cast %swap3A_246 : vector<1x1x16xf32> to vector<16xf32>
      %swap3A_248 = vector.shape_cast %mul3A_242 : vector<16xf32> to vector<1x1x16xf32>
      tpu.vector_store %arg7[%swap3A_243, %swap3A_244, %swap3A_245], %swap3A_248 {strides = array<i32>} : memref<2x128x64xf32, #tpu.memory_space<vmem>>, vector<1x1x16xf32>,
      %get3A_249 = arith.constant 2 : i32
      %get3A_250 = arith.index_cast %get3A_249 : i32 to index
      %get3A_251 = arith.index_cast %add3A_234 : i32 to index
      %get3A_252 = arith.constant 16 : index
      %get3A_253 = tpu.vector_load %arg6[%get3A_250, %get3A_251, %get3A_252] {strides = array<i32>} : memref<4x128x128xf32, #tpu.memory_space<vmem>>, vector<1x1x16xf32>,
      %get3A_254 = vector.shape_cast %get3A_253 : vector<1x1x16xf32> to vector<16xf32>
      %mul3A_255 = arith.constant 8.000000e+00 : f32
      %mul3A_256 = vector.broadcast %mul3A_255 : f32 to vector<16xf32>
      %mul3A_257 = arith.mulf %get3A_254, %mul3A_256 : vector<16xf32>
      %swap3A_258 = arith.constant 0 : i32
      %swap3A_259 = arith.index_cast %swap3A_258 : i32 to index
      %swap3A_260 = arith.index_cast %add3A_234 : i32 to index
      %swap3A_261 = arith.constant 16 : index
      %swap3A_262 = tpu.vector_load %arg7[%swap3A_259, %swap3A_260, %swap3A_261] {strides = array<i32>} : memref<2x128x64xf32, #tpu.memory_space<vmem>>, vector<1x1x16xf32>,
      %swap3A_263 = vector.shape_cast %swap3A_262 : vector<1x1x16xf32> to vector<16xf32>
      %swap3A_264 = vector.shape_cast %mul3A_257 : vector<16xf32> to vector<1x1x16xf32>
      tpu.vector_store %arg7[%swap3A_259, %swap3A_260, %swap3A_261], %swap3A_264 {strides = array<i32>} : memref<2x128x64xf32, #tpu.memory_space<vmem>>, vector<1x1x16xf32>,
      %get3A_265 = arith.constant 2 : i32
      %get3A_266 = arith.index_cast %get3A_265 : i32 to index
      %get3A_267 = arith.index_cast %add3A_234 : i32 to index
      %get3A_268 = arith.constant 32 : index
      %get3A_269 = tpu.vector_load %arg6[%get3A_266, %get3A_267, %get3A_268] {strides = array<i32>} : memref<4x128x128xf32, #tpu.memory_space<vmem>>, vector<1x1x16xf32>,
      %get3A_270 = vector.shape_cast %get3A_269 : vector<1x1x16xf32> to vector<16xf32>
      %mul3A_271 = arith.constant 8.000000e+00 : f32
      %mul3A_272 = vector.broadcast %mul3A_271 : f32 to vector<16xf32>
      %mul3A_273 = arith.mulf %get3A_270, %mul3A_272 : vector<16xf32>
      %swap3A_274 = arith.constant 0 : i32
      %swap3A_275 = arith.index_cast %swap3A_274 : i32 to index
      %swap3A_276 = arith.index_cast %add3A_234 : i32 to index
      %swap3A_277 = arith.constant 32 : index
      %swap3A_278 = tpu.vector_load %arg7[%swap3A_275, %swap3A_276, %swap3A_277] {strides = array<i32>} : memref<2x128x64xf32, #tpu.memory_space<vmem>>, vector<1x1x16xf32>,
      %swap3A_279 = vector.shape_cast %swap3A_278 : vector<1x1x16xf32> to vector<16xf32>
      %swap3A_280 = vector.shape_cast %mul3A_273 : vector<16xf32> to vector<1x1x16xf32>
      tpu.vector_store %arg7[%swap3A_275, %swap3A_276, %swap3A_277], %swap3A_280 {strides = array<i32>} : memref<2x128x64xf32, #tpu.memory_space<vmem>>, vector<1x1x16xf32>,
      %get3A_281 = arith.constant 2 : i32
      %get3A_282 = arith.index_cast %get3A_281 : i32 to index
      %get3A_283 = arith.index_cast %add3A_234 : i32 to index
      %get3A_284 = arith.constant 48 : index
      %get3A_285 = tpu.vector_load %arg6[%get3A_282, %get3A_283, %get3A_284] {strides = array<i32>} : memref<4x128x128xf32, #tpu.memory_space<vmem>>, vector<1x1x16xf32>,
      %get3A_286 = vector.shape_cast %get3A_285 : vector<1x1x16xf32> to vector<16xf32>
      %mul3A_287 = arith.constant 8.000000e+00 : f32
      %mul3A_288 = vector.broadcast %mul3A_287 : f32 to vector<16xf32>
      %mul3A_289 = arith.mulf %get3A_286, %mul3A_288 : vector<16xf32>
      %swap3A_290 = arith.constant 0 : i32
      %swap3A_291 = arith.index_cast %swap3A_290 : i32 to index
      %swap3A_292 = arith.index_cast %add3A_234 : i32 to index
      %swap3A_293 = arith.constant 48 : index
      %swap3A_294 = tpu.vector_load %arg7[%swap3A_291, %swap3A_292, %swap3A_293] {strides = array<i32>} : memref<2x128x64xf32, #tpu.memory_space<vmem>>, vector<1x1x16xf32>,
      %swap3A_295 = vector.shape_cast %swap3A_294 : vector<1x1x16xf32> to vector<16xf32>
      %swap3A_296 = vector.shape_cast %mul3A_289 : vector<16xf32> to vector<1x1x16xf32>
      tpu.vector_store %arg7[%swap3A_291, %swap3A_292, %swap3A_293], %swap3A_296 {strides = array<i32>} : memref<2x128x64xf32, #tpu.memory_space<vmem>>, vector<1x1x16xf32>,
      %mul3A_297 = arith.constant 4 : i32
      %mul3A_298 = arith.muli %scan3A_230, %mul3A_297 : i32
      %add3A_299 = arith.constant 1 : i32
      %add3A_300 = arith.addi %mul3A_298, %add3A_299 : i32
      %get3A_301 = arith.constant 2 : i32
      %get3A_302 = arith.index_cast %get3A_301 : i32 to index
      %get3A_303 = arith.index_cast %add3A_300 : i32 to index
      %get3A_304 = arith.constant 0 : index
      %get3A_305 = tpu.vector_load %arg6[%get3A_302, %get3A_303, %get3A_304] {strides = array<i32>} : memref<4x128x128xf32, #tpu.memory_space<vmem>>, vector<1x1x16xf32>,
      %get3A_306 = vector.shape_cast %get3A_305 : vector<1x1x16xf32> to vector<16xf32>
      %mul3A_307 = arith.constant 8.000000e+00 : f32
      %mul3A_308 = vector.broadcast %mul3A_307 : f32 to vector<16xf32>
      %mul3A_309 = arith.mulf %get3A_306, %mul3A_308 : vector<16xf32>
      %swap3A_310 = arith.constant 0 : i32
      %swap3A_311 = arith.index_cast %swap3A_310 : i32 to index
      %swap3A_312 = arith.index_cast %add3A_300 : i32 to index
      %swap3A_313 = arith.constant 0 : index
      %swap3A_314 = tpu.vector_load %arg7[%swap3A_311, %swap3A_312, %swap3A_313] {strides = array<i32>} : memref<2x128x64xf32, #tpu.memory_space<vmem>>, vector<1x1x16xf32>,
      %swap3A_315 = vector.shape_cast %swap3A_314 : vector<1x1x16xf32> to vector<16xf32>
      %swap3A_316 = vector.shape_cast %mul3A_309 : vector<16xf32> to vector<1x1x16xf32>
      tpu.vector_store %arg7[%swap3A_311, %swap3A_312, %swap3A_313], %swap3A_316 {strides = array<i32>} : memref<2x128x64xf32, #tpu.memory_space<vmem>>, vector<1x1x16xf32>,
      %get3A_317 = arith.constant 2 : i32
      %get3A_318 = arith.index_cast %get3A_317 : i32 to index
      %get3A_319 = arith.index_cast %add3A_300 : i32 to index
      %get3A_320 = arith.constant 16 : index
      %get3A_321 = tpu.vector_load %arg6[%get3A_318, %get3A_319, %get3A_320] {strides = array<i32>} : memref<4x128x128xf32, #tpu.memory_space<vmem>>, vector<1x1x16xf32>,
      %get3A_322 = vector.shape_cast %get3A_321 : vector<1x1x16xf32> to vector<16xf32>
      %mul3A_323 = arith.constant 8.000000e+00 : f32
      %mul3A_324 = vector.broadcast %mul3A_323 : f32 to vector<16xf32>
      %mul3A_325 = arith.mulf %get3A_322, %mul3A_324 : vector<16xf32>
      %swap3A_326 = arith.constant 0 : i32
      %swap3A_327 = arith.index_cast %swap3A_326 : i32 to index
      %swap3A_328 = arith.index_cast %add3A_300 : i32 to index
      %swap3A_329 = arith.constant 16 : index
      %swap3A_330 = tpu.vector_load %arg7[%swap3A_327, %swap3A_328, %swap3A_329] {strides = array<i32>} : memref<2x128x64xf32, #tpu.memory_space<vmem>>, vector<1x1x16xf32>,
      %swap3A_331 = vector.shape_cast %swap3A_330 : vector<1x1x16xf32> to vector<16xf32>
      %swap3A_332 = vector.shape_cast %mul3A_325 : vector<16xf32> to vector<1x1x16xf32>
      tpu.vector_store %arg7[%swap3A_327, %swap3A_328, %swap3A_329], %swap3A_332 {strides = array<i32>} : memref<2x128x64xf32, #tpu.memory_space<vmem>>, vector<1x1x16xf32>,
      %get3A_333 = arith.constant 2 : i32
      %get3A_334 = arith.index_cast %get3A_333 : i32 to index
      %get3A_335 = arith.index_cast %add3A_300 : i32 to index
      %get3A_336 = arith.constant 32 : index
      %get3A_337 = tpu.vector_load %arg6[%get3A_334, %get3A_335, %get3A_336] {strides = array<i32>} : memref<4x128x128xf32, #tpu.memory_space<vmem>>, vector<1x1x16xf32>,
      %get3A_338 = vector.shape_cast %get3A_337 : vector<1x1x16xf32> to vector<16xf32>
      %mul3A_339 = arith.constant 8.000000e+00 : f32
      %mul3A_340 = vector.broadcast %mul3A_339 : f32 to vector<16xf32>
      %mul3A_341 = arith.mulf %get3A_338, %mul3A_340 : vector<16xf32>
      %swap3A_342 = arith.constant 0 : i32
      %swap3A_343 = arith.index_cast %swap3A_342 : i32 to index
      %swap3A_344 = arith.index_cast %add3A_300 : i32 to index
      %swap3A_345 = arith.constant 32 : index
      %swap3A_346 = tpu.vector_load %arg7[%swap3A_343, %swap3A_344, %swap3A_345] {strides = array<i32>} : memref<2x128x64xf32, #tpu.memory_space<vmem>>, vector<1x1x16xf32>,
      %swap3A_347 = vector.shape_cast %swap3A_346 : vector<1x1x16xf32> to vector<16xf32>
      %swap3A_348 = vector.shape_cast %mul3A_341 : vector<16xf32> to vector<1x1x16xf32>
      tpu.vector_store %arg7[%swap3A_343, %swap3A_344, %swap3A_345], %swap3A_348 {strides = array<i32>} : memref<2x128x64xf32, #tpu.memory_space<vmem>>, vector<1x1x16xf32>,
      %get3A_349 = arith.constant 2 : i32
      %get3A_350 = arith.index_cast %get3A_349 : i32 to index
      %get3A_351 = arith.index_cast %add3A_300 : i32 to index
      %get3A_352 = arith.constant 48 : index
      %get3A_353 = tpu.vector_load %arg6[%get3A_350, %get3A_351, %get3A_352] {strides = array<i32>} : memref<4x128x128xf32, #tpu.memory_space<vmem>>, vector<1x1x16xf32>,
      %get3A_354 = vector.shape_cast %get3A_353 : vector<1x1x16xf32> to vector<16xf32>
      %mul3A_355 = arith.constant 8.000000e+00 : f32
      %mul3A_356 = vector.broadcast %mul3A_355 : f32 to vector<16xf32>
      %mul3A_357 = arith.mulf %get3A_354, %mul3A_356 : vector<16xf32>
      %swap3A_358 = arith.constant 0 : i32
      %swap3A_359 = arith.index_cast %swap3A_358 : i32 to index
      %swap3A_360 = arith.index_cast %add3A_300 : i32 to index
      %swap3A_361 = arith.constant 48 : index
      %swap3A_362 = tpu.vector_load %arg7[%swap3A_359, %swap3A_360, %swap3A_361] {strides = array<i32>} : memref<2x128x64xf32, #tpu.memory_space<vmem>>, vector<1x1x16xf32>,
      %swap3A_363 = vector.shape_cast %swap3A_362 : vector<1x1x16xf32> to vector<16xf32>
      %swap3A_364 = vector.shape_cast %mul3A_357 : vector<16xf32> to vector<1x1x16xf32>
      tpu.vector_store %arg7[%swap3A_359, %swap3A_360, %swap3A_361], %swap3A_364 {strides = array<i32>} : memref<2x128x64xf32, #tpu.memory_space<vmem>>, vector<1x1x16xf32>,
      %mul3A_365 = arith.constant 4 : i32
      %mul3A_366 = arith.muli %scan3A_230, %mul3A_365 : i32
      %add3A_367 = arith.constant 2 : i32
      %add3A_368 = arith.addi %mul3A_366, %add3A_367 : i32
      %get3A_369 = arith.constant 2 : i32
      %get3A_370 = arith.index_cast %get3A_369 : i32 to index
      %get3A_371 = arith.index_cast %add3A_368 : i32 to index
      %get3A_372 = arith.constant 0 : index
      %get3A_373 = tpu.vector_load %arg6[%get3A_370, %get3A_371, %get3A_372] {strides = array<i32>} : memref<4x128x128xf32, #tpu.memory_space<vmem>>, vector<1x1x16xf32>,
      %get3A_374 = vector.shape_cast %get3A_373 : vector<1x1x16xf32> to vector<16xf32>
      %mul3A_375 = arith.constant 8.000000e+00 : f32
      %mul3A_376 = vector.broadcast %mul3A_375 : f32 to vector<16xf32>
      %mul3A_377 = arith.mulf %get3A_374, %mul3A_376 : vector<16xf32>
      %swap3A_378 = arith.constant 0 : i32
      %swap3A_379 = arith.index_cast %swap3A_378 : i32 to index
      %swap3A_380 = arith.index_cast %add3A_368 : i32 to index
      %swap3A_381 = arith.constant 0 : index
      %swap3A_382 = tpu.vector_load %arg7[%swap3A_379, %swap3A_380, %swap3A_381] {strides = array<i32>} : memref<2x128x64xf32, #tpu.memory_space<vmem>>, vector<1x1x16xf32>,
      %swap3A_383 = vector.shape_cast %swap3A_382 : vector<1x1x16xf32> to vector<16xf32>
      %swap3A_384 = vector.shape_cast %mul3A_377 : vector<16xf32> to vector<1x1x16xf32>
      tpu.vector_store %arg7[%swap3A_379, %swap3A_380, %swap3A_381], %swap3A_384 {strides = array<i32>} : memref<2x128x64xf32, #tpu.memory_space<vmem>>, vector<1x1x16xf32>,
      %get3A_385 = arith.constant 2 : i32
      %get3A_386 = arith.index_cast %get3A_385 : i32 to index
      %get3A_387 = arith.index_cast %add3A_368 : i32 to index
      %get3A_388 = arith.constant 16 : index
      %get3A_389 = tpu.vector_load %arg6[%get3A_386, %get3A_387, %get3A_388] {strides = array<i32>} : memref<4x128x128xf32, #tpu.memory_space<vmem>>, vector<1x1x16xf32>,
      %get3A_390 = vector.shape_cast %get3A_389 : vector<1x1x16xf32> to vector<16xf32>
      %mul3A_391 = arith.constant 8.000000e+00 : f32
      %mul3A_392 = vector.broadcast %mul3A_391 : f32 to vector<16xf32>
      %mul3A_393 = arith.mulf %get3A_390, %mul3A_392 : vector<16xf32>
      %swap3A_394 = arith.constant 0 : i32
      %swap3A_395 = arith.index_cast %swap3A_394 : i32 to index
      %swap3A_396 = arith.index_cast %add3A_368 : i32 to index
      %swap3A_397 = arith.constant 16 : index
      %swap3A_398 = tpu.vector_load %arg7[%swap3A_395, %swap3A_396, %swap3A_397] {strides = array<i32>} : memref<2x128x64xf32, #tpu.memory_space<vmem>>, vector<1x1x16xf32>,
      %swap3A_399 = vector.shape_cast %swap3A_398 : vector<1x1x16xf32> to vector<16xf32>
      %swap3A_400 = vector.shape_cast %mul3A_393 : vector<16xf32> to vector<1x1x16xf32>
      tpu.vector_store %arg7[%swap3A_395, %swap3A_396, %swap3A_397], %swap3A_400 {strides = array<i32>} : memref<2x128x64xf32, #tpu.memory_space<vmem>>, vector<1x1x16xf32>,
      %get3A_401 = arith.constant 2 : i32
      %get3A_402 = arith.index_cast %get3A_401 : i32 to index
      %get3A_403 = arith.index_cast %add3A_368 : i32 to index
      %get3A_404 = arith.constant 32 : index
      %get3A_405 = tpu.vector_load %arg6[%get3A_402, %get3A_403, %get3A_404] {strides = array<i32>} : memref<4x128x128xf32, #tpu.memory_space<vmem>>, vector<1x1x16xf32>,
      %get3A_406 = vector.shape_cast %get3A_405 : vector<1x1x16xf32> to vector<16xf32>
      %mul3A_407 = arith.constant 8.000000e+00 : f32
      %mul3A_408 = vector.broadcast %mul3A_407 : f32 to vector<16xf32>
      %mul3A_409 = arith.mulf %get3A_406, %mul3A_408 : vector<16xf32>
      %swap3A_410 = arith.constant 0 : i32
      %swap3A_411 = arith.index_cast %swap3A_410 : i32 to index
      %swap3A_412 = arith.index_cast %add3A_368 : i32 to index
      %swap3A_413 = arith.constant 32 : index
      %swap3A_414 = tpu.vector_load %arg7[%swap3A_411, %swap3A_412, %swap3A_413] {strides = array<i32>} : memref<2x128x64xf32, #tpu.memory_space<vmem>>, vector<1x1x16xf32>,
      %swap3A_415 = vector.shape_cast %swap3A_414 : vector<1x1x16xf32> to vector<16xf32>
      %swap3A_416 = vector.shape_cast %mul3A_409 : vector<16xf32> to vector<1x1x16xf32>
      tpu.vector_store %arg7[%swap3A_411, %swap3A_412, %swap3A_413], %swap3A_416 {strides = array<i32>} : memref<2x128x64xf32, #tpu.memory_space<vmem>>, vector<1x1x16xf32>,
      %get3A_417 = arith.constant 2 : i32
      %get3A_418 = arith.index_cast %get3A_417 : i32 to index
      %get3A_419 = arith.index_cast %add3A_368 : i32 to index
      %get3A_420 = arith.constant 48 : index
      %get3A_421 = tpu.vector_load %arg6[%get3A_418, %get3A_419, %get3A_420] {strides = array<i32>} : memref<4x128x128xf32, #tpu.memory_space<vmem>>, vector<1x1x16xf32>,
      %get3A_422 = vector.shape_cast %get3A_421 : vector<1x1x16xf32> to vector<16xf32>
      %mul3A_423 = arith.constant 8.000000e+00 : f32
      %mul3A_424 = vector.broadcast %mul3A_423 : f32 to vector<16xf32>
      %mul3A_425 = arith.mulf %get3A_422, %mul3A_424 : vector<16xf32>
      %swap3A_426 = arith.constant 0 : i32
      %swap3A_427 = arith.index_cast %swap3A_426 : i32 to index
      %swap3A_428 = arith.index_cast %add3A_368 : i32 to index
      %swap3A_429 = arith.constant 48 : index
      %swap3A_430 = tpu.vector_load %arg7[%swap3A_427, %swap3A_428, %swap3A_429] {strides = array<i32>} : memref<2x128x64xf32, #tpu.memory_space<vmem>>, vector<1x1x16xf32>,
      %swap3A_431 = vector.shape_cast %swap3A_430 : vector<1x1x16xf32> to vector<16xf32>
      %swap3A_432 = vector.shape_cast %mul3A_425 : vector<16xf32> to vector<1x1x16xf32>
      tpu.vector_store %arg7[%swap3A_427, %swap3A_428, %swap3A_429], %swap3A_432 {strides = array<i32>} : memref<2x128x64xf32, #tpu.memory_space<vmem>>, vector<1x1x16xf32>,
      %mul3A_433 = arith.constant 4 : i32
      %mul3A_434 = arith.muli %scan3A_230, %mul3A_433 : i32
      %add3A_435 = arith.constant 3 : i32
      %add3A_436 = arith.addi %mul3A_434, %add3A_435 : i32
      %get3A_437 = arith.constant 2 : i32
      %get3A_438 = arith.index_cast %get3A_437 : i32 to index
      %get3A_439 = arith.index_cast %add3A_436 : i32 to index
      %get3A_440 = arith.constant 0 : index
      %get3A_441 = tpu.vector_load %arg6[%get3A_438, %get3A_439, %get3A_440] {strides = array<i32>} : memref<4x128x128xf32, #tpu.memory_space<vmem>>, vector<1x1x16xf32>,
      %get3A_442 = vector.shape_cast %get3A_441 : vector<1x1x16xf32> to vector<16xf32>
      %mul3A_443 = arith.constant 8.000000e+00 : f32
      %mul3A_444 = vector.broadcast %mul3A_443 : f32 to vector<16xf32>
      %mul3A_445 = arith.mulf %get3A_442, %mul3A_444 : vector<16xf32>
      %swap3A_446 = arith.constant 0 : i32
      %swap3A_447 = arith.index_cast %swap3A_446 : i32 to index
      %swap3A_448 = arith.index_cast %add3A_436 : i32 to index
      %swap3A_449 = arith.constant 0 : index
      %swap3A_450 = tpu.vector_load %arg7[%swap3A_447, %swap3A_448, %swap3A_449] {strides = array<i32>} : memref<2x128x64xf32, #tpu.memory_space<vmem>>, vector<1x1x16xf32>,
      %swap3A_451 = vector.shape_cast %swap3A_450 : vector<1x1x16xf32> to vector<16xf32>
      %swap3A_452 = vector.shape_cast %mul3A_445 : vector<16xf32> to vector<1x1x16xf32>
      tpu.vector_store %arg7[%swap3A_447, %swap3A_448, %swap3A_449], %swap3A_452 {strides = array<i32>} : memref<2x128x64xf32, #tpu.memory_space<vmem>>, vector<1x1x16xf32>,
      %get3A_453 = arith.constant 2 : i32
      %get3A_454 = arith.index_cast %get3A_453 : i32 to index
      %get3A_455 = arith.index_cast %add3A_436 : i32 to index
      %get3A_456 = arith.constant 16 : index
      %get3A_457 = tpu.vector_load %arg6[%get3A_454, %get3A_455, %get3A_456] {strides = array<i32>} : memref<4x128x128xf32, #tpu.memory_space<vmem>>, vector<1x1x16xf32>,
      %get3A_458 = vector.shape_cast %get3A_457 : vector<1x1x16xf32> to vector<16xf32>
      %mul3A_459 = arith.constant 8.000000e+00 : f32
      %mul3A_460 = vector.broadcast %mul3A_459 : f32 to vector<16xf32>
      %mul3A_461 = arith.mulf %get3A_458, %mul3A_460 : vector<16xf32>
      %swap3A_462 = arith.constant 0 : i32
      %swap3A_463 = arith.index_cast %swap3A_462 : i32 to index
      %swap3A_464 = arith.index_cast %add3A_436 : i32 to index
      %swap3A_465 = arith.constant 16 : index
      %swap3A_466 = tpu.vector_load %arg7[%swap3A_463, %swap3A_464, %swap3A_465] {strides = array<i32>} : memref<2x128x64xf32, #tpu.memory_space<vmem>>, vector<1x1x16xf32>,
      %swap3A_467 = vector.shape_cast %swap3A_466 : vector<1x1x16xf32> to vector<16xf32>
      %swap3A_468 = vector.shape_cast %mul3A_461 : vector<16xf32> to vector<1x1x16xf32>
      tpu.vector_store %arg7[%swap3A_463, %swap3A_464, %swap3A_465], %swap3A_468 {strides = array<i32>} : memref<2x128x64xf32, #tpu.memory_space<vmem>>, vector<1x1x16xf32>,
      %get3A_469 = arith.constant 2 : i32
      %get3A_470 = arith.index_cast %get3A_469 : i32 to index
      %get3A_471 = arith.index_cast %add3A_436 : i32 to index
      %get3A_472 = arith.constant 32 : index
      %get3A_473 = tpu.vector_load %arg6[%get3A_470, %get3A_471, %get3A_472] {strides = array<i32>} : memref<4x128x128xf32, #tpu.memory_space<vmem>>, vector<1x1x16xf32>,
      %get3A_474 = vector.shape_cast %get3A_473 : vector<1x1x16xf32> to vector<16xf32>
      %mul3A_475 = arith.constant 8.000000e+00 : f32
      %mul3A_476 = vector.broadcast %mul3A_475 : f32 to vector<16xf32>
      %mul3A_477 = arith.mulf %get3A_474, %mul3A_476 : vector<16xf32>
      %swap3A_478 = arith.constant 0 : i32
      %swap3A_479 = arith.index_cast %swap3A_478 : i32 to index
      %swap3A_480 = arith.index_cast %add3A_436 : i32 to index
      %swap3A_481 = arith.constant 32 : index
      %swap3A_482 = tpu.vector_load %arg7[%swap3A_479, %swap3A_480, %swap3A_481] {strides = array<i32>} : memref<2x128x64xf32, #tpu.memory_space<vmem>>, vector<1x1x16xf32>,
      %swap3A_483 = vector.shape_cast %swap3A_482 : vector<1x1x16xf32> to vector<16xf32>
      %swap3A_484 = vector.shape_cast %mul3A_477 : vector<16xf32> to vector<1x1x16xf32>
      tpu.vector_store %arg7[%swap3A_479, %swap3A_480, %swap3A_481], %swap3A_484 {strides = array<i32>} : memref<2x128x64xf32, #tpu.memory_space<vmem>>, vector<1x1x16xf32>,
      %get3A_485 = arith.constant 2 : i32
      %get3A_486 = arith.index_cast %get3A_485 : i32 to index
      %get3A_487 = arith.index_cast %add3A_436 : i32 to index
      %get3A_488 = arith.constant 48 : index
      %get3A_489 = tpu.vector_load %arg6[%get3A_486, %get3A_487, %get3A_488] {strides = array<i32>} : memref<4x128x128xf32, #tpu.memory_space<vmem>>, vector<1x1x16xf32>,
      %get3A_490 = vector.shape_cast %get3A_489 : vector<1x1x16xf32> to vector<16xf32>
      %mul3A_491 = arith.constant 8.000000e+00 : f32
      %mul3A_492 = vector.broadcast %mul3A_491 : f32 to vector<16xf32>
      %mul3A_493 = arith.mulf %get3A_490, %mul3A_492 : vector<16xf32>
      %swap3A_494 = arith.constant 0 : i32
      %swap3A_495 = arith.index_cast %swap3A_494 : i32 to index
      %swap3A_496 = arith.index_cast %add3A_436 : i32 to index
      %swap3A_497 = arith.constant 48 : index
      %swap3A_498 = tpu.vector_load %arg7[%swap3A_495, %swap3A_496, %swap3A_497] {strides = array<i32>} : memref<2x128x64xf32, #tpu.memory_space<vmem>>, vector<1x1x16xf32>,
      %swap3A_499 = vector.shape_cast %swap3A_498 : vector<1x1x16xf32> to vector<16xf32>
      %swap3A_500 = vector.shape_cast %mul3A_493 : vector<16xf32> to vector<1x1x16xf32>
      tpu.vector_store %arg7[%swap3A_495, %swap3A_496, %swap3A_497], %swap3A_500 {strides = array<i32>} : memref<2x128x64xf32, #tpu.memory_space<vmem>>, vector<1x1x16xf32>,
    }
    %scan3A_138 = arith.constant 32 : i32
    %add3A_139 = arith.constant 25344 : i32
    %add3A_140 = arith.addi %mul3A_2, %add3A_139 : i32
    %dma_start3A_141 = arith.constant 0 : i32
    %dma_start3A_142 = arith.constant 0 : i32
    %dma_start3A_143 = arith.constant 0 : i32
    %dma_start3A_144 = tpu.memref_slice %arg7[%dma_start3A_141, %dma_start3A_142, %dma_start3A_143] : memref<2x128x64xf32, #tpu.memory_space<vmem>> -> memref<1x128x64xf32, #tpu.memory_space<vmem>>
    %dma_start3A_145 = tpu.memref_squeeze %dma_start3A_144 : memref<1x128x64xf32, #tpu.memory_space<vmem>> -> memref<128x64xf32, #tpu.memory_space<vmem>>
    %dma_start3A_146 = arith.constant 0 : i32
    %dma_start3A_147 = tpu.memref_slice %arg4[%add3A_140, %dma_start3A_146] : memref<819200x64xf32, #tpu.memory_space<hbm>> -> memref<128x64xf32, #tpu.memory_space<hbm>>
    %dma_start3A_148 = arith.constant 0 : i32
    %dma_start3A_149 = tpu.memref_slice %arg4[%add3A_140, %dma_start3A_148] : memref<819200x64xf32, #tpu.memory_space<hbm>> -> memref<128x64xf32, #tpu.memory_space<hbm>>
    %dma_start3A_150 = arith.constant 0 : i32
    %dma_start3A_151 = arith.constant 0 : i32
    %dma_start3A_152 = tpu.memref_slice %arg7[%dma_start3A_141, %dma_start3A_150, %dma_start3A_151] : memref<2x128x64xf32, #tpu.memory_space<vmem>> -> memref<1x128x64xf32, #tpu.memory_space<vmem>>
    %dma_start3A_153 = tpu.memref_squeeze %dma_start3A_152 : memref<1x128x64xf32, #tpu.memory_space<vmem>> -> memref<128x64xf32, #tpu.memory_space<vmem>>
    tpu.enqueue_dma source(%dma_start3A_153 : memref<128x64xf32, #tpu.memory_space<vmem>>) target(%dma_start3A_149 : memref<128x64xf32, #tpu.memory_space<hbm>>) target_semaphore(%arg12 : memref<!tpu.dma_semaphore, #tpu.memory_space<semaphore_mem>>)
    %dma_wait3A_154 = arith.constant 3 : i32
    %dma_wait3A_155 = arith.constant 0 : i32
    %dma_wait3A_156 = arith.constant 0 : i32
    %dma_wait3A_157 = tpu.memref_slice %arg6[%dma_wait3A_154, %dma_wait3A_155, %dma_wait3A_156] : memref<4x128x128xf32, #tpu.memory_space<vmem>> -> memref<1x128x128xf32, #tpu.memory_space<vmem>>
    %dma_wait3A_158 = tpu.memref_squeeze %dma_wait3A_157 : memref<1x128x128xf32, #tpu.memory_space<vmem>> -> memref<128x128xf32, #tpu.memory_space<vmem>>
    %dma_wait3A_159 = arith.constant 25472 : i32
    %dma_wait3A_160 = tpu.memref_slice %arg5[%dma_wait3A_159] : memref<25600xi32, #tpu.memory_space<vmem>> -> memref<128xi32, #tpu.memory_space<vmem>>
    %dma_wait3A_161 = arith.constant 0 : i32
    %dma_wait3A_162 = arith.constant 0 : i32
    %dma_wait3A_163 = tpu.memref_slice %arg3[%dma_wait3A_161, %dma_wait3A_162] : memref<1000000x128xf32, #tpu.memory_space<hbm>> -> memref<1000000x128xf32, #tpu.memory_space<hbm>>
    tpu.wait_indirect_dma semaphore(%arg11 : memref<!tpu.dma_semaphore, #tpu.memory_space<semaphore_mem>>) src(%dma_wait3A_163 : memref<1000000x128xf32, #tpu.memory_space<hbm>>) dst(%dma_wait3A_158 : memref<128x128xf32, #tpu.memory_space<vmem>>)
    %add3A_164 = arith.constant 25216 : i32
    %add3A_165 = arith.addi %mul3A_2, %add3A_164 : i32
    %dma_wait3A_166 = arith.constant 1 : i32
    %dma_wait3A_167 = arith.constant 0 : i32
    %dma_wait3A_168 = arith.constant 0 : i32
    %dma_wait3A_169 = tpu.memref_slice %arg7[%dma_wait3A_166, %dma_wait3A_167, %dma_wait3A_168] : memref<2x128x64xf32, #tpu.memory_space<vmem>> -> memref<1x128x64xf32, #tpu.memory_space<vmem>>
    %dma_wait3A_170 = tpu.memref_squeeze %dma_wait3A_169 : memref<1x128x64xf32, #tpu.memory_space<vmem>> -> memref<128x64xf32, #tpu.memory_space<vmem>>
    %dma_wait3A_171 = arith.constant 0 : i32
    %dma_wait3A_172 = tpu.memref_slice %arg4[%add3A_165, %dma_wait3A_171] : memref<819200x64xf32, #tpu.memory_space<hbm>> -> memref<128x64xf32, #tpu.memory_space<hbm>>
    %dma_wait3A_173 = arith.constant 0 : i32
    %dma_wait3A_174 = tpu.memref_slice %arg4[%add3A_165, %dma_wait3A_173] : memref<819200x64xf32, #tpu.memory_space<hbm>> -> memref<128x64xf32, #tpu.memory_space<hbm>>
    %dma_wait3A_175 = arith.constant 0 : i32
    %dma_wait3A_176 = arith.constant 0 : i32
    %dma_wait3A_177 = tpu.memref_slice %arg7[%dma_wait3A_166, %dma_wait3A_175, %dma_wait3A_176] : memref<2x128x64xf32, #tpu.memory_space<vmem>> -> memref<1x128x64xf32, #tpu.memory_space<vmem>>
    %dma_wait3A_178 = tpu.memref_squeeze %dma_wait3A_177 : memref<1x128x64xf32, #tpu.memory_space<vmem>> -> memref<128x64xf32, #tpu.memory_space<vmem>>
    tpu.wait_dma2 semaphore(%arg13 : memref<!tpu.dma_semaphore, #tpu.memory_space<semaphore_mem>>) src(%dma_wait3A_178 : memref<128x64xf32, #tpu.memory_space<vmem>>) dst(%dma_wait3A_174 : memref<128x64xf32, #tpu.memory_space<hbm>>)
    %scan3A_179 = arith.constant 0 : i32
    %scan3A_180 = arith.constant 0 : i32
    %scan3A_181 = arith.constant 32 : i32
    %scan3A_182 = arith.addi %scan3A_180, %scan3A_181 : i32
    %scan3A_183 = arith.constant 1 : i32
    scf.for %scan3A_230 = %scan3A_180 to %scan3A_182 step %scan3A_183  : i32 {
      %mul3A_231 = arith.constant 4 : i32
      %mul3A_232 = arith.muli %scan3A_230, %mul3A_231 : i32
      %add3A_233 = arith.constant 0 : i32
      %add3A_234 = arith.addi %mul3A_232, %add3A_233 : i32
      %get3A = arith.constant 3 : i32
      %get3A_235 = arith.index_cast %get3A : i32 to index
      %get3A_236 = arith.index_cast %add3A_234 : i32 to index
      %get3A_237 = arith.constant 0 : index
      %get3A_238 = tpu.vector_load %arg6[%get3A_235, %get3A_236, %get3A_237] {strides = array<i32>} : memref<4x128x128xf32, #tpu.memory_space<vmem>>, vector<1x1x16xf32>,
      %get3A_239 = vector.shape_cast %get3A_238 : vector<1x1x16xf32> to vector<16xf32>
      %mul3A_240 = arith.constant 8.000000e+00 : f32
      %mul3A_241 = vector.broadcast %mul3A_240 : f32 to vector<16xf32>
      %mul3A_242 = arith.mulf %get3A_239, %mul3A_241 : vector<16xf32>
      %swap3A = arith.constant 1 : i32
      %swap3A_243 = arith.index_cast %swap3A : i32 to index
      %swap3A_244 = arith.index_cast %add3A_234 : i32 to index
      %swap3A_245 = arith.constant 0 : index
      %swap3A_246 = tpu.vector_load %arg7[%swap3A_243, %swap3A_244, %swap3A_245] {strides = array<i32>} : memref<2x128x64xf32, #tpu.memory_space<vmem>>, vector<1x1x16xf32>,
      %swap3A_247 = vector.shape_cast %swap3A_246 : vector<1x1x16xf32> to vector<16xf32>
      %swap3A_248 = vector.shape_cast %mul3A_242 : vector<16xf32> to vector<1x1x16xf32>
      tpu.vector_store %arg7[%swap3A_243, %swap3A_244, %swap3A_245], %swap3A_248 {strides = array<i32>} : memref<2x128x64xf32, #tpu.memory_space<vmem>>, vector<1x1x16xf32>,
      %get3A_249 = arith.constant 3 : i32
      %get3A_250 = arith.index_cast %get3A_249 : i32 to index
      %get3A_251 = arith.index_cast %add3A_234 : i32 to index
      %get3A_252 = arith.constant 16 : index
      %get3A_253 = tpu.vector_load %arg6[%get3A_250, %get3A_251, %get3A_252] {strides = array<i32>} : memref<4x128x128xf32, #tpu.memory_space<vmem>>, vector<1x1x16xf32>,
      %get3A_254 = vector.shape_cast %get3A_253 : vector<1x1x16xf32> to vector<16xf32>
      %mul3A_255 = arith.constant 8.000000e+00 : f32
      %mul3A_256 = vector.broadcast %mul3A_255 : f32 to vector<16xf32>
      %mul3A_257 = arith.mulf %get3A_254, %mul3A_256 : vector<16xf32>
      %swap3A_258 = arith.constant 1 : i32
      %swap3A_259 = arith.index_cast %swap3A_258 : i32 to index
      %swap3A_260 = arith.index_cast %add3A_234 : i32 to index
      %swap3A_261 = arith.constant 16 : index
      %swap3A_262 = tpu.vector_load %arg7[%swap3A_259, %swap3A_260, %swap3A_261] {strides = array<i32>} : memref<2x128x64xf32, #tpu.memory_space<vmem>>, vector<1x1x16xf32>,
      %swap3A_263 = vector.shape_cast %swap3A_262 : vector<1x1x16xf32> to vector<16xf32>
      %swap3A_264 = vector.shape_cast %mul3A_257 : vector<16xf32> to vector<1x1x16xf32>
      tpu.vector_store %arg7[%swap3A_259, %swap3A_260, %swap3A_261], %swap3A_264 {strides = array<i32>} : memref<2x128x64xf32, #tpu.memory_space<vmem>>, vector<1x1x16xf32>,
      %get3A_265 = arith.constant 3 : i32
      %get3A_266 = arith.index_cast %get3A_265 : i32 to index
      %get3A_267 = arith.index_cast %add3A_234 : i32 to index
      %get3A_268 = arith.constant 32 : index
      %get3A_269 = tpu.vector_load %arg6[%get3A_266, %get3A_267, %get3A_268] {strides = array<i32>} : memref<4x128x128xf32, #tpu.memory_space<vmem>>, vector<1x1x16xf32>,
      %get3A_270 = vector.shape_cast %get3A_269 : vector<1x1x16xf32> to vector<16xf32>
      %mul3A_271 = arith.constant 8.000000e+00 : f32
      %mul3A_272 = vector.broadcast %mul3A_271 : f32 to vector<16xf32>
      %mul3A_273 = arith.mulf %get3A_270, %mul3A_272 : vector<16xf32>
      %swap3A_274 = arith.constant 1 : i32
      %swap3A_275 = arith.index_cast %swap3A_274 : i32 to index
      %swap3A_276 = arith.index_cast %add3A_234 : i32 to index
      %swap3A_277 = arith.constant 32 : index
      %swap3A_278 = tpu.vector_load %arg7[%swap3A_275, %swap3A_276, %swap3A_277] {strides = array<i32>} : memref<2x128x64xf32, #tpu.memory_space<vmem>>, vector<1x1x16xf32>,
      %swap3A_279 = vector.shape_cast %swap3A_278 : vector<1x1x16xf32> to vector<16xf32>
      %swap3A_280 = vector.shape_cast %mul3A_273 : vector<16xf32> to vector<1x1x16xf32>
      tpu.vector_store %arg7[%swap3A_275, %swap3A_276, %swap3A_277], %swap3A_280 {strides = array<i32>} : memref<2x128x64xf32, #tpu.memory_space<vmem>>, vector<1x1x16xf32>,
      %get3A_281 = arith.constant 3 : i32
      %get3A_282 = arith.index_cast %get3A_281 : i32 to index
      %get3A_283 = arith.index_cast %add3A_234 : i32 to index
      %get3A_284 = arith.constant 48 : index
      %get3A_285 = tpu.vector_load %arg6[%get3A_282, %get3A_283, %get3A_284] {strides = array<i32>} : memref<4x128x128xf32, #tpu.memory_space<vmem>>, vector<1x1x16xf32>,
      %get3A_286 = vector.shape_cast %get3A_285 : vector<1x1x16xf32> to vector<16xf32>
      %mul3A_287 = arith.constant 8.000000e+00 : f32
      %mul3A_288 = vector.broadcast %mul3A_287 : f32 to vector<16xf32>
      %mul3A_289 = arith.mulf %get3A_286, %mul3A_288 : vector<16xf32>
      %swap3A_290 = arith.constant 1 : i32
      %swap3A_291 = arith.index_cast %swap3A_290 : i32 to index
      %swap3A_292 = arith.index_cast %add3A_234 : i32 to index
      %swap3A_293 = arith.constant 48 : index
      %swap3A_294 = tpu.vector_load %arg7[%swap3A_291, %swap3A_292, %swap3A_293] {strides = array<i32>} : memref<2x128x64xf32, #tpu.memory_space<vmem>>, vector<1x1x16xf32>,
      %swap3A_295 = vector.shape_cast %swap3A_294 : vector<1x1x16xf32> to vector<16xf32>
      %swap3A_296 = vector.shape_cast %mul3A_289 : vector<16xf32> to vector<1x1x16xf32>
      tpu.vector_store %arg7[%swap3A_291, %swap3A_292, %swap3A_293], %swap3A_296 {strides = array<i32>} : memref<2x128x64xf32, #tpu.memory_space<vmem>>, vector<1x1x16xf32>,
      %mul3A_297 = arith.constant 4 : i32
      %mul3A_298 = arith.muli %scan3A_230, %mul3A_297 : i32
      %add3A_299 = arith.constant 1 : i32
      %add3A_300 = arith.addi %mul3A_298, %add3A_299 : i32
      %get3A_301 = arith.constant 3 : i32
      %get3A_302 = arith.index_cast %get3A_301 : i32 to index
      %get3A_303 = arith.index_cast %add3A_300 : i32 to index
      %get3A_304 = arith.constant 0 : index
      %get3A_305 = tpu.vector_load %arg6[%get3A_302, %get3A_303, %get3A_304] {strides = array<i32>} : memref<4x128x128xf32, #tpu.memory_space<vmem>>, vector<1x1x16xf32>,
      %get3A_306 = vector.shape_cast %get3A_305 : vector<1x1x16xf32> to vector<16xf32>
      %mul3A_307 = arith.constant 8.000000e+00 : f32
      %mul3A_308 = vector.broadcast %mul3A_307 : f32 to vector<16xf32>
      %mul3A_309 = arith.mulf %get3A_306, %mul3A_308 : vector<16xf32>
      %swap3A_310 = arith.constant 1 : i32
      %swap3A_311 = arith.index_cast %swap3A_310 : i32 to index
      %swap3A_312 = arith.index_cast %add3A_300 : i32 to index
      %swap3A_313 = arith.constant 0 : index
      %swap3A_314 = tpu.vector_load %arg7[%swap3A_311, %swap3A_312, %swap3A_313] {strides = array<i32>} : memref<2x128x64xf32, #tpu.memory_space<vmem>>, vector<1x1x16xf32>,
      %swap3A_315 = vector.shape_cast %swap3A_314 : vector<1x1x16xf32> to vector<16xf32>
      %swap3A_316 = vector.shape_cast %mul3A_309 : vector<16xf32> to vector<1x1x16xf32>
      tpu.vector_store %arg7[%swap3A_311, %swap3A_312, %swap3A_313], %swap3A_316 {strides = array<i32>} : memref<2x128x64xf32, #tpu.memory_space<vmem>>, vector<1x1x16xf32>,
      %get3A_317 = arith.constant 3 : i32
      %get3A_318 = arith.index_cast %get3A_317 : i32 to index
      %get3A_319 = arith.index_cast %add3A_300 : i32 to index
      %get3A_320 = arith.constant 16 : index
      %get3A_321 = tpu.vector_load %arg6[%get3A_318, %get3A_319, %get3A_320] {strides = array<i32>} : memref<4x128x128xf32, #tpu.memory_space<vmem>>, vector<1x1x16xf32>,
      %get3A_322 = vector.shape_cast %get3A_321 : vector<1x1x16xf32> to vector<16xf32>
      %mul3A_323 = arith.constant 8.000000e+00 : f32
      %mul3A_324 = vector.broadcast %mul3A_323 : f32 to vector<16xf32>
      %mul3A_325 = arith.mulf %get3A_322, %mul3A_324 : vector<16xf32>
      %swap3A_326 = arith.constant 1 : i32
      %swap3A_327 = arith.index_cast %swap3A_326 : i32 to index
      %swap3A_328 = arith.index_cast %add3A_300 : i32 to index
      %swap3A_329 = arith.constant 16 : index
      %swap3A_330 = tpu.vector_load %arg7[%swap3A_327, %swap3A_328, %swap3A_329] {strides = array<i32>} : memref<2x128x64xf32, #tpu.memory_space<vmem>>, vector<1x1x16xf32>,
      %swap3A_331 = vector.shape_cast %swap3A_330 : vector<1x1x16xf32> to vector<16xf32>
      %swap3A_332 = vector.shape_cast %mul3A_325 : vector<16xf32> to vector<1x1x16xf32>
      tpu.vector_store %arg7[%swap3A_327, %swap3A_328, %swap3A_329], %swap3A_332 {strides = array<i32>} : memref<2x128x64xf32, #tpu.memory_space<vmem>>, vector<1x1x16xf32>,
      %get3A_333 = arith.constant 3 : i32
      %get3A_334 = arith.index_cast %get3A_333 : i32 to index
      %get3A_335 = arith.index_cast %add3A_300 : i32 to index
      %get3A_336 = arith.constant 32 : index
      %get3A_337 = tpu.vector_load %arg6[%get3A_334, %get3A_335, %get3A_336] {strides = array<i32>} : memref<4x128x128xf32, #tpu.memory_space<vmem>>, vector<1x1x16xf32>,
      %get3A_338 = vector.shape_cast %get3A_337 : vector<1x1x16xf32> to vector<16xf32>
      %mul3A_339 = arith.constant 8.000000e+00 : f32
      %mul3A_340 = vector.broadcast %mul3A_339 : f32 to vector<16xf32>
      %mul3A_341 = arith.mulf %get3A_338, %mul3A_340 : vector<16xf32>
      %swap3A_342 = arith.constant 1 : i32
      %swap3A_343 = arith.index_cast %swap3A_342 : i32 to index
      %swap3A_344 = arith.index_cast %add3A_300 : i32 to index
      %swap3A_345 = arith.constant 32 : index
      %swap3A_346 = tpu.vector_load %arg7[%swap3A_343, %swap3A_344, %swap3A_345] {strides = array<i32>} : memref<2x128x64xf32, #tpu.memory_space<vmem>>, vector<1x1x16xf32>,
      %swap3A_347 = vector.shape_cast %swap3A_346 : vector<1x1x16xf32> to vector<16xf32>
      %swap3A_348 = vector.shape_cast %mul3A_341 : vector<16xf32> to vector<1x1x16xf32>
      tpu.vector_store %arg7[%swap3A_343, %swap3A_344, %swap3A_345], %swap3A_348 {strides = array<i32>} : memref<2x128x64xf32, #tpu.memory_space<vmem>>, vector<1x1x16xf32>,
      %get3A_349 = arith.constant 3 : i32
      %get3A_350 = arith.index_cast %get3A_349 : i32 to index
      %get3A_351 = arith.index_cast %add3A_300 : i32 to index
      %get3A_352 = arith.constant 48 : index
      %get3A_353 = tpu.vector_load %arg6[%get3A_350, %get3A_351, %get3A_352] {strides = array<i32>} : memref<4x128x128xf32, #tpu.memory_space<vmem>>, vector<1x1x16xf32>,
      %get3A_354 = vector.shape_cast %get3A_353 : vector<1x1x16xf32> to vector<16xf32>
      %mul3A_355 = arith.constant 8.000000e+00 : f32
      %mul3A_356 = vector.broadcast %mul3A_355 : f32 to vector<16xf32>
      %mul3A_357 = arith.mulf %get3A_354, %mul3A_356 : vector<16xf32>
      %swap3A_358 = arith.constant 1 : i32
      %swap3A_359 = arith.index_cast %swap3A_358 : i32 to index
      %swap3A_360 = arith.index_cast %add3A_300 : i32 to index
      %swap3A_361 = arith.constant 48 : index
      %swap3A_362 = tpu.vector_load %arg7[%swap3A_359, %swap3A_360, %swap3A_361] {strides = array<i32>} : memref<2x128x64xf32, #tpu.memory_space<vmem>>, vector<1x1x16xf32>,
      %swap3A_363 = vector.shape_cast %swap3A_362 : vector<1x1x16xf32> to vector<16xf32>
      %swap3A_364 = vector.shape_cast %mul3A_357 : vector<16xf32> to vector<1x1x16xf32>
      tpu.vector_store %arg7[%swap3A_359, %swap3A_360, %swap3A_361], %swap3A_364 {strides = array<i32>} : memref<2x128x64xf32, #tpu.memory_space<vmem>>, vector<1x1x16xf32>,
      %mul3A_365 = arith.constant 4 : i32
      %mul3A_366 = arith.muli %scan3A_230, %mul3A_365 : i32
      %add3A_367 = arith.constant 2 : i32
      %add3A_368 = arith.addi %mul3A_366, %add3A_367 : i32
      %get3A_369 = arith.constant 3 : i32
      %get3A_370 = arith.index_cast %get3A_369 : i32 to index
      %get3A_371 = arith.index_cast %add3A_368 : i32 to index
      %get3A_372 = arith.constant 0 : index
      %get3A_373 = tpu.vector_load %arg6[%get3A_370, %get3A_371, %get3A_372] {strides = array<i32>} : memref<4x128x128xf32, #tpu.memory_space<vmem>>, vector<1x1x16xf32>,
      %get3A_374 = vector.shape_cast %get3A_373 : vector<1x1x16xf32> to vector<16xf32>
      %mul3A_375 = arith.constant 8.000000e+00 : f32
      %mul3A_376 = vector.broadcast %mul3A_375 : f32 to vector<16xf32>
      %mul3A_377 = arith.mulf %get3A_374, %mul3A_376 : vector<16xf32>
      %swap3A_378 = arith.constant 1 : i32
      %swap3A_379 = arith.index_cast %swap3A_378 : i32 to index
      %swap3A_380 = arith.index_cast %add3A_368 : i32 to index
      %swap3A_381 = arith.constant 0 : index
      %swap3A_382 = tpu.vector_load %arg7[%swap3A_379, %swap3A_380, %swap3A_381] {strides = array<i32>} : memref<2x128x64xf32, #tpu.memory_space<vmem>>, vector<1x1x16xf32>,
      %swap3A_383 = vector.shape_cast %swap3A_382 : vector<1x1x16xf32> to vector<16xf32>
      %swap3A_384 = vector.shape_cast %mul3A_377 : vector<16xf32> to vector<1x1x16xf32>
      tpu.vector_store %arg7[%swap3A_379, %swap3A_380, %swap3A_381], %swap3A_384 {strides = array<i32>} : memref<2x128x64xf32, #tpu.memory_space<vmem>>, vector<1x1x16xf32>,
      %get3A_385 = arith.constant 3 : i32
      %get3A_386 = arith.index_cast %get3A_385 : i32 to index
      %get3A_387 = arith.index_cast %add3A_368 : i32 to index
      %get3A_388 = arith.constant 16 : index
      %get3A_389 = tpu.vector_load %arg6[%get3A_386, %get3A_387, %get3A_388] {strides = array<i32>} : memref<4x128x128xf32, #tpu.memory_space<vmem>>, vector<1x1x16xf32>,
      %get3A_390 = vector.shape_cast %get3A_389 : vector<1x1x16xf32> to vector<16xf32>
      %mul3A_391 = arith.constant 8.000000e+00 : f32
      %mul3A_392 = vector.broadcast %mul3A_391 : f32 to vector<16xf32>
      %mul3A_393 = arith.mulf %get3A_390, %mul3A_392 : vector<16xf32>
      %swap3A_394 = arith.constant 1 : i32
      %swap3A_395 = arith.index_cast %swap3A_394 : i32 to index
      %swap3A_396 = arith.index_cast %add3A_368 : i32 to index
      %swap3A_397 = arith.constant 16 : index
      %swap3A_398 = tpu.vector_load %arg7[%swap3A_395, %swap3A_396, %swap3A_397] {strides = array<i32>} : memref<2x128x64xf32, #tpu.memory_space<vmem>>, vector<1x1x16xf32>,
      %swap3A_399 = vector.shape_cast %swap3A_398 : vector<1x1x16xf32> to vector<16xf32>
      %swap3A_400 = vector.shape_cast %mul3A_393 : vector<16xf32> to vector<1x1x16xf32>
      tpu.vector_store %arg7[%swap3A_395, %swap3A_396, %swap3A_397], %swap3A_400 {strides = array<i32>} : memref<2x128x64xf32, #tpu.memory_space<vmem>>, vector<1x1x16xf32>,
      %get3A_401 = arith.constant 3 : i32
      %get3A_402 = arith.index_cast %get3A_401 : i32 to index
      %get3A_403 = arith.index_cast %add3A_368 : i32 to index
      %get3A_404 = arith.constant 32 : index
      %get3A_405 = tpu.vector_load %arg6[%get3A_402, %get3A_403, %get3A_404] {strides = array<i32>} : memref<4x128x128xf32, #tpu.memory_space<vmem>>, vector<1x1x16xf32>,
      %get3A_406 = vector.shape_cast %get3A_405 : vector<1x1x16xf32> to vector<16xf32>
      %mul3A_407 = arith.constant 8.000000e+00 : f32
      %mul3A_408 = vector.broadcast %mul3A_407 : f32 to vector<16xf32>
      %mul3A_409 = arith.mulf %get3A_406, %mul3A_408 : vector<16xf32>
      %swap3A_410 = arith.constant 1 : i32
      %swap3A_411 = arith.index_cast %swap3A_410 : i32 to index
      %swap3A_412 = arith.index_cast %add3A_368 : i32 to index
      %swap3A_413 = arith.constant 32 : index
      %swap3A_414 = tpu.vector_load %arg7[%swap3A_411, %swap3A_412, %swap3A_413] {strides = array<i32>} : memref<2x128x64xf32, #tpu.memory_space<vmem>>, vector<1x1x16xf32>,
      %swap3A_415 = vector.shape_cast %swap3A_414 : vector<1x1x16xf32> to vector<16xf32>
      %swap3A_416 = vector.shape_cast %mul3A_409 : vector<16xf32> to vector<1x1x16xf32>
      tpu.vector_store %arg7[%swap3A_411, %swap3A_412, %swap3A_413], %swap3A_416 {strides = array<i32>} : memref<2x128x64xf32, #tpu.memory_space<vmem>>, vector<1x1x16xf32>,
      %get3A_417 = arith.constant 3 : i32
      %get3A_418 = arith.index_cast %get3A_417 : i32 to index
      %get3A_419 = arith.index_cast %add3A_368 : i32 to index
      %get3A_420 = arith.constant 48 : index
      %get3A_421 = tpu.vector_load %arg6[%get3A_418, %get3A_419, %get3A_420] {strides = array<i32>} : memref<4x128x128xf32, #tpu.memory_space<vmem>>, vector<1x1x16xf32>,
      %get3A_422 = vector.shape_cast %get3A_421 : vector<1x1x16xf32> to vector<16xf32>
      %mul3A_423 = arith.constant 8.000000e+00 : f32
      %mul3A_424 = vector.broadcast %mul3A_423 : f32 to vector<16xf32>
      %mul3A_425 = arith.mulf %get3A_422, %mul3A_424 : vector<16xf32>
      %swap3A_426 = arith.constant 1 : i32
      %swap3A_427 = arith.index_cast %swap3A_426 : i32 to index
      %swap3A_428 = arith.index_cast %add3A_368 : i32 to index
      %swap3A_429 = arith.constant 48 : index
      %swap3A_430 = tpu.vector_load %arg7[%swap3A_427, %swap3A_428, %swap3A_429] {strides = array<i32>} : memref<2x128x64xf32, #tpu.memory_space<vmem>>, vector<1x1x16xf32>,
      %swap3A_431 = vector.shape_cast %swap3A_430 : vector<1x1x16xf32> to vector<16xf32>
      %swap3A_432 = vector.shape_cast %mul3A_425 : vector<16xf32> to vector<1x1x16xf32>
      tpu.vector_store %arg7[%swap3A_427, %swap3A_428, %swap3A_429], %swap3A_432 {strides = array<i32>} : memref<2x128x64xf32, #tpu.memory_space<vmem>>, vector<1x1x16xf32>,
      %mul3A_433 = arith.constant 4 : i32
      %mul3A_434 = arith.muli %scan3A_230, %mul3A_433 : i32
      %add3A_435 = arith.constant 3 : i32
      %add3A_436 = arith.addi %mul3A_434, %add3A_435 : i32
      %get3A_437 = arith.constant 3 : i32
      %get3A_438 = arith.index_cast %get3A_437 : i32 to index
      %get3A_439 = arith.index_cast %add3A_436 : i32 to index
      %get3A_440 = arith.constant 0 : index
      %get3A_441 = tpu.vector_load %arg6[%get3A_438, %get3A_439, %get3A_440] {strides = array<i32>} : memref<4x128x128xf32, #tpu.memory_space<vmem>>, vector<1x1x16xf32>,
      %get3A_442 = vector.shape_cast %get3A_441 : vector<1x1x16xf32> to vector<16xf32>
      %mul3A_443 = arith.constant 8.000000e+00 : f32
      %mul3A_444 = vector.broadcast %mul3A_443 : f32 to vector<16xf32>
      %mul3A_445 = arith.mulf %get3A_442, %mul3A_444 : vector<16xf32>
      %swap3A_446 = arith.constant 1 : i32
      %swap3A_447 = arith.index_cast %swap3A_446 : i32 to index
      %swap3A_448 = arith.index_cast %add3A_436 : i32 to index
      %swap3A_449 = arith.constant 0 : index
      %swap3A_450 = tpu.vector_load %arg7[%swap3A_447, %swap3A_448, %swap3A_449] {strides = array<i32>} : memref<2x128x64xf32, #tpu.memory_space<vmem>>, vector<1x1x16xf32>,
      %swap3A_451 = vector.shape_cast %swap3A_450 : vector<1x1x16xf32> to vector<16xf32>
      %swap3A_452 = vector.shape_cast %mul3A_445 : vector<16xf32> to vector<1x1x16xf32>
      tpu.vector_store %arg7[%swap3A_447, %swap3A_448, %swap3A_449], %swap3A_452 {strides = array<i32>} : memref<2x128x64xf32, #tpu.memory_space<vmem>>, vector<1x1x16xf32>,
      %get3A_453 = arith.constant 3 : i32
      %get3A_454 = arith.index_cast %get3A_453 : i32 to index
      %get3A_455 = arith.index_cast %add3A_436 : i32 to index
      %get3A_456 = arith.constant 16 : index
      %get3A_457 = tpu.vector_load %arg6[%get3A_454, %get3A_455, %get3A_456] {strides = array<i32>} : memref<4x128x128xf32, #tpu.memory_space<vmem>>, vector<1x1x16xf32>,
      %get3A_458 = vector.shape_cast %get3A_457 : vector<1x1x16xf32> to vector<16xf32>
      %mul3A_459 = arith.constant 8.000000e+00 : f32
      %mul3A_460 = vector.broadcast %mul3A_459 : f32 to vector<16xf32>
      %mul3A_461 = arith.mulf %get3A_458, %mul3A_460 : vector<16xf32>
      %swap3A_462 = arith.constant 1 : i32
      %swap3A_463 = arith.index_cast %swap3A_462 : i32 to index
      %swap3A_464 = arith.index_cast %add3A_436 : i32 to index
      %swap3A_465 = arith.constant 16 : index
      %swap3A_466 = tpu.vector_load %arg7[%swap3A_463, %swap3A_464, %swap3A_465] {strides = array<i32>} : memref<2x128x64xf32, #tpu.memory_space<vmem>>, vector<1x1x16xf32>,
      %swap3A_467 = vector.shape_cast %swap3A_466 : vector<1x1x16xf32> to vector<16xf32>
      %swap3A_468 = vector.shape_cast %mul3A_461 : vector<16xf32> to vector<1x1x16xf32>
      tpu.vector_store %arg7[%swap3A_463, %swap3A_464, %swap3A_465], %swap3A_468 {strides = array<i32>} : memref<2x128x64xf32, #tpu.memory_space<vmem>>, vector<1x1x16xf32>,
      %get3A_469 = arith.constant 3 : i32
      %get3A_470 = arith.index_cast %get3A_469 : i32 to index
      %get3A_471 = arith.index_cast %add3A_436 : i32 to index
      %get3A_472 = arith.constant 32 : index
      %get3A_473 = tpu.vector_load %arg6[%get3A_470, %get3A_471, %get3A_472] {strides = array<i32>} : memref<4x128x128xf32, #tpu.memory_space<vmem>>, vector<1x1x16xf32>,
      %get3A_474 = vector.shape_cast %get3A_473 : vector<1x1x16xf32> to vector<16xf32>
      %mul3A_475 = arith.constant 8.000000e+00 : f32
      %mul3A_476 = vector.broadcast %mul3A_475 : f32 to vector<16xf32>
      %mul3A_477 = arith.mulf %get3A_474, %mul3A_476 : vector<16xf32>
      %swap3A_478 = arith.constant 1 : i32
      %swap3A_479 = arith.index_cast %swap3A_478 : i32 to index
      %swap3A_480 = arith.index_cast %add3A_436 : i32 to index
      %swap3A_481 = arith.constant 32 : index
      %swap3A_482 = tpu.vector_load %arg7[%swap3A_479, %swap3A_480, %swap3A_481] {strides = array<i32>} : memref<2x128x64xf32, #tpu.memory_space<vmem>>, vector<1x1x16xf32>,
      %swap3A_483 = vector.shape_cast %swap3A_482 : vector<1x1x16xf32> to vector<16xf32>
      %swap3A_484 = vector.shape_cast %mul3A_477 : vector<16xf32> to vector<1x1x16xf32>
      tpu.vector_store %arg7[%swap3A_479, %swap3A_480, %swap3A_481], %swap3A_484 {strides = array<i32>} : memref<2x128x64xf32, #tpu.memory_space<vmem>>, vector<1x1x16xf32>,
      %get3A_485 = arith.constant 3 : i32
      %get3A_486 = arith.index_cast %get3A_485 : i32 to index
      %get3A_487 = arith.index_cast %add3A_436 : i32 to index
      %get3A_488 = arith.constant 48 : index
      %get3A_489 = tpu.vector_load %arg6[%get3A_486, %get3A_487, %get3A_488] {strides = array<i32>} : memref<4x128x128xf32, #tpu.memory_space<vmem>>, vector<1x1x16xf32>,
      %get3A_490 = vector.shape_cast %get3A_489 : vector<1x1x16xf32> to vector<16xf32>
      %mul3A_491 = arith.constant 8.000000e+00 : f32
      %mul3A_492 = vector.broadcast %mul3A_491 : f32 to vector<16xf32>
      %mul3A_493 = arith.mulf %get3A_490, %mul3A_492 : vector<16xf32>
      %swap3A_494 = arith.constant 1 : i32
      %swap3A_495 = arith.index_cast %swap3A_494 : i32 to index
      %swap3A_496 = arith.index_cast %add3A_436 : i32 to index
      %swap3A_497 = arith.constant 48 : index
      %swap3A_498 = tpu.vector_load %arg7[%swap3A_495, %swap3A_496, %swap3A_497] {strides = array<i32>} : memref<2x128x64xf32, #tpu.memory_space<vmem>>, vector<1x1x16xf32>,
      %swap3A_499 = vector.shape_cast %swap3A_498 : vector<1x1x16xf32> to vector<16xf32>
      %swap3A_500 = vector.shape_cast %mul3A_493 : vector<16xf32> to vector<1x1x16xf32>
      tpu.vector_store %arg7[%swap3A_495, %swap3A_496, %swap3A_497], %swap3A_500 {strides = array<i32>} : memref<2x128x64xf32, #tpu.memory_space<vmem>>, vector<1x1x16xf32>,
    }
    %scan3A_184 = arith.constant 32 : i32
    %add3A_185 = arith.constant 25472 : i32
    %add3A_186 = arith.addi %mul3A_2, %add3A_185 : i32
    %dma_start3A_187 = arith.constant 1 : i32
    %dma_start3A_188 = arith.constant 0 : i32
    %dma_start3A_189 = arith.constant 0 : i32
    %dma_start3A_190 = tpu.memref_slice %arg7[%dma_start3A_187, %dma_start3A_188, %dma_start3A_189] : memref<2x128x64xf32, #tpu.memory_space<vmem>> -> memref<1x128x64xf32, #tpu.memory_space<vmem>>
    %dma_start3A_191 = tpu.memref_squeeze %dma_start3A_190 : memref<1x128x64xf32, #tpu.memory_space<vmem>> -> memref<128x64xf32, #tpu.memory_space<vmem>>
    %dma_start3A_192 = arith.constant 0 : i32
    %dma_start3A_193 = tpu.memref_slice %arg4[%add3A_186, %dma_start3A_192] : memref<819200x64xf32, #tpu.memory_space<hbm>> -> memref<128x64xf32, #tpu.memory_space<hbm>>
    %dma_start3A_194 = arith.constant 0 : i32
    %dma_start3A_195 = tpu.memref_slice %arg4[%add3A_186, %dma_start3A_194] : memref<819200x64xf32, #tpu.memory_space<hbm>> -> memref<128x64xf32, #tpu.memory_space<hbm>>
    %dma_start3A_196 = arith.constant 0 : i32
    %dma_start3A_197 = arith.constant 0 : i32
    %dma_start3A_198 = tpu.memref_slice %arg7[%dma_start3A_187, %dma_start3A_196, %dma_start3A_197] : memref<2x128x64xf32, #tpu.memory_space<vmem>> -> memref<1x128x64xf32, #tpu.memory_space<vmem>>
    %dma_start3A_199 = tpu.memref_squeeze %dma_start3A_198 : memref<1x128x64xf32, #tpu.memory_space<vmem>> -> memref<128x64xf32, #tpu.memory_space<vmem>>
    tpu.enqueue_dma source(%dma_start3A_199 : memref<128x64xf32, #tpu.memory_space<vmem>>) target(%dma_start3A_195 : memref<128x64xf32, #tpu.memory_space<hbm>>) target_semaphore(%arg13 : memref<!tpu.dma_semaphore, #tpu.memory_space<semaphore_mem>>)
    %add3A_200 = arith.constant 25344 : i32
    %add3A_201 = arith.addi %mul3A_2, %add3A_200 : i32
    %dma_wait3A_202 = arith.constant 0 : i32
    %dma_wait3A_203 = arith.constant 0 : i32
    %dma_wait3A_204 = arith.constant 0 : i32
    %dma_wait3A_205 = tpu.memref_slice %arg7[%dma_wait3A_202, %dma_wait3A_203, %dma_wait3A_204] : memref<2x128x64xf32, #tpu.memory_space<vmem>> -> memref<1x128x64xf32, #tpu.memory_space<vmem>>
    %dma_wait3A_206 = tpu.memref_squeeze %dma_wait3A_205 : memref<1x128x64xf32, #tpu.memory_space<vmem>> -> memref<128x64xf32, #tpu.memory_space<vmem>>
    %dma_wait3A_207 = arith.constant 0 : i32
    %dma_wait3A_208 = tpu.memref_slice %arg4[%add3A_201, %dma_wait3A_207] : memref<819200x64xf32, #tpu.memory_space<hbm>> -> memref<128x64xf32, #tpu.memory_space<hbm>>
    %dma_wait3A_209 = arith.constant 0 : i32
    %dma_wait3A_210 = tpu.memref_slice %arg4[%add3A_201, %dma_wait3A_209] : memref<819200x64xf32, #tpu.memory_space<hbm>> -> memref<128x64xf32, #tpu.memory_space<hbm>>
    %dma_wait3A_211 = arith.constant 0 : i32
    %dma_wait3A_212 = arith.constant 0 : i32
    %dma_wait3A_213 = tpu.memref_slice %arg7[%dma_wait3A_202, %dma_wait3A_211, %dma_wait3A_212] : memref<2x128x64xf32, #tpu.memory_space<vmem>> -> memref<1x128x64xf32, #tpu.memory_space<vmem>>
    %dma_wait3A_214 = tpu.memref_squeeze %dma_wait3A_213 : memref<1x128x64xf32, #tpu.memory_space<vmem>> -> memref<128x64xf32, #tpu.memory_space<vmem>>
    tpu.wait_dma2 semaphore(%arg12 : memref<!tpu.dma_semaphore, #tpu.memory_space<semaphore_mem>>) src(%dma_wait3A_214 : memref<128x64xf32, #tpu.memory_space<vmem>>) dst(%dma_wait3A_210 : memref<128x64xf32, #tpu.memory_space<hbm>>)
    %add3A_215 = arith.constant 25472 : i32
    %add3A_216 = arith.addi %mul3A_2, %add3A_215 : i32
    %dma_wait3A_217 = arith.constant 1 : i32
    %dma_wait3A_218 = arith.constant 0 : i32
    %dma_wait3A_219 = arith.constant 0 : i32
    %dma_wait3A_220 = tpu.memref_slice %arg7[%dma_wait3A_217, %dma_wait3A_218, %dma_wait3A_219] : memref<2x128x64xf32, #tpu.memory_space<vmem>> -> memref<1x128x64xf32, #tpu.memory_space<vmem>>
    %dma_wait3A_221 = tpu.memref_squeeze %dma_wait3A_220 : memref<1x128x64xf32, #tpu.memory_space<vmem>> -> memref<128x64xf32, #tpu.memory_space<vmem>>
    %dma_wait3A_222 = arith.constant 0 : i32
    %dma_wait3A_223 = tpu.memref_slice %arg4[%add3A_216, %dma_wait3A_222] : memref<819200x64xf32, #tpu.memory_space<hbm>> -> memref<128x64xf32, #tpu.memory_space<hbm>>
    %dma_wait3A_224 = arith.constant 0 : i32
    %dma_wait3A_225 = tpu.memref_slice %arg4[%add3A_216, %dma_wait3A_224] : memref<819200x64xf32, #tpu.memory_space<hbm>> -> memref<128x64xf32, #tpu.memory_space<hbm>>
    %dma_wait3A_226 = arith.constant 0 : i32
    %dma_wait3A_227 = arith.constant 0 : i32
    %dma_wait3A_228 = tpu.memref_slice %arg7[%dma_wait3A_217, %dma_wait3A_226, %dma_wait3A_227] : memref<2x128x64xf32, #tpu.memory_space<vmem>> -> memref<1x128x64xf32, #tpu.memory_space<vmem>>
    %dma_wait3A_229 = tpu.memref_squeeze %dma_wait3A_228 : memref<1x128x64xf32, #tpu.memory_space<vmem>> -> memref<128x64xf32, #tpu.memory_space<vmem>>
    tpu.wait_dma2 semaphore(%arg13 : memref<!tpu.dma_semaphore, #tpu.memory_space<semaphore_mem>>) src(%dma_wait3A_229 : memref<128x64xf32, #tpu.memory_space<vmem>>) dst(%dma_wait3A_225 : memref<128x64xf32, #tpu.memory_space<hbm>>)
    return
  }
}

module attributes {stable_mosaic.version = 14 : i64} {
  func.func @body(%arg0: i32, %arg1: memref<4000x64xf32, #tpu.memory_space<vmem>>, %arg2: memref<4000x128xf32, #tpu.memory_space<vmem>>) attributes {dimension_semantics = [#tpu.dimension_semantics<arbitrary>], iteration_bounds = array<i64: 250>, scalar_prefetch = 0 : i64, scratch_operands = 0 : i64, tpu.core_type = #tpu.core_type<tc>, window_params = [{transform_indices = @transform_0, window_bounds = array<i64: 4000, 64>}, {transform_indices = @transform_1, window_bounds = array<i64: 4000, 128>}]} {
    %get3A = arith.constant 0 : index
    %get3A_0 = arith.constant 0 : index
    %get3A_1 = vector.load %arg1[%get3A, %get3A_0] : memref<4000x64xf32, #tpu.memory_space<vmem>>, vector<4000x64xf32>
    %swap3A = arith.constant 0 : index
    %swap3A_2 = arith.constant 0 : index
    %swap3A_3 = vector.load %arg2[%swap3A, %swap3A_2] : memref<4000x128xf32, #tpu.memory_space<vmem>>, vector<4000x64xf32>
    tpu.vector_store %arg2[%swap3A, %swap3A_2], %get3A_1 {strides = array<i32>} : memref<4000x128xf32, #tpu.memory_space<vmem>>, vector<4000x64xf32>,
    return
  }
  func.func @transform_0(%arg0: i32) -> (i32, i32) {
    %c0_i32 = arith.constant 0 : i32
    %c0_i32_0 = arith.constant 0 : i32
    return %arg0, %c0_i32 : i32, i32
  }
  func.func @transform_1(%arg0: i32) -> (i32, i32) {
    %c0_i32 = arith.constant 0 : i32
    %c0_i32_0 = arith.constant 0 : i32
    return %arg0, %c0_i32 : i32, i32
  }
}

</mosaic_0001>

<sc_bundles>
// kernel: kernel.4.cloned.1.call-start
scs
__scs_entry_jumppad:
0x0: {  	(pc) =	sbr.rel $0x88, $3  }
0x1: {  	(tag) =	ssettag $0x0;
	lr =	simm.s32 $0x1  }
0x2: {  	[smem:$0x3F9F] =	sst lr;
	_ =	strace $0xD0000000  }
0x3: {  	_ = 	snop  }
0x4: {  	_ = 	snop  }
0x5: {  	_ = 	snop  }
0x6: {  	_ = 	snop  }
0x7: {  	_ = 	snop  }
__scs_overlays_trampoline_lowered:
0x8: {  	[smem:$0x3FAE] =	sst s0  }
0x9: {  	[smem:$0x3FAF] =	sst s1  }
0xa: {  	[smem:$0x3FB0] =	sst s2  }
0xb: {  	[smem:$0x3FB1] =	sst s3  }
0xc: {  	[smem:$0x3FB2] =	sst s4  }
0xd: {  	[smem:$0x3FB3] =	sst s5  }
0xe: {  	[smem:$0x3FB4] =	sst s6  }
0xf: {  	[smem:$0x3FB5] =	sst s7  }
0x10: {  	[smem:$0x3FB6] =	sst s8  }
0x11: {  	[smem:$0x3FB7] =	sst s9;
	s0 =	simm.s32 @!p0 $0x0  }
0x12: {  	s1 =	sld [smem:$0x3F9D];
	s0 =	simm.s32 @p0 $0x1  }
0x13: {  	[smem:$0x3FB8] =	sst s0;
	s0 =	simm.s32 @!p1 $0x0  }
0x14: {  	s2 =	sld [smem:$0x3F9C];
	s0 =	simm.s32 @p1 $0x1  }
0x15: {  	[smem:$0x3FB9] =	sst s0;
	s0 =	simm.s32 @!p2 $0x0  }
0x16: {  	s3 =	sld [smem:$0x3FDB];
	s0 =	simm.s32 @p2 $0x1  }
0x17: {  	s4 =	simm.s32 $0x1BF5;
	[smem:$0x3FBB] =	sst s0  }
0x18: {  	s0 =	sld [smem:$0x3F9E];
	_ =	swait.ge [sflag:s4], $0x0  }
0x19: {  	s7 =	sld [smem:$0x3F9F]  }
0x1a: {  	s8 =	sadd.s32 $0xFFFFE003, lr  }
0x1b: {  	s9 =	sadd.s32 $0xFFFFFEF7, lr;
	s5 =	simm.s32 $0xFFFFFFFF;
	p2 =	slt.u32 s8, $0xFFFFF086  }
0x1c: {  	p1 =	slt.u32 s9, $0xF7A;
	s5 =	simm.s32 @!p2 $0x0  }
0x1d: {  	s5 =	simm.s32 @p1 $0x1;
	p0 =	seq.s32 s7, s2  }
0x1e: {  	s7 =	smul.u32 @!p0 $0xF7A, s2;
	p2 =	seq.s32 @!p0 s5, $0x0  }
0x1f: {  	s9 =	smul.u32 $0xF7A, s1;
	s8 =	simm.s32 @!p0 $0x1BF5;
	p2 =	por !p2, p0  }
0x20: {  	[sflag:s8] =	ssyncset.s32 @!p0 $0xFFFFF086;
	s6 =	sadd.s32 @!p0 s3, s7;
	s7 =	simm.s32 @!p0 $0x108  }
0x21: {  	s3 =	sadd.s32 s3, s9;
	s6 =	sadd.s32 @!p0 $0x88, s6;
	s7 =	simm.s32 @p2 $0x1082  }
0x22: {  	[simem:s7], [sflag:s8] =	dma.local @!p0 [hbm:s6], $0xF7A  }
0x23: {  	s9 =	sor.u32 $0xD0000000, s2;
	s6 =	simm.s32 $0x108;
	_ =	swait.ge @!p0 [sflag:s8], $0x0  }
0x24: {  	s3 =	sadd.s32 $0x88, s3;
	s6 =	simm.s32 @!p1 $0x1082;
	[sflag:s4] =	ssyncset.s32 $0xFFFFF086  }
0x25: {  	[simem:s6], [sflag:s4] =	dma.local [hbm:s3], $0xF7A  }
0x26: {  	[smem:$0x3F9F] =	sst s1;
	(tag) =	ssettag s2;
	_ =	strace s9  }
0x27: {  	s1 =	sld [smem:$0x3FAF]  }
0x28: {  	s2 =	sld [smem:$0x3FB0]  }
0x29: {  	s4 =	sld [smem:$0x3FB2]  }
0x2a: {  	p0 =	seq.s32 s5, $0x0;
	s5 =	sld [smem:$0x3FB3]  }
0x2b: {  	s6 =	sld [smem:$0x3FB4]  }
0x2c: {  	s7 =	sld [smem:$0x3FB5]  }
0x2d: {  	s3 =	simm.s32 $0x108;
	s8 =	sld [smem:$0x3FB6]  }
0x2e: {  	s3 =	simm.s32 @!p0 $0x1082;
	s9 =	sld [smem:$0x3FB7]  }
0x2f: {  	lr =	sadd.s32 s0, s3;
	s0 =	sld [smem:$0x3FAE]  }
0x30: {  	s3 =	sld [smem:$0x3FB1]  }
0x31: {  	[smem:$0x3FBA] =	sst s10  }
0x32: {  	s10 =	sld [smem:$0x3FB8];
	_ =	sdelay $0x3  }
0x33: {  	p0 =	seq.s32 s10, $0x1;
	s10 =	sld [smem:$0x3FBA];
	_ =	sdelay $0x3  }
0x34: {  	[smem:$0x3FBA] =	sst s10  }
0x35: {  	s10 =	sld [smem:$0x3FB9];
	_ =	sdelay $0x3  }
0x36: {  	p1 =	seq.s32 s10, $0x1;
	s10 =	sld [smem:$0x3FBA];
	_ =	sdelay $0x3  }
0x37: {  	[smem:$0x3FBA] =	sst s10  }
0x38: {  	s10 =	sld [smem:$0x3FBB]  }
0x39: {  	_ = 	snop;
	(pc) =	sbr.ind lr, $3  }
0x3a: {  	_ = 	snop  }
0x3b: {  	_ = 	snop  }
0x3c: {  	p2 =	seq.s32 s10, $0x1;
	s10 =	sld [smem:$0x3FBA]  }
0x3d: {  	_ =	shalt  }
0x3e: {  	_ =	shalt  }
0x3f: {  	_ =	shalt  }
0x40: {  	_ =	shalt  }
0x41: {  	_ =	shalt  }
0x42: {  	_ =	shalt  }
0x43: {  	_ =	shalt  }
0x44: {  	_ =	shalt  }
0x45: {  	_ =	shalt  }
0x46: {  	_ =	shalt  }
0x47: {  	_ =	shalt  }
0x48: {  	_ =	shalt  }
0x49: {  	_ =	shalt  }
0x4a: {  	_ =	shalt  }
0x4b: {  	_ =	shalt  }
0x4c: {  	_ =	shalt  }
0x4d: {  	_ =	shalt  }
0x4e: {  	_ =	shalt  }
0x4f: {  	_ =	shalt  }
0x50: {  	_ =	shalt  }
0x51: {  	_ =	shalt  }
0x52: {  	_ =	shalt  }
0x53: {  	_ =	shalt  }
0x54: {  	_ =	shalt  }
0x55: {  	_ =	shalt  }
0x56: {  	_ =	shalt  }
0x57: {  	_ =	shalt  }
0x58: {  	_ =	shalt  }
0x59: {  	_ =	shalt  }
0x5a: {  	_ =	shalt  }
0x5b: {  	_ =	shalt  }
0x5c: {  	_ =	shalt  }
0x5d: {  	_ =	shalt  }
0x5e: {  	_ =	shalt  }
0x5f: {  	_ =	shalt  }
0x60: {  	_ =	shalt  }
0x61: {  	_ =	shalt  }
0x62: {  	_ =	shalt  }
0x63: {  	_ =	shalt  }
0x64: {  	_ =	shalt  }
0x65: {  	_ =	shalt  }
0x66: {  	_ =	shalt  }
0x67: {  	_ =	shalt  }
0x68: {  	_ =	shalt  }
0x69: {  	_ =	shalt  }
0x6a: {  	_ =	shalt  }
0x6b: {  	_ =	shalt  }
0x6c: {  	_ =	shalt  }
0x6d: {  	_ =	shalt  }
0x6e: {  	_ =	shalt  }
0x6f: {  	_ =	shalt  }
0x70: {  	_ =	shalt  }
0x71: {  	_ =	shalt  }
0x72: {  	_ =	shalt  }
0x73: {  	_ =	shalt  }
0x74: {  	_ =	shalt  }
0x75: {  	_ =	shalt  }
0x76: {  	_ =	shalt  }
0x77: {  	_ =	shalt  }
0x78: {  	_ =	shalt  }
0x79: {  	_ =	shalt  }
0x7a: {  	_ =	shalt  }
0x7b: {  	_ =	shalt  }
0x7c: {  	_ =	shalt  }
0x7d: {  	_ =	shalt  }
0x7e: {  	_ =	shalt  }
0x7f: {  	_ =	shalt  }
0x80: {  	_ =	shalt  }
0x81: {  	_ =	shalt  }
0x82: {  	_ =	shalt  }
0x83: {  	_ =	shalt  }
0x84: {  	_ =	shalt  }
0x85: {  	_ =	shalt  }
0x86: {  	_ =	shalt  }
0x87: {  	_ =	shalt  }
.Lfunc_end0:
.L_simem_size_0:
called_computation.1_lowered:
.L_overlay_start_0:
0x88: {  	s2 =	sld [smem:$0x3FD9]  }
0x89: {  	s3 =	sld [smem:$0x3FFE];
	_ =	sdelay $0x1  }
0x8a: {  	s1 =	srdreg.scid  }
0x8b: {  	s0 =	sand.u32 $0x1, s1  }
0x8c: {  	s17 =	sshll.u32 s0, $0xA;
	s2 =	sadd.s32 s3, s2  }
0x8d: {  	s2 =	sadd.s32 s2, s17  }
0x8e: {  	[smem:$0x3FC6] =	sst s2  }
0x8f: {  	_ = 	snop  }
0x90: {  	s2 =	sld [smem:$0x3FD0];
	(tm) =	ssettm $0x1  }
0x91: {  	s18 =	sld [smem:$0x3FFB];
	_ =	sdelay $0x3  }
0x92: {  	_ =	strace s18  }
0x93: {  	s3 =	sld [smem:$0x3FFC];
	_ =	sdelay $0x3  }
0x94: {  	_ =	strace s3  }
0x95: {  	s3 =	sld [smem:$0x3FFD];
	_ =	sdelay $0x3  }
0x96: {  	_ =	strace s3  }
0x97: {  	_ =	strace $0x8FFFFFFF  }
0x98: {  	s19 =	sld [smem:$0x3FDB];
	_ =	sdelay $0x1  }
0x99: {  	s4 =	simm.s32 $_scs_section_size  }
0x9a: {  	s5 =	simm.s32 $_size__tile_overlayer_lowered;
	s6 =	simm.s32 $_tile_overlayer_lowered  }
0x9b: {  	s22 =	simm.s32 $0x1BFF;
	s21 =	sshll.u32 s6, $0x1;
	s3 =	sadd.s32 s4, s19  }
0x9c: {  	s7 =	simm.s32 $0x0;
	s20 =	sshll.u32 s5, $0x1;
	s5 =	sadd.s32 s21, s3  }
0x9d: {  	[timem:s7], [sflag:s22] =	dma.local [hbm:s5], s20  }
0x9e: {  	_ =	swait.ge [sflag:s22], s20  }
0x9f: {  	s4 =	ssub.s32 $0x0, s20;
	[sflag:s22] =	ssyncset.done $0x0  }
0xa0: {  	[sflag:s22] =	ssyncadd.s32 s4;
	_ =	sdelay $0x1  }
0xa1: {  	s23 =	simm.s32 $0x1B8B  }
0xa2: {  	_ =	swait.ge [sflag:s23], $0x1  }
0xa3: {  	[sflag:s23] =	ssyncset.done $0x0  }
0xa4: {  	s25 =	simm.s32 $0x1B8E;
	s24 =	sld [smem:$0x3FFE];
	[sflag:s23] =	ssyncadd.s32 $0xFFFFFFFF  }
0xa5: {  	s26 =	simm.s32 $execute0_lowered;
	[smem:$0x3FD2] =	sst s25  }
0xa6: {  	s5 =	sshll.u32 s26, $0x1;
	_ =	strace $0x80000046;
	[dreg:$0x1] =	wrdreg $0xFFFFFFFF  }
0xa7: {  	s28 =	simm.s32 $_size_execute0_lowered;
	s3 =	sadd.s32 s3, s5;
	[dreg:$0x0] =	wrdreg $0x0  }
0xa8: {  	s5 =	sshll.u32 s28, $0x1;
	[dreg:$0x2] =	wrdreg s3  }
0xa9: {  	[dreg:$0x3] =	wrdreg s5  }
0xaa: {  	[dreg:$0x4] =	wrdreg $0xC0  }
0xab: {  	_ =	task [dreg:s7], $0x5FFFF  }
0xac: {  	[dreg:$0x1] =	wrdreg $0xFFFFFFFF  }
0xad: {  	[dreg:$0x0] =	wrdreg $0x60  }
0xae: {  	[dreg:$0x2] =	wrdreg s2  }
0xaf: {  	[dreg:$0x3] =	wrdreg s24  }
0xb0: {  	[dreg:$0x4] =	wrdreg $0x9  }
0xb1: {  	_ =	task.clear_ibuf [dreg:s7], $0x5FFFF;
	_ =	strace $0x90000046  }
0xb2: {  	s29 =	simm.s32 $0x9;
	_ =	strace $0x80000048  }
0xb3: {  	_ =	swait.ge [sflag:s29], $0x1  }
0xb4: {  	[sflag:s29] =	ssyncadd.s32 $0xFFFFFFFF  }
0xb5: {  	_ =	strace $0x90000048  }
0xb6: {  	_ =	sfence  }
0xb7: {  	s30 =	sld [smem:$0x0];
	_ =	sdelay $0x2  }
0xb8: {  	s31 =	sshll.u32 s1, $0xD;
	s1 =	sshrl.u32 s1, $0x2  }
0xb9: {  	s3 =	sand.u32 $0x4000, s31;
	s1 =	sadd.s32 s1, s30  }
0xba: {  	s0 =	sor.u32 s3, s0;
	s1 =	sshll.u32 s1, $0x11  }
0xbb: {  	s0 =	sor.u32 s1, s0  }
0xbc: {  	s0 =	sadd.s32 $0x8F2B, s0  }
0xbd: {  	[sflag:s0] =	ssyncadd.remote.s32 $0x1  }
0xbe: {  	_ =	sfence.sel $0xFFFF  }
0xbf: {  	[dreg:$0x0] =	wrdreg $0xFFFFFFFF;
	(pc) =	sbr.abs _section_cstart, $3  }
0xc0: {  	[dreg:$0x1] =	wrdreg $0xFFFFFFFF  }
0xc1: {  	_ =	task.clear_ibuf [dreg:s7], $0x2FFFF;
	_ =	strace $0x9FFFFFFF  }
0xc2: {  	(tm) =	ssettm $0x7FFFFFFF  }
0xc3: {  	_ =	shalt  }
tec
execute0_lowered:
.L_overlay_start_1:
0x0: {  	(tag) =	ssettag $0x1  }
0x1: {  	s0 =	rddreg [dreg:$0x0];
	s1 =	srdreg.scid  }
0x2: {  	s2 =	stileid.u32;
	s5 =	rddreg [dreg:$0x1];
	s14 =	simm.s32 $0x7  }
0x3: {  	s15 =	simm.s32 $0x80;
	s16 =	simm.s32 $0x6400;
	s17 =	simm.s32 $0xA400  }
0x4: {  	s18 =	simm.s32 $0x1;
	s19 =	simm.s32 $0x16400;
	s21 =	simm.s32 $0xE400  }
0x5: {  	s22 =	simm.s32 $0x2;
	s28 =	simm.s32 $0x5;
	s29 =	simm.s32 $0x4  }
0x6: {  	s30 =	simm.s32 $0x6;
	s1 =	sand.u32 $0x1, s1;
	s3 =	sshll.u32 s2, $0x1  }
0x7: {  	s31 =	simm.s32 $0x0;
	s2 =	simm.s32 $0x0;
	s6 =	sor.u32 s1, s3  }
0x8: {  	s4 =	sadd.s32 $0xF42E00, s5;
	s5 =	sadd.s32 $0xA00, s5;
	s3 =	smul.u32 $0x6400, s6  }
0x9: {  	[smem:$0x7FF] =	sst s2;
	s1 =	ssub.s32 $0x2, s1;
	s7 =	smul.u32 $0x64000, s6  }
0xa: {  	_ =	strace $0x80000047;
	s8 =	sshrl.u32 s1, $0x1;
	s6 =	smul.u32 $0x320000, s6  }
0xb: {  	s1 =	ssub.s32 s1, s8;
	s23 =	sshrl.u32 s3, $0x3;
	s7 =	sadd.s32 s5, s7  }
0xc: {  	s24 =	sshrl.u32 s6, $0x3;
	s9 =	sor.u32 $0x100, s3;
	s10 =	sor.u32 $0x180, s3  }
0xd: {  	s13 =	smax.u32 s1, $0x1;
	s0 =	sadd.s32 s0, s23;
	s25 =	sadd.s32 $0x800, s7  }
0xe: {  	s23 =	simm.s32 $0x1A400;
	[dreg:$0x3] =	wrdreg s0;
	s0 =	sadd.s32 s5, s24  }
0xf: {  	[dreg:$0x4] =	wrdreg s25;
	s25 =	simm.s32 $0x12400;
	s26 =	sadd.s32 $0x63000, s0  }
0x10: {  	s12 =	sadd.s32 $0x63800, s0;
	[dreg:$0x5] =	wrdreg s26;
	s26 =	simm.s32 $0x3  }
.LBB2_1:
0x11: {  	s0 =	rddreg [dreg:$0x3]  }
0x12: {  	[tilespmem:s2], [sflag:$0x7] =	stream.linear.gather [hbm4b:s0+s2], $0x6400, $0x38;
	[tilespmem:$0x1E400] =	vst v63  }
0x13: {  	_ =	swait.ge [sflag:s14], $0x6400  }
0x14: {  	[sflag:s14] =	ssyncset.done $0x0  }
0x15: {  	[sflag:s14] =	ssyncadd.s32 $0xFFFF9C00  }
0x16: {  	[tilespmem:s16], [sflag:$0x1] =	stream.indirect.gather [hbm4b:s4+s15], $0x80, s2, s15, $0xb8;
	[tilespmem:$0x1E400] =	vst v63  }
0x17: {  	_ = 	snop  }
0x18: {  	[tilespmem:s17], [sflag:$0x2] =	stream.indirect.gather [hbm4b:s4+s15], $0x80, s15, s15, $0xb8;
	[tilespmem:$0x1E400] =	vst v63  }
0x19: {  	_ =	swait.ge [sflag:s18], $0x4000  }
0x1a: {  	[sflag:s18] =	ssyncset.done $0x0  }
0x1b: {  	s0 =	simm.s32 $0x0;
	[sflag:s18] =	ssyncadd.s32 $0xFFFFC000  }
0x1c: {  	v0 =	vld [tilespmem:s0+$0x65B0]  }
0x1d: {  	v1 =	vld [tilespmem:s0+$0x6400]  }
0x1e: {  	v2 =	vld [tilespmem:s0+$0x6410]  }
0x1f: {  	v3 =	vld [tilespmem:s0+$0x6420]  }
0x20: {  	v6 =	vld [tilespmem:s0+$0x6490]  }
0x21: {  	v4 =	vld [tilespmem:s0+$0x6430];
	v0 =	vmul.f32 $8.000000000e+00, v0  }
0x22: {  	v5 =	vld [tilespmem:s0+$0x6480];
	v1 =	vmul.f32 $8.000000000e+00, v1  }
0x23: {  	v7 =	vld [tilespmem:s0+$0x64A0];
	[tilespmem:s0+$0x165B0] =	vst v0;
	v0 =	vmul.f32 $8.000000000e+00, v2  }
0x24: {  	v8 =	vld [tilespmem:s0+$0x64B0];
	[tilespmem:s0+$0x16400] =	vst v1;
	v1 =	vmul.f32 $8.000000000e+00, v3  }
0x25: {  	v2 =	vmul.f32 $8.000000000e+00, v6;
	[tilespmem:s0+$0x16410] =	vst v0  }
0x26: {  	v9 =	vld [tilespmem:s0+$0x6500];
	v0 =	vmul.f32 $8.000000000e+00, v4;
	[tilespmem:s0+$0x16420] =	vst v1  }
0x27: {  	v4 =	vld [tilespmem:s0+$0x6510];
	v1 =	vmul.f32 $8.000000000e+00, v5;
	[tilespmem:s0+$0x16490] =	vst v2  }
0x28: {  	v3 =	vmul.f32 $8.000000000e+00, v7;
	[tilespmem:s0+$0x16430] =	vst v0;
	v0 =	vld [tilespmem:s0+$0x6520]  }
0x29: {  	v5 =	vmul.f32 $8.000000000e+00, v8;
	[tilespmem:s0+$0x16480] =	vst v1;
	v1 =	vld [tilespmem:s0+$0x6530]  }
0x2a: {  	v2 =	vld [tilespmem:s0+$0x6580];
	[tilespmem:s0+$0x164A0] =	vst v3  }
0x2b: {  	v3 =	vld [tilespmem:s0+$0x6590];
	[tilespmem:s0+$0x164B0] =	vst v5;
	v5 =	vmul.f32 $8.000000000e+00, v9  }
0x2c: {  	s1 =	simm.s32 $0x200;
	s6 =	simm.s32 $0x1000;
	v6 =	vmul.f32 $8.000000000e+00, v4;
	v4 =	vld [tilespmem:s0+$0x65A0]  }
.LBB2_2:
0x2d: {  	p0 =	sne.s32 s6, $0xF800;
	v7 =	vld [tilespmem:s1+$0x65B0];
	[tilespmem:s0+$0x16500] =	vst v5;
	v0 =	vmul.f32 $8.000000000e+00, v0  }
0x2e: {  	v5 =	vld [tilespmem:s1+$0x6400];
	[tilespmem:s0+$0x16510] =	vst v6;
	v1 =	vmul.f32 $8.000000000e+00, v1  }
0x2f: {  	v6 =	vld [tilespmem:s1+$0x6410];
	[tilespmem:s0+$0x16520] =	vst v0;
	v0 =	vmul.f32 $8.000000000e+00, v2  }
0x30: {  	v2 =	vld [tilespmem:s1+$0x6420];
	[tilespmem:s0+$0x16530] =	vst v1;
	v1 =	vmul.f32 $8.000000000e+00, v3  }
0x31: {  	v3 =	vld [tilespmem:s1+$0x6430];
	[tilespmem:s0+$0x16580] =	vst v0;
	v0 =	vmul.f32 $8.000000000e+00, v4  }
0x32: {  	v4 =	vld [tilespmem:s1+$0x6480];
	v7 =	vmul.f32 $8.000000000e+00, v7;
	[tilespmem:s0+$0x16590] =	vst v1  }
0x33: {  	v1 =	vmul.f32 $8.000000000e+00, v5;
	v5 =	vld [tilespmem:s1+$0x6490];
	[tilespmem:s0+$0x165A0] =	vst v0;
	s0 =	smov.u32 s1  }
0x34: {  	v0 =	vmul.f32 $8.000000000e+00, v6;
	v6 =	vld [tilespmem:s0+$0x64A0];
	[tilespmem:s0+$0x165B0] =	vst v7  }
0x35: {  	[tilespmem:s0+$0x16400] =	vst v1;
	v1 =	vmul.f32 $8.000000000e+00, v2;
	v2 =	vld [tilespmem:s0+$0x64B0]  }
0x36: {  	[tilespmem:s0+$0x16410] =	vst v0;
	v0 =	vmul.f32 $8.000000000e+00, v3;
	v3 =	vld [tilespmem:s0+$0x6500]  }
0x37: {  	[tilespmem:s0+$0x16420] =	vst v1;
	v1 =	vmul.f32 $8.000000000e+00, v4;
	v4 =	vld [tilespmem:s0+$0x6510]  }
.Ltmp0:
0x38: {  	[tilespmem:s0+$0x16430] =	vst v0;
	v5 =	vmul.f32 $8.000000000e+00, v5;
	v0 =	vld [tilespmem:s0+$0x6520];
	(pc) =	sbr.rel @p0 .LBB2_2-.Ltmp0, $4  }
0x39: {  	[tilespmem:s0+$0x16480] =	vst v1;
	v6 =	vmul.f32 $8.000000000e+00, v6;
	v1 =	vld [tilespmem:s0+$0x6530]  }
0x3a: {  	[tilespmem:s0+$0x16490] =	vst v5;
	v7 =	vmul.f32 $8.000000000e+00, v2;
	v2 =	vld [tilespmem:s0+$0x6580]  }
0x3b: {  	[tilespmem:s0+$0x164A0] =	vst v6;
	v5 =	vmul.f32 $8.000000000e+00, v3;
	v3 =	vld [tilespmem:s0+$0x6590]  }
0x3c: {  	s1 =	sshra.s32 s6, $0x2;
	s6 =	sadd.s32 $0x800, s6;
	[tilespmem:s0+$0x164B0] =	vst v7;
	v6 =	vmul.f32 $8.000000000e+00, v4;
	v4 =	vld [tilespmem:s0+$0x65A0]  }
0x3d: {  	v7 =	vld [tilespmem:s1+$0x65B0];
	[tilespmem:s0+$0x16500] =	vst v5;
	v0 =	vmul.f32 $8.000000000e+00, v0  }
0x3e: {  	v5 =	vld [tilespmem:s1+$0x6400];
	[tilespmem:s0+$0x16510] =	vst v6;
	v1 =	vmul.f32 $8.000000000e+00, v1  }
0x3f: {  	v6 =	vld [tilespmem:s1+$0x6410];
	[tilespmem:s0+$0x16520] =	vst v0;
	v2 =	vmul.f32 $8.000000000e+00, v2  }
0x40: {  	v0 =	vld [tilespmem:s1+$0x6420];
	[tilespmem:s0+$0x16530] =	vst v1;
	v3 =	vmul.f32 $8.000000000e+00, v3  }
0x41: {  	v1 =	vld [tilespmem:s1+$0x6430];
	[tilespmem:s0+$0x16580] =	vst v2;
	v4 =	vmul.f32 $8.000000000e+00, v4  }
0x42: {  	v2 =	vld [tilespmem:s1+$0x6480];
	[tilespmem:s0+$0x16590] =	vst v3;
	v7 =	vmul.f32 $8.000000000e+00, v7  }
0x43: {  	v3 =	vld [tilespmem:s1+$0x6490];
	[tilespmem:s0+$0x165A0] =	vst v4;
	v4 =	vmul.f32 $8.000000000e+00, v5  }
0x44: {  	v5 =	vld [tilespmem:s1+$0x64A0];
	[tilespmem:s1+$0x165B0] =	vst v7;
	v6 =	vmul.f32 $8.000000000e+00, v6  }
0x45: {  	[tilespmem:s1+$0x16400] =	vst v4;
	v4 =	vld [tilespmem:s1+$0x64B0];
	v0 =	vmul.f32 $8.000000000e+00, v0  }
0x46: {  	[tilespmem:s1+$0x16410] =	vst v6;
	v6 =	vld [tilespmem:s1+$0x6500];
	v1 =	vmul.f32 $8.000000000e+00, v1  }
0x47: {  	[tilespmem:s1+$0x16420] =	vst v0;
	v0 =	vld [tilespmem:s1+$0x6510];
	v2 =	vmul.f32 $8.000000000e+00, v2  }
0x48: {  	[tilespmem:s1+$0x16430] =	vst v1;
	v1 =	vld [tilespmem:s1+$0x6520];
	v3 =	vmul.f32 $8.000000000e+00, v3  }
0x49: {  	[tilespmem:s1+$0x16480] =	vst v2;
	v2 =	vld [tilespmem:s1+$0x6530];
	v5 =	vmul.f32 $8.000000000e+00, v5  }
0x4a: {  	[tilespmem:s1+$0x16490] =	vst v3;
	v3 =	vld [tilespmem:s1+$0x6580];
	v4 =	vmul.f32 $8.000000000e+00, v4  }
0x4b: {  	[tilespmem:s1+$0x164A0] =	vst v5;
	v5 =	vld [tilespmem:s1+$0x6590];
	v6 =	vmul.f32 $8.000000000e+00, v6  }
0x4c: {  	[tilespmem:s1+$0x164B0] =	vst v4;
	v0 =	vmul.f32 $8.000000000e+00, v0;
	v4 =	vld [tilespmem:s1+$0x65A0]  }
0x4d: {  	[tilespmem:s1+$0x16500] =	vst v6;
	v1 =	vmul.f32 $8.000000000e+00, v1  }
0x4e: {  	[tilespmem:s1+$0x16510] =	vst v0;
	v0 =	vmul.f32 $8.000000000e+00, v2  }
0x4f: {  	[tilespmem:s1+$0x16520] =	vst v1;
	v1 =	vmul.f32 $8.000000000e+00, v3  }
0x50: {  	[tilespmem:s1+$0x16530] =	vst v0;
	v0 =	vmul.f32 $8.000000000e+00, v5  }
0x51: {  	[tilespmem:s1+$0x16580] =	vst v1;
	v1 =	vmul.f32 $8.000000000e+00, v4  }
0x52: {  	[tilespmem:s1+$0x16590] =	vst v0  }
0x53: {  	s20 =	simm.s32 $0x0;
	[tilespmem:s1+$0x165A0] =	vst v1  }
0x54: {  	[hbm4b:s7+s20] =	stream.linear.scatter [tilespmem:s19], [sflag:$0x5], $0x4000, $0x38;
	[tilespmem:$0x1E400] =	vst v63  }
0x55: {  	s24 =	simm.s32 $0x100  }
0x56: {  	[tilespmem:s21], [sflag:$0x3] =	stream.indirect.gather [hbm4b:s4+s15], $0x80, s24, s15, $0xb8;
	[tilespmem:$0x1E400] =	vst v63  }
0x57: {  	_ =	swait.ge [sflag:s22], $0x4000  }
0x58: {  	[sflag:s22] =	ssyncset.done $0x0  }
0x59: {  	s0 =	simm.s32 $0x0;
	[sflag:s22] =	ssyncadd.s32 $0xFFFFC000  }
0x5a: {  	v0 =	vld [tilespmem:s0+$0xA5B0]  }
0x5b: {  	v1 =	vld [tilespmem:s0+$0xA400]  }
0x5c: {  	v2 =	vld [tilespmem:s0+$0xA410]  }
0x5d: {  	v3 =	vld [tilespmem:s0+$0xA420]  }
0x5e: {  	v6 =	vld [tilespmem:s0+$0xA490]  }
0x5f: {  	v4 =	vld [tilespmem:s0+$0xA430];
	v0 =	vmul.f32 $8.000000000e+00, v0  }
0x60: {  	v5 =	vld [tilespmem:s0+$0xA480];
	v1 =	vmul.f32 $8.000000000e+00, v1  }
0x61: {  	v7 =	vld [tilespmem:s0+$0xA4A0];
	[tilespmem:s0+$0x1A5B0] =	vst v0;
	v0 =	vmul.f32 $8.000000000e+00, v2  }
0x62: {  	v8 =	vld [tilespmem:s0+$0xA4B0];
	[tilespmem:s0+$0x1A400] =	vst v1;
	v1 =	vmul.f32 $8.000000000e+00, v3  }
0x63: {  	v2 =	vmul.f32 $8.000000000e+00, v6;
	[tilespmem:s0+$0x1A410] =	vst v0  }
0x64: {  	v9 =	vld [tilespmem:s0+$0xA500];
	v0 =	vmul.f32 $8.000000000e+00, v4;
	[tilespmem:s0+$0x1A420] =	vst v1  }
0x65: {  	v4 =	vld [tilespmem:s0+$0xA510];
	v1 =	vmul.f32 $8.000000000e+00, v5;
	[tilespmem:s0+$0x1A490] =	vst v2  }
0x66: {  	v3 =	vmul.f32 $8.000000000e+00, v7;
	[tilespmem:s0+$0x1A430] =	vst v0;
	v0 =	vld [tilespmem:s0+$0xA520]  }
0x67: {  	v5 =	vmul.f32 $8.000000000e+00, v8;
	[tilespmem:s0+$0x1A480] =	vst v1;
	v1 =	vld [tilespmem:s0+$0xA530]  }
0x68: {  	v2 =	vld [tilespmem:s0+$0xA580];
	[tilespmem:s0+$0x1A4A0] =	vst v3  }
0x69: {  	v3 =	vld [tilespmem:s0+$0xA590];
	[tilespmem:s0+$0x1A4B0] =	vst v5;
	v5 =	vmul.f32 $8.000000000e+00, v9  }
0x6a: {  	s6 =	simm.s32 $0x1000;
	s1 =	simm.s32 $0x200;
	v6 =	vmul.f32 $8.000000000e+00, v4;
	v4 =	vld [tilespmem:s0+$0xA5A0]  }
.LBB2_4:
0x6b: {  	p0 =	sne.s32 s6, $0xF800;
	v7 =	vld [tilespmem:s1+$0xA5B0];
	[tilespmem:s0+$0x1A500] =	vst v5;
	v0 =	vmul.f32 $8.000000000e+00, v0  }
0x6c: {  	v5 =	vld [tilespmem:s1+$0xA400];
	[tilespmem:s0+$0x1A510] =	vst v6;
	v1 =	vmul.f32 $8.000000000e+00, v1  }
0x6d: {  	v6 =	vld [tilespmem:s1+$0xA410];
	[tilespmem:s0+$0x1A520] =	vst v0;
	v0 =	vmul.f32 $8.000000000e+00, v2  }
0x6e: {  	v2 =	vld [tilespmem:s1+$0xA420];
	[tilespmem:s0+$0x1A530] =	vst v1;
	v1 =	vmul.f32 $8.000000000e+00, v3  }
0x6f: {  	v3 =	vld [tilespmem:s1+$0xA430];
	[tilespmem:s0+$0x1A580] =	vst v0;
	v0 =	vmul.f32 $8.000000000e+00, v4  }
0x70: {  	v4 =	vld [tilespmem:s1+$0xA480];
	v7 =	vmul.f32 $8.000000000e+00, v7;
	[tilespmem:s0+$0x1A590] =	vst v1  }
0x71: {  	v1 =	vmul.f32 $8.000000000e+00, v5;
	v5 =	vld [tilespmem:s1+$0xA490];
	[tilespmem:s0+$0x1A5A0] =	vst v0;
	s0 =	smov.u32 s1  }
0x72: {  	v0 =	vmul.f32 $8.000000000e+00, v6;
	v6 =	vld [tilespmem:s0+$0xA4A0];
	[tilespmem:s0+$0x1A5B0] =	vst v7  }
0x73: {  	[tilespmem:s0+$0x1A400] =	vst v1;
	v1 =	vmul.f32 $8.000000000e+00, v2;
	v2 =	vld [tilespmem:s0+$0xA4B0]  }
0x74: {  	[tilespmem:s0+$0x1A410] =	vst v0;
	v0 =	vmul.f32 $8.000000000e+00, v3;
	v3 =	vld [tilespmem:s0+$0xA500]  }
0x75: {  	[tilespmem:s0+$0x1A420] =	vst v1;
	v1 =	vmul.f32 $8.000000000e+00, v4;
	v4 =	vld [tilespmem:s0+$0xA510]  }
.Ltmp1:
0x76: {  	[tilespmem:s0+$0x1A430] =	vst v0;
	v5 =	vmul.f32 $8.000000000e+00, v5;
	v0 =	vld [tilespmem:s0+$0xA520];
	(pc) =	sbr.rel @p0 .LBB2_4-.Ltmp1, $4  }
0x77: {  	[tilespmem:s0+$0x1A480] =	vst v1;
	v6 =	vmul.f32 $8.000000000e+00, v6;
	v1 =	vld [tilespmem:s0+$0xA530]  }
0x78: {  	[tilespmem:s0+$0x1A490] =	vst v5;
	v7 =	vmul.f32 $8.000000000e+00, v2;
	v2 =	vld [tilespmem:s0+$0xA580]  }
0x79: {  	[tilespmem:s0+$0x1A4A0] =	vst v6;
	v5 =	vmul.f32 $8.000000000e+00, v3;
	v3 =	vld [tilespmem:s0+$0xA590]  }
0x7a: {  	s1 =	sshra.s32 s6, $0x2;
	s6 =	sadd.s32 $0x800, s6;
	[tilespmem:s0+$0x1A4B0] =	vst v7;
	v6 =	vmul.f32 $8.000000000e+00, v4;
	v4 =	vld [tilespmem:s0+$0xA5A0]  }
0x7b: {  	v7 =	vld [tilespmem:s1+$0xA5B0];
	[tilespmem:s0+$0x1A500] =	vst v5;
	v0 =	vmul.f32 $8.000000000e+00, v0  }
0x7c: {  	v5 =	vld [tilespmem:s1+$0xA400];
	[tilespmem:s0+$0x1A510] =	vst v6;
	v1 =	vmul.f32 $8.000000000e+00, v1  }
0x7d: {  	v6 =	vld [tilespmem:s1+$0xA410];
	[tilespmem:s0+$0x1A520] =	vst v0;
	v2 =	vmul.f32 $8.000000000e+00, v2  }
0x7e: {  	v0 =	vld [tilespmem:s1+$0xA420];
	[tilespmem:s0+$0x1A530] =	vst v1;
	v3 =	vmul.f32 $8.000000000e+00, v3  }
0x7f: {  	v1 =	vld [tilespmem:s1+$0xA430];
	[tilespmem:s0+$0x1A580] =	vst v2;
	v4 =	vmul.f32 $8.000000000e+00, v4  }
0x80: {  	v2 =	vld [tilespmem:s1+$0xA480];
	[tilespmem:s0+$0x1A590] =	vst v3;
	v7 =	vmul.f32 $8.000000000e+00, v7  }
0x81: {  	v3 =	vld [tilespmem:s1+$0xA490];
	[tilespmem:s0+$0x1A5A0] =	vst v4;
	v50 =	vmul.f32 $8.000000000e+00, v5  }
0x82: {  	v51 =	vld [tilespmem:s1+$0xA4A0];
	[tilespmem:s1+$0x1A5B0] =	vst v7;
	v6 =	vmul.f32 $8.000000000e+00, v6  }
0x83: {  	v52 =	vld [tilespmem:s1+$0xA4B0];
	[tilespmem:s1+$0x1A400] =	vst v50;
	v0 =	vmul.f32 $8.000000000e+00, v0  }
0x84: {  	v53 =	vld [tilespmem:s1+$0xA500];
	[tilespmem:s1+$0x1A410] =	vst v6;
	v1 =	vmul.f32 $8.000000000e+00, v1  }
0x85: {  	v54 =	vld [tilespmem:s1+$0xA510];
	[tilespmem:s1+$0x1A420] =	vst v0;
	v2 =	vmul.f32 $8.000000000e+00, v2  }
0x86: {  	v55 =	vld [tilespmem:s1+$0xA520];
	[tilespmem:s1+$0x1A430] =	vst v1;
	v3 =	vmul.f32 $8.000000000e+00, v3  }
0x87: {  	v56 =	vld [tilespmem:s1+$0xA530];
	[tilespmem:s1+$0x1A480] =	vst v2;
	v5 =	vmul.f32 $8.000000000e+00, v51  }
0x88: {  	v57 =	vld [tilespmem:s1+$0xA580];
	v4 =	vmul.f32 $8.000000000e+00, v52;
	[tilespmem:s1+$0x1A490] =	vst v3  }
0x89: {  	v58 =	vld [tilespmem:s1+$0xA590];
	v6 =	vmul.f32 $8.000000000e+00, v53;
	[tilespmem:s1+$0x1A4A0] =	vst v5  }
0x8a: {  	v59 =	vld [tilespmem:s1+$0xA5A0];
	v0 =	vmul.f32 $8.000000000e+00, v54;
	[tilespmem:s1+$0x1A4B0] =	vst v4  }
0x8b: {  	v1 =	vmul.f32 $8.000000000e+00, v55;
	[tilespmem:s1+$0x1A500] =	vst v6  }
0x8c: {  	v60 =	vmul.f32 $8.000000000e+00, v56;
	[tilespmem:s1+$0x1A510] =	vst v0  }
0x8d: {  	v61 =	vmul.f32 $8.000000000e+00, v57;
	[tilespmem:s1+$0x1A520] =	vst v1  }
0x8e: {  	v62 =	vmul.f32 $8.000000000e+00, v58;
	[tilespmem:s1+$0x1A530] =	vst v60  }
0x8f: {  	v63 =	vmul.f32 $8.000000000e+00, v59;
	[tilespmem:s1+$0x1A580] =	vst v61  }
0x90: {  	[tilespmem:s1+$0x1A590] =	vst v62  }
0x91: {  	s20 =	rddreg [dreg:$0x4];
	[tilespmem:s1+$0x1A5A0] =	vst v63;
	s1 =	simm.s32 $0x0  }
0x92: {  	[hbm4b:s20+s1] =	stream.linear.scatter [tilespmem:s23], [sflag:$0x6], $0x4000, $0x38;
	[tilespmem:$0x1E400] =	vst v63  }
0x93: {  	s24 =	simm.s32 $0x180  }
0x94: {  	[tilespmem:s25], [sflag:$0x4] =	stream.indirect.gather [hbm4b:s4+s15], $0x80, s24, s15, $0xb8;
	[tilespmem:$0x1E400] =	vst v63  }
.LBB2_6:
0x95: {  	_ =	swait.ge [sflag:s26], $0x4000  }
0x96: {  	[sflag:s26] =	ssyncset.done $0x0  }
0x97: {  	[sflag:s26] =	ssyncadd.s32 $0xFFFFC000  }
0x98: {  	_ =	swait.ge [sflag:s28], $0x4000  }
0x99: {  	[sflag:s28] =	ssyncset.done $0x0  }
0x9a: {  	s0 =	simm.s32 $0x0;
	[sflag:s28] =	ssyncadd.s32 $0xFFFFC000  }
0x9b: {  	v0 =	vld [tilespmem:s0+$0xE5B0]  }
0x9c: {  	v1 =	vld [tilespmem:s0+$0xE400]  }
0x9d: {  	v2 =	vld [tilespmem:s0+$0xE410]  }
0x9e: {  	v3 =	vld [tilespmem:s0+$0xE420]  }
0x9f: {  	v6 =	vld [tilespmem:s0+$0xE490]  }
0xa0: {  	v4 =	vld [tilespmem:s0+$0xE430];
	v0 =	vmul.f32 $8.000000000e+00, v0  }
0xa1: {  	v5 =	vld [tilespmem:s0+$0xE480];
	v1 =	vmul.f32 $8.000000000e+00, v1  }
0xa2: {  	v7 =	vld [tilespmem:s0+$0xE4A0];
	[tilespmem:s0+$0x165B0] =	vst v0;
	v0 =	vmul.f32 $8.000000000e+00, v2  }
0xa3: {  	v8 =	vld [tilespmem:s0+$0xE4B0];
	[tilespmem:s0+$0x16400] =	vst v1;
	v1 =	vmul.f32 $8.000000000e+00, v3  }
0xa4: {  	v2 =	vmul.f32 $8.000000000e+00, v6;
	[tilespmem:s0+$0x16410] =	vst v0  }
0xa5: {  	v9 =	vld [tilespmem:s0+$0xE500];
	v0 =	vmul.f32 $8.000000000e+00, v4;
	[tilespmem:s0+$0x16420] =	vst v1  }
0xa6: {  	v4 =	vld [tilespmem:s0+$0xE510];
	v1 =	vmul.f32 $8.000000000e+00, v5;
	[tilespmem:s0+$0x16490] =	vst v2  }
0xa7: {  	v3 =	vmul.f32 $8.000000000e+00, v7;
	[tilespmem:s0+$0x16430] =	vst v0;
	v0 =	vld [tilespmem:s0+$0xE520]  }
0xa8: {  	v5 =	vmul.f32 $8.000000000e+00, v8;
	[tilespmem:s0+$0x16480] =	vst v1;
	v1 =	vld [tilespmem:s0+$0xE530]  }
0xa9: {  	v2 =	vld [tilespmem:s0+$0xE580];
	[tilespmem:s0+$0x164A0] =	vst v3  }
0xaa: {  	v3 =	vld [tilespmem:s0+$0xE590];
	[tilespmem:s0+$0x164B0] =	vst v5;
	v5 =	vmul.f32 $8.000000000e+00, v9  }
0xab: {  	s6 =	simm.s32 $0x200;
	s8 =	simm.s32 $0x1000;
	v6 =	vmul.f32 $8.000000000e+00, v4;
	v4 =	vld [tilespmem:s0+$0xE5A0]  }
.LBB2_7:
0xac: {  	p0 =	sne.s32 s8, $0xF800;
	v7 =	vld [tilespmem:s6+$0xE5B0];
	[tilespmem:s0+$0x16500] =	vst v5;
	v0 =	vmul.f32 $8.000000000e+00, v0  }
0xad: {  	v5 =	vld [tilespmem:s6+$0xE400];
	[tilespmem:s0+$0x16510] =	vst v6;
	v1 =	vmul.f32 $8.000000000e+00, v1  }
0xae: {  	v6 =	vld [tilespmem:s6+$0xE410];
	[tilespmem:s0+$0x16520] =	vst v0;
	v0 =	vmul.f32 $8.000000000e+00, v2  }
0xaf: {  	v2 =	vld [tilespmem:s6+$0xE420];
	[tilespmem:s0+$0x16530] =	vst v1;
	v1 =	vmul.f32 $8.000000000e+00, v3  }
0xb0: {  	v3 =	vld [tilespmem:s6+$0xE430];
	[tilespmem:s0+$0x16580] =	vst v0;
	v0 =	vmul.f32 $8.000000000e+00, v4  }
0xb1: {  	v4 =	vld [tilespmem:s6+$0xE480];
	v7 =	vmul.f32 $8.000000000e+00, v7;
	[tilespmem:s0+$0x16590] =	vst v1  }
0xb2: {  	v1 =	vmul.f32 $8.000000000e+00, v5;
	v5 =	vld [tilespmem:s6+$0xE490];
	[tilespmem:s0+$0x165A0] =	vst v0;
	s0 =	smov.u32 s6  }
0xb3: {  	v0 =	vmul.f32 $8.000000000e+00, v6;
	v6 =	vld [tilespmem:s0+$0xE4A0];
	[tilespmem:s0+$0x165B0] =	vst v7  }
0xb4: {  	[tilespmem:s0+$0x16400] =	vst v1;
	v1 =	vmul.f32 $8.000000000e+00, v2;
	v2 =	vld [tilespmem:s0+$0xE4B0]  }
0xb5: {  	[tilespmem:s0+$0x16410] =	vst v0;
	v0 =	vmul.f32 $8.000000000e+00, v3;
	v3 =	vld [tilespmem:s0+$0xE500]  }
0xb6: {  	[tilespmem:s0+$0x16420] =	vst v1;
	v1 =	vmul.f32 $8.000000000e+00, v4;
	v4 =	vld [tilespmem:s0+$0xE510]  }
.Ltmp2:
0xb7: {  	[tilespmem:s0+$0x16430] =	vst v0;
	v5 =	vmul.f32 $8.000000000e+00, v5;
	v0 =	vld [tilespmem:s0+$0xE520];
	(pc) =	sbr.rel @p0 .LBB2_7-.Ltmp2, $4  }
0xb8: {  	[tilespmem:s0+$0x16480] =	vst v1;
	v6 =	vmul.f32 $8.000000000e+00, v6;
	v1 =	vld [tilespmem:s0+$0xE530]  }
0xb9: {  	[tilespmem:s0+$0x16490] =	vst v5;
	v7 =	vmul.f32 $8.000000000e+00, v2;
	v2 =	vld [tilespmem:s0+$0xE580]  }
0xba: {  	[tilespmem:s0+$0x164A0] =	vst v6;
	v5 =	vmul.f32 $8.000000000e+00, v3;
	v3 =	vld [tilespmem:s0+$0xE590]  }
0xbb: {  	s6 =	sshra.s32 s8, $0x2;
	s8 =	sadd.s32 $0x800, s8;
	[tilespmem:s0+$0x164B0] =	vst v7;
	v6 =	vmul.f32 $8.000000000e+00, v4;
	v4 =	vld [tilespmem:s0+$0xE5A0]  }
0xbc: {  	v7 =	vld [tilespmem:s6+$0xE5B0];
	[tilespmem:s0+$0x16500] =	vst v5;
	v0 =	vmul.f32 $8.000000000e+00, v0  }
0xbd: {  	v5 =	vld [tilespmem:s6+$0xE400];
	[tilespmem:s0+$0x16510] =	vst v6;
	v1 =	vmul.f32 $8.000000000e+00, v1  }
0xbe: {  	v6 =	vld [tilespmem:s6+$0xE410];
	[tilespmem:s0+$0x16520] =	vst v0;
	v2 =	vmul.f32 $8.000000000e+00, v2  }
0xbf: {  	v0 =	vld [tilespmem:s6+$0xE420];
	[tilespmem:s0+$0x16530] =	vst v1;
	v3 =	vmul.f32 $8.000000000e+00, v3  }
0xc0: {  	v1 =	vld [tilespmem:s6+$0xE430];
	[tilespmem:s0+$0x16580] =	vst v2;
	v4 =	vmul.f32 $8.000000000e+00, v4  }
0xc1: {  	v2 =	vld [tilespmem:s6+$0xE480];
	[tilespmem:s0+$0x16590] =	vst v3;
	v7 =	vmul.f32 $8.000000000e+00, v7  }
0xc2: {  	v3 =	vld [tilespmem:s6+$0xE490];
	[tilespmem:s0+$0x165A0] =	vst v4;
	v4 =	vmul.f32 $8.000000000e+00, v5  }
0xc3: {  	v5 =	vld [tilespmem:s6+$0xE4A0];
	[tilespmem:s6+$0x165B0] =	vst v7;
	v6 =	vmul.f32 $8.000000000e+00, v6  }
0xc4: {  	[tilespmem:s6+$0x16400] =	vst v4;
	v4 =	vld [tilespmem:s6+$0xE4B0];
	v0 =	vmul.f32 $8.000000000e+00, v0  }
0xc5: {  	[tilespmem:s6+$0x16410] =	vst v6;
	v6 =	vld [tilespmem:s6+$0xE500];
	v1 =	vmul.f32 $8.000000000e+00, v1  }
0xc6: {  	[tilespmem:s6+$0x16420] =	vst v0;
	v0 =	vld [tilespmem:s6+$0xE510];
	v2 =	vmul.f32 $8.000000000e+00, v2  }
0xc7: {  	[tilespmem:s6+$0x16430] =	vst v1;
	v1 =	vld [tilespmem:s6+$0xE520];
	v3 =	vmul.f32 $8.000000000e+00, v3  }
0xc8: {  	[tilespmem:s6+$0x16480] =	vst v2;
	v2 =	vld [tilespmem:s6+$0xE530];
	v5 =	vmul.f32 $8.000000000e+00, v5  }
0xc9: {  	[tilespmem:s6+$0x16490] =	vst v3;
	v3 =	vld [tilespmem:s6+$0xE580];
	v4 =	vmul.f32 $8.000000000e+00, v4  }
0xca: {  	[tilespmem:s6+$0x164A0] =	vst v5;
	v5 =	vld [tilespmem:s6+$0xE590];
	v6 =	vmul.f32 $8.000000000e+00, v6  }
0xcb: {  	[tilespmem:s6+$0x164B0] =	vst v4;
	v0 =	vmul.f32 $8.000000000e+00, v0;
	v4 =	vld [tilespmem:s6+$0xE5A0]  }
0xcc: {  	[tilespmem:s6+$0x16500] =	vst v6;
	v1 =	vmul.f32 $8.000000000e+00, v1  }
0xcd: {  	[tilespmem:s6+$0x16510] =	vst v0;
	v0 =	vmul.f32 $8.000000000e+00, v2  }
0xce: {  	[tilespmem:s6+$0x16520] =	vst v1;
	v1 =	vmul.f32 $8.000000000e+00, v3  }
0xcf: {  	s0 =	sshll.u32 s1, $0x9;
	[tilespmem:s6+$0x16530] =	vst v0;
	v0 =	vmul.f32 $8.000000000e+00, v5  }
0xd0: {  	s8 =	sadd.s32 s0, s9;
	[tilespmem:s6+$0x16580] =	vst v1;
	v1 =	vmul.f32 $8.000000000e+00, v4  }
0xd1: {  	s8 =	sshll.u32 s8, $0x4;
	[tilespmem:s6+$0x16590] =	vst v0  }
0xd2: {  	s24 =	simm.s32 $0x0;
	s20 =	sadd.s32 s5, s8;
	[tilespmem:s6+$0x165A0] =	vst v1  }
0xd3: {  	[hbm4b:s20+s24] =	stream.linear.scatter [tilespmem:s19], [sflag:$0x5], $0x4000, $0x38;
	[tilespmem:$0x1E400] =	vst v63  }
0xd4: {  	s24 =	sadd.s32 $0x200, s0  }
0xd5: {  	[tilespmem:s16], [sflag:$0x1] =	stream.indirect.gather [hbm4b:s4+s15], $0x80, s24, s15, $0xb8;
	[tilespmem:$0x1E400] =	vst v63  }
0xd6: {  	_ =	swait.ge [sflag:s29], $0x4000  }
0xd7: {  	[sflag:s29] =	ssyncset.done $0x0  }
0xd8: {  	[sflag:s29] =	ssyncadd.s32 $0xFFFFC000  }
0xd9: {  	_ =	swait.ge [sflag:s30], $0x4000  }
0xda: {  	[sflag:s30] =	ssyncset.done $0x0  }
0xdb: {  	s20 =	simm.s32 $0x0;
	[sflag:s30] =	ssyncadd.s32 $0xFFFFC000  }
0xdc: {  	v0 =	vld [tilespmem:s20+$0x125B0]  }
0xdd: {  	v1 =	vld [tilespmem:s20+$0x12400]  }
0xde: {  	v2 =	vld [tilespmem:s20+$0x12410]  }
0xdf: {  	v3 =	vld [tilespmem:s20+$0x12420]  }
0xe0: {  	v6 =	vld [tilespmem:s20+$0x12490]  }
0xe1: {  	v4 =	vld [tilespmem:s20+$0x12430];
	v0 =	vmul.f32 $8.000000000e+00, v0  }
0xe2: {  	v5 =	vld [tilespmem:s20+$0x12480];
	v1 =	vmul.f32 $8.000000000e+00, v1  }
0xe3: {  	v7 =	vld [tilespmem:s20+$0x124A0];
	[tilespmem:s20+$0x1A5B0] =	vst v0;
	v0 =	vmul.f32 $8.000000000e+00, v2  }
0xe4: {  	v8 =	vld [tilespmem:s20+$0x124B0];
	[tilespmem:s20+$0x1A400] =	vst v1;
	v1 =	vmul.f32 $8.000000000e+00, v3  }
0xe5: {  	v2 =	vmul.f32 $8.000000000e+00, v6;
	[tilespmem:s20+$0x1A410] =	vst v0  }
0xe6: {  	v9 =	vld [tilespmem:s20+$0x12500];
	v0 =	vmul.f32 $8.000000000e+00, v4;
	[tilespmem:s20+$0x1A420] =	vst v1  }
0xe7: {  	v4 =	vld [tilespmem:s20+$0x12510];
	v1 =	vmul.f32 $8.000000000e+00, v5;
	[tilespmem:s20+$0x1A490] =	vst v2  }
0xe8: {  	v3 =	vmul.f32 $8.000000000e+00, v7;
	[tilespmem:s20+$0x1A430] =	vst v0;
	v0 =	vld [tilespmem:s20+$0x12520]  }
0xe9: {  	v5 =	vmul.f32 $8.000000000e+00, v8;
	[tilespmem:s20+$0x1A480] =	vst v1;
	v1 =	vld [tilespmem:s20+$0x12530]  }
0xea: {  	v2 =	vld [tilespmem:s20+$0x12580];
	[tilespmem:s20+$0x1A4A0] =	vst v3  }
0xeb: {  	v3 =	vld [tilespmem:s20+$0x12590];
	[tilespmem:s20+$0x1A4B0] =	vst v5;
	v5 =	vmul.f32 $8.000000000e+00, v9  }
0xec: {  	s8 =	simm.s32 $0x1000;
	s6 =	simm.s32 $0x200;
	v6 =	vmul.f32 $8.000000000e+00, v4;
	v4 =	vld [tilespmem:s20+$0x125A0]  }
.LBB2_9:
0xed: {  	p0 =	sne.s32 s8, $0xF800;
	v7 =	vld [tilespmem:s6+$0x125B0];
	[tilespmem:s20+$0x1A500] =	vst v5;
	v0 =	vmul.f32 $8.000000000e+00, v0  }
0xee: {  	v5 =	vld [tilespmem:s6+$0x12400];
	[tilespmem:s20+$0x1A510] =	vst v6;
	v1 =	vmul.f32 $8.000000000e+00, v1  }
0xef: {  	v6 =	vld [tilespmem:s6+$0x12410];
	[tilespmem:s20+$0x1A520] =	vst v0;
	v0 =	vmul.f32 $8.000000000e+00, v2  }
0xf0: {  	v2 =	vld [tilespmem:s6+$0x12420];
	[tilespmem:s20+$0x1A530] =	vst v1;
	v1 =	vmul.f32 $8.000000000e+00, v3  }
0xf1: {  	v3 =	vld [tilespmem:s6+$0x12430];
	[tilespmem:s20+$0x1A580] =	vst v0;
	v0 =	vmul.f32 $8.000000000e+00, v4  }
0xf2: {  	v4 =	vld [tilespmem:s6+$0x12480];
	v7 =	vmul.f32 $8.000000000e+00, v7;
	[tilespmem:s20+$0x1A590] =	vst v1  }
0xf3: {  	v1 =	vmul.f32 $8.000000000e+00, v5;
	v5 =	vld [tilespmem:s6+$0x12490];
	[tilespmem:s20+$0x1A5A0] =	vst v0;
	s20 =	smov.u32 s6  }
0xf4: {  	v0 =	vmul.f32 $8.000000000e+00, v6;
	v6 =	vld [tilespmem:s20+$0x124A0];
	[tilespmem:s20+$0x1A5B0] =	vst v7  }
0xf5: {  	[tilespmem:s20+$0x1A400] =	vst v1;
	v1 =	vmul.f32 $8.000000000e+00, v2;
	v2 =	vld [tilespmem:s20+$0x124B0]  }
0xf6: {  	[tilespmem:s20+$0x1A410] =	vst v0;
	v0 =	vmul.f32 $8.000000000e+00, v3;
	v3 =	vld [tilespmem:s20+$0x12500]  }
0xf7: {  	[tilespmem:s20+$0x1A420] =	vst v1;
	v1 =	vmul.f32 $8.000000000e+00, v4;
	v4 =	vld [tilespmem:s20+$0x12510]  }
.Ltmp3:
0xf8: {  	[tilespmem:s20+$0x1A430] =	vst v0;
	v5 =	vmul.f32 $8.000000000e+00, v5;
	v0 =	vld [tilespmem:s20+$0x12520];
	(pc) =	sbr.rel @p0 .LBB2_9-.Ltmp3, $4  }
0xf9: {  	[tilespmem:s20+$0x1A480] =	vst v1;
	v6 =	vmul.f32 $8.000000000e+00, v6;
	v1 =	vld [tilespmem:s20+$0x12530]  }
0xfa: {  	[tilespmem:s20+$0x1A490] =	vst v5;
	v7 =	vmul.f32 $8.000000000e+00, v2;
	v2 =	vld [tilespmem:s20+$0x12580]  }
0xfb: {  	[tilespmem:s20+$0x1A4A0] =	vst v6;
	v5 =	vmul.f32 $8.000000000e+00, v3;
	v3 =	vld [tilespmem:s20+$0x12590]  }
0xfc: {  	s6 =	sshra.s32 s8, $0x2;
	s8 =	sadd.s32 $0x800, s8;
	[tilespmem:s20+$0x1A4B0] =	vst v7;
	v6 =	vmul.f32 $8.000000000e+00, v4;
	v4 =	vld [tilespmem:s20+$0x125A0]  }
0xfd: {  	v7 =	vld [tilespmem:s6+$0x125B0];
	[tilespmem:s20+$0x1A500] =	vst v5;
	v0 =	vmul.f32 $8.000000000e+00, v0  }
0xfe: {  	v5 =	vld [tilespmem:s6+$0x12400];
	[tilespmem:s20+$0x1A510] =	vst v6;
	v1 =	vmul.f32 $8.000000000e+00, v1  }
0xff: {  	v6 =	vld [tilespmem:s6+$0x12410];
	[tilespmem:s20+$0x1A520] =	vst v0;
	v2 =	vmul.f32 $8.000000000e+00, v2  }
0x100: {  	v0 =	vld [tilespmem:s6+$0x12420];
	[tilespmem:s20+$0x1A530] =	vst v1;
	v3 =	vmul.f32 $8.000000000e+00, v3  }
0x101: {  	v1 =	vld [tilespmem:s6+$0x12430];
	[tilespmem:s20+$0x1A580] =	vst v2;
	v4 =	vmul.f32 $8.000000000e+00, v4  }
0x102: {  	v2 =	vld [tilespmem:s6+$0x12480];
	[tilespmem:s20+$0x1A590] =	vst v3;
	v7 =	vmul.f32 $8.000000000e+00, v7  }
0x103: {  	v3 =	vld [tilespmem:s6+$0x12490];
	[tilespmem:s20+$0x1A5A0] =	vst v4;
	v4 =	vmul.f32 $8.000000000e+00, v5  }
0x104: {  	v5 =	vld [tilespmem:s6+$0x124A0];
	[tilespmem:s6+$0x1A5B0] =	vst v7;
	v6 =	vmul.f32 $8.000000000e+00, v6  }
0x105: {  	[tilespmem:s6+$0x1A400] =	vst v4;
	v4 =	vld [tilespmem:s6+$0x124B0];
	v0 =	vmul.f32 $8.000000000e+00, v0  }
0x106: {  	[tilespmem:s6+$0x1A410] =	vst v6;
	v6 =	vld [tilespmem:s6+$0x12500];
	v1 =	vmul.f32 $8.000000000e+00, v1  }
0x107: {  	[tilespmem:s6+$0x1A420] =	vst v0;
	v0 =	vld [tilespmem:s6+$0x12510];
	v2 =	vmul.f32 $8.000000000e+00, v2  }
0x108: {  	[tilespmem:s6+$0x1A430] =	vst v1;
	v1 =	vld [tilespmem:s6+$0x12520];
	v3 =	vmul.f32 $8.000000000e+00, v3  }
0x109: {  	[tilespmem:s6+$0x1A480] =	vst v2;
	v2 =	vld [tilespmem:s6+$0x12530];
	v5 =	vmul.f32 $8.000000000e+00, v5  }
0x10a: {  	[tilespmem:s6+$0x1A490] =	vst v3;
	v3 =	vld [tilespmem:s6+$0x12580];
	v4 =	vmul.f32 $8.000000000e+00, v4  }
0x10b: {  	[tilespmem:s6+$0x1A4A0] =	vst v5;
	v5 =	vld [tilespmem:s6+$0x12590];
	v6 =	vmul.f32 $8.000000000e+00, v6  }
0x10c: {  	[tilespmem:s6+$0x1A4B0] =	vst v4;
	v0 =	vmul.f32 $8.000000000e+00, v0;
	v4 =	vld [tilespmem:s6+$0x125A0]  }
0x10d: {  	[tilespmem:s6+$0x1A500] =	vst v6;
	v1 =	vmul.f32 $8.000000000e+00, v1  }
0x10e: {  	[tilespmem:s6+$0x1A510] =	vst v0;
	v0 =	vmul.f32 $8.000000000e+00, v2  }
0x10f: {  	[tilespmem:s6+$0x1A520] =	vst v1;
	v1 =	vmul.f32 $8.000000000e+00, v3  }
0x110: {  	[tilespmem:s6+$0x1A530] =	vst v0;
	v0 =	vmul.f32 $8.000000000e+00, v5  }
0x111: {  	s8 =	sadd.s32 s0, s10;
	[tilespmem:s6+$0x1A580] =	vst v1;
	v1 =	vmul.f32 $8.000000000e+00, v4  }
0x112: {  	s8 =	sshll.u32 s8, $0x4;
	[tilespmem:s6+$0x1A590] =	vst v0  }
0x113: {  	s11 =	sadd.s32 s5, s8;
	s20 =	simm.s32 $0x0;
	[tilespmem:s6+$0x1A5A0] =	vst v1  }
0x114: {  	[hbm4b:s11+s20] =	stream.linear.scatter [tilespmem:s23], [sflag:$0x6], $0x4000, $0x38;
	[tilespmem:$0x1E400] =	vst v63  }
0x115: {  	s20 =	sadd.s32 $0x280, s0  }
0x116: {  	[tilespmem:s17], [sflag:$0x2] =	stream.indirect.gather [hbm4b:s4+s15], $0x80, s20, s15, $0xb8;
	[tilespmem:$0x1E400] =	vst v63  }
0x117: {  	_ =	swait.ge [sflag:s18], $0x4000  }
0x118: {  	[sflag:s18] =	ssyncset.done $0x0  }
0x119: {  	[sflag:s18] =	ssyncadd.s32 $0xFFFFC000  }
0x11a: {  	_ =	swait.ge [sflag:s28], $0x4000  }
0x11b: {  	[sflag:s28] =	ssyncset.done $0x0  }
0x11c: {  	s6 =	simm.s32 $0x0;
	[sflag:s28] =	ssyncadd.s32 $0xFFFFC000  }
0x11d: {  	v0 =	vld [tilespmem:s6+$0x65B0]  }
0x11e: {  	v1 =	vld [tilespmem:s6+$0x6400]  }
0x11f: {  	v2 =	vld [tilespmem:s6+$0x6410]  }
0x120: {  	v3 =	vld [tilespmem:s6+$0x6420]  }
0x121: {  	v6 =	vld [tilespmem:s6+$0x6490]  }
0x122: {  	v4 =	vld [tilespmem:s6+$0x6430];
	v0 =	vmul.f32 $8.000000000e+00, v0  }
0x123: {  	v5 =	vld [tilespmem:s6+$0x6480];
	v1 =	vmul.f32 $8.000000000e+00, v1  }
0x124: {  	v7 =	vld [tilespmem:s6+$0x64A0];
	[tilespmem:s6+$0x165B0] =	vst v0;
	v0 =	vmul.f32 $8.000000000e+00, v2  }
0x125: {  	v8 =	vld [tilespmem:s6+$0x64B0];
	[tilespmem:s6+$0x16400] =	vst v1;
	v1 =	vmul.f32 $8.000000000e+00, v3  }
0x126: {  	v2 =	vmul.f32 $8.000000000e+00, v6;
	[tilespmem:s6+$0x16410] =	vst v0  }
0x127: {  	v9 =	vld [tilespmem:s6+$0x6500];
	v0 =	vmul.f32 $8.000000000e+00, v4;
	[tilespmem:s6+$0x16420] =	vst v1  }
0x128: {  	v4 =	vld [tilespmem:s6+$0x6510];
	v1 =	vmul.f32 $8.000000000e+00, v5;
	[tilespmem:s6+$0x16490] =	vst v2  }
0x129: {  	v3 =	vmul.f32 $8.000000000e+00, v7;
	[tilespmem:s6+$0x16430] =	vst v0;
	v0 =	vld [tilespmem:s6+$0x6520]  }
0x12a: {  	v5 =	vmul.f32 $8.000000000e+00, v8;
	[tilespmem:s6+$0x16480] =	vst v1;
	v1 =	vld [tilespmem:s6+$0x6530]  }
0x12b: {  	v2 =	vld [tilespmem:s6+$0x6580];
	[tilespmem:s6+$0x164A0] =	vst v3  }
0x12c: {  	v3 =	vld [tilespmem:s6+$0x6590];
	[tilespmem:s6+$0x164B0] =	vst v5;
	v5 =	vmul.f32 $8.000000000e+00, v9  }
0x12d: {  	s8 =	simm.s32 $0x200;
	s11 =	simm.s32 $0x1000;
	v6 =	vmul.f32 $8.000000000e+00, v4;
	v4 =	vld [tilespmem:s6+$0x65A0]  }
.LBB2_11:
0x12e: {  	p0 =	sne.s32 s11, $0xF800;
	v7 =	vld [tilespmem:s8+$0x65B0];
	[tilespmem:s6+$0x16500] =	vst v5;
	v0 =	vmul.f32 $8.000000000e+00, v0  }
0x12f: {  	v5 =	vld [tilespmem:s8+$0x6400];
	[tilespmem:s6+$0x16510] =	vst v6;
	v1 =	vmul.f32 $8.000000000e+00, v1  }
0x130: {  	v6 =	vld [tilespmem:s8+$0x6410];
	[tilespmem:s6+$0x16520] =	vst v0;
	v0 =	vmul.f32 $8.000000000e+00, v2  }
0x131: {  	v2 =	vld [tilespmem:s8+$0x6420];
	[tilespmem:s6+$0x16530] =	vst v1;
	v1 =	vmul.f32 $8.000000000e+00, v3  }
0x132: {  	v3 =	vld [tilespmem:s8+$0x6430];
	[tilespmem:s6+$0x16580] =	vst v0;
	v0 =	vmul.f32 $8.000000000e+00, v4  }
0x133: {  	v4 =	vld [tilespmem:s8+$0x6480];
	v7 =	vmul.f32 $8.000000000e+00, v7;
	[tilespmem:s6+$0x16590] =	vst v1  }
0x134: {  	v1 =	vmul.f32 $8.000000000e+00, v5;
	v5 =	vld [tilespmem:s8+$0x6490];
	[tilespmem:s6+$0x165A0] =	vst v0;
	s6 =	smov.u32 s8  }
0x135: {  	v0 =	vmul.f32 $8.000000000e+00, v6;
	v6 =	vld [tilespmem:s6+$0x64A0];
	[tilespmem:s6+$0x165B0] =	vst v7  }
0x136: {  	[tilespmem:s6+$0x16400] =	vst v1;
	v1 =	vmul.f32 $8.000000000e+00, v2;
	v2 =	vld [tilespmem:s6+$0x64B0]  }
0x137: {  	[tilespmem:s6+$0x16410] =	vst v0;
	v0 =	vmul.f32 $8.000000000e+00, v3;
	v3 =	vld [tilespmem:s6+$0x6500]  }
0x138: {  	[tilespmem:s6+$0x16420] =	vst v1;
	v1 =	vmul.f32 $8.000000000e+00, v4;
	v4 =	vld [tilespmem:s6+$0x6510]  }
.Ltmp4:
0x139: {  	[tilespmem:s6+$0x16430] =	vst v0;
	v5 =	vmul.f32 $8.000000000e+00, v5;
	v0 =	vld [tilespmem:s6+$0x6520];
	(pc) =	sbr.rel @p0 .LBB2_11-.Ltmp4, $4  }
0x13a: {  	[tilespmem:s6+$0x16480] =	vst v1;
	v6 =	vmul.f32 $8.000000000e+00, v6;
	v1 =	vld [tilespmem:s6+$0x6530]  }
0x13b: {  	[tilespmem:s6+$0x16490] =	vst v5;
	v7 =	vmul.f32 $8.000000000e+00, v2;
	v2 =	vld [tilespmem:s6+$0x6580]  }
0x13c: {  	[tilespmem:s6+$0x164A0] =	vst v6;
	v5 =	vmul.f32 $8.000000000e+00, v3;
	v3 =	vld [tilespmem:s6+$0x6590]  }
0x13d: {  	s8 =	sshra.s32 s11, $0x2;
	s11 =	sadd.s32 $0x800, s11;
	[tilespmem:s6+$0x164B0] =	vst v7;
	v6 =	vmul.f32 $8.000000000e+00, v4;
	v4 =	vld [tilespmem:s6+$0x65A0]  }
0x13e: {  	v7 =	vld [tilespmem:s8+$0x65B0];
	[tilespmem:s6+$0x16500] =	vst v5;
	v0 =	vmul.f32 $8.000000000e+00, v0  }
0x13f: {  	v5 =	vld [tilespmem:s8+$0x6400];
	[tilespmem:s6+$0x16510] =	vst v6;
	v1 =	vmul.f32 $8.000000000e+00, v1  }
0x140: {  	v6 =	vld [tilespmem:s8+$0x6410];
	[tilespmem:s6+$0x16520] =	vst v0;
	v2 =	vmul.f32 $8.000000000e+00, v2  }
0x141: {  	v0 =	vld [tilespmem:s8+$0x6420];
	[tilespmem:s6+$0x16530] =	vst v1;
	v3 =	vmul.f32 $8.000000000e+00, v3  }
0x142: {  	v1 =	vld [tilespmem:s8+$0x6430];
	[tilespmem:s6+$0x16580] =	vst v2;
	v4 =	vmul.f32 $8.000000000e+00, v4  }
0x143: {  	v2 =	vld [tilespmem:s8+$0x6480];
	[tilespmem:s6+$0x16590] =	vst v3;
	v7 =	vmul.f32 $8.000000000e+00, v7  }
0x144: {  	v3 =	vld [tilespmem:s8+$0x6490];
	[tilespmem:s6+$0x165A0] =	vst v4;
	v4 =	vmul.f32 $8.000000000e+00, v5  }
0x145: {  	v5 =	vld [tilespmem:s8+$0x64A0];
	[tilespmem:s8+$0x165B0] =	vst v7;
	v6 =	vmul.f32 $8.000000000e+00, v6  }
0x146: {  	[tilespmem:s8+$0x16400] =	vst v4;
	v4 =	vld [tilespmem:s8+$0x64B0];
	v0 =	vmul.f32 $8.000000000e+00, v0  }
0x147: {  	[tilespmem:s8+$0x16410] =	vst v6;
	v6 =	vld [tilespmem:s8+$0x6500];
	v1 =	vmul.f32 $8.000000000e+00, v1  }
0x148: {  	[tilespmem:s8+$0x16420] =	vst v0;
	v0 =	vld [tilespmem:s8+$0x6510];
	v2 =	vmul.f32 $8.000000000e+00, v2  }
0x149: {  	[tilespmem:s8+$0x16430] =	vst v1;
	v1 =	vld [tilespmem:s8+$0x6520];
	v3 =	vmul.f32 $8.000000000e+00, v3  }
0x14a: {  	[tilespmem:s8+$0x16480] =	vst v2;
	v2 =	vld [tilespmem:s8+$0x6530];
	v5 =	vmul.f32 $8.000000000e+00, v5  }
0x14b: {  	[tilespmem:s8+$0x16490] =	vst v3;
	v3 =	vld [tilespmem:s8+$0x6580];
	v4 =	vmul.f32 $8.000000000e+00, v4  }
0x14c: {  	[tilespmem:s8+$0x164A0] =	vst v5;
	v5 =	vld [tilespmem:s8+$0x6590];
	v6 =	vmul.f32 $8.000000000e+00, v6  }
0x14d: {  	[tilespmem:s8+$0x164B0] =	vst v4;
	v0 =	vmul.f32 $8.000000000e+00, v0;
	v4 =	vld [tilespmem:s8+$0x65A0]  }
0x14e: {  	[tilespmem:s8+$0x16500] =	vst v6;
	v1 =	vmul.f32 $8.000000000e+00, v1  }
0x14f: {  	[tilespmem:s8+$0x16510] =	vst v0;
	v0 =	vmul.f32 $8.000000000e+00, v2  }
0x150: {  	[tilespmem:s8+$0x16520] =	vst v1;
	v1 =	vmul.f32 $8.000000000e+00, v3  }
0x151: {  	[tilespmem:s8+$0x16530] =	vst v0;
	v0 =	vmul.f32 $8.000000000e+00, v5  }
0x152: {  	s24 =	sadd.s32 s3, s24;
	[tilespmem:s8+$0x16580] =	vst v1;
	v1 =	vmul.f32 $8.000000000e+00, v4  }
0x153: {  	s6 =	sshll.u32 s24, $0x4;
	[tilespmem:s8+$0x16590] =	vst v0  }
0x154: {  	s11 =	simm.s32 $0x0;
	s0 =	sand.u32 $0x3FFFFE00, s0;
	s6 =	sadd.s32 s5, s6;
	[tilespmem:s8+$0x165A0] =	vst v1  }
0x155: {  	[hbm4b:s6+s11] =	stream.linear.scatter [tilespmem:s19], [sflag:$0x5], $0x4000, $0x38;
	[tilespmem:$0x1E400] =	vst v63  }
0x156: {  	s24 =	sadd.s32 $0x300, s0  }
0x157: {  	[tilespmem:s21], [sflag:$0x3] =	stream.indirect.gather [hbm4b:s4+s15], $0x80, s24, s15, $0xb8;
	[tilespmem:$0x1E400] =	vst v63  }
0x158: {  	_ =	swait.ge [sflag:s22], $0x4000  }
0x159: {  	[sflag:s22] =	ssyncset.done $0x0  }
0x15a: {  	[sflag:s22] =	ssyncadd.s32 $0xFFFFC000  }
0x15b: {  	_ =	swait.ge [sflag:s30], $0x4000  }
0x15c: {  	[sflag:s30] =	ssyncset.done $0x0  }
0x15d: {  	s6 =	simm.s32 $0x0;
	[sflag:s30] =	ssyncadd.s32 $0xFFFFC000  }
0x15e: {  	v0 =	vld [tilespmem:s6+$0xA5B0]  }
0x15f: {  	v1 =	vld [tilespmem:s6+$0xA400]  }
0x160: {  	v2 =	vld [tilespmem:s6+$0xA410]  }
0x161: {  	v3 =	vld [tilespmem:s6+$0xA420]  }
0x162: {  	v6 =	vld [tilespmem:s6+$0xA490]  }
0x163: {  	v4 =	vld [tilespmem:s6+$0xA430];
	v0 =	vmul.f32 $8.000000000e+00, v0  }
0x164: {  	v5 =	vld [tilespmem:s6+$0xA480];
	v1 =	vmul.f32 $8.000000000e+00, v1  }
0x165: {  	v7 =	vld [tilespmem:s6+$0xA4A0];
	[tilespmem:s6+$0x1A5B0] =	vst v0;
	v0 =	vmul.f32 $8.000000000e+00, v2  }
0x166: {  	v8 =	vld [tilespmem:s6+$0xA4B0];
	[tilespmem:s6+$0x1A400] =	vst v1;
	v1 =	vmul.f32 $8.000000000e+00, v3  }
0x167: {  	v2 =	vmul.f32 $8.000000000e+00, v6;
	[tilespmem:s6+$0x1A410] =	vst v0  }
0x168: {  	v9 =	vld [tilespmem:s6+$0xA500];
	v0 =	vmul.f32 $8.000000000e+00, v4;
	[tilespmem:s6+$0x1A420] =	vst v1  }
0x169: {  	v4 =	vld [tilespmem:s6+$0xA510];
	v1 =	vmul.f32 $8.000000000e+00, v5;
	[tilespmem:s6+$0x1A490] =	vst v2  }
0x16a: {  	v3 =	vmul.f32 $8.000000000e+00, v7;
	[tilespmem:s6+$0x1A430] =	vst v0;
	v0 =	vld [tilespmem:s6+$0xA520]  }
0x16b: {  	v5 =	vmul.f32 $8.000000000e+00, v8;
	[tilespmem:s6+$0x1A480] =	vst v1;
	v1 =	vld [tilespmem:s6+$0xA530]  }
0x16c: {  	v2 =	vld [tilespmem:s6+$0xA580];
	[tilespmem:s6+$0x1A4A0] =	vst v3  }
0x16d: {  	v3 =	vld [tilespmem:s6+$0xA590];
	[tilespmem:s6+$0x1A4B0] =	vst v5;
	v5 =	vmul.f32 $8.000000000e+00, v9  }
0x16e: {  	s8 =	simm.s32 $0x200;
	s11 =	simm.s32 $0x1000;
	v6 =	vmul.f32 $8.000000000e+00, v4;
	v4 =	vld [tilespmem:s6+$0xA5A0]  }
.LBB2_13:
0x16f: {  	p0 =	sne.s32 s11, $0xF800;
	v7 =	vld [tilespmem:s8+$0xA5B0];
	[tilespmem:s6+$0x1A500] =	vst v5;
	v0 =	vmul.f32 $8.000000000e+00, v0  }
0x170: {  	v5 =	vld [tilespmem:s8+$0xA400];
	[tilespmem:s6+$0x1A510] =	vst v6;
	v1 =	vmul.f32 $8.000000000e+00, v1  }
0x171: {  	v6 =	vld [tilespmem:s8+$0xA410];
	[tilespmem:s6+$0x1A520] =	vst v0;
	v0 =	vmul.f32 $8.000000000e+00, v2  }
0x172: {  	v2 =	vld [tilespmem:s8+$0xA420];
	[tilespmem:s6+$0x1A530] =	vst v1;
	v1 =	vmul.f32 $8.000000000e+00, v3  }
0x173: {  	v3 =	vld [tilespmem:s8+$0xA430];
	[tilespmem:s6+$0x1A580] =	vst v0;
	v0 =	vmul.f32 $8.000000000e+00, v4  }
0x174: {  	v4 =	vld [tilespmem:s8+$0xA480];
	v7 =	vmul.f32 $8.000000000e+00, v7;
	[tilespmem:s6+$0x1A590] =	vst v1  }
0x175: {  	v1 =	vmul.f32 $8.000000000e+00, v5;
	v5 =	vld [tilespmem:s8+$0xA490];
	[tilespmem:s6+$0x1A5A0] =	vst v0;
	s6 =	smov.u32 s8  }
0x176: {  	v0 =	vmul.f32 $8.000000000e+00, v6;
	v6 =	vld [tilespmem:s6+$0xA4A0];
	[tilespmem:s6+$0x1A5B0] =	vst v7  }
0x177: {  	[tilespmem:s6+$0x1A400] =	vst v1;
	v1 =	vmul.f32 $8.000000000e+00, v2;
	v2 =	vld [tilespmem:s6+$0xA4B0]  }
0x178: {  	[tilespmem:s6+$0x1A410] =	vst v0;
	v0 =	vmul.f32 $8.000000000e+00, v3;
	v3 =	vld [tilespmem:s6+$0xA500]  }
0x179: {  	[tilespmem:s6+$0x1A420] =	vst v1;
	v1 =	vmul.f32 $8.000000000e+00, v4;
	v4 =	vld [tilespmem:s6+$0xA510]  }
.Ltmp5:
0x17a: {  	[tilespmem:s6+$0x1A430] =	vst v0;
	v5 =	vmul.f32 $8.000000000e+00, v5;
	v0 =	vld [tilespmem:s6+$0xA520];
	(pc) =	sbr.rel @p0 .LBB2_13-.Ltmp5, $4  }
0x17b: {  	[tilespmem:s6+$0x1A480] =	vst v1;
	v6 =	vmul.f32 $8.000000000e+00, v6;
	v1 =	vld [tilespmem:s6+$0xA530]  }
0x17c: {  	[tilespmem:s6+$0x1A490] =	vst v5;
	v7 =	vmul.f32 $8.000000000e+00, v2;
	v2 =	vld [tilespmem:s6+$0xA580]  }
0x17d: {  	[tilespmem:s6+$0x1A4A0] =	vst v6;
	v5 =	vmul.f32 $8.000000000e+00, v3;
	v3 =	vld [tilespmem:s6+$0xA590]  }
0x17e: {  	s8 =	sshra.s32 s11, $0x2;
	s11 =	sadd.s32 $0x800, s11;
	[tilespmem:s6+$0x1A4B0] =	vst v7;
	v6 =	vmul.f32 $8.000000000e+00, v4;
	v4 =	vld [tilespmem:s6+$0xA5A0]  }
0x17f: {  	v7 =	vld [tilespmem:s8+$0xA5B0];
	[tilespmem:s6+$0x1A500] =	vst v5;
	v0 =	vmul.f32 $8.000000000e+00, v0  }
0x180: {  	v5 =	vld [tilespmem:s8+$0xA400];
	[tilespmem:s6+$0x1A510] =	vst v6;
	v1 =	vmul.f32 $8.000000000e+00, v1  }
0x181: {  	v6 =	vld [tilespmem:s8+$0xA410];
	[tilespmem:s6+$0x1A520] =	vst v0;
	v2 =	vmul.f32 $8.000000000e+00, v2  }
0x182: {  	v0 =	vld [tilespmem:s8+$0xA420];
	[tilespmem:s6+$0x1A530] =	vst v1;
	v3 =	vmul.f32 $8.000000000e+00, v3  }
0x183: {  	v1 =	vld [tilespmem:s8+$0xA430];
	[tilespmem:s6+$0x1A580] =	vst v2;
	v4 =	vmul.f32 $8.000000000e+00, v4  }
0x184: {  	v2 =	vld [tilespmem:s8+$0xA480];
	[tilespmem:s6+$0x1A590] =	vst v3;
	v7 =	vmul.f32 $8.000000000e+00, v7  }
0x185: {  	v3 =	vld [tilespmem:s8+$0xA490];
	[tilespmem:s6+$0x1A5A0] =	vst v4;
	v50 =	vmul.f32 $8.000000000e+00, v5  }
0x186: {  	v51 =	vld [tilespmem:s8+$0xA4A0];
	[tilespmem:s8+$0x1A5B0] =	vst v7;
	v6 =	vmul.f32 $8.000000000e+00, v6  }
0x187: {  	v52 =	vld [tilespmem:s8+$0xA4B0];
	[tilespmem:s8+$0x1A400] =	vst v50;
	v0 =	vmul.f32 $8.000000000e+00, v0  }
0x188: {  	v53 =	vld [tilespmem:s8+$0xA500];
	[tilespmem:s8+$0x1A410] =	vst v6;
	v1 =	vmul.f32 $8.000000000e+00, v1  }
0x189: {  	v54 =	vld [tilespmem:s8+$0xA510];
	[tilespmem:s8+$0x1A420] =	vst v0;
	v2 =	vmul.f32 $8.000000000e+00, v2  }
0x18a: {  	v55 =	vld [tilespmem:s8+$0xA520];
	[tilespmem:s8+$0x1A430] =	vst v1;
	v3 =	vmul.f32 $8.000000000e+00, v3  }
0x18b: {  	v56 =	vld [tilespmem:s8+$0xA530];
	[tilespmem:s8+$0x1A480] =	vst v2;
	v5 =	vmul.f32 $8.000000000e+00, v51  }
0x18c: {  	v57 =	vld [tilespmem:s8+$0xA580];
	v4 =	vmul.f32 $8.000000000e+00, v52;
	[tilespmem:s8+$0x1A490] =	vst v3  }
0x18d: {  	v58 =	vld [tilespmem:s8+$0xA590];
	v6 =	vmul.f32 $8.000000000e+00, v53;
	[tilespmem:s8+$0x1A4A0] =	vst v5  }
0x18e: {  	v59 =	vld [tilespmem:s8+$0xA5A0];
	v0 =	vmul.f32 $8.000000000e+00, v54;
	[tilespmem:s8+$0x1A4B0] =	vst v4  }
0x18f: {  	v1 =	vmul.f32 $8.000000000e+00, v55;
	[tilespmem:s8+$0x1A500] =	vst v6  }
0x190: {  	v60 =	vmul.f32 $8.000000000e+00, v56;
	[tilespmem:s8+$0x1A510] =	vst v0  }
0x191: {  	v61 =	vmul.f32 $8.000000000e+00, v57;
	[tilespmem:s8+$0x1A520] =	vst v1  }
0x192: {  	s1 =	sadd.s32 $0x1, s1;
	v62 =	vmul.f32 $8.000000000e+00, v58;
	[tilespmem:s8+$0x1A530] =	vst v60  }
0x193: {  	s24 =	sadd.s32 s3, s20;
	p0 =	sne.s32 s1, $0x31;
	v63 =	vmul.f32 $8.000000000e+00, v59;
	[tilespmem:s8+$0x1A580] =	vst v61  }
.Ltmp6:
0x194: {  	s6 =	sshll.u32 s24, $0x4;
	[tilespmem:s8+$0x1A590] =	vst v62;
	(pc) =	sbr.rel @p0 .LBB2_6-.Ltmp6, $4  }
0x195: {  	s6 =	sadd.s32 s5, s6;
	[tilespmem:s8+$0x1A5A0] =	vst v63  }
0x196: {  	[hbm4b:s6+s2] =	stream.linear.scatter [tilespmem:s23], [sflag:$0x6], $0x4000, $0x38;
	[tilespmem:$0x1E400] =	vst v63  }
0x197: {  	s0 =	sadd.s32 $0x380, s0  }
0x198: {  	[tilespmem:s25], [sflag:$0x4] =	stream.indirect.gather [hbm4b:s4+s15], $0x80, s0, s15, $0xb8;
	[tilespmem:$0x1E400] =	vst v63  }
0x199: {  	_ =	swait.ge [sflag:s26], $0x4000  }
0x19a: {  	[sflag:s26] =	ssyncset.done $0x0  }
0x19b: {  	[sflag:s26] =	ssyncadd.s32 $0xFFFFC000  }
0x19c: {  	_ =	swait.ge [sflag:s28], $0x4000  }
0x19d: {  	[sflag:s28] =	ssyncset.done $0x0  }
0x19e: {  	s0 =	simm.s32 $0x0;
	[sflag:s28] =	ssyncadd.s32 $0xFFFFC000  }
0x19f: {  	v0 =	vld [tilespmem:s0+$0xE5B0]  }
0x1a0: {  	v1 =	vld [tilespmem:s0+$0xE400]  }
0x1a1: {  	v2 =	vld [tilespmem:s0+$0xE410]  }
0x1a2: {  	v3 =	vld [tilespmem:s0+$0xE420]  }
0x1a3: {  	v6 =	vld [tilespmem:s0+$0xE490]  }
0x1a4: {  	v4 =	vld [tilespmem:s0+$0xE430];
	v0 =	vmul.f32 $8.000000000e+00, v0  }
0x1a5: {  	v5 =	vld [tilespmem:s0+$0xE480];
	v1 =	vmul.f32 $8.000000000e+00, v1  }
0x1a6: {  	v7 =	vld [tilespmem:s0+$0xE4A0];
	[tilespmem:s0+$0x165B0] =	vst v0;
	v0 =	vmul.f32 $8.000000000e+00, v2  }
0x1a7: {  	v8 =	vld [tilespmem:s0+$0xE4B0];
	[tilespmem:s0+$0x16400] =	vst v1;
	v1 =	vmul.f32 $8.000000000e+00, v3  }
0x1a8: {  	v2 =	vmul.f32 $8.000000000e+00, v6;
	[tilespmem:s0+$0x16410] =	vst v0  }
0x1a9: {  	v9 =	vld [tilespmem:s0+$0xE500];
	v0 =	vmul.f32 $8.000000000e+00, v4;
	[tilespmem:s0+$0x16420] =	vst v1  }
0x1aa: {  	v4 =	vld [tilespmem:s0+$0xE510];
	v1 =	vmul.f32 $8.000000000e+00, v5;
	[tilespmem:s0+$0x16490] =	vst v2  }
0x1ab: {  	v3 =	vmul.f32 $8.000000000e+00, v7;
	[tilespmem:s0+$0x16430] =	vst v0;
	v0 =	vld [tilespmem:s0+$0xE520]  }
0x1ac: {  	v5 =	vmul.f32 $8.000000000e+00, v8;
	[tilespmem:s0+$0x16480] =	vst v1;
	v1 =	vld [tilespmem:s0+$0xE530]  }
0x1ad: {  	v2 =	vld [tilespmem:s0+$0xE580];
	[tilespmem:s0+$0x164A0] =	vst v3  }
0x1ae: {  	v3 =	vld [tilespmem:s0+$0xE590];
	[tilespmem:s0+$0x164B0] =	vst v5;
	v5 =	vmul.f32 $8.000000000e+00, v9  }
0x1af: {  	s1 =	simm.s32 $0x200;
	s6 =	simm.s32 $0x1000;
	v6 =	vmul.f32 $8.000000000e+00, v4;
	v4 =	vld [tilespmem:s0+$0xE5A0]  }
.LBB2_16:
0x1b0: {  	p0 =	sne.s32 s6, $0xF800;
	v7 =	vld [tilespmem:s1+$0xE5B0];
	[tilespmem:s0+$0x16500] =	vst v5;
	v0 =	vmul.f32 $8.000000000e+00, v0  }
0x1b1: {  	v5 =	vld [tilespmem:s1+$0xE400];
	[tilespmem:s0+$0x16510] =	vst v6;
	v1 =	vmul.f32 $8.000000000e+00, v1  }
0x1b2: {  	v6 =	vld [tilespmem:s1+$0xE410];
	[tilespmem:s0+$0x16520] =	vst v0;
	v0 =	vmul.f32 $8.000000000e+00, v2  }
0x1b3: {  	v2 =	vld [tilespmem:s1+$0xE420];
	[tilespmem:s0+$0x16530] =	vst v1;
	v1 =	vmul.f32 $8.000000000e+00, v3  }
0x1b4: {  	v3 =	vld [tilespmem:s1+$0xE430];
	[tilespmem:s0+$0x16580] =	vst v0;
	v0 =	vmul.f32 $8.000000000e+00, v4  }
0x1b5: {  	v4 =	vld [tilespmem:s1+$0xE480];
	v7 =	vmul.f32 $8.000000000e+00, v7;
	[tilespmem:s0+$0x16590] =	vst v1  }
0x1b6: {  	v1 =	vmul.f32 $8.000000000e+00, v5;
	v5 =	vld [tilespmem:s1+$0xE490];
	[tilespmem:s0+$0x165A0] =	vst v0;
	s0 =	smov.u32 s1  }
0x1b7: {  	v0 =	vmul.f32 $8.000000000e+00, v6;
	v6 =	vld [tilespmem:s0+$0xE4A0];
	[tilespmem:s0+$0x165B0] =	vst v7  }
0x1b8: {  	[tilespmem:s0+$0x16400] =	vst v1;
	v1 =	vmul.f32 $8.000000000e+00, v2;
	v2 =	vld [tilespmem:s0+$0xE4B0]  }
0x1b9: {  	[tilespmem:s0+$0x16410] =	vst v0;
	v0 =	vmul.f32 $8.000000000e+00, v3;
	v3 =	vld [tilespmem:s0+$0xE500]  }
0x1ba: {  	[tilespmem:s0+$0x16420] =	vst v1;
	v1 =	vmul.f32 $8.000000000e+00, v4;
	v4 =	vld [tilespmem:s0+$0xE510]  }
.Ltmp7:
0x1bb: {  	[tilespmem:s0+$0x16430] =	vst v0;
	v5 =	vmul.f32 $8.000000000e+00, v5;
	v0 =	vld [tilespmem:s0+$0xE520];
	(pc) =	sbr.rel @p0 .LBB2_16-.Ltmp7, $4  }
0x1bc: {  	[tilespmem:s0+$0x16480] =	vst v1;
	v6 =	vmul.f32 $8.000000000e+00, v6;
	v1 =	vld [tilespmem:s0+$0xE530]  }
0x1bd: {  	[tilespmem:s0+$0x16490] =	vst v5;
	v7 =	vmul.f32 $8.000000000e+00, v2;
	v2 =	vld [tilespmem:s0+$0xE580]  }
0x1be: {  	[tilespmem:s0+$0x164A0] =	vst v6;
	v5 =	vmul.f32 $8.000000000e+00, v3;
	v3 =	vld [tilespmem:s0+$0xE590]  }
0x1bf: {  	s1 =	sshra.s32 s6, $0x2;
	s6 =	sadd.s32 $0x800, s6;
	[tilespmem:s0+$0x164B0] =	vst v7;
	v6 =	vmul.f32 $8.000000000e+00, v4;
	v4 =	vld [tilespmem:s0+$0xE5A0]  }
0x1c0: {  	v7 =	vld [tilespmem:s1+$0xE5B0];
	[tilespmem:s0+$0x16500] =	vst v5;
	v0 =	vmul.f32 $8.000000000e+00, v0  }
0x1c1: {  	v5 =	vld [tilespmem:s1+$0xE400];
	[tilespmem:s0+$0x16510] =	vst v6;
	v1 =	vmul.f32 $8.000000000e+00, v1  }
0x1c2: {  	v6 =	vld [tilespmem:s1+$0xE410];
	[tilespmem:s0+$0x16520] =	vst v0;
	v2 =	vmul.f32 $8.000000000e+00, v2  }
0x1c3: {  	v0 =	vld [tilespmem:s1+$0xE420];
	[tilespmem:s0+$0x16530] =	vst v1;
	v3 =	vmul.f32 $8.000000000e+00, v3  }
0x1c4: {  	v1 =	vld [tilespmem:s1+$0xE430];
	[tilespmem:s0+$0x16580] =	vst v2;
	v4 =	vmul.f32 $8.000000000e+00, v4  }
0x1c5: {  	v2 =	vld [tilespmem:s1+$0xE480];
	[tilespmem:s0+$0x16590] =	vst v3;
	v7 =	vmul.f32 $8.000000000e+00, v7  }
0x1c6: {  	v3 =	vld [tilespmem:s1+$0xE490];
	[tilespmem:s0+$0x165A0] =	vst v4;
	v4 =	vmul.f32 $8.000000000e+00, v5  }
0x1c7: {  	v5 =	vld [tilespmem:s1+$0xE4A0];
	[tilespmem:s1+$0x165B0] =	vst v7;
	v6 =	vmul.f32 $8.000000000e+00, v6  }
0x1c8: {  	[tilespmem:s1+$0x16400] =	vst v4;
	v4 =	vld [tilespmem:s1+$0xE4B0];
	v0 =	vmul.f32 $8.000000000e+00, v0  }
0x1c9: {  	[tilespmem:s1+$0x16410] =	vst v6;
	v6 =	vld [tilespmem:s1+$0xE500];
	v1 =	vmul.f32 $8.000000000e+00, v1  }
0x1ca: {  	[tilespmem:s1+$0x16420] =	vst v0;
	v0 =	vld [tilespmem:s1+$0xE510];
	v2 =	vmul.f32 $8.000000000e+00, v2  }
0x1cb: {  	[tilespmem:s1+$0x16430] =	vst v1;
	v1 =	vld [tilespmem:s1+$0xE520];
	v3 =	vmul.f32 $8.000000000e+00, v3  }
0x1cc: {  	[tilespmem:s1+$0x16480] =	vst v2;
	v2 =	vld [tilespmem:s1+$0xE530];
	v5 =	vmul.f32 $8.000000000e+00, v5  }
0x1cd: {  	[tilespmem:s1+$0x16490] =	vst v3;
	v3 =	vld [tilespmem:s1+$0xE580];
	v4 =	vmul.f32 $8.000000000e+00, v4  }
0x1ce: {  	[tilespmem:s1+$0x164A0] =	vst v5;
	v5 =	vld [tilespmem:s1+$0xE590];
	v6 =	vmul.f32 $8.000000000e+00, v6  }
0x1cf: {  	[tilespmem:s1+$0x164B0] =	vst v4;
	v0 =	vmul.f32 $8.000000000e+00, v0;
	v4 =	vld [tilespmem:s1+$0xE5A0]  }
0x1d0: {  	[tilespmem:s1+$0x16500] =	vst v6;
	v1 =	vmul.f32 $8.000000000e+00, v1  }
0x1d1: {  	[tilespmem:s1+$0x16510] =	vst v0;
	v0 =	vmul.f32 $8.000000000e+00, v2  }
0x1d2: {  	[tilespmem:s1+$0x16520] =	vst v1;
	v1 =	vmul.f32 $8.000000000e+00, v3  }
0x1d3: {  	[tilespmem:s1+$0x16530] =	vst v0;
	v0 =	vmul.f32 $8.000000000e+00, v5  }
0x1d4: {  	[tilespmem:s1+$0x16580] =	vst v1;
	v1 =	vmul.f32 $8.000000000e+00, v4  }
0x1d5: {  	[tilespmem:s1+$0x16590] =	vst v0  }
0x1d6: {  	s20 =	simm.s32 $0x0;
	s24 =	rddreg [dreg:$0x5];
	[tilespmem:s1+$0x165A0] =	vst v1  }
0x1d7: {  	[hbm4b:s24+s20] =	stream.linear.scatter [tilespmem:s19], [sflag:$0x5], $0x4000, $0x38;
	[tilespmem:$0x1E400] =	vst v63  }
0x1d8: {  	_ =	swait.ge [sflag:s29], $0x4000  }
0x1d9: {  	[sflag:s29] =	ssyncset.done $0x0  }
0x1da: {  	[sflag:s29] =	ssyncadd.s32 $0xFFFFC000  }
0x1db: {  	_ =	swait.ge [sflag:s30], $0x4000  }
0x1dc: {  	[sflag:s30] =	ssyncset.done $0x0  }
0x1dd: {  	s0 =	simm.s32 $0x0;
	[sflag:s30] =	ssyncadd.s32 $0xFFFFC000  }
0x1de: {  	v0 =	vld [tilespmem:s0+$0x125B0]  }
0x1df: {  	v1 =	vld [tilespmem:s0+$0x12400]  }
0x1e0: {  	v2 =	vld [tilespmem:s0+$0x12410]  }
0x1e1: {  	v3 =	vld [tilespmem:s0+$0x12420]  }
0x1e2: {  	v6 =	vld [tilespmem:s0+$0x12490]  }
0x1e3: {  	v4 =	vld [tilespmem:s0+$0x12430];
	v0 =	vmul.f32 $8.000000000e+00, v0  }
0x1e4: {  	v5 =	vld [tilespmem:s0+$0x12480];
	v1 =	vmul.f32 $8.000000000e+00, v1  }
0x1e5: {  	v7 =	vld [tilespmem:s0+$0x124A0];
	[tilespmem:s0+$0x1A5B0] =	vst v0;
	v0 =	vmul.f32 $8.000000000e+00, v2  }
0x1e6: {  	v8 =	vld [tilespmem:s0+$0x124B0];
	[tilespmem:s0+$0x1A400] =	vst v1;
	v1 =	vmul.f32 $8.000000000e+00, v3  }
0x1e7: {  	v2 =	vmul.f32 $8.000000000e+00, v6;
	[tilespmem:s0+$0x1A410] =	vst v0  }
0x1e8: {  	v9 =	vld [tilespmem:s0+$0x12500];
	v0 =	vmul.f32 $8.000000000e+00, v4;
	[tilespmem:s0+$0x1A420] =	vst v1  }
0x1e9: {  	v4 =	vld [tilespmem:s0+$0x12510];
	v1 =	vmul.f32 $8.000000000e+00, v5;
	[tilespmem:s0+$0x1A490] =	vst v2  }
0x1ea: {  	v3 =	vmul.f32 $8.000000000e+00, v7;
	[tilespmem:s0+$0x1A430] =	vst v0;
	v0 =	vld [tilespmem:s0+$0x12520]  }
0x1eb: {  	v5 =	vmul.f32 $8.000000000e+00, v8;
	[tilespmem:s0+$0x1A480] =	vst v1;
	v1 =	vld [tilespmem:s0+$0x12530]  }
0x1ec: {  	v2 =	vld [tilespmem:s0+$0x12580];
	[tilespmem:s0+$0x1A4A0] =	vst v3  }
0x1ed: {  	v3 =	vld [tilespmem:s0+$0x12590];
	[tilespmem:s0+$0x1A4B0] =	vst v5;
	v5 =	vmul.f32 $8.000000000e+00, v9  }
0x1ee: {  	s6 =	simm.s32 $0x1000;
	s1 =	simm.s32 $0x200;
	v6 =	vmul.f32 $8.000000000e+00, v4;
	v4 =	vld [tilespmem:s0+$0x125A0]  }
.LBB2_18:
0x1ef: {  	p0 =	sne.s32 s6, $0xF800;
	v7 =	vld [tilespmem:s1+$0x125B0];
	[tilespmem:s0+$0x1A500] =	vst v5;
	v0 =	vmul.f32 $8.000000000e+00, v0  }
0x1f0: {  	v5 =	vld [tilespmem:s1+$0x12400];
	[tilespmem:s0+$0x1A510] =	vst v6;
	v1 =	vmul.f32 $8.000000000e+00, v1  }
0x1f1: {  	v6 =	vld [tilespmem:s1+$0x12410];
	[tilespmem:s0+$0x1A520] =	vst v0;
	v0 =	vmul.f32 $8.000000000e+00, v2  }
0x1f2: {  	v2 =	vld [tilespmem:s1+$0x12420];
	[tilespmem:s0+$0x1A530] =	vst v1;
	v1 =	vmul.f32 $8.000000000e+00, v3  }
0x1f3: {  	v3 =	vld [tilespmem:s1+$0x12430];
	[tilespmem:s0+$0x1A580] =	vst v0;
	v0 =	vmul.f32 $8.000000000e+00, v4  }
0x1f4: {  	v4 =	vld [tilespmem:s1+$0x12480];
	v7 =	vmul.f32 $8.000000000e+00, v7;
	[tilespmem:s0+$0x1A590] =	vst v1  }
0x1f5: {  	v1 =	vmul.f32 $8.000000000e+00, v5;
	v5 =	vld [tilespmem:s1+$0x12490];
	[tilespmem:s0+$0x1A5A0] =	vst v0;
	s0 =	smov.u32 s1  }
0x1f6: {  	v0 =	vmul.f32 $8.000000000e+00, v6;
	v6 =	vld [tilespmem:s0+$0x124A0];
	[tilespmem:s0+$0x1A5B0] =	vst v7  }
0x1f7: {  	[tilespmem:s0+$0x1A400] =	vst v1;
	v1 =	vmul.f32 $8.000000000e+00, v2;
	v2 =	vld [tilespmem:s0+$0x124B0]  }
0x1f8: {  	[tilespmem:s0+$0x1A410] =	vst v0;
	v0 =	vmul.f32 $8.000000000e+00, v3;
	v3 =	vld [tilespmem:s0+$0x12500]  }
0x1f9: {  	[tilespmem:s0+$0x1A420] =	vst v1;
	v1 =	vmul.f32 $8.000000000e+00, v4;
	v4 =	vld [tilespmem:s0+$0x12510]  }
.Ltmp8:
0x1fa: {  	[tilespmem:s0+$0x1A430] =	vst v0;
	v5 =	vmul.f32 $8.000000000e+00, v5;
	v0 =	vld [tilespmem:s0+$0x12520];
	(pc) =	sbr.rel @p0 .LBB2_18-.Ltmp8, $4  }
0x1fb: {  	[tilespmem:s0+$0x1A480] =	vst v1;
	v6 =	vmul.f32 $8.000000000e+00, v6;
	v1 =	vld [tilespmem:s0+$0x12530]  }
0x1fc: {  	[tilespmem:s0+$0x1A490] =	vst v5;
	v7 =	vmul.f32 $8.000000000e+00, v2;
	v2 =	vld [tilespmem:s0+$0x12580]  }
0x1fd: {  	[tilespmem:s0+$0x1A4A0] =	vst v6;
	v5 =	vmul.f32 $8.000000000e+00, v3;
	v3 =	vld [tilespmem:s0+$0x12590]  }
0x1fe: {  	s1 =	sshra.s32 s6, $0x2;
	s6 =	sadd.s32 $0x800, s6;
	[tilespmem:s0+$0x1A4B0] =	vst v7;
	v6 =	vmul.f32 $8.000000000e+00, v4;
	v4 =	vld [tilespmem:s0+$0x125A0]  }
0x1ff: {  	v7 =	vld [tilespmem:s1+$0x125B0];
	[tilespmem:s0+$0x1A500] =	vst v5;
	v0 =	vmul.f32 $8.000000000e+00, v0  }
0x200: {  	v5 =	vld [tilespmem:s1+$0x12400];
	[tilespmem:s0+$0x1A510] =	vst v6;
	v1 =	vmul.f32 $8.000000000e+00, v1  }
0x201: {  	v6 =	vld [tilespmem:s1+$0x12410];
	[tilespmem:s0+$0x1A520] =	vst v0;
	v2 =	vmul.f32 $8.000000000e+00, v2  }
0x202: {  	v0 =	vld [tilespmem:s1+$0x12420];
	[tilespmem:s0+$0x1A530] =	vst v1;
	v3 =	vmul.f32 $8.000000000e+00, v3  }
0x203: {  	v1 =	vld [tilespmem:s1+$0x12430];
	[tilespmem:s0+$0x1A580] =	vst v2;
	v4 =	vmul.f32 $8.000000000e+00, v4  }
0x204: {  	v2 =	vld [tilespmem:s1+$0x12480];
	[tilespmem:s0+$0x1A590] =	vst v3;
	v7 =	vmul.f32 $8.000000000e+00, v7  }
0x205: {  	v3 =	vld [tilespmem:s1+$0x12490];
	[tilespmem:s0+$0x1A5A0] =	vst v4;
	v50 =	vmul.f32 $8.000000000e+00, v5  }
0x206: {  	v51 =	vld [tilespmem:s1+$0x124A0];
	[tilespmem:s1+$0x1A5B0] =	vst v7;
	v6 =	vmul.f32 $8.000000000e+00, v6  }
0x207: {  	v52 =	vld [tilespmem:s1+$0x124B0];
	[tilespmem:s1+$0x1A400] =	vst v50;
	v0 =	vmul.f32 $8.000000000e+00, v0  }
0x208: {  	v53 =	vld [tilespmem:s1+$0x12500];
	[tilespmem:s1+$0x1A410] =	vst v6;
	v1 =	vmul.f32 $8.000000000e+00, v1  }
0x209: {  	v54 =	vld [tilespmem:s1+$0x12510];
	[tilespmem:s1+$0x1A420] =	vst v0;
	v2 =	vmul.f32 $8.000000000e+00, v2  }
0x20a: {  	v55 =	vld [tilespmem:s1+$0x12520];
	[tilespmem:s1+$0x1A430] =	vst v1;
	v3 =	vmul.f32 $8.000000000e+00, v3  }
0x20b: {  	v56 =	vld [tilespmem:s1+$0x12530];
	[tilespmem:s1+$0x1A480] =	vst v2;
	v5 =	vmul.f32 $8.000000000e+00, v51  }
0x20c: {  	v57 =	vld [tilespmem:s1+$0x12580];
	v4 =	vmul.f32 $8.000000000e+00, v52;
	[tilespmem:s1+$0x1A490] =	vst v3  }
0x20d: {  	v58 =	vld [tilespmem:s1+$0x12590];
	v6 =	vmul.f32 $8.000000000e+00, v53;
	[tilespmem:s1+$0x1A4A0] =	vst v5  }
0x20e: {  	v59 =	vld [tilespmem:s1+$0x125A0];
	v0 =	vmul.f32 $8.000000000e+00, v54;
	[tilespmem:s1+$0x1A4B0] =	vst v4  }
0x20f: {  	v1 =	vmul.f32 $8.000000000e+00, v55;
	[tilespmem:s1+$0x1A500] =	vst v6  }
0x210: {  	v60 =	vmul.f32 $8.000000000e+00, v56;
	[tilespmem:s1+$0x1A510] =	vst v0  }
0x211: {  	v61 =	vmul.f32 $8.000000000e+00, v57;
	[tilespmem:s1+$0x1A520] =	vst v1  }
0x212: {  	v62 =	vmul.f32 $8.000000000e+00, v58;
	[tilespmem:s1+$0x1A530] =	vst v60  }
0x213: {  	v63 =	vmul.f32 $8.000000000e+00, v59;
	[tilespmem:s1+$0x1A580] =	vst v61  }
0x214: {  	[tilespmem:s1+$0x1A590] =	vst v62  }
0x215: {  	s31 =	sadd.s32 $0x1, s31;
	[tilespmem:s1+$0x1A5A0] =	vst v63  }
0x216: {  	[hbm4b:s12+s2] =	stream.linear.scatter [tilespmem:s23], [sflag:$0x6], $0x4000, $0x38;
	[tilespmem:$0x1E400] =	vst v63  }
0x217: {  	p0 =	sne.s32 s31, s13;
	_ =	swait.ge [sflag:s28], $0x4000  }
.Ltmp9:
0x218: {  	[sflag:s28] =	ssyncset.done $0x0;
	(pc) =	sbr.rel @p0 .LBB2_1-.Ltmp9, $4  }
0x219: {  	[sflag:s28] =	ssyncadd.s32 $0xFFFFC000  }
0x21a: {  	_ =	swait.ge [sflag:s30], $0x4000  }
0x21b: {  	[sflag:s30] =	ssyncset.done $0x0  }
0x21c: {  	[sflag:s30] =	ssyncadd.s32 $0xFFFFC000  }
0x21d: {  	_ =	sfence.sel $0x180000  }
0x21e: {  	[bflag:$0x0] =	sbarrier.arrive $0xFFFF  }
0x21f: {  	_ =	strace $0x90000047  }
0x220: {  	s0 =	stileid.u32;
	[bflag:$0x2] =	sbarrier.arrive $0xFFFF  }
0x221: {  	p0 =	sne.s32 s0, $0x0;
	s0 =	rddreg [dreg:$0x2]  }
0x222: {  	s0 =	sadd.s32 @!p0 $0x100000, s0  }
0x223: {  	[sflag:s0] =	ssyncadd.tile.s32 @!p0 $0x1;
	_ =	shalt  }
.Lfunc_end2:
_tile_overlayer_lowered:
.L_overlay_start_2:
0x224: {  	(tag) =	ssettag $0x2  }
0x225: {  	s0 =	rddreg [dreg:$0x0];
	s2 =	stileid.u32  }
0x226: {  	s1 =	rddreg [dreg:$0x1];
	p0 =	sne.s32 s2, $0x0  }
0x227: {  	s3 =	rddreg [dreg:$0x2];
	[bflag:$0x3] =	sbarrier.arrive $0xFFFF;
	s2 =	simm.s32 @!p0 $0x1C07  }
0x228: {  	[timem:s3], [sflag:s2] =	dma.local @!p0 [hbm:s0], s1  }
0x229: {  	s0 =	simm.s32 @!p0 $0x7  }
0x22a: {  	_ =	swait.ge @!p0 [sflag:s0], s1  }
0x22b: {  	s1 =	ssub.s32 @!p0 $0x0, s1;
	[sflag:s0] =	ssyncset.done @!p0 $0x0  }
0x22c: {  	[sflag:s0] =	ssyncadd.s32 @!p0 s1  }
0x22d: {  	[bflag:$0x3] =	sbarrier.arrive $0xFFFF  }
0x22e: {  	_ =	shalt  }

// kernel: sparse-core-data-format-call.cloned.1.call-start
scs
called_computation_lowered:
.L_overlay_start_0:
0x0: {  	s2 =	sld [smem:$0x3FD9]  }
0x1: {  	s3 =	sld [smem:$0x3FFE];
	_ =	sdelay $0x1  }
0x2: {  	s1 =	srdreg.scid  }
0x3: {  	s0 =	sand.u32 $0x1, s1  }
0x4: {  	s18 =	sshll.u32 s0, $0xA;
	s2 =	sadd.s32 s3, s2  }
0x5: {  	s2 =	sadd.s32 s2, s18  }
0x6: {  	[smem:$0x3FC6] =	sst s2  }
0x7: {  	_ = 	snop  }
0x8: {  	s2 =	sld [smem:$0x3FD0];
	(tm) =	ssettm $0x1  }
0x9: {  	s19 =	sld [smem:$0x3FFB];
	_ =	sdelay $0x3  }
0xa: {  	_ =	strace s19  }
0xb: {  	s3 =	sld [smem:$0x3FFC];
	_ =	sdelay $0x3  }
0xc: {  	_ =	strace s3  }
0xd: {  	s3 =	sld [smem:$0x3FFD];
	_ =	sdelay $0x3  }
0xe: {  	_ =	strace s3  }
0xf: {  	_ =	strace $0x8FFFFFFF  }
0x10: {  	s20 =	sld [smem:$0x3FDB];
	_ =	sdelay $0x1  }
0x11: {  	s4 =	simm.s32 $_scs_section_size  }
0x12: {  	s5 =	simm.s32 $_size__tile_overlayer_lowered;
	s6 =	simm.s32 $_tile_overlayer_lowered  }
0x13: {  	s23 =	simm.s32 $0x1BFF;
	s22 =	sshll.u32 s6, $0x1;
	s3 =	sadd.s32 s4, s20  }
0x14: {  	s7 =	simm.s32 $0x0;
	s21 =	sshll.u32 s5, $0x1;
	s5 =	sadd.s32 s22, s3  }
0x15: {  	[timem:s7], [sflag:s23] =	dma.local [hbm:s5], s21  }
0x16: {  	_ =	swait.ge [sflag:s23], s21  }
0x17: {  	s4 =	ssub.s32 $0x0, s21;
	[sflag:s23] =	ssyncset.done $0x0  }
0x18: {  	[sflag:s23] =	ssyncadd.s32 s4;
	_ =	sdelay $0x1  }
0x19: {  	s24 =	simm.s32 $0x1B8B  }
0x1a: {  	_ =	swait.ge [sflag:s24], $0x1  }
0x1b: {  	[sflag:s24] =	ssyncset.done $0x0  }
0x1c: {  	s26 =	simm.s32 $0x1B8E;
	s25 =	sld [smem:$0x3FFE];
	[sflag:s24] =	ssyncadd.s32 $0xFFFFFFFF  }
0x1d: {  	s27 =	simm.s32 $execute0_lowered;
	[smem:$0x3FD2] =	sst s26  }
0x1e: {  	s5 =	sshll.u32 s27, $0x1;
	_ =	strace $0x80000049;
	[dreg:$0x1] =	wrdreg $0xFFFFFFFF  }
0x1f: {  	s28 =	simm.s32 $_size_execute0_lowered;
	s3 =	sadd.s32 s3, s5;
	[dreg:$0x0] =	wrdreg $0x0  }
0x20: {  	s5 =	sshll.u32 s28, $0x1;
	[dreg:$0x2] =	wrdreg s3  }
0x21: {  	[dreg:$0x3] =	wrdreg s5  }
0x22: {  	[dreg:$0x4] =	wrdreg $0xC0  }
0x23: {  	_ =	task [dreg:s7], $0x5FFFF  }
0x24: {  	[dreg:$0x1] =	wrdreg $0xFFFFFFFF  }
0x25: {  	[dreg:$0x0] =	wrdreg $0x60  }
0x26: {  	[dreg:$0x2] =	wrdreg s25  }
0x27: {  	[dreg:$0x3] =	wrdreg s2  }
0x28: {  	[dreg:$0x4] =	wrdreg $0x9  }
0x29: {  	_ =	task.clear_ibuf [dreg:s7], $0x5FFFF;
	_ =	strace $0x90000049  }
0x2a: {  	s29 =	simm.s32 $0x9;
	_ =	strace $0x8000004B  }
0x2b: {  	_ =	swait.ge [sflag:s29], $0x1  }
0x2c: {  	[sflag:s29] =	ssyncadd.s32 $0xFFFFFFFF  }
0x2d: {  	_ =	strace $0x9000004B  }
0x2e: {  	_ =	sfence  }
0x2f: {  	s30 =	sld [smem:$0x0];
	_ =	sdelay $0x2  }
0x30: {  	s31 =	sshll.u32 s1, $0xD;
	s1 =	sshrl.u32 s1, $0x2  }
0x31: {  	s3 =	sand.u32 $0x4000, s31;
	s1 =	sadd.s32 s1, s30  }
0x32: {  	s0 =	sor.u32 s3, s0;
	s1 =	sshll.u32 s1, $0x11  }
0x33: {  	s0 =	sor.u32 s1, s0  }
0x34: {  	s0 =	sadd.s32 $0x8F2B, s0  }
0x35: {  	[sflag:s0] =	ssyncadd.remote.s32 $0x1  }
0x36: {  	_ =	sfence.sel $0xFFFF  }
0x37: {  	[dreg:$0x0] =	wrdreg $0xFFFFFFFF;
	(pc) =	sbr.abs _section_cstart, $3  }
0x38: {  	[dreg:$0x1] =	wrdreg $0xFFFFFFFF  }
0x39: {  	_ =	task.clear_ibuf [dreg:s7], $0x2FFFF;
	_ =	strace $0x9FFFFFFF  }
0x3a: {  	(tm) =	ssettm $0x7FFFFFFF  }
0x3b: {  	_ =	shalt  }
tec
execute0_lowered:
.L_overlay_start_1:
0x0: {  	(tag) =	ssettag $0x1  }
0x1: {  	s0 =	srdreg.scid  }
0x2: {  	s1 =	sshll.u32 s0, $0x4  }
0x3: {  	s0 =	stileid.u32;
	s1 =	sand.u32 $0x10, s1  }
0x4: {  	s1 =	sor.u32 s0, s1  }
0x5: {  	s6 =	rddreg [dreg:$0x0];
	s4 =	simm.s32 $0x1;
	s2 =	sshll.u32 s1, $0x7  }
0x6: {  	s7 =	simm.s32 $0x2;
	s12 =	simm.s32 $0x0;
	s1 =	ssub.s32 $0x1000, s2  }
0x7: {  	s8 =	simm.s32 $0x8000;
	s13 =	simm.s32 $0x0;
	s3 =	sand.u32 $0xF80, s1  }
0x8: {  	s9 =	simm.s32 $0x0;
	s5 =	sshrl.u32 s1, $0xC;
	p0 =	sne.s32 s3, $0x0  }
.Ltmp0:
0x9: {  	s1 =	rddreg [dreg:$0x2];
	s4 =	simm.s32 @!p0 $0x0;
	(pc) =	sbr.rel .LBB1_1-.Ltmp0, $4  }
0xa: {  	s11 =	simm.s32 $0x0;
	s3 =	rddreg [dreg:$0x1];
	s5 =	sadd.s32 s4, s5  }
0xb: {  	_ =	strace $0x8000004A;
	s4 =	simm.s32 $0x1;
	s5 =	smul.u32 $0xC8, s5  }
0xc: {  	s6 =	sadd.s32 $0xA00, s6;
	s10 =	smov.u32 s2;
	[sflag:s4] =	ssyncpa.u1 $0x0  }
0xd: {  	p0 =	por $0x0, $0x0;
	[sflag:s7] =	ssyncpa.u1 $0x0;
	s7 =	sor.u32 $0x1, s5  }
.LBB1_4:
0xe: {  	s16 =	sshll.u32 s13, $0x3;
	s17 =	sand.u32 $0x78, s13  }
0xf: {  	s30 =	sand.u32 $0x7E00, s13;
	s12 =	sshll.u32 s12, $0xF;
	s16 =	sand.u32 $0xC00, s16  }
0x10: {  	[tilespmem:s15+$0x810 ss:$0x81] =	vst.msk $0xffff, v2;
	s31 =	sand.u32 $0x7, s13;
	s16 =	sor.u32 s17, s16;
	s17 =	sadd.s32 s3, s30  }
0x11: {  	[tilespmem:s15+$0x1020 ss:$0x81] =	vst.msk $0xffff, v0;
	s13 =	sshll.u32 s31, $0x12;
	s12 =	sadd.s32 s12, s17;
	s16 =	sshrl.u32 s16, $0x3  }
0x12: {  	[tilespmem:s15+$0x0 ss:$0x81] =	vst.msk $0xffff, v1;
	s13 =	sor.u32 $0x400, s13;
	s12 =	sadd.s32 s16, s12  }
0x13: {  	[hbm4b:s12+s13] =	stream.strided.scatter [tilespmem:s14], [sflag:$0x2], $0x2000, s8, s13, $0x20;
	[tilespmem:$0x8080] =	vst v63  }
.LBB1_5:
0x14: {  	s14 =	sadd.s32 $0x1, s9  }
0x15: {  	s12 =	sadd.s32 $0x1000, s10;
	s16 =	smov.u32 s10;
	p2 =	sgt.s32 s14, $0xC7  }
0x16: {  	s16 =	smov.u32 @p2 s12  }
0x17: {  	s14 =	simm.s32 @p2 $0x0;
	p2 =	sgt.s32 s16, $0xFFF  }
0x18: {  	s16 =	smov.u32 @p2 s2;
	p2 =	sne.s32 s11, s7  }
.Ltmp1:
0x19: {  	p1 =	slt.u32 s11, $0x2;
	(pc) =	sbr.rel @!p2 .LBB1_6-.Ltmp1, $4  }
0x1a: {  	s15 =	simm.s32 @!p1 $0x2  }
0x1b: {  	s13 =	smov.u32 s10;
	p0 =	por !p0, !p0;
	_ =	swait.ge @!p1 [sflag:s15], $0x2000  }
0x1c: {  	s12 =	smov.u32 s9;
	[sflag:s15] =	ssyncset.done @!p1 $0x0;
	s9 =	smov.u32 s14  }
0x1d: {  	s11 =	sadd.s32 $0x1, s11;
	[sflag:s15] =	ssyncadd.s32 @!p1 $0xFFFFE000;
	s10 =	smov.u32 s16  }
.LBB1_1:
0x1e: {  	p1 =	sge.u32 s11, s5  }
0x1f: {  	s14 =	sand.u32 @!p1 $0x1FFFFFF, s9  }
0x20: {  	s15 =	smulhi.u32 @!p1 $0x147AE15, s14;
	_ =	sdelay $0x1  }
0x21: {  	s15 =	smul.u32 @!p1 $0xC8, s15  }
0x22: {  	s16 =	sxor.u32 @!p1 $0xFFFFFFFF, s11;
	s17 =	smul.u32 @!p1 $0xC80, s10  }
0x23: {  	s31 =	sadd.s32 $0xFFFFFFFF, s11;
	s16 =	sshll.u32 @!p1 s16, $0xD;
	s14 =	ssub.s32 @!p1 s14, s15  }
0x24: {  	s15 =	sand.u32 @!p1 $0x2000, s16;
	s16 =	sadd.s32 @!p1 s6, s17;
	s14 =	sshll.u32 @!p1 s14, $0x4  }
0x25: {  	s17 =	simm.s32 @!p1 $0x6400;
	s14 =	sadd.s32 @!p1 s14, s16;
	s16 =	simm.s32 @!p1 $0x40  }
0x26: {  	[tilespmem:s15], [sflag:$0x1] =	stream.strided.gather @!p1 [hbm4b:s14+s16], $0x2000, s17, s16, $0x38;
	[tilespmem:$0x8080] =	vst v63  }
0x27: {  	p1 =	sge.u32 s31, s5  }
.Ltmp2:
0x28: {  	_ = 	snop;
	(pc) =	sbr.rel @p1 .LBB1_5-.Ltmp2, $1  }
0x29: {  	_ =	sdelay $0x3  }
0x2a: {  	s14 =	simm.s32 $0x1  }
0x2b: {  	_ =	swait.ge [sflag:s4], $0x2000;
	s14 =	simm.s32 @!p0 $0x0  }
0x2c: {  	[sflag:s4] =	ssyncset.done $0x0;
	s15 =	sshll.u32 s14, $0xD  }
0x2d: {  	[sflag:s4] =	ssyncadd.s32 $0xFFFFE000;
	s18 =	sor.u32 $0x20, s15  }
0x2e: {  	s14 =	smul.u32 $0x8100, s14;
	v3 =	vld [tilespmem:s18+$0x10]  }
0x2f: {  	s30 =	sand.u32 $0x1, s11;
	v2 =	vld [tilespmem:s18+$0xFFFFFFF0]  }
0x30: {  	s15 =	smul.u32 $0x8100, s30;
	s14 =	sshrl.u32 s14, $0x2;
	v0 =	vld [tilespmem:s18+$0x0]  }
0x31: {  	v1 =	vld [tilespmem:s18+$0xFFFFFFE0];
	s16 =	sor.u32 $0x4000, s14  }
0x32: {  	s31 =	sshrl.u32 s15, $0x2;
	s15 =	sadd.s32 $0x0, s16  }
0x33: {  	s17 =	simm.s32 $0x4;
	s18 =	sadd.s32 $0x40, s18;
	s14 =	sor.u32 $0x4000, s31;
	[tilespmem:s15+$0x1830 ss:$0x81] =	vst.msk $0xffff, v3  }
.LBB1_3:
0x34: {  	v3 =	vld [tilespmem:s18+$0x10];
	p1 =	sne.s32 s17, $0x1FC;
	[tilespmem:s15+$0x810 ss:$0x81] =	vst.msk $0xffff, v2;
	s19 =	smov.u32 s17;
	s17 =	sadd.s32 $0x4, s17  }
.Ltmp3:
0x35: {  	v2 =	vld [tilespmem:s18+$0xFFFFFFF0];
	[tilespmem:s15+$0x1020 ss:$0x81] =	vst.msk $0xffff, v0;
	(pc) =	sbr.rel @p1 .LBB1_3-.Ltmp3, $4  }
0x36: {  	v0 =	vld [tilespmem:s18+$0x0];
	[tilespmem:s15+$0x0 ss:$0x81] =	vst.msk $0xffff, v1  }
0x37: {  	s15 =	sshra.s32 s19, $0x2;
	v1 =	vld [tilespmem:s18+$0xFFFFFFE0]  }
0x38: {  	s15 =	sadd.s32 s15, s16  }
0x39: {  	s18 =	sadd.s32 $0x40, s18;
	[tilespmem:s15+$0x1830 ss:$0x81] =	vst.msk $0xffff, v3  }
.Ltmp4:
0x3a: {  	_ = 	snop;
	(pc) =	sbr.rel .LBB1_4-.Ltmp4, $1  }
0x3b: {  	_ =	sdelay $0x3  }
.LBB1_6:
0x3c: {  	_ =	sfence.sel $0x180000  }
0x3d: {  	s2 =	simm.s32 $0x1;
	[bflag:$0x0] =	sbarrier.arrive $0xFFFF  }
0x3e: {  	s31 =	simm.s32 $0x2;
	[sflag:s2] =	ssyncpa.u1 $0x1  }
0x3f: {  	[sflag:s31] =	ssyncpa.u1 $0x1  }
0x40: {  	p0 =	sne.s32 s0, $0x0;
	_ =	strace $0x9000004A  }
0x41: {  	s0 =	sadd.s32 @!p0 $0x100000, s1;
	[bflag:$0x2] =	sbarrier.arrive $0xFFFF  }
0x42: {  	[sflag:s0] =	ssyncadd.tile.s32 @!p0 $0x1;
	_ =	shalt  }
.Lfunc_end1:
_tile_overlayer_lowered:
.L_overlay_start_2:
0x43: {  	(tag) =	ssettag $0x2  }
0x44: {  	s0 =	rddreg [dreg:$0x0];
	s2 =	stileid.u32  }
0x45: {  	s1 =	rddreg [dreg:$0x1];
	p0 =	sne.s32 s2, $0x0  }
0x46: {  	s3 =	rddreg [dreg:$0x2];
	[bflag:$0x3] =	sbarrier.arrive $0xFFFF;
	s2 =	simm.s32 @!p0 $0x1C01  }
0x47: {  	[timem:s3], [sflag:s2] =	dma.local @!p0 [hbm:s0], s1  }
0x48: {  	s0 =	simm.s32 @!p0 $0x1  }
0x49: {  	_ =	swait.ge @!p0 [sflag:s0], s1  }
0x4a: {  	s1 =	ssub.s32 @!p0 $0x0, s1;
	[sflag:s0] =	ssyncset.done @!p0 $0x0  }
0x4b: {  	[sflag:s0] =	ssyncadd.s32 @!p0 s1  }
0x4c: {  	[bflag:$0x3] =	sbarrier.arrive $0xFFFF  }
0x4d: {  	_ =	shalt  }

</sc_bundles>
